<compile_context>
chip_gen: v7x
topology: tpu7x:2x2x1
jax: 0.10.2.dev20260603
libtpu: 0.0.44.dev20260713+nightly
codegen_flags: <defaults>
</compile_context>

<pallas_src>
import functools

import jax
import jax.numpy as jnp
from jax import lax
from jax.experimental import pallas as pl
from jax.experimental.pallas import tpu as pltpu
from jax.experimental.pallas import tpu_sc as plsc

N = 10000
E = 160000
IN = 256
HEADS = 4
OUT = 128
NEG = 0.2

N_TC = 10240
BE = 64
NB = 167
E_PT = NB * BE
E_PAD = 16 * E_PT
NB_A = 2 * NB
E_REAL = E + N
ROWS_PT = N // 16
SHIFT = 16384



def _tc_body(x_ref, w_ref, ati_ref, atj_ref, h_ref, aij_ref):
    xb = x_ref[...]
    h = jnp.dot(xb, w_ref[...], preferred_element_type=jnp.float32)
    h_ref[...] = h
    h4 = h.reshape(xb.shape[0], HEADS, OUT)
    ai = (h4 * ati_ref[...][:HEADS][None, :, :]).sum(-1)
    aj = (h4 * atj_ref[...][:HEADS][None, :, :]).sum(-1)
    pad = jnp.zeros((xb.shape[0], 128 - 2 * HEADS), dtype=jnp.float32)
    aij_ref[...] = jnp.concatenate([ai, aj, pad], axis=1)


def _tc_project(x_pad, W, att_i8, att_j8):
    nb = 1024
    grid = N_TC // nb
    return pl.pallas_call(
        _tc_body,
        grid=(grid,),
        in_specs=[
            pl.BlockSpec((nb, IN), lambda i: (i, 0)),
            pl.BlockSpec((IN, HEADS * OUT), lambda i: (0, 0)),
            pl.BlockSpec((8, 128), lambda i: (0, 0)),
            pl.BlockSpec((8, 128), lambda i: (0, 0)),
        ],
        out_specs=[
            pl.BlockSpec((nb, HEADS * OUT), lambda i: (i, 0)),
            pl.BlockSpec((nb, 128), lambda i: (i, 0)),
        ],
        out_shape=[
            jax.ShapeDtypeStruct((N_TC, HEADS * OUT), jnp.float32),
            jax.ShapeDtypeStruct((N_TC, 128), jnp.float32),
        ],
    )(x_pad, W, att_i8, att_j8)



def _sc_body(hflat, ai_hbm, aj_hbm, m_hbm, rc_flat, zden, out_hbm, ex_hbm,
             den_sp, out_sp, sem, sem2, sem3, sem4):
    c = lax.axis_index("c")
    s = lax.axis_index("s")
    iota = lax.iota(jnp.int32, 16)

    def region_a(ai_t, aj_t, rc_p, st64, st64b, ri64, ri64b, m_v):
        p = s // 2
        hl = s % 2
        hh = 2 * c + hl
        pltpu.sync_copy(ai_hbm.at[hh], ai_t)
        pltpu.sync_copy(aj_hbm.at[hh], aj_t)
        pltpu.sync_copy(m_hbm.at[c], m_v)
        pltpu.sync_copy(rc_flat.at[pl.ds(p * 2 * E_PT, 2 * E_PT)], rc_p)

        @pl.when(s < 10)
        def _():
            pltpu.sync_copy(zden, den_sp.at[pl.ds(s * 2000, 2000)])

        plsc.subcore_barrier()

        abufs = ((st64, ri64, sem), (st64b, ri64b, sem2))

        def pa_work(b, which, p=p, hl=hl, hh=hh):
            st, ri, se = abufs[which]

            @pl.when(b >= 2)
            def _():
                pltpu.make_async_copy(
                    st, ex_hbm.at[pl.ds(0, BE)], se).wait()

            for g in range(4):
                sl = pl.ds(g * 16, 16)
                rc = rc_p[pl.ds(b * BE + g * 16, 16)]
                r = lax.shift_right_logical(rc, 14)
                cc = lax.bitwise_and(rc, SHIFT - 1)
                gid = jnp.full((16,), p * 2 * E_PT + b * BE + g * 16,
                               jnp.int32) + iota
                live = gid < E_REAL
                air = plsc.load_gather(ai_t, [r])
                ajc = plsc.load_gather(aj_t, [cc])
                sv = air + ajc
                alpha = jnp.where(sv > 0, sv, NEG * sv)
                bb = air + m_v[pl.ds(hl * 16, 16)]
                bp = jnp.where(bb > 0, bb, NEG * bb)
                ex = jnp.where(live, jnp.exp(alpha - bp), 0.0)
                st[sl] = ex
                ri[sl] = r + jnp.full((16,), hl * N, jnp.int32)
            pltpu.sync_copy(st, den_sp.at[ri], add=True)
            pltpu.async_copy(
                st,
                ex_hbm.at[pl.ds(hh * E_PAD + p * 2 * E_PT + b * BE, BE)],
                se)

        def pa_body(b, carry):
            @pl.when(b % 2 == 0)
            def _():
                pa_work(b, 0)

            @pl.when(b % 2 == 1)
            def _():
                pa_work(b, 1)

            return carry

        lax.fori_loop(0, NB_A, pa_body, 0)
        for which in range(2):
            st, ri, se = abufs[which]
            pltpu.make_async_copy(st, ex_hbm.at[pl.ds(0, BE)], se).wait()

    pl.run_scoped(
        region_a,
        ai_t=pltpu.VMEM((N,), jnp.float32),
        aj_t=pltpu.VMEM((N,), jnp.float32),
        rc_p=pltpu.VMEM((2 * E_PT,), jnp.int32),
        st64=pltpu.VMEM((BE,), jnp.float32),
        st64b=pltpu.VMEM((BE,), jnp.float32),
        ri64=pltpu.VMEM((BE,), jnp.int32),
        ri64b=pltpu.VMEM((BE,), jnp.int32),
        m_v=pltpu.VMEM((32,), jnp.float32),
    )
    plsc.subcore_barrier()

    def region_b(rc_t, rvA, rvB, exA, exB, w64, d64,
                 ciA, riA, diA, ciB, riB, diB):
        pltpu.sync_copy(rc_flat.at[pl.ds(s * E_PT, E_PT)], rc_t)

        def zero_j(j, carry2):
            for q in range(8):
                rvA[j, pl.ds(q * 16, 16)] = jnp.zeros((16,), jnp.float32)
            return carry2

        bufs = ((rvA, exA, ciA, riA, diA, sem, sem2),
                (rvB, exB, ciB, riB, diB, sem3, sem4))

        for h in range(2):
            hh = 2 * c + h
            lax.fori_loop(0, BE, zero_j, 0)
            for k in range(9):
                pltpu.sync_copy(
                    rvA, out_sp.at[pl.ds(s * ROWS_PT + k * BE, BE)])
            pltpu.sync_copy(
                rvA.at[pl.ds(0, ROWS_PT - 9 * BE)],
                out_sp.at[pl.ds(s * ROWS_PT + 9 * BE, ROWS_PT - 9 * BE)])
            plsc.subcore_barrier()

            def issue(b, which, h=h, hh=hh):
                rv, ex_b, ci, ri, di, sr, se = bufs[which]
                for g in range(4):
                    sl = pl.ds(g * 16, 16)
                    rc = rc_t[pl.ds(b * BE + g * 16, 16)]
                    r = lax.shift_right_logical(rc, 14)
                    cc = lax.bitwise_and(rc, SHIFT - 1)
                    ci[sl] = cc + jnp.full((16,), hh * N, jnp.int32)
                    ri[sl] = r
                    di[sl] = r + jnp.full((16,), h * N, jnp.int32)
                pltpu.async_copy(hflat.at[ci], rv, sr)
                pltpu.async_copy(
                    ex_hbm.at[pl.ds(hh * E_PAD + s * E_PT + b * BE, BE)],
                    ex_b, se)

            def consume(which):
                rv, ex_b, ci, ri, di, sr, se = bufs[which]
                pltpu.sync_copy(den_sp.at[di], d64)
                pltpu.make_async_copy(
                    ex_hbm.at[pl.ds(0, BE)], ex_b, se).wait()
                for g in range(4):
                    sl = pl.ds(g * 16, 16)
                    w64[sl] = ex_b[sl] / (d64[sl] + 1e-10)
                pltpu.make_async_copy(hflat.at[ci], rv, sr).wait()

                def scale_j(j, carry2):
                    wv = plsc.load_gather(
                        w64, [jnp.full((16,), j, jnp.int32)])
                    for q in range(8):
                        rv[j, pl.ds(q * 16, 16)] = (
                            rv[j, pl.ds(q * 16, 16)] * wv)
                    return carry2

                lax.fori_loop(0, BE, scale_j, 0)
                pltpu.sync_copy(rv, out_sp.at[ri], add=True)

            issue(0, 0)

            def pb_body(b, carry):
                @pl.when(b % 2 == 0)
                def _():
                    @pl.when(b + 1 < NB)
                    def _():
                        issue(b + 1, 1)
                    consume(0)

                @pl.when(b % 2 == 1)
                def _():
                    @pl.when(b + 1 < NB)
                    def _():
                        issue(b + 1, 0)
                    consume(1)

                return carry

            lax.fori_loop(0, NB, pb_body, 0)
            plsc.subcore_barrier()
            pltpu.sync_copy(
                out_sp.at[pl.ds(s * ROWS_PT, ROWS_PT)],
                out_hbm.at[pl.ds(hh * N + s * ROWS_PT, ROWS_PT)])
            plsc.subcore_barrier()

    pl.run_scoped(
        region_b,
        rc_t=pltpu.VMEM((E_PT,), jnp.int32),
        rvA=pltpu.VMEM((BE, 128), jnp.float32),
        rvB=pltpu.VMEM((BE, 128), jnp.float32),
        exA=pltpu.VMEM((BE,), jnp.float32),
        exB=pltpu.VMEM((BE,), jnp.float32),
        w64=pltpu.VMEM((BE,), jnp.float32),
        d64=pltpu.VMEM((BE,), jnp.float32),
        ciA=pltpu.VMEM((BE,), jnp.int32),
        riA=pltpu.VMEM((BE,), jnp.int32),
        diA=pltpu.VMEM((BE,), jnp.int32),
        ciB=pltpu.VMEM((BE,), jnp.int32),
        riB=pltpu.VMEM((BE,), jnp.int32),
        diB=pltpu.VMEM((BE,), jnp.int32),
    )


def _sc_run(hflat, ai_T, aj_T, Msc, rc_flat, zden):
    mesh = plsc.VectorSubcoreMesh(core_axis_name="c", subcore_axis_name="s")
    kern = functools.partial(
        pl.kernel,
        mesh=mesh,
        compiler_params=pltpu.CompilerParams(
            needs_layout_passes=False, use_tc_tiling_on_sc=False),
        out_type=(
            jax.ShapeDtypeStruct((HEADS * N, 128), jnp.float32),
            jax.ShapeDtypeStruct((HEADS * E_PAD,), jnp.float32),
        ),
        scratch_types=[
            pltpu.VMEM_SHARED((2 * N,), jnp.float32),
            pltpu.VMEM_SHARED((N, 128), jnp.float32),
            pltpu.SemaphoreType.DMA,
            pltpu.SemaphoreType.DMA,
            pltpu.SemaphoreType.DMA,
            pltpu.SemaphoreType.DMA,
        ],
    )(_sc_body)
    return kern(hflat, ai_T, aj_T, Msc, rc_flat, zden)



@jax.jit
def kernel(x, edge_index, W, att, bias):
    x_pad = jnp.concatenate(
        [x, jnp.zeros((N_TC - N, IN), jnp.float32)], axis=0)
    att2 = att[0]
    att_i8 = jnp.zeros((8, 128), jnp.float32).at[:HEADS].set(att2[:, :OUT])
    att_j8 = jnp.zeros((8, 128), jnp.float32).at[:HEADS].set(att2[:, OUT:])

    h2d, aij = _tc_project(x_pad, W, att_i8, att_j8)
    h2d = h2d[:N]
    aij = aij[:N]

    hflat = h2d.reshape(N, HEADS, OUT).transpose(1, 0, 2) \
               .reshape(HEADS * N, 128)
    ai_T = aij[:, :HEADS].T
    aj_T = aij[:, HEADS:2 * HEADS].T
    M4 = jnp.max(aj_T, axis=1)
    Msc = jnp.broadcast_to(M4.reshape(2, 2, 1), (2, 2, 16)) \
             .reshape(2, 32).astype(jnp.float32)

    loops = jnp.arange(N, dtype=edge_index.dtype)
    ei = jnp.concatenate([edge_index, jnp.stack([loops, loops])], axis=1)
    rc = ei[0] * SHIFT + ei[1]
    rc_flat = jnp.concatenate(
        [rc, jnp.zeros((E_PAD - E_REAL,), rc.dtype)])

    zden = jnp.zeros((2000,), jnp.float32)

    out_flat, _ = _sc_run(hflat, ai_T, aj_T, Msc, rc_flat, zden)

    out = out_flat.reshape(HEADS, N, 128).transpose(1, 0, 2)
    return out.reshape(N, HEADS * OUT) + bias

# --- scband reference (transcript-rebuilt; emitter-appended) ---
"""Pipeline reference for scband-memory-efficient-gnn-17781164606118 (READ-ONLY COPY).

The authoritative reference and input builder live on the scoring server;
editing this copy changes nothing except your own understanding.
"""

import jax, jax.numpy as jnp
import numpy as np

N = 10000
E = 160000
IN = 256
HEADS = 4
OUT = 128
NEG_SLOPE = 0.2


def setup_inputs(seed: int = 0) -> dict:
    key = jax.random.key(seed)
    k1, k2, k3, k4, k5 = jax.random.split(key, 5)
    x = jax.random.normal(k1, (N, IN), dtype=jnp.float32)
    edge_index = jax.random.randint(k2, (2, E), 0, N, dtype=jnp.int32)
    W = jax.random.normal(k3, (IN, HEADS * OUT), dtype=jnp.float32) * 0.05
    att = jax.random.normal(k4, (1, HEADS, 2 * OUT), dtype=jnp.float32) * 0.05
    bias = jnp.zeros((HEADS * OUT,), dtype=jnp.float32)
    return {"x": x, "edge_index": edge_index, "W": W, "att": att, "bias": bias}


def reference(x, edge_index, W, att, bias):
    n = x.shape[0]
    # add self loops (as in torch forward)
    loops = jnp.arange(n, dtype=edge_index.dtype)
    ei = jnp.concatenate([edge_index, jnp.stack([loops, loops])], axis=1)
    row, col = ei[0], ei[1]
    H = att.shape[1]
    C = att.shape[2] // 2
    # dense projection
    h = (x @ W).reshape(n, H, C)
    # memory-efficient attention: per-node dot products, then gather per edge
    att_i = att[0, :, :C]
    att_j = att[0, :, C:]
    ai = (h * att_i[None, :, :]).sum(-1)  # [N, H]
    aj = (h * att_j[None, :, :]).sum(-1)  # [N, H]
    alpha = ai[row] + aj[col]             # [E+N, H]
    alpha = jax.nn.leaky_relu(alpha, NEG_SLOPE)
    # segment softmax over destination index (row)
    amax = jax.ops.segment_max(alpha, row, num_segments=n)
    amax = jnp.where(jnp.isfinite(amax), amax, 0.0)
    ex = jnp.exp(alpha - amax[row])
    denom = jax.ops.segment_sum(ex, row, num_segments=n)
    alpha = ex / (denom[row] + 1e-10)
    # message = x_j * alpha, aggregate by scatter-add at row
    msg = h[col] * alpha[..., None]       # [E+N, H, C]
    out = jax.ops.segment_sum(msg, row, num_segments=n)  # [N, H, C]
    out = out.reshape(n, H * C) + bias
    return out

if __name__ == "__main__":
    import jax
    _d = setup_inputs()
    print(jax.jit(kernel)(*tuple(_d.values())))

</pallas_src>

<mosaic_0001>
#map = affine_map<(d0, d1) -> (0, 0)>
#map1 = affine_map<(d0, d1) -> (0)>
module attributes {stable_mosaic.version = 14 : i64} {
  func.func @_sc_body(%arg0: i32, %arg1: i32, %arg2: memref<40000x128xf32, #tpu.memory_space<hbm>>, %arg3: memref<4x10000xf32, #tpu.memory_space<hbm>>, %arg4: memref<4x10000xf32, #tpu.memory_space<hbm>>, %arg5: memref<2x32xf32, #tpu.memory_space<hbm>>, %arg6: memref<171008xi32, #tpu.memory_space<hbm>>, %arg7: memref<2000xf32, #tpu.memory_space<hbm>>, %arg8: memref<40000x128xf32, #tpu.memory_space<hbm>>, %arg9: memref<684032xf32, #tpu.memory_space<hbm>>, %arg10: memref<20000xf32, #tpu.memory_space<vmem_shared>>, %arg11: memref<10000x128xf32, #tpu.memory_space<vmem_shared>>, %arg12: memref<!tpu.dma_semaphore, #tpu.memory_space<semaphore_mem>>, %arg13: memref<!tpu.dma_semaphore, #tpu.memory_space<semaphore_mem>>, %arg14: memref<!tpu.dma_semaphore, #tpu.memory_space<semaphore_mem>>, %arg15: memref<!tpu.dma_semaphore, #tpu.memory_space<semaphore_mem>>) attributes {dimension_semantics = [#tpu.dimension_semantics<core_parallel>, #tpu.dimension_semantics<subcore_parallel>], iteration_bounds = array<i64: 2, 16>, scalar_prefetch = 0 : i64, scratch_operands = 6 : i64, tpu.core_type = #tpu.core_type<sc_vector_subcore>, window_params = [{transform_indices = #map}, {transform_indices = #map}, {transform_indices = #map}, {transform_indices = #map}, {transform_indices = #map1}, {transform_indices = #map1}, {transform_indices = #map}, {transform_indices = #map1}]} {
    %iota3A = tpu.iota {dimensions = array<i32: 0>} : vector<16xi32>
    "tpu.region"() ({
      %run_scoped3A = memref.alloca() : memref<10000xf32, #tpu.memory_space<vmem>>
      %run_scoped3A_0 = memref.alloca() : memref<10000xf32, #tpu.memory_space<vmem>>
      %run_scoped3A_1 = memref.alloca() : memref<32xf32, #tpu.memory_space<vmem>>
      %run_scoped3A_2 = memref.alloca() : memref<21376xi32, #tpu.memory_space<vmem>>
      %run_scoped3A_3 = memref.alloca() : memref<64xi32, #tpu.memory_space<vmem>>
      %run_scoped3A_4 = memref.alloca() : memref<64xi32, #tpu.memory_space<vmem>>
      %run_scoped3A_5 = memref.alloca() : memref<64xf32, #tpu.memory_space<vmem>>
      %run_scoped3A_6 = memref.alloca() : memref<64xf32, #tpu.memory_space<vmem>>
      %jit3A = arith.constant 2 : i32
      %div3A = arith.divsi %arg1, %jit3A : i32
      %sign3A = arith.constant 0 : i32
      %sign3A_7 = arith.cmpi sgt, %arg1, %sign3A : i32
      %sign3A_8 = arith.extui %sign3A_7 : i1 to i32
      %sign3A_9 = arith.constant 0 : i32
      %sign3A_10 = arith.cmpi slt, %arg1, %sign3A_9 : i32
      %sign3A_11 = arith.extui %sign3A_10 : i1 to i32
      %sign3A_12 = arith.subi %sign3A_8, %sign3A_11 : i32
      %sign3A_13 = arith.constant 0 : i32
      %sign3A_14 = arith.cmpi sgt, %jit3A, %sign3A_13 : i32
      %sign3A_15 = arith.extui %sign3A_14 : i1 to i32
      %sign3A_16 = arith.constant 0 : i32
      %sign3A_17 = arith.cmpi slt, %jit3A, %sign3A_16 : i32
      %sign3A_18 = arith.extui %sign3A_17 : i1 to i32
      %sign3A_19 = arith.subi %sign3A_15, %sign3A_18 : i32
      %ne3A = arith.cmpi ne, %sign3A_12, %sign3A_19 : i32
      %rem3A = arith.remsi %arg1, %jit3A : i32
      %ne3A_20 = arith.constant 0 : i32
      %ne3A_21 = arith.cmpi ne, %rem3A, %ne3A_20 : i32
      %and3A = arith.andi %ne3A, %ne3A_21 : i1
      %sub3A = arith.constant 1 : i32
      %sub3A_22 = arith.subi %div3A, %sub3A : i32
      %select_n3A = arith.select %and3A, %sub3A_22, %div3A : i32
      %jit3A_23 = arith.constant 2 : i32
      %eq3A = arith.constant 0 : i32
      %eq3A_24 = arith.cmpi eq, %jit3A_23, %eq3A : i32
      %jit3A_25 = arith.constant 1 : i32
      %select_n3A_26 = arith.select %eq3A_24, %jit3A_25, %jit3A_23 : i32
      %rem3A_27 = arith.remsi %arg1, %select_n3A_26 : i32
      %ne3A_28 = arith.constant 0 : i32
      %ne3A_29 = arith.cmpi ne, %rem3A_27, %ne3A_28 : i32
      %lt3A = arith.constant 0 : i32
      %lt3A_30 = arith.cmpi slt, %rem3A_27, %lt3A : i32
      %lt3A_31 = arith.constant 0 : i32
      %lt3A_32 = arith.cmpi slt, %select_n3A_26, %lt3A_31 : i32
      %ne3A_33 = arith.xori %lt3A_30, %lt3A_32 : i1
      %and3A_34 = arith.andi %ne3A_33, %ne3A_29 : i1
      %add3A = arith.addi %rem3A_27, %select_n3A_26 : i32
      %select_n3A_35 = arith.select %and3A_34, %add3A, %rem3A_27 : i32
      %mul3A = arith.constant 2 : i32
      %mul3A_36 = arith.muli %mul3A, %arg0 : i32
      %add3A_37 = arith.addi %mul3A_36, %select_n3A_35 : i32
      "tpu.region"() ({
        %run_scoped3A_58 = tpu.sem_alloc : memref<!tpu.dma_semaphore, #tpu.memory_space<semaphore_mem>>
        %dma_start3A = arith.constant 0 : i32
        %dma_start3A_59 = tpu.memref_slice %arg3[%add3A_37, %dma_start3A] : memref<4x10000xf32, #tpu.memory_space<hbm>> -> memref<1x10000xf32, #tpu.memory_space<hbm>>
        %dma_start3A_60 = tpu.memref_squeeze %dma_start3A_59 : memref<1x10000xf32, #tpu.memory_space<hbm>> -> memref<10000xf32, #tpu.memory_space<hbm>>
        %dma_start3A_61 = arith.constant 0 : i32
        %dma_start3A_62 = tpu.memref_slice %arg3[%add3A_37, %dma_start3A_61] : memref<4x10000xf32, #tpu.memory_space<hbm>> -> memref<1x10000xf32, #tpu.memory_space<hbm>>
        %dma_start3A_63 = tpu.memref_squeeze %dma_start3A_62 : memref<1x10000xf32, #tpu.memory_space<hbm>> -> memref<10000xf32, #tpu.memory_space<hbm>>
        tpu.enqueue_dma source(%dma_start3A_63 : memref<10000xf32, #tpu.memory_space<hbm>>) target(%run_scoped3A : memref<10000xf32, #tpu.memory_space<vmem>>) target_semaphore(%run_scoped3A_58 : memref<!tpu.dma_semaphore, #tpu.memory_space<semaphore_mem>>)
        %dma_wait3A_64 = arith.constant 0 : i32
        %dma_wait3A_65 = tpu.memref_slice %arg3[%add3A_37, %dma_wait3A_64] : memref<4x10000xf32, #tpu.memory_space<hbm>> -> memref<1x10000xf32, #tpu.memory_space<hbm>>
        %dma_wait3A_66 = tpu.memref_squeeze %dma_wait3A_65 : memref<1x10000xf32, #tpu.memory_space<hbm>> -> memref<10000xf32, #tpu.memory_space<hbm>>
        %dma_wait3A_67 = arith.constant 0 : i32
        %dma_wait3A_68 = tpu.memref_slice %arg3[%add3A_37, %dma_wait3A_67] : memref<4x10000xf32, #tpu.memory_space<hbm>> -> memref<1x10000xf32, #tpu.memory_space<hbm>>
        %dma_wait3A_69 = tpu.memref_squeeze %dma_wait3A_68 : memref<1x10000xf32, #tpu.memory_space<hbm>> -> memref<10000xf32, #tpu.memory_space<hbm>>
        tpu.wait_dma2 semaphore(%run_scoped3A_58 : memref<!tpu.dma_semaphore, #tpu.memory_space<semaphore_mem>>) src(%dma_wait3A_69 : memref<10000xf32, #tpu.memory_space<hbm>>) dst(%run_scoped3A : memref<10000xf32, #tpu.memory_space<vmem>>)
        tpu.yield
      }) : () -> ()
      "tpu.region"() ({
        %run_scoped3A_58 = tpu.sem_alloc : memref<!tpu.dma_semaphore, #tpu.memory_space<semaphore_mem>>
        %dma_start3A = arith.constant 0 : i32
        %dma_start3A_59 = tpu.memref_slice %arg4[%add3A_37, %dma_start3A] : memref<4x10000xf32, #tpu.memory_space<hbm>> -> memref<1x10000xf32, #tpu.memory_space<hbm>>
        %dma_start3A_60 = tpu.memref_squeeze %dma_start3A_59 : memref<1x10000xf32, #tpu.memory_space<hbm>> -> memref<10000xf32, #tpu.memory_space<hbm>>
        %dma_start3A_61 = arith.constant 0 : i32
        %dma_start3A_62 = tpu.memref_slice %arg4[%add3A_37, %dma_start3A_61] : memref<4x10000xf32, #tpu.memory_space<hbm>> -> memref<1x10000xf32, #tpu.memory_space<hbm>>
        %dma_start3A_63 = tpu.memref_squeeze %dma_start3A_62 : memref<1x10000xf32, #tpu.memory_space<hbm>> -> memref<10000xf32, #tpu.memory_space<hbm>>
        tpu.enqueue_dma source(%dma_start3A_63 : memref<10000xf32, #tpu.memory_space<hbm>>) target(%run_scoped3A_0 : memref<10000xf32, #tpu.memory_space<vmem>>) target_semaphore(%run_scoped3A_58 : memref<!tpu.dma_semaphore, #tpu.memory_space<semaphore_mem>>)
        %dma_wait3A_64 = arith.constant 0 : i32
        %dma_wait3A_65 = tpu.memref_slice %arg4[%add3A_37, %dma_wait3A_64] : memref<4x10000xf32, #tpu.memory_space<hbm>> -> memref<1x10000xf32, #tpu.memory_space<hbm>>
        %dma_wait3A_66 = tpu.memref_squeeze %dma_wait3A_65 : memref<1x10000xf32, #tpu.memory_space<hbm>> -> memref<10000xf32, #tpu.memory_space<hbm>>
        %dma_wait3A_67 = arith.constant 0 : i32
        %dma_wait3A_68 = tpu.memref_slice %arg4[%add3A_37, %dma_wait3A_67] : memref<4x10000xf32, #tpu.memory_space<hbm>> -> memref<1x10000xf32, #tpu.memory_space<hbm>>
        %dma_wait3A_69 = tpu.memref_squeeze %dma_wait3A_68 : memref<1x10000xf32, #tpu.memory_space<hbm>> -> memref<10000xf32, #tpu.memory_space<hbm>>
        tpu.wait_dma2 semaphore(%run_scoped3A_58 : memref<!tpu.dma_semaphore, #tpu.memory_space<semaphore_mem>>) src(%dma_wait3A_69 : memref<10000xf32, #tpu.memory_space<hbm>>) dst(%run_scoped3A_0 : memref<10000xf32, #tpu.memory_space<vmem>>)
        tpu.yield
      }) : () -> ()
      "tpu.region"() ({
        %run_scoped3A_58 = tpu.sem_alloc : memref<!tpu.dma_semaphore, #tpu.memory_space<semaphore_mem>>
        %dma_start3A = arith.constant 0 : i32
        %dma_start3A_59 = tpu.memref_slice %arg5[%arg0, %dma_start3A] : memref<2x32xf32, #tpu.memory_space<hbm>> -> memref<1x32xf32, #tpu.memory_space<hbm>>
        %dma_start3A_60 = tpu.memref_squeeze %dma_start3A_59 : memref<1x32xf32, #tpu.memory_space<hbm>> -> memref<32xf32, #tpu.memory_space<hbm>>
        %dma_start3A_61 = arith.constant 0 : i32
        %dma_start3A_62 = tpu.memref_slice %arg5[%arg0, %dma_start3A_61] : memref<2x32xf32, #tpu.memory_space<hbm>> -> memref<1x32xf32, #tpu.memory_space<hbm>>
        %dma_start3A_63 = tpu.memref_squeeze %dma_start3A_62 : memref<1x32xf32, #tpu.memory_space<hbm>> -> memref<32xf32, #tpu.memory_space<hbm>>
        tpu.enqueue_dma source(%dma_start3A_63 : memref<32xf32, #tpu.memory_space<hbm>>) target(%run_scoped3A_1 : memref<32xf32, #tpu.memory_space<vmem>>) target_semaphore(%run_scoped3A_58 : memref<!tpu.dma_semaphore, #tpu.memory_space<semaphore_mem>>)
        %dma_wait3A_64 = arith.constant 0 : i32
        %dma_wait3A_65 = tpu.memref_slice %arg5[%arg0, %dma_wait3A_64] : memref<2x32xf32, #tpu.memory_space<hbm>> -> memref<1x32xf32, #tpu.memory_space<hbm>>
        %dma_wait3A_66 = tpu.memref_squeeze %dma_wait3A_65 : memref<1x32xf32, #tpu.memory_space<hbm>> -> memref<32xf32, #tpu.memory_space<hbm>>
        %dma_wait3A_67 = arith.constant 0 : i32
        %dma_wait3A_68 = tpu.memref_slice %arg5[%arg0, %dma_wait3A_67] : memref<2x32xf32, #tpu.memory_space<hbm>> -> memref<1x32xf32, #tpu.memory_space<hbm>>
        %dma_wait3A_69 = tpu.memref_squeeze %dma_wait3A_68 : memref<1x32xf32, #tpu.memory_space<hbm>> -> memref<32xf32, #tpu.memory_space<hbm>>
        tpu.wait_dma2 semaphore(%run_scoped3A_58 : memref<!tpu.dma_semaphore, #tpu.memory_space<semaphore_mem>>) src(%dma_wait3A_69 : memref<32xf32, #tpu.memory_space<hbm>>) dst(%run_scoped3A_1 : memref<32xf32, #tpu.memory_space<vmem>>)
        tpu.yield
      }) : () -> ()
      %mul3A_38 = arith.constant 2 : i32
      %mul3A_39 = arith.muli %select_n3A, %mul3A_38 : i32
      %mul3A_40 = arith.constant 10688 : i32
      %mul3A_41 = arith.muli %mul3A_39, %mul3A_40 : i32
      "tpu.region"() ({
        %run_scoped3A_58 = tpu.sem_alloc : memref<!tpu.dma_semaphore, #tpu.memory_space<semaphore_mem>>
        %dma_start3A = tpu.memref_slice %arg6[%mul3A_41] : memref<171008xi32, #tpu.memory_space<hbm>> -> memref<21376xi32, #tpu.memory_space<hbm>>
        %dma_start3A_59 = tpu.memref_slice %arg6[%mul3A_41] : memref<171008xi32, #tpu.memory_space<hbm>> -> memref<21376xi32, #tpu.memory_space<hbm>>
        tpu.enqueue_dma source(%dma_start3A_59 : memref<21376xi32, #tpu.memory_space<hbm>>) target(%run_scoped3A_2 : memref<21376xi32, #tpu.memory_space<vmem>>) target_semaphore(%run_scoped3A_58 : memref<!tpu.dma_semaphore, #tpu.memory_space<semaphore_mem>>)
        %dma_wait3A_60 = tpu.memref_slice %arg6[%mul3A_41] : memref<171008xi32, #tpu.memory_space<hbm>> -> memref<21376xi32, #tpu.memory_space<hbm>>
        %dma_wait3A_61 = tpu.memref_slice %arg6[%mul3A_41] : memref<171008xi32, #tpu.memory_space<hbm>> -> memref<21376xi32, #tpu.memory_space<hbm>>
        tpu.wait_dma2 semaphore(%run_scoped3A_58 : memref<!tpu.dma_semaphore, #tpu.memory_space<semaphore_mem>>) src(%dma_wait3A_61 : memref<21376xi32, #tpu.memory_space<hbm>>) dst(%run_scoped3A_2 : memref<21376xi32, #tpu.memory_space<vmem>>)
        tpu.yield
      }) : () -> ()
      %lt3A_42 = arith.constant 10 : i32
      %lt3A_43 = arith.cmpi slt, %arg1, %lt3A_42 : i32
      %convert_element_type3A = arith.extui %lt3A_43 : i1 to i32
      %cond3A = arith.constant 0 : i32
      %cond3A_44 = arith.cmpi ne, %convert_element_type3A, %cond3A : i32
      scf.if %cond3A_44 {
        %mul3A_58 = arith.constant 2000 : i32
        %mul3A_59 = arith.muli %arg1, %mul3A_58 : i32
        "tpu.region"() ({
          %run_scoped3A_60 = tpu.sem_alloc : memref<!tpu.dma_semaphore, #tpu.memory_space<semaphore_mem>>
          %dma_start3A = tpu.memref_slice %arg10[%mul3A_59] : memref<20000xf32, #tpu.memory_space<vmem_shared>> -> memref<2000xf32, #tpu.memory_space<vmem_shared>>
          tpu.enqueue_dma source(%arg7 : memref<2000xf32, #tpu.memory_space<hbm>>) target(%dma_start3A : memref<2000xf32, #tpu.memory_space<vmem_shared>>) target_semaphore(%run_scoped3A_60 : memref<!tpu.dma_semaphore, #tpu.memory_space<semaphore_mem>>)
          %dma_wait3A_61 = tpu.memref_slice %arg10[%mul3A_59] : memref<20000xf32, #tpu.memory_space<vmem_shared>> -> memref<2000xf32, #tpu.memory_space<vmem_shared>>
          tpu.wait_dma2 semaphore(%run_scoped3A_60 : memref<!tpu.dma_semaphore, #tpu.memory_space<semaphore_mem>>) src(%arg7 : memref<2000xf32, #tpu.memory_space<hbm>>) dst(%dma_wait3A_61 : memref<2000xf32, #tpu.memory_space<vmem_shared>>)
          tpu.yield
        }) : () -> ()
      } else {
      }
      %barrier3A_45 = arith.constant 0 : index
      tpu.barrier barrier_id(%barrier3A_45)
      %scan3A = arith.constant 0 : i32
      %scan3A_46 = arith.constant 0 : i32
      %scan3A_47 = arith.constant 334 : i32
      %scan3A_48 = arith.addi %scan3A_46, %scan3A_47 : i32
      %scan3A_49 = arith.constant 1 : i32
      scf.for %scan3A_58 = %scan3A_46 to %scan3A_48 step %scan3A_49  : i32 {
        %jit3A_59 = arith.constant 2 : i32
        %eq3A_60 = arith.constant 0 : i32
        %eq3A_61 = arith.cmpi eq, %jit3A_59, %eq3A_60 : i32
        %jit3A_62 = arith.constant 1 : i32
        %select_n3A_63 = arith.select %eq3A_61, %jit3A_62, %jit3A_59 : i32
        %rem3A_64 = arith.remsi %scan3A_58, %select_n3A_63 : i32
        %ne3A_65 = arith.constant 0 : i32
        %ne3A_66 = arith.cmpi ne, %rem3A_64, %ne3A_65 : i32
        %lt3A_67 = arith.constant 0 : i32
        %lt3A_68 = arith.cmpi slt, %rem3A_64, %lt3A_67 : i32
        %lt3A_69 = arith.constant 0 : i32
        %lt3A_70 = arith.cmpi slt, %select_n3A_63, %lt3A_69 : i32
        %ne3A_71 = arith.xori %lt3A_68, %lt3A_70 : i1
        %and3A_72 = arith.andi %ne3A_71, %ne3A_66 : i1
        %add3A_73 = arith.addi %rem3A_64, %select_n3A_63 : i32
        %select_n3A_74 = arith.select %and3A_72, %add3A_73, %rem3A_64 : i32
        %eq3A_75 = arith.constant 0 : i32
        %eq3A_76 = arith.cmpi eq, %select_n3A_74, %eq3A_75 : i32
        %convert_element_type3A_77 = arith.extui %eq3A_76 : i1 to i32
        %cond3A_78 = arith.constant 0 : i32
        %cond3A_79 = arith.cmpi ne, %convert_element_type3A_77, %cond3A_78 : i32
        scf.if %cond3A_79 {
          %ge3A = arith.constant 2 : i32
          %ge3A_101 = arith.cmpi sge, %scan3A_58, %ge3A : i32
          %convert_element_type3A_102 = arith.extui %ge3A_101 : i1 to i32
          %cond3A_103 = arith.constant 0 : i32
          %cond3A_104 = arith.cmpi ne, %convert_element_type3A_102, %cond3A_103 : i32
          scf.if %cond3A_104 {
            %dma_wait3A_353 = arith.constant 0 : i32
            %dma_wait3A_354 = tpu.memref_slice %arg9[%dma_wait3A_353] : memref<684032xf32, #tpu.memory_space<hbm>> -> memref<64xf32, #tpu.memory_space<hbm>>
            %dma_wait3A_355 = arith.constant 0 : i32
            %dma_wait3A_356 = tpu.memref_slice %arg9[%dma_wait3A_355] : memref<684032xf32, #tpu.memory_space<hbm>> -> memref<64xf32, #tpu.memory_space<hbm>>
            tpu.wait_dma2 semaphore(%arg12 : memref<!tpu.dma_semaphore, #tpu.memory_space<semaphore_mem>>) src(%run_scoped3A_5 : memref<64xf32, #tpu.memory_space<vmem>>) dst(%dma_wait3A_356 : memref<64xf32, #tpu.memory_space<hbm>>)
          } else {
          }
          %mul3A_105 = arith.constant 64 : i32
          %mul3A_106 = arith.muli %scan3A_58, %mul3A_105 : i32
          %add3A_107 = arith.constant 0 : i32
          %add3A_108 = arith.addi %mul3A_106, %add3A_107 : i32
          %get3A = arith.index_cast %add3A_108 : i32 to index
          %get3A_109 = tpu.vector_load %run_scoped3A_2[%get3A] {strides = array<i32>} : memref<21376xi32, #tpu.memory_space<vmem>>, vector<16xi32>,
          %shift_right_logical3A = arith.constant 14 : i32
          %shift_right_logical3A_110 = vector.broadcast %shift_right_logical3A : i32 to vector<16xi32>
          %shift_right_logical3A_111 = arith.shrui %get3A_109, %shift_right_logical3A_110 : vector<16xi32>
          %and3A_112 = arith.constant 16383 : i32
          %and3A_113 = vector.broadcast %and3A_112 : i32 to vector<16xi32>
          %and3A_114 = arith.andi %get3A_109, %and3A_113 : vector<16xi32>
          %mul3A_115 = arith.constant 2 : i32
          %mul3A_116 = arith.muli %select_n3A, %mul3A_115 : i32
          %mul3A_117 = arith.constant 10688 : i32
          %mul3A_118 = arith.muli %mul3A_116, %mul3A_117 : i32
          %mul3A_119 = arith.constant 64 : i32
          %mul3A_120 = arith.muli %scan3A_58, %mul3A_119 : i32
          %add3A_121 = arith.addi %mul3A_118, %mul3A_120 : i32
          %add3A_122 = arith.constant 0 : i32
          %add3A_123 = arith.addi %add3A_121, %add3A_122 : i32
          %broadcast_in_dim3A = vector.broadcast %add3A_123 : i32 to vector<16xi32>
          %add3A_124 = arith.addi %broadcast_in_dim3A, %iota3A : vector<16xi32>
          %lt3A_125 = arith.constant 170000 : i32
          %lt3A_126 = vector.broadcast %lt3A_125 : i32 to vector<16xi32>
          %lt3A_127 = arith.cmpi slt, %add3A_124, %lt3A_126 : vector<16xi32>
          %gather3A = tpu.vector_load_idx %run_scoped3A[%shift_right_logical3A_111] : memref<10000xf32, #tpu.memory_space<vmem>>[vector<16xi32>], vector<16xf32>,
          %gather3A_128 = tpu.vector_load_idx %run_scoped3A_0[%and3A_114] : memref<10000xf32, #tpu.memory_space<vmem>>[vector<16xi32>], vector<16xf32>,
          %add3A_129 = arith.addf %gather3A, %gather3A_128 : vector<16xf32>
          %gt3A = arith.constant 0.000000e+00 : f32
          %gt3A_130 = vector.broadcast %gt3A : f32 to vector<16xf32>
          %gt3A_131 = arith.cmpf ogt, %add3A_129, %gt3A_130 : vector<16xf32>
          %mul3A_132 = arith.constant 2.000000e-01 : f32
          %mul3A_133 = vector.broadcast %mul3A_132 : f32 to vector<16xf32>
          %mul3A_134 = arith.mulf %mul3A_133, %add3A_129 : vector<16xf32>
          %select_n3A_135 = arith.select %gt3A_131, %add3A_129, %mul3A_134 : vector<16xi1>, vector<16xf32>
          %mul3A_136 = arith.constant 16 : i32
          %mul3A_137 = arith.muli %select_n3A_35, %mul3A_136 : i32
          %get3A_138 = arith.index_cast %mul3A_137 : i32 to index
          %get3A_139 = tpu.vector_load %run_scoped3A_1[%get3A_138] {strides = array<i32>} : memref<32xf32, #tpu.memory_space<vmem>>, vector<16xf32>,
          %add3A_140 = arith.addf %gather3A, %get3A_139 : vector<16xf32>
          %gt3A_141 = arith.constant 0.000000e+00 : f32
          %gt3A_142 = vector.broadcast %gt3A_141 : f32 to vector<16xf32>
          %gt3A_143 = arith.cmpf ogt, %add3A_140, %gt3A_142 : vector<16xf32>
          %mul3A_144 = arith.constant 2.000000e-01 : f32
          %mul3A_145 = vector.broadcast %mul3A_144 : f32 to vector<16xf32>
          %mul3A_146 = arith.mulf %mul3A_145, %add3A_140 : vector<16xf32>
          %select_n3A_147 = arith.select %gt3A_143, %add3A_140, %mul3A_146 : vector<16xi1>, vector<16xf32>
          %sub3A_148 = arith.subf %select_n3A_135, %select_n3A_147 : vector<16xf32>
          %exp3A = math.exp %sub3A_148 : vector<16xf32>
          %jit3A_149 = arith.constant 0.000000e+00 : f32
          %broadcast_in_dim3A_150 = vector.broadcast %jit3A_149 : f32 to vector<16xf32>
          %select_n3A_151 = arith.select %lt3A_127, %exp3A, %broadcast_in_dim3A_150 : vector<16xi1>, vector<16xf32>
          %swap3A = arith.constant 0 : index
          %swap3A_152 = tpu.vector_load %run_scoped3A_5[%swap3A] {strides = array<i32>} : memref<64xf32, #tpu.memory_space<vmem>>, vector<16xf32>,
          tpu.vector_store %run_scoped3A_5[%swap3A], %select_n3A_151 {strides = array<i32>} : memref<64xf32, #tpu.memory_space<vmem>>, vector<16xf32>,
          %mul3A_153 = arith.constant 10000 : i32
          %mul3A_154 = arith.muli %select_n3A_35, %mul3A_153 : i32
          %broadcast_in_dim3A_155 = vector.broadcast %mul3A_154 : i32 to vector<16xi32>
          %add3A_156 = arith.addi %shift_right_logical3A_111, %broadcast_in_dim3A_155 : vector<16xi32>
          %swap3A_157 = arith.constant 0 : index
          %swap3A_158 = tpu.vector_load %run_scoped3A_3[%swap3A_157] {strides = array<i32>} : memref<64xi32, #tpu.memory_space<vmem>>, vector<16xi32>,
          tpu.vector_store %run_scoped3A_3[%swap3A_157], %add3A_156 {strides = array<i32>} : memref<64xi32, #tpu.memory_space<vmem>>, vector<16xi32>,
          %mul3A_159 = arith.constant 64 : i32
          %mul3A_160 = arith.muli %scan3A_58, %mul3A_159 : i32
          %add3A_161 = arith.constant 16 : i32
          %add3A_162 = arith.addi %mul3A_160, %add3A_161 : i32
          %get3A_163 = arith.index_cast %add3A_162 : i32 to index
          %get3A_164 = tpu.vector_load %run_scoped3A_2[%get3A_163] {strides = array<i32>} : memref<21376xi32, #tpu.memory_space<vmem>>, vector<16xi32>,
          %shift_right_logical3A_165 = arith.constant 14 : i32
          %shift_right_logical3A_166 = vector.broadcast %shift_right_logical3A_165 : i32 to vector<16xi32>
          %shift_right_logical3A_167 = arith.shrui %get3A_164, %shift_right_logical3A_166 : vector<16xi32>
          %and3A_168 = arith.constant 16383 : i32
          %and3A_169 = vector.broadcast %and3A_168 : i32 to vector<16xi32>
          %and3A_170 = arith.andi %get3A_164, %and3A_169 : vector<16xi32>
          %mul3A_171 = arith.constant 2 : i32
          %mul3A_172 = arith.muli %select_n3A, %mul3A_171 : i32
          %mul3A_173 = arith.constant 10688 : i32
          %mul3A_174 = arith.muli %mul3A_172, %mul3A_173 : i32
          %mul3A_175 = arith.constant 64 : i32
          %mul3A_176 = arith.muli %scan3A_58, %mul3A_175 : i32
          %add3A_177 = arith.addi %mul3A_174, %mul3A_176 : i32
          %add3A_178 = arith.constant 16 : i32
          %add3A_179 = arith.addi %add3A_177, %add3A_178 : i32
          %broadcast_in_dim3A_180 = vector.broadcast %add3A_179 : i32 to vector<16xi32>
          %add3A_181 = arith.addi %broadcast_in_dim3A_180, %iota3A : vector<16xi32>
          %lt3A_182 = arith.constant 170000 : i32
          %lt3A_183 = vector.broadcast %lt3A_182 : i32 to vector<16xi32>
          %lt3A_184 = arith.cmpi slt, %add3A_181, %lt3A_183 : vector<16xi32>
          %gather3A_185 = tpu.vector_load_idx %run_scoped3A[%shift_right_logical3A_167] : memref<10000xf32, #tpu.memory_space<vmem>>[vector<16xi32>], vector<16xf32>,
          %gather3A_186 = tpu.vector_load_idx %run_scoped3A_0[%and3A_170] : memref<10000xf32, #tpu.memory_space<vmem>>[vector<16xi32>], vector<16xf32>,
          %add3A_187 = arith.addf %gather3A_185, %gather3A_186 : vector<16xf32>
          %gt3A_188 = arith.constant 0.000000e+00 : f32
          %gt3A_189 = vector.broadcast %gt3A_188 : f32 to vector<16xf32>
          %gt3A_190 = arith.cmpf ogt, %add3A_187, %gt3A_189 : vector<16xf32>
          %mul3A_191 = arith.constant 2.000000e-01 : f32
          %mul3A_192 = vector.broadcast %mul3A_191 : f32 to vector<16xf32>
          %mul3A_193 = arith.mulf %mul3A_192, %add3A_187 : vector<16xf32>
          %select_n3A_194 = arith.select %gt3A_190, %add3A_187, %mul3A_193 : vector<16xi1>, vector<16xf32>
          %mul3A_195 = arith.constant 16 : i32
          %mul3A_196 = arith.muli %select_n3A_35, %mul3A_195 : i32
          %get3A_197 = arith.index_cast %mul3A_196 : i32 to index
          %get3A_198 = tpu.vector_load %run_scoped3A_1[%get3A_197] {strides = array<i32>} : memref<32xf32, #tpu.memory_space<vmem>>, vector<16xf32>,
          %add3A_199 = arith.addf %gather3A_185, %get3A_198 : vector<16xf32>
          %gt3A_200 = arith.constant 0.000000e+00 : f32
          %gt3A_201 = vector.broadcast %gt3A_200 : f32 to vector<16xf32>
          %gt3A_202 = arith.cmpf ogt, %add3A_199, %gt3A_201 : vector<16xf32>
          %mul3A_203 = arith.constant 2.000000e-01 : f32
          %mul3A_204 = vector.broadcast %mul3A_203 : f32 to vector<16xf32>
          %mul3A_205 = arith.mulf %mul3A_204, %add3A_199 : vector<16xf32>
          %select_n3A_206 = arith.select %gt3A_202, %add3A_199, %mul3A_205 : vector<16xi1>, vector<16xf32>
          %sub3A_207 = arith.subf %select_n3A_194, %select_n3A_206 : vector<16xf32>
          %exp3A_208 = math.exp %sub3A_207 : vector<16xf32>
          %jit3A_209 = arith.constant 0.000000e+00 : f32
          %broadcast_in_dim3A_210 = vector.broadcast %jit3A_209 : f32 to vector<16xf32>
          %select_n3A_211 = arith.select %lt3A_184, %exp3A_208, %broadcast_in_dim3A_210 : vector<16xi1>, vector<16xf32>
          %swap3A_212 = arith.constant 16 : index
          %swap3A_213 = tpu.vector_load %run_scoped3A_5[%swap3A_212] {strides = array<i32>} : memref<64xf32, #tpu.memory_space<vmem>>, vector<16xf32>,
          tpu.vector_store %run_scoped3A_5[%swap3A_212], %select_n3A_211 {strides = array<i32>} : memref<64xf32, #tpu.memory_space<vmem>>, vector<16xf32>,
          %mul3A_214 = arith.constant 10000 : i32
          %mul3A_215 = arith.muli %select_n3A_35, %mul3A_214 : i32
          %broadcast_in_dim3A_216 = vector.broadcast %mul3A_215 : i32 to vector<16xi32>
          %add3A_217 = arith.addi %shift_right_logical3A_167, %broadcast_in_dim3A_216 : vector<16xi32>
          %swap3A_218 = arith.constant 16 : index
          %swap3A_219 = tpu.vector_load %run_scoped3A_3[%swap3A_218] {strides = array<i32>} : memref<64xi32, #tpu.memory_space<vmem>>, vector<16xi32>,
          tpu.vector_store %run_scoped3A_3[%swap3A_218], %add3A_217 {strides = array<i32>} : memref<64xi32, #tpu.memory_space<vmem>>, vector<16xi32>,
          %mul3A_220 = arith.constant 64 : i32
          %mul3A_221 = arith.muli %scan3A_58, %mul3A_220 : i32
          %add3A_222 = arith.constant 32 : i32
          %add3A_223 = arith.addi %mul3A_221, %add3A_222 : i32
          %get3A_224 = arith.index_cast %add3A_223 : i32 to index
          %get3A_225 = tpu.vector_load %run_scoped3A_2[%get3A_224] {strides = array<i32>} : memref<21376xi32, #tpu.memory_space<vmem>>, vector<16xi32>,
          %shift_right_logical3A_226 = arith.constant 14 : i32
          %shift_right_logical3A_227 = vector.broadcast %shift_right_logical3A_226 : i32 to vector<16xi32>
          %shift_right_logical3A_228 = arith.shrui %get3A_225, %shift_right_logical3A_227 : vector<16xi32>
          %and3A_229 = arith.constant 16383 : i32
          %and3A_230 = vector.broadcast %and3A_229 : i32 to vector<16xi32>
          %and3A_231 = arith.andi %get3A_225, %and3A_230 : vector<16xi32>
          %mul3A_232 = arith.constant 2 : i32
          %mul3A_233 = arith.muli %select_n3A, %mul3A_232 : i32
          %mul3A_234 = arith.constant 10688 : i32
          %mul3A_235 = arith.muli %mul3A_233, %mul3A_234 : i32
          %mul3A_236 = arith.constant 64 : i32
          %mul3A_237 = arith.muli %scan3A_58, %mul3A_236 : i32
          %add3A_238 = arith.addi %mul3A_235, %mul3A_237 : i32
          %add3A_239 = arith.constant 32 : i32
          %add3A_240 = arith.addi %add3A_238, %add3A_239 : i32
          %broadcast_in_dim3A_241 = vector.broadcast %add3A_240 : i32 to vector<16xi32>
          %add3A_242 = arith.addi %broadcast_in_dim3A_241, %iota3A : vector<16xi32>
          %lt3A_243 = arith.constant 170000 : i32
          %lt3A_244 = vector.broadcast %lt3A_243 : i32 to vector<16xi32>
          %lt3A_245 = arith.cmpi slt, %add3A_242, %lt3A_244 : vector<16xi32>
          %gather3A_246 = tpu.vector_load_idx %run_scoped3A[%shift_right_logical3A_228] : memref<10000xf32, #tpu.memory_space<vmem>>[vector<16xi32>], vector<16xf32>,
          %gather3A_247 = tpu.vector_load_idx %run_scoped3A_0[%and3A_231] : memref<10000xf32, #tpu.memory_space<vmem>>[vector<16xi32>], vector<16xf32>,
          %add3A_248 = arith.addf %gather3A_246, %gather3A_247 : vector<16xf32>
          %gt3A_249 = arith.constant 0.000000e+00 : f32
          %gt3A_250 = vector.broadcast %gt3A_249 : f32 to vector<16xf32>
          %gt3A_251 = arith.cmpf ogt, %add3A_248, %gt3A_250 : vector<16xf32>
          %mul3A_252 = arith.constant 2.000000e-01 : f32
          %mul3A_253 = vector.broadcast %mul3A_252 : f32 to vector<16xf32>
          %mul3A_254 = arith.mulf %mul3A_253, %add3A_248 : vector<16xf32>
          %select_n3A_255 = arith.select %gt3A_251, %add3A_248, %mul3A_254 : vector<16xi1>, vector<16xf32>
          %mul3A_256 = arith.constant 16 : i32
          %mul3A_257 = arith.muli %select_n3A_35, %mul3A_256 : i32
          %get3A_258 = arith.index_cast %mul3A_257 : i32 to index
          %get3A_259 = tpu.vector_load %run_scoped3A_1[%get3A_258] {strides = array<i32>} : memref<32xf32, #tpu.memory_space<vmem>>, vector<16xf32>,
          %add3A_260 = arith.addf %gather3A_246, %get3A_259 : vector<16xf32>
          %gt3A_261 = arith.constant 0.000000e+00 : f32
          %gt3A_262 = vector.broadcast %gt3A_261 : f32 to vector<16xf32>
          %gt3A_263 = arith.cmpf ogt, %add3A_260, %gt3A_262 : vector<16xf32>
          %mul3A_264 = arith.constant 2.000000e-01 : f32
          %mul3A_265 = vector.broadcast %mul3A_264 : f32 to vector<16xf32>
          %mul3A_266 = arith.mulf %mul3A_265, %add3A_260 : vector<16xf32>
          %select_n3A_267 = arith.select %gt3A_263, %add3A_260, %mul3A_266 : vector<16xi1>, vector<16xf32>
          %sub3A_268 = arith.subf %select_n3A_255, %select_n3A_267 : vector<16xf32>
          %exp3A_269 = math.exp %sub3A_268 : vector<16xf32>
          %jit3A_270 = arith.constant 0.000000e+00 : f32
          %broadcast_in_dim3A_271 = vector.broadcast %jit3A_270 : f32 to vector<16xf32>
          %select_n3A_272 = arith.select %lt3A_245, %exp3A_269, %broadcast_in_dim3A_271 : vector<16xi1>, vector<16xf32>
          %swap3A_273 = arith.constant 32 : index
          %swap3A_274 = tpu.vector_load %run_scoped3A_5[%swap3A_273] {strides = array<i32>} : memref<64xf32, #tpu.memory_space<vmem>>, vector<16xf32>,
          tpu.vector_store %run_scoped3A_5[%swap3A_273], %select_n3A_272 {strides = array<i32>} : memref<64xf32, #tpu.memory_space<vmem>>, vector<16xf32>,
          %mul3A_275 = arith.constant 10000 : i32
          %mul3A_276 = arith.muli %select_n3A_35, %mul3A_275 : i32
          %broadcast_in_dim3A_277 = vector.broadcast %mul3A_276 : i32 to vector<16xi32>
          %add3A_278 = arith.addi %shift_right_logical3A_228, %broadcast_in_dim3A_277 : vector<16xi32>
          %swap3A_279 = arith.constant 32 : index
          %swap3A_280 = tpu.vector_load %run_scoped3A_3[%swap3A_279] {strides = array<i32>} : memref<64xi32, #tpu.memory_space<vmem>>, vector<16xi32>,
          tpu.vector_store %run_scoped3A_3[%swap3A_279], %add3A_278 {strides = array<i32>} : memref<64xi32, #tpu.memory_space<vmem>>, vector<16xi32>,
          %mul3A_281 = arith.constant 64 : i32
          %mul3A_282 = arith.muli %scan3A_58, %mul3A_281 : i32
          %add3A_283 = arith.constant 48 : i32
          %add3A_284 = arith.addi %mul3A_282, %add3A_283 : i32
          %get3A_285 = arith.index_cast %add3A_284 : i32 to index
          %get3A_286 = tpu.vector_load %run_scoped3A_2[%get3A_285] {strides = array<i32>} : memref<21376xi32, #tpu.memory_space<vmem>>, vector<16xi32>,
          %shift_right_logical3A_287 = arith.constant 14 : i32
          %shift_right_logical3A_288 = vector.broadcast %shift_right_logical3A_287 : i32 to vector<16xi32>
          %shift_right_logical3A_289 = arith.shrui %get3A_286, %shift_right_logical3A_288 : vector<16xi32>
          %and3A_290 = arith.constant 16383 : i32
          %and3A_291 = vector.broadcast %and3A_290 : i32 to vector<16xi32>
          %and3A_292 = arith.andi %get3A_286, %and3A_291 : vector<16xi32>
          %mul3A_293 = arith.constant 2 : i32
          %mul3A_294 = arith.muli %select_n3A, %mul3A_293 : i32
          %mul3A_295 = arith.constant 10688 : i32
          %mul3A_296 = arith.muli %mul3A_294, %mul3A_295 : i32
          %mul3A_297 = arith.constant 64 : i32
          %mul3A_298 = arith.muli %scan3A_58, %mul3A_297 : i32
          %add3A_299 = arith.addi %mul3A_296, %mul3A_298 : i32
          %add3A_300 = arith.constant 48 : i32
          %add3A_301 = arith.addi %add3A_299, %add3A_300 : i32
          %broadcast_in_dim3A_302 = vector.broadcast %add3A_301 : i32 to vector<16xi32>
          %add3A_303 = arith.addi %broadcast_in_dim3A_302, %iota3A : vector<16xi32>
          %lt3A_304 = arith.constant 170000 : i32
          %lt3A_305 = vector.broadcast %lt3A_304 : i32 to vector<16xi32>
          %lt3A_306 = arith.cmpi slt, %add3A_303, %lt3A_305 : vector<16xi32>
          %gather3A_307 = tpu.vector_load_idx %run_scoped3A[%shift_right_logical3A_289] : memref<10000xf32, #tpu.memory_space<vmem>>[vector<16xi32>], vector<16xf32>,
          %gather3A_308 = tpu.vector_load_idx %run_scoped3A_0[%and3A_292] : memref<10000xf32, #tpu.memory_space<vmem>>[vector<16xi32>], vector<16xf32>,
          %add3A_309 = arith.addf %gather3A_307, %gather3A_308 : vector<16xf32>
          %gt3A_310 = arith.constant 0.000000e+00 : f32
          %gt3A_311 = vector.broadcast %gt3A_310 : f32 to vector<16xf32>
          %gt3A_312 = arith.cmpf ogt, %add3A_309, %gt3A_311 : vector<16xf32>
          %mul3A_313 = arith.constant 2.000000e-01 : f32
          %mul3A_314 = vector.broadcast %mul3A_313 : f32 to vector<16xf32>
          %mul3A_315 = arith.mulf %mul3A_314, %add3A_309 : vector<16xf32>
          %select_n3A_316 = arith.select %gt3A_312, %add3A_309, %mul3A_315 : vector<16xi1>, vector<16xf32>
          %mul3A_317 = arith.constant 16 : i32
          %mul3A_318 = arith.muli %select_n3A_35, %mul3A_317 : i32
          %get3A_319 = arith.index_cast %mul3A_318 : i32 to index
          %get3A_320 = tpu.vector_load %run_scoped3A_1[%get3A_319] {strides = array<i32>} : memref<32xf32, #tpu.memory_space<vmem>>, vector<16xf32>,
          %add3A_321 = arith.addf %gather3A_307, %get3A_320 : vector<16xf32>
          %gt3A_322 = arith.constant 0.000000e+00 : f32
          %gt3A_323 = vector.broadcast %gt3A_322 : f32 to vector<16xf32>
          %gt3A_324 = arith.cmpf ogt, %add3A_321, %gt3A_323 : vector<16xf32>
          %mul3A_325 = arith.constant 2.000000e-01 : f32
          %mul3A_326 = vector.broadcast %mul3A_325 : f32 to vector<16xf32>
          %mul3A_327 = arith.mulf %mul3A_326, %add3A_321 : vector<16xf32>
          %select_n3A_328 = arith.select %gt3A_324, %add3A_321, %mul3A_327 : vector<16xi1>, vector<16xf32>
          %sub3A_329 = arith.subf %select_n3A_316, %select_n3A_328 : vector<16xf32>
          %exp3A_330 = math.exp %sub3A_329 : vector<16xf32>
          %jit3A_331 = arith.constant 0.000000e+00 : f32
          %broadcast_in_dim3A_332 = vector.broadcast %jit3A_331 : f32 to vector<16xf32>
          %select_n3A_333 = arith.select %lt3A_306, %exp3A_330, %broadcast_in_dim3A_332 : vector<16xi1>, vector<16xf32>
          %swap3A_334 = arith.constant 48 : index
          %swap3A_335 = tpu.vector_load %run_scoped3A_5[%swap3A_334] {strides = array<i32>} : memref<64xf32, #tpu.memory_space<vmem>>, vector<16xf32>,
          tpu.vector_store %run_scoped3A_5[%swap3A_334], %select_n3A_333 {strides = array<i32>} : memref<64xf32, #tpu.memory_space<vmem>>, vector<16xf32>,
          %mul3A_336 = arith.constant 10000 : i32
          %mul3A_337 = arith.muli %select_n3A_35, %mul3A_336 : i32
          %broadcast_in_dim3A_338 = vector.broadcast %mul3A_337 : i32 to vector<16xi32>
          %add3A_339 = arith.addi %shift_right_logical3A_289, %broadcast_in_dim3A_338 : vector<16xi32>
          %swap3A_340 = arith.constant 48 : index
          %swap3A_341 = tpu.vector_load %run_scoped3A_3[%swap3A_340] {strides = array<i32>} : memref<64xi32, #tpu.memory_space<vmem>>, vector<16xi32>,
          tpu.vector_store %run_scoped3A_3[%swap3A_340], %add3A_339 {strides = array<i32>} : memref<64xi32, #tpu.memory_space<vmem>>, vector<16xi32>,
          "tpu.region"() ({
            %run_scoped3A_353 = tpu.sem_alloc : memref<!tpu.dma_semaphore, #tpu.memory_space<semaphore_mem>>
            %dma_start3A_354 = arith.constant 0 : i32
            %dma_start3A_355 = tpu.memref_slice %arg10[%dma_start3A_354] : memref<20000xf32, #tpu.memory_space<vmem_shared>> -> memref<20000xf32, #tpu.memory_space<vmem_shared>>
            tpu.enqueue_indirect_dma source(%run_scoped3A_5 : memref<64xf32, #tpu.memory_space<vmem>>) target(%dma_start3A_355 : memref<20000xf32, #tpu.memory_space<vmem_shared>>) offsets(%run_scoped3A_3 : memref<64xi32, #tpu.memory_space<vmem>>) semaphore(%run_scoped3A_353 : memref<!tpu.dma_semaphore, #tpu.memory_space<semaphore_mem>>) {add = true}
            %dma_wait3A_356 = arith.constant 0 : i32
            %dma_wait3A_357 = tpu.memref_slice %arg10[%dma_wait3A_356] : memref<20000xf32, #tpu.memory_space<vmem_shared>> -> memref<20000xf32, #tpu.memory_space<vmem_shared>>
            tpu.wait_indirect_dma semaphore(%run_scoped3A_353 : memref<!tpu.dma_semaphore, #tpu.memory_space<semaphore_mem>>) src(%run_scoped3A_5 : memref<64xf32, #tpu.memory_space<vmem>>) dst(%dma_wait3A_357 : memref<20000xf32, #tpu.memory_space<vmem_shared>>)
            tpu.yield
          }) : () -> ()
          %mul3A_342 = arith.constant 171008 : i32
          %mul3A_343 = arith.muli %add3A_37, %mul3A_342 : i32
          %mul3A_344 = arith.constant 2 : i32
          %mul3A_345 = arith.muli %select_n3A, %mul3A_344 : i32
          %mul3A_346 = arith.constant 10688 : i32
          %mul3A_347 = arith.muli %mul3A_345, %mul3A_346 : i32
          %add3A_348 = arith.addi %mul3A_343, %mul3A_347 : i32
          %mul3A_349 = arith.constant 64 : i32
          %mul3A_350 = arith.muli %scan3A_58, %mul3A_349 : i32
          %add3A_351 = arith.addi %add3A_348, %mul3A_350 : i32
          %dma_start3A = tpu.memref_slice %arg9[%add3A_351] : memref<684032xf32, #tpu.memory_space<hbm>> -> memref<64xf32, #tpu.memory_space<hbm>>
          %dma_start3A_352 = tpu.memref_slice %arg9[%add3A_351] : memref<684032xf32, #tpu.memory_space<hbm>> -> memref<64xf32, #tpu.memory_space<hbm>>
          tpu.enqueue_dma source(%run_scoped3A_5 : memref<64xf32, #tpu.memory_space<vmem>>) target(%dma_start3A_352 : memref<64xf32, #tpu.memory_space<hbm>>) target_semaphore(%arg12 : memref<!tpu.dma_semaphore, #tpu.memory_space<semaphore_mem>>)
        } else {
        }
        %jit3A_80 = arith.constant 2 : i32
        %eq3A_81 = arith.constant 0 : i32
        %eq3A_82 = arith.cmpi eq, %jit3A_80, %eq3A_81 : i32
        %jit3A_83 = arith.constant 1 : i32
        %select_n3A_84 = arith.select %eq3A_82, %jit3A_83, %jit3A_80 : i32
        %rem3A_85 = arith.remsi %scan3A_58, %select_n3A_84 : i32
        %ne3A_86 = arith.constant 0 : i32
        %ne3A_87 = arith.cmpi ne, %rem3A_85, %ne3A_86 : i32
        %lt3A_88 = arith.constant 0 : i32
        %lt3A_89 = arith.cmpi slt, %rem3A_85, %lt3A_88 : i32
        %lt3A_90 = arith.constant 0 : i32
        %lt3A_91 = arith.cmpi slt, %select_n3A_84, %lt3A_90 : i32
        %ne3A_92 = arith.xori %lt3A_89, %lt3A_91 : i1
        %and3A_93 = arith.andi %ne3A_92, %ne3A_87 : i1
        %add3A_94 = arith.addi %rem3A_85, %select_n3A_84 : i32
        %select_n3A_95 = arith.select %and3A_93, %add3A_94, %rem3A_85 : i32
        %eq3A_96 = arith.constant 1 : i32
        %eq3A_97 = arith.cmpi eq, %select_n3A_95, %eq3A_96 : i32
        %convert_element_type3A_98 = arith.extui %eq3A_97 : i1 to i32
        %cond3A_99 = arith.constant 0 : i32
        %cond3A_100 = arith.cmpi ne, %convert_element_type3A_98, %cond3A_99 : i32
        scf.if %cond3A_100 {
          %ge3A = arith.constant 2 : i32
          %ge3A_101 = arith.cmpi sge, %scan3A_58, %ge3A : i32
          %convert_element_type3A_102 = arith.extui %ge3A_101 : i1 to i32
          %cond3A_103 = arith.constant 0 : i32
          %cond3A_104 = arith.cmpi ne, %convert_element_type3A_102, %cond3A_103 : i32
          scf.if %cond3A_104 {
            %dma_wait3A_353 = arith.constant 0 : i32
            %dma_wait3A_354 = tpu.memref_slice %arg9[%dma_wait3A_353] : memref<684032xf32, #tpu.memory_space<hbm>> -> memref<64xf32, #tpu.memory_space<hbm>>
            %dma_wait3A_355 = arith.constant 0 : i32
            %dma_wait3A_356 = tpu.memref_slice %arg9[%dma_wait3A_355] : memref<684032xf32, #tpu.memory_space<hbm>> -> memref<64xf32, #tpu.memory_space<hbm>>
            tpu.wait_dma2 semaphore(%arg13 : memref<!tpu.dma_semaphore, #tpu.memory_space<semaphore_mem>>) src(%run_scoped3A_6 : memref<64xf32, #tpu.memory_space<vmem>>) dst(%dma_wait3A_356 : memref<64xf32, #tpu.memory_space<hbm>>)
          } else {
          }
          %mul3A_105 = arith.constant 64 : i32
          %mul3A_106 = arith.muli %scan3A_58, %mul3A_105 : i32
          %add3A_107 = arith.constant 0 : i32
          %add3A_108 = arith.addi %mul3A_106, %add3A_107 : i32
          %get3A = arith.index_cast %add3A_108 : i32 to index
          %get3A_109 = tpu.vector_load %run_scoped3A_2[%get3A] {strides = array<i32>} : memref<21376xi32, #tpu.memory_space<vmem>>, vector<16xi32>,
          %shift_right_logical3A = arith.constant 14 : i32
          %shift_right_logical3A_110 = vector.broadcast %shift_right_logical3A : i32 to vector<16xi32>
          %shift_right_logical3A_111 = arith.shrui %get3A_109, %shift_right_logical3A_110 : vector<16xi32>
          %and3A_112 = arith.constant 16383 : i32
          %and3A_113 = vector.broadcast %and3A_112 : i32 to vector<16xi32>
          %and3A_114 = arith.andi %get3A_109, %and3A_113 : vector<16xi32>
          %mul3A_115 = arith.constant 2 : i32
          %mul3A_116 = arith.muli %select_n3A, %mul3A_115 : i32
          %mul3A_117 = arith.constant 10688 : i32
          %mul3A_118 = arith.muli %mul3A_116, %mul3A_117 : i32
          %mul3A_119 = arith.constant 64 : i32
          %mul3A_120 = arith.muli %scan3A_58, %mul3A_119 : i32
          %add3A_121 = arith.addi %mul3A_118, %mul3A_120 : i32
          %add3A_122 = arith.constant 0 : i32
          %add3A_123 = arith.addi %add3A_121, %add3A_122 : i32
          %broadcast_in_dim3A = vector.broadcast %add3A_123 : i32 to vector<16xi32>
          %add3A_124 = arith.addi %broadcast_in_dim3A, %iota3A : vector<16xi32>
          %lt3A_125 = arith.constant 170000 : i32
          %lt3A_126 = vector.broadcast %lt3A_125 : i32 to vector<16xi32>
          %lt3A_127 = arith.cmpi slt, %add3A_124, %lt3A_126 : vector<16xi32>
          %gather3A = tpu.vector_load_idx %run_scoped3A[%shift_right_logical3A_111] : memref<10000xf32, #tpu.memory_space<vmem>>[vector<16xi32>], vector<16xf32>,
          %gather3A_128 = tpu.vector_load_idx %run_scoped3A_0[%and3A_114] : memref<10000xf32, #tpu.memory_space<vmem>>[vector<16xi32>], vector<16xf32>,
          %add3A_129 = arith.addf %gather3A, %gather3A_128 : vector<16xf32>
          %gt3A = arith.constant 0.000000e+00 : f32
          %gt3A_130 = vector.broadcast %gt3A : f32 to vector<16xf32>
          %gt3A_131 = arith.cmpf ogt, %add3A_129, %gt3A_130 : vector<16xf32>
          %mul3A_132 = arith.constant 2.000000e-01 : f32
          %mul3A_133 = vector.broadcast %mul3A_132 : f32 to vector<16xf32>
          %mul3A_134 = arith.mulf %mul3A_133, %add3A_129 : vector<16xf32>
          %select_n3A_135 = arith.select %gt3A_131, %add3A_129, %mul3A_134 : vector<16xi1>, vector<16xf32>
          %mul3A_136 = arith.constant 16 : i32
          %mul3A_137 = arith.muli %select_n3A_35, %mul3A_136 : i32
          %get3A_138 = arith.index_cast %mul3A_137 : i32 to index
          %get3A_139 = tpu.vector_load %run_scoped3A_1[%get3A_138] {strides = array<i32>} : memref<32xf32, #tpu.memory_space<vmem>>, vector<16xf32>,
          %add3A_140 = arith.addf %gather3A, %get3A_139 : vector<16xf32>
          %gt3A_141 = arith.constant 0.000000e+00 : f32
          %gt3A_142 = vector.broadcast %gt3A_141 : f32 to vector<16xf32>
          %gt3A_143 = arith.cmpf ogt, %add3A_140, %gt3A_142 : vector<16xf32>
          %mul3A_144 = arith.constant 2.000000e-01 : f32
          %mul3A_145 = vector.broadcast %mul3A_144 : f32 to vector<16xf32>
          %mul3A_146 = arith.mulf %mul3A_145, %add3A_140 : vector<16xf32>
          %select_n3A_147 = arith.select %gt3A_143, %add3A_140, %mul3A_146 : vector<16xi1>, vector<16xf32>
          %sub3A_148 = arith.subf %select_n3A_135, %select_n3A_147 : vector<16xf32>
          %exp3A = math.exp %sub3A_148 : vector<16xf32>
          %jit3A_149 = arith.constant 0.000000e+00 : f32
          %broadcast_in_dim3A_150 = vector.broadcast %jit3A_149 : f32 to vector<16xf32>
          %select_n3A_151 = arith.select %lt3A_127, %exp3A, %broadcast_in_dim3A_150 : vector<16xi1>, vector<16xf32>
          %swap3A = arith.constant 0 : index
          %swap3A_152 = tpu.vector_load %run_scoped3A_6[%swap3A] {strides = array<i32>} : memref<64xf32, #tpu.memory_space<vmem>>, vector<16xf32>,
          tpu.vector_store %run_scoped3A_6[%swap3A], %select_n3A_151 {strides = array<i32>} : memref<64xf32, #tpu.memory_space<vmem>>, vector<16xf32>,
          %mul3A_153 = arith.constant 10000 : i32
          %mul3A_154 = arith.muli %select_n3A_35, %mul3A_153 : i32
          %broadcast_in_dim3A_155 = vector.broadcast %mul3A_154 : i32 to vector<16xi32>
          %add3A_156 = arith.addi %shift_right_logical3A_111, %broadcast_in_dim3A_155 : vector<16xi32>
          %swap3A_157 = arith.constant 0 : index
          %swap3A_158 = tpu.vector_load %run_scoped3A_4[%swap3A_157] {strides = array<i32>} : memref<64xi32, #tpu.memory_space<vmem>>, vector<16xi32>,
          tpu.vector_store %run_scoped3A_4[%swap3A_157], %add3A_156 {strides = array<i32>} : memref<64xi32, #tpu.memory_space<vmem>>, vector<16xi32>,
          %mul3A_159 = arith.constant 64 : i32
          %mul3A_160 = arith.muli %scan3A_58, %mul3A_159 : i32
          %add3A_161 = arith.constant 16 : i32
          %add3A_162 = arith.addi %mul3A_160, %add3A_161 : i32
          %get3A_163 = arith.index_cast %add3A_162 : i32 to index
          %get3A_164 = tpu.vector_load %run_scoped3A_2[%get3A_163] {strides = array<i32>} : memref<21376xi32, #tpu.memory_space<vmem>>, vector<16xi32>,
          %shift_right_logical3A_165 = arith.constant 14 : i32
          %shift_right_logical3A_166 = vector.broadcast %shift_right_logical3A_165 : i32 to vector<16xi32>
          %shift_right_logical3A_167 = arith.shrui %get3A_164, %shift_right_logical3A_166 : vector<16xi32>
          %and3A_168 = arith.constant 16383 : i32
          %and3A_169 = vector.broadcast %and3A_168 : i32 to vector<16xi32>
          %and3A_170 = arith.andi %get3A_164, %and3A_169 : vector<16xi32>
          %mul3A_171 = arith.constant 2 : i32
          %mul3A_172 = arith.muli %select_n3A, %mul3A_171 : i32
          %mul3A_173 = arith.constant 10688 : i32
          %mul3A_174 = arith.muli %mul3A_172, %mul3A_173 : i32
          %mul3A_175 = arith.constant 64 : i32
          %mul3A_176 = arith.muli %scan3A_58, %mul3A_175 : i32
          %add3A_177 = arith.addi %mul3A_174, %mul3A_176 : i32
          %add3A_178 = arith.constant 16 : i32
          %add3A_179 = arith.addi %add3A_177, %add3A_178 : i32
          %broadcast_in_dim3A_180 = vector.broadcast %add3A_179 : i32 to vector<16xi32>
          %add3A_181 = arith.addi %broadcast_in_dim3A_180, %iota3A : vector<16xi32>
          %lt3A_182 = arith.constant 170000 : i32
          %lt3A_183 = vector.broadcast %lt3A_182 : i32 to vector<16xi32>
          %lt3A_184 = arith.cmpi slt, %add3A_181, %lt3A_183 : vector<16xi32>
          %gather3A_185 = tpu.vector_load_idx %run_scoped3A[%shift_right_logical3A_167] : memref<10000xf32, #tpu.memory_space<vmem>>[vector<16xi32>], vector<16xf32>,
          %gather3A_186 = tpu.vector_load_idx %run_scoped3A_0[%and3A_170] : memref<10000xf32, #tpu.memory_space<vmem>>[vector<16xi32>], vector<16xf32>,
          %add3A_187 = arith.addf %gather3A_185, %gather3A_186 : vector<16xf32>
          %gt3A_188 = arith.constant 0.000000e+00 : f32
          %gt3A_189 = vector.broadcast %gt3A_188 : f32 to vector<16xf32>
          %gt3A_190 = arith.cmpf ogt, %add3A_187, %gt3A_189 : vector<16xf32>
          %mul3A_191 = arith.constant 2.000000e-01 : f32
          %mul3A_192 = vector.broadcast %mul3A_191 : f32 to vector<16xf32>
          %mul3A_193 = arith.mulf %mul3A_192, %add3A_187 : vector<16xf32>
          %select_n3A_194 = arith.select %gt3A_190, %add3A_187, %mul3A_193 : vector<16xi1>, vector<16xf32>
          %mul3A_195 = arith.constant 16 : i32
          %mul3A_196 = arith.muli %select_n3A_35, %mul3A_195 : i32
          %get3A_197 = arith.index_cast %mul3A_196 : i32 to index
          %get3A_198 = tpu.vector_load %run_scoped3A_1[%get3A_197] {strides = array<i32>} : memref<32xf32, #tpu.memory_space<vmem>>, vector<16xf32>,
          %add3A_199 = arith.addf %gather3A_185, %get3A_198 : vector<16xf32>
          %gt3A_200 = arith.constant 0.000000e+00 : f32
          %gt3A_201 = vector.broadcast %gt3A_200 : f32 to vector<16xf32>
          %gt3A_202 = arith.cmpf ogt, %add3A_199, %gt3A_201 : vector<16xf32>
          %mul3A_203 = arith.constant 2.000000e-01 : f32
          %mul3A_204 = vector.broadcast %mul3A_203 : f32 to vector<16xf32>
          %mul3A_205 = arith.mulf %mul3A_204, %add3A_199 : vector<16xf32>
          %select_n3A_206 = arith.select %gt3A_202, %add3A_199, %mul3A_205 : vector<16xi1>, vector<16xf32>
          %sub3A_207 = arith.subf %select_n3A_194, %select_n3A_206 : vector<16xf32>
          %exp3A_208 = math.exp %sub3A_207 : vector<16xf32>
          %jit3A_209 = arith.constant 0.000000e+00 : f32
          %broadcast_in_dim3A_210 = vector.broadcast %jit3A_209 : f32 to vector<16xf32>
          %select_n3A_211 = arith.select %lt3A_184, %exp3A_208, %broadcast_in_dim3A_210 : vector<16xi1>, vector<16xf32>
          %swap3A_212 = arith.constant 16 : index
          %swap3A_213 = tpu.vector_load %run_scoped3A_6[%swap3A_212] {strides = array<i32>} : memref<64xf32, #tpu.memory_space<vmem>>, vector<16xf32>,
          tpu.vector_store %run_scoped3A_6[%swap3A_212], %select_n3A_211 {strides = array<i32>} : memref<64xf32, #tpu.memory_space<vmem>>, vector<16xf32>,
          %mul3A_214 = arith.constant 10000 : i32
          %mul3A_215 = arith.muli %select_n3A_35, %mul3A_214 : i32
          %broadcast_in_dim3A_216 = vector.broadcast %mul3A_215 : i32 to vector<16xi32>
          %add3A_217 = arith.addi %shift_right_logical3A_167, %broadcast_in_dim3A_216 : vector<16xi32>
          %swap3A_218 = arith.constant 16 : index
          %swap3A_219 = tpu.vector_load %run_scoped3A_4[%swap3A_218] {strides = array<i32>} : memref<64xi32, #tpu.memory_space<vmem>>, vector<16xi32>,
          tpu.vector_store %run_scoped3A_4[%swap3A_218], %add3A_217 {strides = array<i32>} : memref<64xi32, #tpu.memory_space<vmem>>, vector<16xi32>,
          %mul3A_220 = arith.constant 64 : i32
          %mul3A_221 = arith.muli %scan3A_58, %mul3A_220 : i32
          %add3A_222 = arith.constant 32 : i32
          %add3A_223 = arith.addi %mul3A_221, %add3A_222 : i32
          %get3A_224 = arith.index_cast %add3A_223 : i32 to index
          %get3A_225 = tpu.vector_load %run_scoped3A_2[%get3A_224] {strides = array<i32>} : memref<21376xi32, #tpu.memory_space<vmem>>, vector<16xi32>,
          %shift_right_logical3A_226 = arith.constant 14 : i32
          %shift_right_logical3A_227 = vector.broadcast %shift_right_logical3A_226 : i32 to vector<16xi32>
          %shift_right_logical3A_228 = arith.shrui %get3A_225, %shift_right_logical3A_227 : vector<16xi32>
          %and3A_229 = arith.constant 16383 : i32
          %and3A_230 = vector.broadcast %and3A_229 : i32 to vector<16xi32>
          %and3A_231 = arith.andi %get3A_225, %and3A_230 : vector<16xi32>
          %mul3A_232 = arith.constant 2 : i32
          %mul3A_233 = arith.muli %select_n3A, %mul3A_232 : i32
          %mul3A_234 = arith.constant 10688 : i32
          %mul3A_235 = arith.muli %mul3A_233, %mul3A_234 : i32
          %mul3A_236 = arith.constant 64 : i32
          %mul3A_237 = arith.muli %scan3A_58, %mul3A_236 : i32
          %add3A_238 = arith.addi %mul3A_235, %mul3A_237 : i32
          %add3A_239 = arith.constant 32 : i32
          %add3A_240 = arith.addi %add3A_238, %add3A_239 : i32
          %broadcast_in_dim3A_241 = vector.broadcast %add3A_240 : i32 to vector<16xi32>
          %add3A_242 = arith.addi %broadcast_in_dim3A_241, %iota3A : vector<16xi32>
          %lt3A_243 = arith.constant 170000 : i32
          %lt3A_244 = vector.broadcast %lt3A_243 : i32 to vector<16xi32>
          %lt3A_245 = arith.cmpi slt, %add3A_242, %lt3A_244 : vector<16xi32>
          %gather3A_246 = tpu.vector_load_idx %run_scoped3A[%shift_right_logical3A_228] : memref<10000xf32, #tpu.memory_space<vmem>>[vector<16xi32>], vector<16xf32>,
          %gather3A_247 = tpu.vector_load_idx %run_scoped3A_0[%and3A_231] : memref<10000xf32, #tpu.memory_space<vmem>>[vector<16xi32>], vector<16xf32>,
          %add3A_248 = arith.addf %gather3A_246, %gather3A_247 : vector<16xf32>
          %gt3A_249 = arith.constant 0.000000e+00 : f32
          %gt3A_250 = vector.broadcast %gt3A_249 : f32 to vector<16xf32>
          %gt3A_251 = arith.cmpf ogt, %add3A_248, %gt3A_250 : vector<16xf32>
          %mul3A_252 = arith.constant 2.000000e-01 : f32
          %mul3A_253 = vector.broadcast %mul3A_252 : f32 to vector<16xf32>
          %mul3A_254 = arith.mulf %mul3A_253, %add3A_248 : vector<16xf32>
          %select_n3A_255 = arith.select %gt3A_251, %add3A_248, %mul3A_254 : vector<16xi1>, vector<16xf32>
          %mul3A_256 = arith.constant 16 : i32
          %mul3A_257 = arith.muli %select_n3A_35, %mul3A_256 : i32
          %get3A_258 = arith.index_cast %mul3A_257 : i32 to index
          %get3A_259 = tpu.vector_load %run_scoped3A_1[%get3A_258] {strides = array<i32>} : memref<32xf32, #tpu.memory_space<vmem>>, vector<16xf32>,
          %add3A_260 = arith.addf %gather3A_246, %get3A_259 : vector<16xf32>
          %gt3A_261 = arith.constant 0.000000e+00 : f32
          %gt3A_262 = vector.broadcast %gt3A_261 : f32 to vector<16xf32>
          %gt3A_263 = arith.cmpf ogt, %add3A_260, %gt3A_262 : vector<16xf32>
          %mul3A_264 = arith.constant 2.000000e-01 : f32
          %mul3A_265 = vector.broadcast %mul3A_264 : f32 to vector<16xf32>
          %mul3A_266 = arith.mulf %mul3A_265, %add3A_260 : vector<16xf32>
          %select_n3A_267 = arith.select %gt3A_263, %add3A_260, %mul3A_266 : vector<16xi1>, vector<16xf32>
          %sub3A_268 = arith.subf %select_n3A_255, %select_n3A_267 : vector<16xf32>
          %exp3A_269 = math.exp %sub3A_268 : vector<16xf32>
          %jit3A_270 = arith.constant 0.000000e+00 : f32
          %broadcast_in_dim3A_271 = vector.broadcast %jit3A_270 : f32 to vector<16xf32>
          %select_n3A_272 = arith.select %lt3A_245, %exp3A_269, %broadcast_in_dim3A_271 : vector<16xi1>, vector<16xf32>
          %swap3A_273 = arith.constant 32 : index
          %swap3A_274 = tpu.vector_load %run_scoped3A_6[%swap3A_273] {strides = array<i32>} : memref<64xf32, #tpu.memory_space<vmem>>, vector<16xf32>,
          tpu.vector_store %run_scoped3A_6[%swap3A_273], %select_n3A_272 {strides = array<i32>} : memref<64xf32, #tpu.memory_space<vmem>>, vector<16xf32>,
          %mul3A_275 = arith.constant 10000 : i32
          %mul3A_276 = arith.muli %select_n3A_35, %mul3A_275 : i32
          %broadcast_in_dim3A_277 = vector.broadcast %mul3A_276 : i32 to vector<16xi32>
          %add3A_278 = arith.addi %shift_right_logical3A_228, %broadcast_in_dim3A_277 : vector<16xi32>
          %swap3A_279 = arith.constant 32 : index
          %swap3A_280 = tpu.vector_load %run_scoped3A_4[%swap3A_279] {strides = array<i32>} : memref<64xi32, #tpu.memory_space<vmem>>, vector<16xi32>,
          tpu.vector_store %run_scoped3A_4[%swap3A_279], %add3A_278 {strides = array<i32>} : memref<64xi32, #tpu.memory_space<vmem>>, vector<16xi32>,
          %mul3A_281 = arith.constant 64 : i32
          %mul3A_282 = arith.muli %scan3A_58, %mul3A_281 : i32
          %add3A_283 = arith.constant 48 : i32
          %add3A_284 = arith.addi %mul3A_282, %add3A_283 : i32
          %get3A_285 = arith.index_cast %add3A_284 : i32 to index
          %get3A_286 = tpu.vector_load %run_scoped3A_2[%get3A_285] {strides = array<i32>} : memref<21376xi32, #tpu.memory_space<vmem>>, vector<16xi32>,
          %shift_right_logical3A_287 = arith.constant 14 : i32
          %shift_right_logical3A_288 = vector.broadcast %shift_right_logical3A_287 : i32 to vector<16xi32>
          %shift_right_logical3A_289 = arith.shrui %get3A_286, %shift_right_logical3A_288 : vector<16xi32>
          %and3A_290 = arith.constant 16383 : i32
          %and3A_291 = vector.broadcast %and3A_290 : i32 to vector<16xi32>
          %and3A_292 = arith.andi %get3A_286, %and3A_291 : vector<16xi32>
          %mul3A_293 = arith.constant 2 : i32
          %mul3A_294 = arith.muli %select_n3A, %mul3A_293 : i32
          %mul3A_295 = arith.constant 10688 : i32
          %mul3A_296 = arith.muli %mul3A_294, %mul3A_295 : i32
          %mul3A_297 = arith.constant 64 : i32
          %mul3A_298 = arith.muli %scan3A_58, %mul3A_297 : i32
          %add3A_299 = arith.addi %mul3A_296, %mul3A_298 : i32
          %add3A_300 = arith.constant 48 : i32
          %add3A_301 = arith.addi %add3A_299, %add3A_300 : i32
          %broadcast_in_dim3A_302 = vector.broadcast %add3A_301 : i32 to vector<16xi32>
          %add3A_303 = arith.addi %broadcast_in_dim3A_302, %iota3A : vector<16xi32>
          %lt3A_304 = arith.constant 170000 : i32
          %lt3A_305 = vector.broadcast %lt3A_304 : i32 to vector<16xi32>
          %lt3A_306 = arith.cmpi slt, %add3A_303, %lt3A_305 : vector<16xi32>
          %gather3A_307 = tpu.vector_load_idx %run_scoped3A[%shift_right_logical3A_289] : memref<10000xf32, #tpu.memory_space<vmem>>[vector<16xi32>], vector<16xf32>,
          %gather3A_308 = tpu.vector_load_idx %run_scoped3A_0[%and3A_292] : memref<10000xf32, #tpu.memory_space<vmem>>[vector<16xi32>], vector<16xf32>,
          %add3A_309 = arith.addf %gather3A_307, %gather3A_308 : vector<16xf32>
          %gt3A_310 = arith.constant 0.000000e+00 : f32
          %gt3A_311 = vector.broadcast %gt3A_310 : f32 to vector<16xf32>
          %gt3A_312 = arith.cmpf ogt, %add3A_309, %gt3A_311 : vector<16xf32>
          %mul3A_313 = arith.constant 2.000000e-01 : f32
          %mul3A_314 = vector.broadcast %mul3A_313 : f32 to vector<16xf32>
          %mul3A_315 = arith.mulf %mul3A_314, %add3A_309 : vector<16xf32>
          %select_n3A_316 = arith.select %gt3A_312, %add3A_309, %mul3A_315 : vector<16xi1>, vector<16xf32>
          %mul3A_317 = arith.constant 16 : i32
          %mul3A_318 = arith.muli %select_n3A_35, %mul3A_317 : i32
          %get3A_319 = arith.index_cast %mul3A_318 : i32 to index
          %get3A_320 = tpu.vector_load %run_scoped3A_1[%get3A_319] {strides = array<i32>} : memref<32xf32, #tpu.memory_space<vmem>>, vector<16xf32>,
          %add3A_321 = arith.addf %gather3A_307, %get3A_320 : vector<16xf32>
          %gt3A_322 = arith.constant 0.000000e+00 : f32
          %gt3A_323 = vector.broadcast %gt3A_322 : f32 to vector<16xf32>
          %gt3A_324 = arith.cmpf ogt, %add3A_321, %gt3A_323 : vector<16xf32>
          %mul3A_325 = arith.constant 2.000000e-01 : f32
          %mul3A_326 = vector.broadcast %mul3A_325 : f32 to vector<16xf32>
          %mul3A_327 = arith.mulf %mul3A_326, %add3A_321 : vector<16xf32>
          %select_n3A_328 = arith.select %gt3A_324, %add3A_321, %mul3A_327 : vector<16xi1>, vector<16xf32>
          %sub3A_329 = arith.subf %select_n3A_316, %select_n3A_328 : vector<16xf32>
          %exp3A_330 = math.exp %sub3A_329 : vector<16xf32>
          %jit3A_331 = arith.constant 0.000000e+00 : f32
          %broadcast_in_dim3A_332 = vector.broadcast %jit3A_331 : f32 to vector<16xf32>
          %select_n3A_333 = arith.select %lt3A_306, %exp3A_330, %broadcast_in_dim3A_332 : vector<16xi1>, vector<16xf32>
          %swap3A_334 = arith.constant 48 : index
          %swap3A_335 = tpu.vector_load %run_scoped3A_6[%swap3A_334] {strides = array<i32>} : memref<64xf32, #tpu.memory_space<vmem>>, vector<16xf32>,
          tpu.vector_store %run_scoped3A_6[%swap3A_334], %select_n3A_333 {strides = array<i32>} : memref<64xf32, #tpu.memory_space<vmem>>, vector<16xf32>,
          %mul3A_336 = arith.constant 10000 : i32
          %mul3A_337 = arith.muli %select_n3A_35, %mul3A_336 : i32
          %broadcast_in_dim3A_338 = vector.broadcast %mul3A_337 : i32 to vector<16xi32>
          %add3A_339 = arith.addi %shift_right_logical3A_289, %broadcast_in_dim3A_338 : vector<16xi32>
          %swap3A_340 = arith.constant 48 : index
          %swap3A_341 = tpu.vector_load %run_scoped3A_4[%swap3A_340] {strides = array<i32>} : memref<64xi32, #tpu.memory_space<vmem>>, vector<16xi32>,
          tpu.vector_store %run_scoped3A_4[%swap3A_340], %add3A_339 {strides = array<i32>} : memref<64xi32, #tpu.memory_space<vmem>>, vector<16xi32>,
          "tpu.region"() ({
            %run_scoped3A_353 = tpu.sem_alloc : memref<!tpu.dma_semaphore, #tpu.memory_space<semaphore_mem>>
            %dma_start3A_354 = arith.constant 0 : i32
            %dma_start3A_355 = tpu.memref_slice %arg10[%dma_start3A_354] : memref<20000xf32, #tpu.memory_space<vmem_shared>> -> memref<20000xf32, #tpu.memory_space<vmem_shared>>
            tpu.enqueue_indirect_dma source(%run_scoped3A_6 : memref<64xf32, #tpu.memory_space<vmem>>) target(%dma_start3A_355 : memref<20000xf32, #tpu.memory_space<vmem_shared>>) offsets(%run_scoped3A_4 : memref<64xi32, #tpu.memory_space<vmem>>) semaphore(%run_scoped3A_353 : memref<!tpu.dma_semaphore, #tpu.memory_space<semaphore_mem>>) {add = true}
            %dma_wait3A_356 = arith.constant 0 : i32
            %dma_wait3A_357 = tpu.memref_slice %arg10[%dma_wait3A_356] : memref<20000xf32, #tpu.memory_space<vmem_shared>> -> memref<20000xf32, #tpu.memory_space<vmem_shared>>
            tpu.wait_indirect_dma semaphore(%run_scoped3A_353 : memref<!tpu.dma_semaphore, #tpu.memory_space<semaphore_mem>>) src(%run_scoped3A_6 : memref<64xf32, #tpu.memory_space<vmem>>) dst(%dma_wait3A_357 : memref<20000xf32, #tpu.memory_space<vmem_shared>>)
            tpu.yield
          }) : () -> ()
          %mul3A_342 = arith.constant 171008 : i32
          %mul3A_343 = arith.muli %add3A_37, %mul3A_342 : i32
          %mul3A_344 = arith.constant 2 : i32
          %mul3A_345 = arith.muli %select_n3A, %mul3A_344 : i32
          %mul3A_346 = arith.constant 10688 : i32
          %mul3A_347 = arith.muli %mul3A_345, %mul3A_346 : i32
          %add3A_348 = arith.addi %mul3A_343, %mul3A_347 : i32
          %mul3A_349 = arith.constant 64 : i32
          %mul3A_350 = arith.muli %scan3A_58, %mul3A_349 : i32
          %add3A_351 = arith.addi %add3A_348, %mul3A_350 : i32
          %dma_start3A = tpu.memref_slice %arg9[%add3A_351] : memref<684032xf32, #tpu.memory_space<hbm>> -> memref<64xf32, #tpu.memory_space<hbm>>
          %dma_start3A_352 = tpu.memref_slice %arg9[%add3A_351] : memref<684032xf32, #tpu.memory_space<hbm>> -> memref<64xf32, #tpu.memory_space<hbm>>
          tpu.enqueue_dma source(%run_scoped3A_6 : memref<64xf32, #tpu.memory_space<vmem>>) target(%dma_start3A_352 : memref<64xf32, #tpu.memory_space<hbm>>) target_semaphore(%arg13 : memref<!tpu.dma_semaphore, #tpu.memory_space<semaphore_mem>>)
        } else {
        }
      }
      %scan3A_50 = arith.constant 334 : i32
      %dma_wait3A = arith.constant 0 : i32
      %dma_wait3A_51 = tpu.memref_slice %arg9[%dma_wait3A] : memref<684032xf32, #tpu.memory_space<hbm>> -> memref<64xf32, #tpu.memory_space<hbm>>
      %dma_wait3A_52 = arith.constant 0 : i32
      %dma_wait3A_53 = tpu.memref_slice %arg9[%dma_wait3A_52] : memref<684032xf32, #tpu.memory_space<hbm>> -> memref<64xf32, #tpu.memory_space<hbm>>
      tpu.wait_dma2 semaphore(%arg12 : memref<!tpu.dma_semaphore, #tpu.memory_space<semaphore_mem>>) src(%run_scoped3A_5 : memref<64xf32, #tpu.memory_space<vmem>>) dst(%dma_wait3A_53 : memref<64xf32, #tpu.memory_space<hbm>>)
      %dma_wait3A_54 = arith.constant 0 : i32
      %dma_wait3A_55 = tpu.memref_slice %arg9[%dma_wait3A_54] : memref<684032xf32, #tpu.memory_space<hbm>> -> memref<64xf32, #tpu.memory_space<hbm>>
      %dma_wait3A_56 = arith.constant 0 : i32
      %dma_wait3A_57 = tpu.memref_slice %arg9[%dma_wait3A_56] : memref<684032xf32, #tpu.memory_space<hbm>> -> memref<64xf32, #tpu.memory_space<hbm>>
      tpu.wait_dma2 semaphore(%arg13 : memref<!tpu.dma_semaphore, #tpu.memory_space<semaphore_mem>>) src(%run_scoped3A_6 : memref<64xf32, #tpu.memory_space<vmem>>) dst(%dma_wait3A_57 : memref<64xf32, #tpu.memory_space<hbm>>)
      tpu.yield
    }) : () -> ()
    %barrier3A = arith.constant 0 : index
    tpu.barrier barrier_id(%barrier3A)
    "tpu.region"() ({
      %run_scoped3A = memref.alloca() : memref<64xi32, #tpu.memory_space<vmem>>
      %run_scoped3A_0 = memref.alloca() : memref<64xi32, #tpu.memory_space<vmem>>
      %run_scoped3A_1 = memref.alloca() : memref<64xf32, #tpu.memory_space<vmem>>
      %run_scoped3A_2 = memref.alloca() : memref<64xi32, #tpu.memory_space<vmem>>
      %run_scoped3A_3 = memref.alloca() : memref<64xi32, #tpu.memory_space<vmem>>
      %run_scoped3A_4 = memref.alloca() : memref<64xf32, #tpu.memory_space<vmem>>
      %run_scoped3A_5 = memref.alloca() : memref<64xf32, #tpu.memory_space<vmem>>
      %run_scoped3A_6 = memref.alloca() : memref<10688xi32, #tpu.memory_space<vmem>>
      %run_scoped3A_7 = memref.alloca() : memref<64xi32, #tpu.memory_space<vmem>>
      %run_scoped3A_8 = memref.alloca() : memref<64xi32, #tpu.memory_space<vmem>>
      %run_scoped3A_9 = memref.alloca() : memref<64x128xf32, #tpu.memory_space<vmem>>
      %run_scoped3A_10 = memref.alloca() : memref<64x128xf32, #tpu.memory_space<vmem>>
      %run_scoped3A_11 = memref.alloca() : memref<64xf32, #tpu.memory_space<vmem>>
      %mul3A = arith.constant 10688 : i32
      %mul3A_12 = arith.muli %arg1, %mul3A : i32
      "tpu.region"() ({
        %run_scoped3A_329 = tpu.sem_alloc : memref<!tpu.dma_semaphore, #tpu.memory_space<semaphore_mem>>
        %dma_start3A_330 = tpu.memref_slice %arg6[%mul3A_12] : memref<171008xi32, #tpu.memory_space<hbm>> -> memref<10688xi32, #tpu.memory_space<hbm>>
        %dma_start3A_331 = tpu.memref_slice %arg6[%mul3A_12] : memref<171008xi32, #tpu.memory_space<hbm>> -> memref<10688xi32, #tpu.memory_space<hbm>>
        tpu.enqueue_dma source(%dma_start3A_331 : memref<10688xi32, #tpu.memory_space<hbm>>) target(%run_scoped3A_6 : memref<10688xi32, #tpu.memory_space<vmem>>) target_semaphore(%run_scoped3A_329 : memref<!tpu.dma_semaphore, #tpu.memory_space<semaphore_mem>>)
        %dma_wait3A = tpu.memref_slice %arg6[%mul3A_12] : memref<171008xi32, #tpu.memory_space<hbm>> -> memref<10688xi32, #tpu.memory_space<hbm>>
        %dma_wait3A_332 = tpu.memref_slice %arg6[%mul3A_12] : memref<171008xi32, #tpu.memory_space<hbm>> -> memref<10688xi32, #tpu.memory_space<hbm>>
        tpu.wait_dma2 semaphore(%run_scoped3A_329 : memref<!tpu.dma_semaphore, #tpu.memory_space<semaphore_mem>>) src(%dma_wait3A_332 : memref<10688xi32, #tpu.memory_space<hbm>>) dst(%run_scoped3A_6 : memref<10688xi32, #tpu.memory_space<vmem>>)
        tpu.yield
      }) : () -> ()
      %mul3A_13 = arith.constant 2 : i32
      %mul3A_14 = arith.muli %mul3A_13, %arg0 : i32
      %add3A = arith.constant 0 : i32
      %add3A_15 = arith.addi %mul3A_14, %add3A : i32
      %scan3A = arith.constant 0 : i32
      %scan3A_16 = arith.constant 0 : i32
      %scan3A_17 = arith.constant 64 : i32
      %scan3A_18 = arith.addi %scan3A_16, %scan3A_17 : i32
      %scan3A_19 = arith.constant 1 : i32
      scf.for %scan3A_329 = %scan3A_16 to %scan3A_18 step %scan3A_19  : i32 {
        %broadcast_in_dim3A_330 = arith.constant 0.000000e+00 : f32
        %broadcast_in_dim3A_331 = vector.broadcast %broadcast_in_dim3A_330 : f32 to vector<16xf32>
        %swap3A_332 = arith.index_cast %scan3A_329 : i32 to index
        %swap3A_333 = arith.constant 0 : index
        %swap3A_334 = tpu.vector_load %run_scoped3A_9[%swap3A_332, %swap3A_333] {strides = array<i32>} : memref<64x128xf32, #tpu.memory_space<vmem>>, vector<16xf32>,
        tpu.vector_store %run_scoped3A_9[%swap3A_332, %swap3A_333], %broadcast_in_dim3A_331 {strides = array<i32>} : memref<64x128xf32, #tpu.memory_space<vmem>>, vector<16xf32>,
        %broadcast_in_dim3A_335 = arith.constant 0.000000e+00 : f32
        %broadcast_in_dim3A_336 = vector.broadcast %broadcast_in_dim3A_335 : f32 to vector<16xf32>
        %swap3A_337 = arith.index_cast %scan3A_329 : i32 to index
        %swap3A_338 = arith.constant 16 : index
        %swap3A_339 = tpu.vector_load %run_scoped3A_9[%swap3A_337, %swap3A_338] {strides = array<i32>} : memref<64x128xf32, #tpu.memory_space<vmem>>, vector<16xf32>,
        tpu.vector_store %run_scoped3A_9[%swap3A_337, %swap3A_338], %broadcast_in_dim3A_336 {strides = array<i32>} : memref<64x128xf32, #tpu.memory_space<vmem>>, vector<16xf32>,
        %broadcast_in_dim3A_340 = arith.constant 0.000000e+00 : f32
        %broadcast_in_dim3A_341 = vector.broadcast %broadcast_in_dim3A_340 : f32 to vector<16xf32>
        %swap3A_342 = arith.index_cast %scan3A_329 : i32 to index
        %swap3A_343 = arith.constant 32 : index
        %swap3A_344 = tpu.vector_load %run_scoped3A_9[%swap3A_342, %swap3A_343] {strides = array<i32>} : memref<64x128xf32, #tpu.memory_space<vmem>>, vector<16xf32>,
        tpu.vector_store %run_scoped3A_9[%swap3A_342, %swap3A_343], %broadcast_in_dim3A_341 {strides = array<i32>} : memref<64x128xf32, #tpu.memory_space<vmem>>, vector<16xf32>,
        %broadcast_in_dim3A_345 = arith.constant 0.000000e+00 : f32
        %broadcast_in_dim3A_346 = vector.broadcast %broadcast_in_dim3A_345 : f32 to vector<16xf32>
        %swap3A_347 = arith.index_cast %scan3A_329 : i32 to index
        %swap3A_348 = arith.constant 48 : index
        %swap3A_349 = tpu.vector_load %run_scoped3A_9[%swap3A_347, %swap3A_348] {strides = array<i32>} : memref<64x128xf32, #tpu.memory_space<vmem>>, vector<16xf32>,
        tpu.vector_store %run_scoped3A_9[%swap3A_347, %swap3A_348], %broadcast_in_dim3A_346 {strides = array<i32>} : memref<64x128xf32, #tpu.memory_space<vmem>>, vector<16xf32>,
        %broadcast_in_dim3A_350 = arith.constant 0.000000e+00 : f32
        %broadcast_in_dim3A_351 = vector.broadcast %broadcast_in_dim3A_350 : f32 to vector<16xf32>
        %swap3A_352 = arith.index_cast %scan3A_329 : i32 to index
        %swap3A_353 = arith.constant 64 : index
        %swap3A_354 = tpu.vector_load %run_scoped3A_9[%swap3A_352, %swap3A_353] {strides = array<i32>} : memref<64x128xf32, #tpu.memory_space<vmem>>, vector<16xf32>,
        tpu.vector_store %run_scoped3A_9[%swap3A_352, %swap3A_353], %broadcast_in_dim3A_351 {strides = array<i32>} : memref<64x128xf32, #tpu.memory_space<vmem>>, vector<16xf32>,
        %broadcast_in_dim3A_355 = arith.constant 0.000000e+00 : f32
        %broadcast_in_dim3A_356 = vector.broadcast %broadcast_in_dim3A_355 : f32 to vector<16xf32>
        %swap3A_357 = arith.index_cast %scan3A_329 : i32 to index
        %swap3A_358 = arith.constant 80 : index
        %swap3A_359 = tpu.vector_load %run_scoped3A_9[%swap3A_357, %swap3A_358] {strides = array<i32>} : memref<64x128xf32, #tpu.memory_space<vmem>>, vector<16xf32>,
        tpu.vector_store %run_scoped3A_9[%swap3A_357, %swap3A_358], %broadcast_in_dim3A_356 {strides = array<i32>} : memref<64x128xf32, #tpu.memory_space<vmem>>, vector<16xf32>,
        %broadcast_in_dim3A_360 = arith.constant 0.000000e+00 : f32
        %broadcast_in_dim3A_361 = vector.broadcast %broadcast_in_dim3A_360 : f32 to vector<16xf32>
        %swap3A_362 = arith.index_cast %scan3A_329 : i32 to index
        %swap3A_363 = arith.constant 96 : index
        %swap3A_364 = tpu.vector_load %run_scoped3A_9[%swap3A_362, %swap3A_363] {strides = array<i32>} : memref<64x128xf32, #tpu.memory_space<vmem>>, vector<16xf32>,
        tpu.vector_store %run_scoped3A_9[%swap3A_362, %swap3A_363], %broadcast_in_dim3A_361 {strides = array<i32>} : memref<64x128xf32, #tpu.memory_space<vmem>>, vector<16xf32>,
        %broadcast_in_dim3A_365 = arith.constant 0.000000e+00 : f32
        %broadcast_in_dim3A_366 = vector.broadcast %broadcast_in_dim3A_365 : f32 to vector<16xf32>
        %swap3A_367 = arith.index_cast %scan3A_329 : i32 to index
        %swap3A_368 = arith.constant 112 : index
        %swap3A_369 = tpu.vector_load %run_scoped3A_9[%swap3A_367, %swap3A_368] {strides = array<i32>} : memref<64x128xf32, #tpu.memory_space<vmem>>, vector<16xf32>,
        tpu.vector_store %run_scoped3A_9[%swap3A_367, %swap3A_368], %broadcast_in_dim3A_366 {strides = array<i32>} : memref<64x128xf32, #tpu.memory_space<vmem>>, vector<16xf32>,
      }
      %scan3A_20 = arith.constant 64 : i32
      %mul3A_21 = arith.constant 625 : i32
      %mul3A_22 = arith.muli %arg1, %mul3A_21 : i32
      %add3A_23 = arith.constant 0 : i32
      %add3A_24 = arith.addi %mul3A_22, %add3A_23 : i32
      "tpu.region"() ({
        %run_scoped3A_329 = tpu.sem_alloc : memref<!tpu.dma_semaphore, #tpu.memory_space<semaphore_mem>>
        %dma_start3A_330 = arith.constant 0 : i32
        %dma_start3A_331 = tpu.memref_slice %arg11[%add3A_24, %dma_start3A_330] : memref<10000x128xf32, #tpu.memory_space<vmem_shared>> -> memref<64x128xf32, #tpu.memory_space<vmem_shared>>
        %dma_start3A_332 = arith.constant 0 : i32
        %dma_start3A_333 = tpu.memref_slice %arg11[%add3A_24, %dma_start3A_332] : memref<10000x128xf32, #tpu.memory_space<vmem_shared>> -> memref<64x128xf32, #tpu.memory_space<vmem_shared>>
        tpu.enqueue_dma source(%run_scoped3A_9 : memref<64x128xf32, #tpu.memory_space<vmem>>) target(%dma_start3A_333 : memref<64x128xf32, #tpu.memory_space<vmem_shared>>) target_semaphore(%run_scoped3A_329 : memref<!tpu.dma_semaphore, #tpu.memory_space<semaphore_mem>>)
        %dma_wait3A = arith.constant 0 : i32
        %dma_wait3A_334 = tpu.memref_slice %arg11[%add3A_24, %dma_wait3A] : memref<10000x128xf32, #tpu.memory_space<vmem_shared>> -> memref<64x128xf32, #tpu.memory_space<vmem_shared>>
        %dma_wait3A_335 = arith.constant 0 : i32
        %dma_wait3A_336 = tpu.memref_slice %arg11[%add3A_24, %dma_wait3A_335] : memref<10000x128xf32, #tpu.memory_space<vmem_shared>> -> memref<64x128xf32, #tpu.memory_space<vmem_shared>>
        tpu.wait_dma2 semaphore(%run_scoped3A_329 : memref<!tpu.dma_semaphore, #tpu.memory_space<semaphore_mem>>) src(%run_scoped3A_9 : memref<64x128xf32, #tpu.memory_space<vmem>>) dst(%dma_wait3A_336 : memref<64x128xf32, #tpu.memory_space<vmem_shared>>)
        tpu.yield
      }) : () -> ()
      %mul3A_25 = arith.constant 625 : i32
      %mul3A_26 = arith.muli %arg1, %mul3A_25 : i32
      %add3A_27 = arith.constant 64 : i32
      %add3A_28 = arith.addi %mul3A_26, %add3A_27 : i32
      "tpu.region"() ({
        %run_scoped3A_329 = tpu.sem_alloc : memref<!tpu.dma_semaphore, #tpu.memory_space<semaphore_mem>>
        %dma_start3A_330 = arith.constant 0 : i32
        %dma_start3A_331 = tpu.memref_slice %arg11[%add3A_28, %dma_start3A_330] : memref<10000x128xf32, #tpu.memory_space<vmem_shared>> -> memref<64x128xf32, #tpu.memory_space<vmem_shared>>
        %dma_start3A_332 = arith.constant 0 : i32
        %dma_start3A_333 = tpu.memref_slice %arg11[%add3A_28, %dma_start3A_332] : memref<10000x128xf32, #tpu.memory_space<vmem_shared>> -> memref<64x128xf32, #tpu.memory_space<vmem_shared>>
        tpu.enqueue_dma source(%run_scoped3A_9 : memref<64x128xf32, #tpu.memory_space<vmem>>) target(%dma_start3A_333 : memref<64x128xf32, #tpu.memory_space<vmem_shared>>) target_semaphore(%run_scoped3A_329 : memref<!tpu.dma_semaphore, #tpu.memory_space<semaphore_mem>>)
        %dma_wait3A = arith.constant 0 : i32
        %dma_wait3A_334 = tpu.memref_slice %arg11[%add3A_28, %dma_wait3A] : memref<10000x128xf32, #tpu.memory_space<vmem_shared>> -> memref<64x128xf32, #tpu.memory_space<vmem_shared>>
        %dma_wait3A_335 = arith.constant 0 : i32
        %dma_wait3A_336 = tpu.memref_slice %arg11[%add3A_28, %dma_wait3A_335] : memref<10000x128xf32, #tpu.memory_space<vmem_shared>> -> memref<64x128xf32, #tpu.memory_space<vmem_shared>>
        tpu.wait_dma2 semaphore(%run_scoped3A_329 : memref<!tpu.dma_semaphore, #tpu.memory_space<semaphore_mem>>) src(%run_scoped3A_9 : memref<64x128xf32, #tpu.memory_space<vmem>>) dst(%dma_wait3A_336 : memref<64x128xf32, #tpu.memory_space<vmem_shared>>)
        tpu.yield
      }) : () -> ()
      %mul3A_29 = arith.constant 625 : i32
      %mul3A_30 = arith.muli %arg1, %mul3A_29 : i32
      %add3A_31 = arith.constant 128 : i32
      %add3A_32 = arith.addi %mul3A_30, %add3A_31 : i32
      "tpu.region"() ({
        %run_scoped3A_329 = tpu.sem_alloc : memref<!tpu.dma_semaphore, #tpu.memory_space<semaphore_mem>>
        %dma_start3A_330 = arith.constant 0 : i32
        %dma_start3A_331 = tpu.memref_slice %arg11[%add3A_32, %dma_start3A_330] : memref<10000x128xf32, #tpu.memory_space<vmem_shared>> -> memref<64x128xf32, #tpu.memory_space<vmem_shared>>
        %dma_start3A_332 = arith.constant 0 : i32
        %dma_start3A_333 = tpu.memref_slice %arg11[%add3A_32, %dma_start3A_332] : memref<10000x128xf32, #tpu.memory_space<vmem_shared>> -> memref<64x128xf32, #tpu.memory_space<vmem_shared>>
        tpu.enqueue_dma source(%run_scoped3A_9 : memref<64x128xf32, #tpu.memory_space<vmem>>) target(%dma_start3A_333 : memref<64x128xf32, #tpu.memory_space<vmem_shared>>) target_semaphore(%run_scoped3A_329 : memref<!tpu.dma_semaphore, #tpu.memory_space<semaphore_mem>>)
        %dma_wait3A = arith.constant 0 : i32
        %dma_wait3A_334 = tpu.memref_slice %arg11[%add3A_32, %dma_wait3A] : memref<10000x128xf32, #tpu.memory_space<vmem_shared>> -> memref<64x128xf32, #tpu.memory_space<vmem_shared>>
        %dma_wait3A_335 = arith.constant 0 : i32
        %dma_wait3A_336 = tpu.memref_slice %arg11[%add3A_32, %dma_wait3A_335] : memref<10000x128xf32, #tpu.memory_space<vmem_shared>> -> memref<64x128xf32, #tpu.memory_space<vmem_shared>>
        tpu.wait_dma2 semaphore(%run_scoped3A_329 : memref<!tpu.dma_semaphore, #tpu.memory_space<semaphore_mem>>) src(%run_scoped3A_9 : memref<64x128xf32, #tpu.memory_space<vmem>>) dst(%dma_wait3A_336 : memref<64x128xf32, #tpu.memory_space<vmem_shared>>)
        tpu.yield
      }) : () -> ()
      %mul3A_33 = arith.constant 625 : i32
      %mul3A_34 = arith.muli %arg1, %mul3A_33 : i32
      %add3A_35 = arith.constant 192 : i32
      %add3A_36 = arith.addi %mul3A_34, %add3A_35 : i32
      "tpu.region"() ({
        %run_scoped3A_329 = tpu.sem_alloc : memref<!tpu.dma_semaphore, #tpu.memory_space<semaphore_mem>>
        %dma_start3A_330 = arith.constant 0 : i32
        %dma_start3A_331 = tpu.memref_slice %arg11[%add3A_36, %dma_start3A_330] : memref<10000x128xf32, #tpu.memory_space<vmem_shared>> -> memref<64x128xf32, #tpu.memory_space<vmem_shared>>
        %dma_start3A_332 = arith.constant 0 : i32
        %dma_start3A_333 = tpu.memref_slice %arg11[%add3A_36, %dma_start3A_332] : memref<10000x128xf32, #tpu.memory_space<vmem_shared>> -> memref<64x128xf32, #tpu.memory_space<vmem_shared>>
        tpu.enqueue_dma source(%run_scoped3A_9 : memref<64x128xf32, #tpu.memory_space<vmem>>) target(%dma_start3A_333 : memref<64x128xf32, #tpu.memory_space<vmem_shared>>) target_semaphore(%run_scoped3A_329 : memref<!tpu.dma_semaphore, #tpu.memory_space<semaphore_mem>>)
        %dma_wait3A = arith.constant 0 : i32
        %dma_wait3A_334 = tpu.memref_slice %arg11[%add3A_36, %dma_wait3A] : memref<10000x128xf32, #tpu.memory_space<vmem_shared>> -> memref<64x128xf32, #tpu.memory_space<vmem_shared>>
        %dma_wait3A_335 = arith.constant 0 : i32
        %dma_wait3A_336 = tpu.memref_slice %arg11[%add3A_36, %dma_wait3A_335] : memref<10000x128xf32, #tpu.memory_space<vmem_shared>> -> memref<64x128xf32, #tpu.memory_space<vmem_shared>>
        tpu.wait_dma2 semaphore(%run_scoped3A_329 : memref<!tpu.dma_semaphore, #tpu.memory_space<semaphore_mem>>) src(%run_scoped3A_9 : memref<64x128xf32, #tpu.memory_space<vmem>>) dst(%dma_wait3A_336 : memref<64x128xf32, #tpu.memory_space<vmem_shared>>)
        tpu.yield
      }) : () -> ()
      %mul3A_37 = arith.constant 625 : i32
      %mul3A_38 = arith.muli %arg1, %mul3A_37 : i32
      %add3A_39 = arith.constant 256 : i32
      %add3A_40 = arith.addi %mul3A_38, %add3A_39 : i32
      "tpu.region"() ({
        %run_scoped3A_329 = tpu.sem_alloc : memref<!tpu.dma_semaphore, #tpu.memory_space<semaphore_mem>>
        %dma_start3A_330 = arith.constant 0 : i32
        %dma_start3A_331 = tpu.memref_slice %arg11[%add3A_40, %dma_start3A_330] : memref<10000x128xf32, #tpu.memory_space<vmem_shared>> -> memref<64x128xf32, #tpu.memory_space<vmem_shared>>
        %dma_start3A_332 = arith.constant 0 : i32
        %dma_start3A_333 = tpu.memref_slice %arg11[%add3A_40, %dma_start3A_332] : memref<10000x128xf32, #tpu.memory_space<vmem_shared>> -> memref<64x128xf32, #tpu.memory_space<vmem_shared>>
        tpu.enqueue_dma source(%run_scoped3A_9 : memref<64x128xf32, #tpu.memory_space<vmem>>) target(%dma_start3A_333 : memref<64x128xf32, #tpu.memory_space<vmem_shared>>) target_semaphore(%run_scoped3A_329 : memref<!tpu.dma_semaphore, #tpu.memory_space<semaphore_mem>>)
        %dma_wait3A = arith.constant 0 : i32
        %dma_wait3A_334 = tpu.memref_slice %arg11[%add3A_40, %dma_wait3A] : memref<10000x128xf32, #tpu.memory_space<vmem_shared>> -> memref<64x128xf32, #tpu.memory_space<vmem_shared>>
        %dma_wait3A_335 = arith.constant 0 : i32
        %dma_wait3A_336 = tpu.memref_slice %arg11[%add3A_40, %dma_wait3A_335] : memref<10000x128xf32, #tpu.memory_space<vmem_shared>> -> memref<64x128xf32, #tpu.memory_space<vmem_shared>>
        tpu.wait_dma2 semaphore(%run_scoped3A_329 : memref<!tpu.dma_semaphore, #tpu.memory_space<semaphore_mem>>) src(%run_scoped3A_9 : memref<64x128xf32, #tpu.memory_space<vmem>>) dst(%dma_wait3A_336 : memref<64x128xf32, #tpu.memory_space<vmem_shared>>)
        tpu.yield
      }) : () -> ()
      %mul3A_41 = arith.constant 625 : i32
      %mul3A_42 = arith.muli %arg1, %mul3A_41 : i32
      %add3A_43 = arith.constant 320 : i32
      %add3A_44 = arith.addi %mul3A_42, %add3A_43 : i32
      "tpu.region"() ({
        %run_scoped3A_329 = tpu.sem_alloc : memref<!tpu.dma_semaphore, #tpu.memory_space<semaphore_mem>>
        %dma_start3A_330 = arith.constant 0 : i32
        %dma_start3A_331 = tpu.memref_slice %arg11[%add3A_44, %dma_start3A_330] : memref<10000x128xf32, #tpu.memory_space<vmem_shared>> -> memref<64x128xf32, #tpu.memory_space<vmem_shared>>
        %dma_start3A_332 = arith.constant 0 : i32
        %dma_start3A_333 = tpu.memref_slice %arg11[%add3A_44, %dma_start3A_332] : memref<10000x128xf32, #tpu.memory_space<vmem_shared>> -> memref<64x128xf32, #tpu.memory_space<vmem_shared>>
        tpu.enqueue_dma source(%run_scoped3A_9 : memref<64x128xf32, #tpu.memory_space<vmem>>) target(%dma_start3A_333 : memref<64x128xf32, #tpu.memory_space<vmem_shared>>) target_semaphore(%run_scoped3A_329 : memref<!tpu.dma_semaphore, #tpu.memory_space<semaphore_mem>>)
        %dma_wait3A = arith.constant 0 : i32
        %dma_wait3A_334 = tpu.memref_slice %arg11[%add3A_44, %dma_wait3A] : memref<10000x128xf32, #tpu.memory_space<vmem_shared>> -> memref<64x128xf32, #tpu.memory_space<vmem_shared>>
        %dma_wait3A_335 = arith.constant 0 : i32
        %dma_wait3A_336 = tpu.memref_slice %arg11[%add3A_44, %dma_wait3A_335] : memref<10000x128xf32, #tpu.memory_space<vmem_shared>> -> memref<64x128xf32, #tpu.memory_space<vmem_shared>>
        tpu.wait_dma2 semaphore(%run_scoped3A_329 : memref<!tpu.dma_semaphore, #tpu.memory_space<semaphore_mem>>) src(%run_scoped3A_9 : memref<64x128xf32, #tpu.memory_space<vmem>>) dst(%dma_wait3A_336 : memref<64x128xf32, #tpu.memory_space<vmem_shared>>)
        tpu.yield
      }) : () -> ()
      %mul3A_45 = arith.constant 625 : i32
      %mul3A_46 = arith.muli %arg1, %mul3A_45 : i32
      %add3A_47 = arith.constant 384 : i32
      %add3A_48 = arith.addi %mul3A_46, %add3A_47 : i32
      "tpu.region"() ({
        %run_scoped3A_329 = tpu.sem_alloc : memref<!tpu.dma_semaphore, #tpu.memory_space<semaphore_mem>>
        %dma_start3A_330 = arith.constant 0 : i32
        %dma_start3A_331 = tpu.memref_slice %arg11[%add3A_48, %dma_start3A_330] : memref<10000x128xf32, #tpu.memory_space<vmem_shared>> -> memref<64x128xf32, #tpu.memory_space<vmem_shared>>
        %dma_start3A_332 = arith.constant 0 : i32
        %dma_start3A_333 = tpu.memref_slice %arg11[%add3A_48, %dma_start3A_332] : memref<10000x128xf32, #tpu.memory_space<vmem_shared>> -> memref<64x128xf32, #tpu.memory_space<vmem_shared>>
        tpu.enqueue_dma source(%run_scoped3A_9 : memref<64x128xf32, #tpu.memory_space<vmem>>) target(%dma_start3A_333 : memref<64x128xf32, #tpu.memory_space<vmem_shared>>) target_semaphore(%run_scoped3A_329 : memref<!tpu.dma_semaphore, #tpu.memory_space<semaphore_mem>>)
        %dma_wait3A = arith.constant 0 : i32
        %dma_wait3A_334 = tpu.memref_slice %arg11[%add3A_48, %dma_wait3A] : memref<10000x128xf32, #tpu.memory_space<vmem_shared>> -> memref<64x128xf32, #tpu.memory_space<vmem_shared>>
        %dma_wait3A_335 = arith.constant 0 : i32
        %dma_wait3A_336 = tpu.memref_slice %arg11[%add3A_48, %dma_wait3A_335] : memref<10000x128xf32, #tpu.memory_space<vmem_shared>> -> memref<64x128xf32, #tpu.memory_space<vmem_shared>>
        tpu.wait_dma2 semaphore(%run_scoped3A_329 : memref<!tpu.dma_semaphore, #tpu.memory_space<semaphore_mem>>) src(%run_scoped3A_9 : memref<64x128xf32, #tpu.memory_space<vmem>>) dst(%dma_wait3A_336 : memref<64x128xf32, #tpu.memory_space<vmem_shared>>)
        tpu.yield
      }) : () -> ()
      %mul3A_49 = arith.constant 625 : i32
      %mul3A_50 = arith.muli %arg1, %mul3A_49 : i32
      %add3A_51 = arith.constant 448 : i32
      %add3A_52 = arith.addi %mul3A_50, %add3A_51 : i32
      "tpu.region"() ({
        %run_scoped3A_329 = tpu.sem_alloc : memref<!tpu.dma_semaphore, #tpu.memory_space<semaphore_mem>>
        %dma_start3A_330 = arith.constant 0 : i32
        %dma_start3A_331 = tpu.memref_slice %arg11[%add3A_52, %dma_start3A_330] : memref<10000x128xf32, #tpu.memory_space<vmem_shared>> -> memref<64x128xf32, #tpu.memory_space<vmem_shared>>
        %dma_start3A_332 = arith.constant 0 : i32
        %dma_start3A_333 = tpu.memref_slice %arg11[%add3A_52, %dma_start3A_332] : memref<10000x128xf32, #tpu.memory_space<vmem_shared>> -> memref<64x128xf32, #tpu.memory_space<vmem_shared>>
        tpu.enqueue_dma source(%run_scoped3A_9 : memref<64x128xf32, #tpu.memory_space<vmem>>) target(%dma_start3A_333 : memref<64x128xf32, #tpu.memory_space<vmem_shared>>) target_semaphore(%run_scoped3A_329 : memref<!tpu.dma_semaphore, #tpu.memory_space<semaphore_mem>>)
        %dma_wait3A = arith.constant 0 : i32
        %dma_wait3A_334 = tpu.memref_slice %arg11[%add3A_52, %dma_wait3A] : memref<10000x128xf32, #tpu.memory_space<vmem_shared>> -> memref<64x128xf32, #tpu.memory_space<vmem_shared>>
        %dma_wait3A_335 = arith.constant 0 : i32
        %dma_wait3A_336 = tpu.memref_slice %arg11[%add3A_52, %dma_wait3A_335] : memref<10000x128xf32, #tpu.memory_space<vmem_shared>> -> memref<64x128xf32, #tpu.memory_space<vmem_shared>>
        tpu.wait_dma2 semaphore(%run_scoped3A_329 : memref<!tpu.dma_semaphore, #tpu.memory_space<semaphore_mem>>) src(%run_scoped3A_9 : memref<64x128xf32, #tpu.memory_space<vmem>>) dst(%dma_wait3A_336 : memref<64x128xf32, #tpu.memory_space<vmem_shared>>)
        tpu.yield
      }) : () -> ()
      %mul3A_53 = arith.constant 625 : i32
      %mul3A_54 = arith.muli %arg1, %mul3A_53 : i32
      %add3A_55 = arith.constant 512 : i32
      %add3A_56 = arith.addi %mul3A_54, %add3A_55 : i32
      "tpu.region"() ({
        %run_scoped3A_329 = tpu.sem_alloc : memref<!tpu.dma_semaphore, #tpu.memory_space<semaphore_mem>>
        %dma_start3A_330 = arith.constant 0 : i32
        %dma_start3A_331 = tpu.memref_slice %arg11[%add3A_56, %dma_start3A_330] : memref<10000x128xf32, #tpu.memory_space<vmem_shared>> -> memref<64x128xf32, #tpu.memory_space<vmem_shared>>
        %dma_start3A_332 = arith.constant 0 : i32
        %dma_start3A_333 = tpu.memref_slice %arg11[%add3A_56, %dma_start3A_332] : memref<10000x128xf32, #tpu.memory_space<vmem_shared>> -> memref<64x128xf32, #tpu.memory_space<vmem_shared>>
        tpu.enqueue_dma source(%run_scoped3A_9 : memref<64x128xf32, #tpu.memory_space<vmem>>) target(%dma_start3A_333 : memref<64x128xf32, #tpu.memory_space<vmem_shared>>) target_semaphore(%run_scoped3A_329 : memref<!tpu.dma_semaphore, #tpu.memory_space<semaphore_mem>>)
        %dma_wait3A = arith.constant 0 : i32
        %dma_wait3A_334 = tpu.memref_slice %arg11[%add3A_56, %dma_wait3A] : memref<10000x128xf32, #tpu.memory_space<vmem_shared>> -> memref<64x128xf32, #tpu.memory_space<vmem_shared>>
        %dma_wait3A_335 = arith.constant 0 : i32
        %dma_wait3A_336 = tpu.memref_slice %arg11[%add3A_56, %dma_wait3A_335] : memref<10000x128xf32, #tpu.memory_space<vmem_shared>> -> memref<64x128xf32, #tpu.memory_space<vmem_shared>>
        tpu.wait_dma2 semaphore(%run_scoped3A_329 : memref<!tpu.dma_semaphore, #tpu.memory_space<semaphore_mem>>) src(%run_scoped3A_9 : memref<64x128xf32, #tpu.memory_space<vmem>>) dst(%dma_wait3A_336 : memref<64x128xf32, #tpu.memory_space<vmem_shared>>)
        tpu.yield
      }) : () -> ()
      %mul3A_57 = arith.constant 625 : i32
      %mul3A_58 = arith.muli %arg1, %mul3A_57 : i32
      %add3A_59 = arith.constant 576 : i32
      %add3A_60 = arith.addi %mul3A_58, %add3A_59 : i32
      "tpu.region"() ({
        %run_scoped3A_329 = tpu.sem_alloc : memref<!tpu.dma_semaphore, #tpu.memory_space<semaphore_mem>>
        %dma_start3A_330 = arith.constant 0 : i32
        %dma_start3A_331 = arith.constant 0 : i32
        %dma_start3A_332 = tpu.memref_slice %run_scoped3A_9[%dma_start3A_330, %dma_start3A_331] : memref<64x128xf32, #tpu.memory_space<vmem>> -> memref<49x128xf32, #tpu.memory_space<vmem>>
        %dma_start3A_333 = arith.constant 0 : i32
        %dma_start3A_334 = tpu.memref_slice %arg11[%add3A_60, %dma_start3A_333] : memref<10000x128xf32, #tpu.memory_space<vmem_shared>> -> memref<49x128xf32, #tpu.memory_space<vmem_shared>>
        %dma_start3A_335 = arith.constant 0 : i32
        %dma_start3A_336 = tpu.memref_slice %arg11[%add3A_60, %dma_start3A_335] : memref<10000x128xf32, #tpu.memory_space<vmem_shared>> -> memref<49x128xf32, #tpu.memory_space<vmem_shared>>
        %dma_start3A_337 = arith.constant 0 : i32
        %dma_start3A_338 = arith.constant 0 : i32
        %dma_start3A_339 = tpu.memref_slice %run_scoped3A_9[%dma_start3A_337, %dma_start3A_338] : memref<64x128xf32, #tpu.memory_space<vmem>> -> memref<49x128xf32, #tpu.memory_space<vmem>>
        tpu.enqueue_dma source(%dma_start3A_339 : memref<49x128xf32, #tpu.memory_space<vmem>>) target(%dma_start3A_336 : memref<49x128xf32, #tpu.memory_space<vmem_shared>>) target_semaphore(%run_scoped3A_329 : memref<!tpu.dma_semaphore, #tpu.memory_space<semaphore_mem>>)
        %dma_wait3A = arith.constant 0 : i32
        %dma_wait3A_340 = arith.constant 0 : i32
        %dma_wait3A_341 = tpu.memref_slice %run_scoped3A_9[%dma_wait3A, %dma_wait3A_340] : memref<64x128xf32, #tpu.memory_space<vmem>> -> memref<49x128xf32, #tpu.memory_space<vmem>>
        %dma_wait3A_342 = arith.constant 0 : i32
        %dma_wait3A_343 = tpu.memref_slice %arg11[%add3A_60, %dma_wait3A_342] : memref<10000x128xf32, #tpu.memory_space<vmem_shared>> -> memref<49x128xf32, #tpu.memory_space<vmem_shared>>
        %dma_wait3A_344 = arith.constant 0 : i32
        %dma_wait3A_345 = tpu.memref_slice %arg11[%add3A_60, %dma_wait3A_344] : memref<10000x128xf32, #tpu.memory_space<vmem_shared>> -> memref<49x128xf32, #tpu.memory_space<vmem_shared>>
        %dma_wait3A_346 = arith.constant 0 : i32
        %dma_wait3A_347 = arith.constant 0 : i32
        %dma_wait3A_348 = tpu.memref_slice %run_scoped3A_9[%dma_wait3A_346, %dma_wait3A_347] : memref<64x128xf32, #tpu.memory_space<vmem>> -> memref<49x128xf32, #tpu.memory_space<vmem>>
        tpu.wait_dma2 semaphore(%run_scoped3A_329 : memref<!tpu.dma_semaphore, #tpu.memory_space<semaphore_mem>>) src(%dma_wait3A_348 : memref<49x128xf32, #tpu.memory_space<vmem>>) dst(%dma_wait3A_345 : memref<49x128xf32, #tpu.memory_space<vmem_shared>>)
        tpu.yield
      }) : () -> ()
      %barrier3A_61 = arith.constant 0 : index
      tpu.barrier barrier_id(%barrier3A_61)
      %get3A = arith.constant 0 : index
      %get3A_62 = tpu.vector_load %run_scoped3A_6[%get3A] {strides = array<i32>} : memref<10688xi32, #tpu.memory_space<vmem>>, vector<16xi32>,
      %shift_right_logical3A = arith.constant 14 : i32
      %shift_right_logical3A_63 = vector.broadcast %shift_right_logical3A : i32 to vector<16xi32>
      %shift_right_logical3A_64 = arith.shrui %get3A_62, %shift_right_logical3A_63 : vector<16xi32>
      %and3A = arith.constant 16383 : i32
      %and3A_65 = vector.broadcast %and3A : i32 to vector<16xi32>
      %and3A_66 = arith.andi %get3A_62, %and3A_65 : vector<16xi32>
      %mul3A_67 = arith.constant 10000 : i32
      %mul3A_68 = arith.muli %add3A_15, %mul3A_67 : i32
      %broadcast_in_dim3A = vector.broadcast %mul3A_68 : i32 to vector<16xi32>
      %add3A_69 = arith.addi %and3A_66, %broadcast_in_dim3A : vector<16xi32>
      %swap3A = arith.constant 0 : index
      %swap3A_70 = tpu.vector_load %run_scoped3A[%swap3A] {strides = array<i32>} : memref<64xi32, #tpu.memory_space<vmem>>, vector<16xi32>,
      tpu.vector_store %run_scoped3A[%swap3A], %add3A_69 {strides = array<i32>} : memref<64xi32, #tpu.memory_space<vmem>>, vector<16xi32>,
      %swap3A_71 = arith.constant 0 : index
      %swap3A_72 = tpu.vector_load %run_scoped3A_7[%swap3A_71] {strides = array<i32>} : memref<64xi32, #tpu.memory_space<vmem>>, vector<16xi32>,
      tpu.vector_store %run_scoped3A_7[%swap3A_71], %shift_right_logical3A_64 {strides = array<i32>} : memref<64xi32, #tpu.memory_space<vmem>>, vector<16xi32>,
      %broadcast_in_dim3A_73 = arith.constant 0 : i32
      %broadcast_in_dim3A_74 = vector.broadcast %broadcast_in_dim3A_73 : i32 to vector<16xi32>
      %add3A_75 = arith.addi %shift_right_logical3A_64, %broadcast_in_dim3A_74 : vector<16xi32>
      %swap3A_76 = arith.constant 0 : index
      %swap3A_77 = tpu.vector_load %run_scoped3A_2[%swap3A_76] {strides = array<i32>} : memref<64xi32, #tpu.memory_space<vmem>>, vector<16xi32>,
      tpu.vector_store %run_scoped3A_2[%swap3A_76], %add3A_75 {strides = array<i32>} : memref<64xi32, #tpu.memory_space<vmem>>, vector<16xi32>,
      %get3A_78 = arith.constant 16 : index
      %get3A_79 = tpu.vector_load %run_scoped3A_6[%get3A_78] {strides = array<i32>} : memref<10688xi32, #tpu.memory_space<vmem>>, vector<16xi32>,
      %shift_right_logical3A_80 = arith.constant 14 : i32
      %shift_right_logical3A_81 = vector.broadcast %shift_right_logical3A_80 : i32 to vector<16xi32>
      %shift_right_logical3A_82 = arith.shrui %get3A_79, %shift_right_logical3A_81 : vector<16xi32>
      %and3A_83 = arith.constant 16383 : i32
      %and3A_84 = vector.broadcast %and3A_83 : i32 to vector<16xi32>
      %and3A_85 = arith.andi %get3A_79, %and3A_84 : vector<16xi32>
      %mul3A_86 = arith.constant 10000 : i32
      %mul3A_87 = arith.muli %add3A_15, %mul3A_86 : i32
      %broadcast_in_dim3A_88 = vector.broadcast %mul3A_87 : i32 to vector<16xi32>
      %add3A_89 = arith.addi %and3A_85, %broadcast_in_dim3A_88 : vector<16xi32>
      %swap3A_90 = arith.constant 16 : index
      %swap3A_91 = tpu.vector_load %run_scoped3A[%swap3A_90] {strides = array<i32>} : memref<64xi32, #tpu.memory_space<vmem>>, vector<16xi32>,
      tpu.vector_store %run_scoped3A[%swap3A_90], %add3A_89 {strides = array<i32>} : memref<64xi32, #tpu.memory_space<vmem>>, vector<16xi32>,
      %swap3A_92 = arith.constant 16 : index
      %swap3A_93 = tpu.vector_load %run_scoped3A_7[%swap3A_92] {strides = array<i32>} : memref<64xi32, #tpu.memory_space<vmem>>, vector<16xi32>,
      tpu.vector_store %run_scoped3A_7[%swap3A_92], %shift_right_logical3A_82 {strides = array<i32>} : memref<64xi32, #tpu.memory_space<vmem>>, vector<16xi32>,
      %broadcast_in_dim3A_94 = arith.constant 0 : i32
      %broadcast_in_dim3A_95 = vector.broadcast %broadcast_in_dim3A_94 : i32 to vector<16xi32>
      %add3A_96 = arith.addi %shift_right_logical3A_82, %broadcast_in_dim3A_95 : vector<16xi32>
      %swap3A_97 = arith.constant 16 : index
      %swap3A_98 = tpu.vector_load %run_scoped3A_2[%swap3A_97] {strides = array<i32>} : memref<64xi32, #tpu.memory_space<vmem>>, vector<16xi32>,
      tpu.vector_store %run_scoped3A_2[%swap3A_97], %add3A_96 {strides = array<i32>} : memref<64xi32, #tpu.memory_space<vmem>>, vector<16xi32>,
      %get3A_99 = arith.constant 32 : index
      %get3A_100 = tpu.vector_load %run_scoped3A_6[%get3A_99] {strides = array<i32>} : memref<10688xi32, #tpu.memory_space<vmem>>, vector<16xi32>,
      %shift_right_logical3A_101 = arith.constant 14 : i32
      %shift_right_logical3A_102 = vector.broadcast %shift_right_logical3A_101 : i32 to vector<16xi32>
      %shift_right_logical3A_103 = arith.shrui %get3A_100, %shift_right_logical3A_102 : vector<16xi32>
      %and3A_104 = arith.constant 16383 : i32
      %and3A_105 = vector.broadcast %and3A_104 : i32 to vector<16xi32>
      %and3A_106 = arith.andi %get3A_100, %and3A_105 : vector<16xi32>
      %mul3A_107 = arith.constant 10000 : i32
      %mul3A_108 = arith.muli %add3A_15, %mul3A_107 : i32
      %broadcast_in_dim3A_109 = vector.broadcast %mul3A_108 : i32 to vector<16xi32>
      %add3A_110 = arith.addi %and3A_106, %broadcast_in_dim3A_109 : vector<16xi32>
      %swap3A_111 = arith.constant 32 : index
      %swap3A_112 = tpu.vector_load %run_scoped3A[%swap3A_111] {strides = array<i32>} : memref<64xi32, #tpu.memory_space<vmem>>, vector<16xi32>,
      tpu.vector_store %run_scoped3A[%swap3A_111], %add3A_110 {strides = array<i32>} : memref<64xi32, #tpu.memory_space<vmem>>, vector<16xi32>,
      %swap3A_113 = arith.constant 32 : index
      %swap3A_114 = tpu.vector_load %run_scoped3A_7[%swap3A_113] {strides = array<i32>} : memref<64xi32, #tpu.memory_space<vmem>>, vector<16xi32>,
      tpu.vector_store %run_scoped3A_7[%swap3A_113], %shift_right_logical3A_103 {strides = array<i32>} : memref<64xi32, #tpu.memory_space<vmem>>, vector<16xi32>,
      %broadcast_in_dim3A_115 = arith.constant 0 : i32
      %broadcast_in_dim3A_116 = vector.broadcast %broadcast_in_dim3A_115 : i32 to vector<16xi32>
      %add3A_117 = arith.addi %shift_right_logical3A_103, %broadcast_in_dim3A_116 : vector<16xi32>
      %swap3A_118 = arith.constant 32 : index
      %swap3A_119 = tpu.vector_load %run_scoped3A_2[%swap3A_118] {strides = array<i32>} : memref<64xi32, #tpu.memory_space<vmem>>, vector<16xi32>,
      tpu.vector_store %run_scoped3A_2[%swap3A_118], %add3A_117 {strides = array<i32>} : memref<64xi32, #tpu.memory_space<vmem>>, vector<16xi32>,
      %get3A_120 = arith.constant 48 : index
      %get3A_121 = tpu.vector_load %run_scoped3A_6[%get3A_120] {strides = array<i32>} : memref<10688xi32, #tpu.memory_space<vmem>>, vector<16xi32>,
      %shift_right_logical3A_122 = arith.constant 14 : i32
      %shift_right_logical3A_123 = vector.broadcast %shift_right_logical3A_122 : i32 to vector<16xi32>
      %shift_right_logical3A_124 = arith.shrui %get3A_121, %shift_right_logical3A_123 : vector<16xi32>
      %and3A_125 = arith.constant 16383 : i32
      %and3A_126 = vector.broadcast %and3A_125 : i32 to vector<16xi32>
      %and3A_127 = arith.andi %get3A_121, %and3A_126 : vector<16xi32>
      %mul3A_128 = arith.constant 10000 : i32
      %mul3A_129 = arith.muli %add3A_15, %mul3A_128 : i32
      %broadcast_in_dim3A_130 = vector.broadcast %mul3A_129 : i32 to vector<16xi32>
      %add3A_131 = arith.addi %and3A_127, %broadcast_in_dim3A_130 : vector<16xi32>
      %swap3A_132 = arith.constant 48 : index
      %swap3A_133 = tpu.vector_load %run_scoped3A[%swap3A_132] {strides = array<i32>} : memref<64xi32, #tpu.memory_space<vmem>>, vector<16xi32>,
      tpu.vector_store %run_scoped3A[%swap3A_132], %add3A_131 {strides = array<i32>} : memref<64xi32, #tpu.memory_space<vmem>>, vector<16xi32>,
      %swap3A_134 = arith.constant 48 : index
      %swap3A_135 = tpu.vector_load %run_scoped3A_7[%swap3A_134] {strides = array<i32>} : memref<64xi32, #tpu.memory_space<vmem>>, vector<16xi32>,
      tpu.vector_store %run_scoped3A_7[%swap3A_134], %shift_right_logical3A_124 {strides = array<i32>} : memref<64xi32, #tpu.memory_space<vmem>>, vector<16xi32>,
      %broadcast_in_dim3A_136 = arith.constant 0 : i32
      %broadcast_in_dim3A_137 = vector.broadcast %broadcast_in_dim3A_136 : i32 to vector<16xi32>
      %add3A_138 = arith.addi %shift_right_logical3A_124, %broadcast_in_dim3A_137 : vector<16xi32>
      %swap3A_139 = arith.constant 48 : index
      %swap3A_140 = tpu.vector_load %run_scoped3A_2[%swap3A_139] {strides = array<i32>} : memref<64xi32, #tpu.memory_space<vmem>>, vector<16xi32>,
      tpu.vector_store %run_scoped3A_2[%swap3A_139], %add3A_138 {strides = array<i32>} : memref<64xi32, #tpu.memory_space<vmem>>, vector<16xi32>,
      %dma_start3A = arith.constant 0 : i32
      %dma_start3A_141 = arith.constant 0 : i32
      %dma_start3A_142 = tpu.memref_slice %arg2[%dma_start3A, %dma_start3A_141] : memref<40000x128xf32, #tpu.memory_space<hbm>> -> memref<40000x128xf32, #tpu.memory_space<hbm>>
      tpu.enqueue_indirect_dma source(%dma_start3A_142 : memref<40000x128xf32, #tpu.memory_space<hbm>>) target(%run_scoped3A_9 : memref<64x128xf32, #tpu.memory_space<vmem>>) offsets(%run_scoped3A : memref<64xi32, #tpu.memory_space<vmem>>) semaphore(%arg12 : memref<!tpu.dma_semaphore, #tpu.memory_space<semaphore_mem>>)
      %mul3A_143 = arith.constant 171008 : i32
      %mul3A_144 = arith.muli %add3A_15, %mul3A_143 : i32
      %mul3A_145 = arith.constant 10688 : i32
      %mul3A_146 = arith.muli %arg1, %mul3A_145 : i32
      %add3A_147 = arith.addi %mul3A_144, %mul3A_146 : i32
      %add3A_148 = arith.constant 0 : i32
      %add3A_149 = arith.addi %add3A_147, %add3A_148 : i32
      %dma_start3A_150 = tpu.memref_slice %arg9[%add3A_149] : memref<684032xf32, #tpu.memory_space<hbm>> -> memref<64xf32, #tpu.memory_space<hbm>>
      %dma_start3A_151 = tpu.memref_slice %arg9[%add3A_149] : memref<684032xf32, #tpu.memory_space<hbm>> -> memref<64xf32, #tpu.memory_space<hbm>>
      tpu.enqueue_dma source(%dma_start3A_151 : memref<64xf32, #tpu.memory_space<hbm>>) target(%run_scoped3A_4 : memref<64xf32, #tpu.memory_space<vmem>>) target_semaphore(%arg13 : memref<!tpu.dma_semaphore, #tpu.memory_space<semaphore_mem>>)
      %scan3A_152 = arith.constant 0 : i32
      %scan3A_153 = arith.constant 0 : i32
      %scan3A_154 = arith.constant 167 : i32
      %scan3A_155 = arith.addi %scan3A_153, %scan3A_154 : i32
      %scan3A_156 = arith.constant 1 : i32
      scf.for %scan3A_329 = %scan3A_153 to %scan3A_155 step %scan3A_156  : i32 {
        %jit3A = arith.constant 2 : i32
        %eq3A = arith.constant 0 : i32
        %eq3A_330 = arith.cmpi eq, %jit3A, %eq3A : i32
        %jit3A_331 = arith.constant 1 : i32
        %select_n3A = arith.select %eq3A_330, %jit3A_331, %jit3A : i32
        %rem3A = arith.remsi %scan3A_329, %select_n3A : i32
        %ne3A = arith.constant 0 : i32
        %ne3A_332 = arith.cmpi ne, %rem3A, %ne3A : i32
        %lt3A = arith.constant 0 : i32
        %lt3A_333 = arith.cmpi slt, %rem3A, %lt3A : i32
        %lt3A_334 = arith.constant 0 : i32
        %lt3A_335 = arith.cmpi slt, %select_n3A, %lt3A_334 : i32
        %ne3A_336 = arith.xori %lt3A_333, %lt3A_335 : i1
        %and3A_337 = arith.andi %ne3A_336, %ne3A_332 : i1
        %add3A_338 = arith.addi %rem3A, %select_n3A : i32
        %select_n3A_339 = arith.select %and3A_337, %add3A_338, %rem3A : i32
        %eq3A_340 = arith.constant 0 : i32
        %eq3A_341 = arith.cmpi eq, %select_n3A_339, %eq3A_340 : i32
        %convert_element_type3A = arith.extui %eq3A_341 : i1 to i32
        %cond3A = arith.constant 0 : i32
        %cond3A_342 = arith.cmpi ne, %convert_element_type3A, %cond3A : i32
        scf.if %cond3A_342 {
          %add3A_364 = arith.constant 1 : i32
          %add3A_365 = arith.addi %scan3A_329, %add3A_364 : i32
          %lt3A_366 = arith.constant 167 : i32
          %lt3A_367 = arith.cmpi slt, %add3A_365, %lt3A_366 : i32
          %convert_element_type3A_368 = arith.extui %lt3A_367 : i1 to i32
          %cond3A_369 = arith.constant 0 : i32
          %cond3A_370 = arith.cmpi ne, %convert_element_type3A_368, %cond3A_369 : i32
          scf.if %cond3A_370 {
            %add3A_422 = arith.constant 1 : i32
            %add3A_423 = arith.addi %scan3A_329, %add3A_422 : i32
            %mul3A_424 = arith.constant 64 : i32
            %mul3A_425 = arith.muli %add3A_423, %mul3A_424 : i32
            %add3A_426 = arith.constant 0 : i32
            %add3A_427 = arith.addi %mul3A_425, %add3A_426 : i32
            %get3A_428 = arith.index_cast %add3A_427 : i32 to index
            %get3A_429 = tpu.vector_load %run_scoped3A_6[%get3A_428] {strides = array<i32>} : memref<10688xi32, #tpu.memory_space<vmem>>, vector<16xi32>,
            %shift_right_logical3A_430 = arith.constant 14 : i32
            %shift_right_logical3A_431 = vector.broadcast %shift_right_logical3A_430 : i32 to vector<16xi32>
            %shift_right_logical3A_432 = arith.shrui %get3A_429, %shift_right_logical3A_431 : vector<16xi32>
            %and3A_433 = arith.constant 16383 : i32
            %and3A_434 = vector.broadcast %and3A_433 : i32 to vector<16xi32>
            %and3A_435 = arith.andi %get3A_429, %and3A_434 : vector<16xi32>
            %mul3A_436 = arith.constant 10000 : i32
            %mul3A_437 = arith.muli %add3A_15, %mul3A_436 : i32
            %broadcast_in_dim3A_438 = vector.broadcast %mul3A_437 : i32 to vector<16xi32>
            %add3A_439 = arith.addi %and3A_435, %broadcast_in_dim3A_438 : vector<16xi32>
            %swap3A_440 = arith.constant 0 : index
            %swap3A_441 = tpu.vector_load %run_scoped3A_0[%swap3A_440] {strides = array<i32>} : memref<64xi32, #tpu.memory_space<vmem>>, vector<16xi32>,
            tpu.vector_store %run_scoped3A_0[%swap3A_440], %add3A_439 {strides = array<i32>} : memref<64xi32, #tpu.memory_space<vmem>>, vector<16xi32>,
            %swap3A_442 = arith.constant 0 : index
            %swap3A_443 = tpu.vector_load %run_scoped3A_8[%swap3A_442] {strides = array<i32>} : memref<64xi32, #tpu.memory_space<vmem>>, vector<16xi32>,
            tpu.vector_store %run_scoped3A_8[%swap3A_442], %shift_right_logical3A_432 {strides = array<i32>} : memref<64xi32, #tpu.memory_space<vmem>>, vector<16xi32>,
            %broadcast_in_dim3A_444 = arith.constant 0 : i32
            %broadcast_in_dim3A_445 = vector.broadcast %broadcast_in_dim3A_444 : i32 to vector<16xi32>
            %add3A_446 = arith.addi %shift_right_logical3A_432, %broadcast_in_dim3A_445 : vector<16xi32>
            %swap3A_447 = arith.constant 0 : index
            %swap3A_448 = tpu.vector_load %run_scoped3A_3[%swap3A_447] {strides = array<i32>} : memref<64xi32, #tpu.memory_space<vmem>>, vector<16xi32>,
            tpu.vector_store %run_scoped3A_3[%swap3A_447], %add3A_446 {strides = array<i32>} : memref<64xi32, #tpu.memory_space<vmem>>, vector<16xi32>,
            %mul3A_449 = arith.constant 64 : i32
            %mul3A_450 = arith.muli %add3A_423, %mul3A_449 : i32
            %add3A_451 = arith.constant 16 : i32
            %add3A_452 = arith.addi %mul3A_450, %add3A_451 : i32
            %get3A_453 = arith.index_cast %add3A_452 : i32 to index
            %get3A_454 = tpu.vector_load %run_scoped3A_6[%get3A_453] {strides = array<i32>} : memref<10688xi32, #tpu.memory_space<vmem>>, vector<16xi32>,
            %shift_right_logical3A_455 = arith.constant 14 : i32
            %shift_right_logical3A_456 = vector.broadcast %shift_right_logical3A_455 : i32 to vector<16xi32>
            %shift_right_logical3A_457 = arith.shrui %get3A_454, %shift_right_logical3A_456 : vector<16xi32>
            %and3A_458 = arith.constant 16383 : i32
            %and3A_459 = vector.broadcast %and3A_458 : i32 to vector<16xi32>
            %and3A_460 = arith.andi %get3A_454, %and3A_459 : vector<16xi32>
            %mul3A_461 = arith.constant 10000 : i32
            %mul3A_462 = arith.muli %add3A_15, %mul3A_461 : i32
            %broadcast_in_dim3A_463 = vector.broadcast %mul3A_462 : i32 to vector<16xi32>
            %add3A_464 = arith.addi %and3A_460, %broadcast_in_dim3A_463 : vector<16xi32>
            %swap3A_465 = arith.constant 16 : index
            %swap3A_466 = tpu.vector_load %run_scoped3A_0[%swap3A_465] {strides = array<i32>} : memref<64xi32, #tpu.memory_space<vmem>>, vector<16xi32>,
            tpu.vector_store %run_scoped3A_0[%swap3A_465], %add3A_464 {strides = array<i32>} : memref<64xi32, #tpu.memory_space<vmem>>, vector<16xi32>,
            %swap3A_467 = arith.constant 16 : index
            %swap3A_468 = tpu.vector_load %run_scoped3A_8[%swap3A_467] {strides = array<i32>} : memref<64xi32, #tpu.memory_space<vmem>>, vector<16xi32>,
            tpu.vector_store %run_scoped3A_8[%swap3A_467], %shift_right_logical3A_457 {strides = array<i32>} : memref<64xi32, #tpu.memory_space<vmem>>, vector<16xi32>,
            %broadcast_in_dim3A_469 = arith.constant 0 : i32
            %broadcast_in_dim3A_470 = vector.broadcast %broadcast_in_dim3A_469 : i32 to vector<16xi32>
            %add3A_471 = arith.addi %shift_right_logical3A_457, %broadcast_in_dim3A_470 : vector<16xi32>
            %swap3A_472 = arith.constant 16 : index
            %swap3A_473 = tpu.vector_load %run_scoped3A_3[%swap3A_472] {strides = array<i32>} : memref<64xi32, #tpu.memory_space<vmem>>, vector<16xi32>,
            tpu.vector_store %run_scoped3A_3[%swap3A_472], %add3A_471 {strides = array<i32>} : memref<64xi32, #tpu.memory_space<vmem>>, vector<16xi32>,
            %mul3A_474 = arith.constant 64 : i32
            %mul3A_475 = arith.muli %add3A_423, %mul3A_474 : i32
            %add3A_476 = arith.constant 32 : i32
            %add3A_477 = arith.addi %mul3A_475, %add3A_476 : i32
            %get3A_478 = arith.index_cast %add3A_477 : i32 to index
            %get3A_479 = tpu.vector_load %run_scoped3A_6[%get3A_478] {strides = array<i32>} : memref<10688xi32, #tpu.memory_space<vmem>>, vector<16xi32>,
            %shift_right_logical3A_480 = arith.constant 14 : i32
            %shift_right_logical3A_481 = vector.broadcast %shift_right_logical3A_480 : i32 to vector<16xi32>
            %shift_right_logical3A_482 = arith.shrui %get3A_479, %shift_right_logical3A_481 : vector<16xi32>
            %and3A_483 = arith.constant 16383 : i32
            %and3A_484 = vector.broadcast %and3A_483 : i32 to vector<16xi32>
            %and3A_485 = arith.andi %get3A_479, %and3A_484 : vector<16xi32>
            %mul3A_486 = arith.constant 10000 : i32
            %mul3A_487 = arith.muli %add3A_15, %mul3A_486 : i32
            %broadcast_in_dim3A_488 = vector.broadcast %mul3A_487 : i32 to vector<16xi32>
            %add3A_489 = arith.addi %and3A_485, %broadcast_in_dim3A_488 : vector<16xi32>
            %swap3A_490 = arith.constant 32 : index
            %swap3A_491 = tpu.vector_load %run_scoped3A_0[%swap3A_490] {strides = array<i32>} : memref<64xi32, #tpu.memory_space<vmem>>, vector<16xi32>,
            tpu.vector_store %run_scoped3A_0[%swap3A_490], %add3A_489 {strides = array<i32>} : memref<64xi32, #tpu.memory_space<vmem>>, vector<16xi32>,
            %swap3A_492 = arith.constant 32 : index
            %swap3A_493 = tpu.vector_load %run_scoped3A_8[%swap3A_492] {strides = array<i32>} : memref<64xi32, #tpu.memory_space<vmem>>, vector<16xi32>,
            tpu.vector_store %run_scoped3A_8[%swap3A_492], %shift_right_logical3A_482 {strides = array<i32>} : memref<64xi32, #tpu.memory_space<vmem>>, vector<16xi32>,
            %broadcast_in_dim3A_494 = arith.constant 0 : i32
            %broadcast_in_dim3A_495 = vector.broadcast %broadcast_in_dim3A_494 : i32 to vector<16xi32>
            %add3A_496 = arith.addi %shift_right_logical3A_482, %broadcast_in_dim3A_495 : vector<16xi32>
            %swap3A_497 = arith.constant 32 : index
            %swap3A_498 = tpu.vector_load %run_scoped3A_3[%swap3A_497] {strides = array<i32>} : memref<64xi32, #tpu.memory_space<vmem>>, vector<16xi32>,
            tpu.vector_store %run_scoped3A_3[%swap3A_497], %add3A_496 {strides = array<i32>} : memref<64xi32, #tpu.memory_space<vmem>>, vector<16xi32>,
            %mul3A_499 = arith.constant 64 : i32
            %mul3A_500 = arith.muli %add3A_423, %mul3A_499 : i32
            %add3A_501 = arith.constant 48 : i32
            %add3A_502 = arith.addi %mul3A_500, %add3A_501 : i32
            %get3A_503 = arith.index_cast %add3A_502 : i32 to index
            %get3A_504 = tpu.vector_load %run_scoped3A_6[%get3A_503] {strides = array<i32>} : memref<10688xi32, #tpu.memory_space<vmem>>, vector<16xi32>,
            %shift_right_logical3A_505 = arith.constant 14 : i32
            %shift_right_logical3A_506 = vector.broadcast %shift_right_logical3A_505 : i32 to vector<16xi32>
            %shift_right_logical3A_507 = arith.shrui %get3A_504, %shift_right_logical3A_506 : vector<16xi32>
            %and3A_508 = arith.constant 16383 : i32
            %and3A_509 = vector.broadcast %and3A_508 : i32 to vector<16xi32>
            %and3A_510 = arith.andi %get3A_504, %and3A_509 : vector<16xi32>
            %mul3A_511 = arith.constant 10000 : i32
            %mul3A_512 = arith.muli %add3A_15, %mul3A_511 : i32
            %broadcast_in_dim3A_513 = vector.broadcast %mul3A_512 : i32 to vector<16xi32>
            %add3A_514 = arith.addi %and3A_510, %broadcast_in_dim3A_513 : vector<16xi32>
            %swap3A_515 = arith.constant 48 : index
            %swap3A_516 = tpu.vector_load %run_scoped3A_0[%swap3A_515] {strides = array<i32>} : memref<64xi32, #tpu.memory_space<vmem>>, vector<16xi32>,
            tpu.vector_store %run_scoped3A_0[%swap3A_515], %add3A_514 {strides = array<i32>} : memref<64xi32, #tpu.memory_space<vmem>>, vector<16xi32>,
            %swap3A_517 = arith.constant 48 : index
            %swap3A_518 = tpu.vector_load %run_scoped3A_8[%swap3A_517] {strides = array<i32>} : memref<64xi32, #tpu.memory_space<vmem>>, vector<16xi32>,
            tpu.vector_store %run_scoped3A_8[%swap3A_517], %shift_right_logical3A_507 {strides = array<i32>} : memref<64xi32, #tpu.memory_space<vmem>>, vector<16xi32>,
            %broadcast_in_dim3A_519 = arith.constant 0 : i32
            %broadcast_in_dim3A_520 = vector.broadcast %broadcast_in_dim3A_519 : i32 to vector<16xi32>
            %add3A_521 = arith.addi %shift_right_logical3A_507, %broadcast_in_dim3A_520 : vector<16xi32>
            %swap3A_522 = arith.constant 48 : index
            %swap3A_523 = tpu.vector_load %run_scoped3A_3[%swap3A_522] {strides = array<i32>} : memref<64xi32, #tpu.memory_space<vmem>>, vector<16xi32>,
            tpu.vector_store %run_scoped3A_3[%swap3A_522], %add3A_521 {strides = array<i32>} : memref<64xi32, #tpu.memory_space<vmem>>, vector<16xi32>,
            %dma_start3A_524 = arith.constant 0 : i32
            %dma_start3A_525 = arith.constant 0 : i32
            %dma_start3A_526 = tpu.memref_slice %arg2[%dma_start3A_524, %dma_start3A_525] : memref<40000x128xf32, #tpu.memory_space<hbm>> -> memref<40000x128xf32, #tpu.memory_space<hbm>>
            tpu.enqueue_indirect_dma source(%dma_start3A_526 : memref<40000x128xf32, #tpu.memory_space<hbm>>) target(%run_scoped3A_10 : memref<64x128xf32, #tpu.memory_space<vmem>>) offsets(%run_scoped3A_0 : memref<64xi32, #tpu.memory_space<vmem>>) semaphore(%arg14 : memref<!tpu.dma_semaphore, #tpu.memory_space<semaphore_mem>>)
            %mul3A_527 = arith.constant 171008 : i32
            %mul3A_528 = arith.muli %add3A_15, %mul3A_527 : i32
            %mul3A_529 = arith.constant 10688 : i32
            %mul3A_530 = arith.muli %arg1, %mul3A_529 : i32
            %add3A_531 = arith.addi %mul3A_528, %mul3A_530 : i32
            %mul3A_532 = arith.constant 64 : i32
            %mul3A_533 = arith.muli %add3A_423, %mul3A_532 : i32
            %add3A_534 = arith.addi %add3A_531, %mul3A_533 : i32
            %dma_start3A_535 = tpu.memref_slice %arg9[%add3A_534] : memref<684032xf32, #tpu.memory_space<hbm>> -> memref<64xf32, #tpu.memory_space<hbm>>
            %dma_start3A_536 = tpu.memref_slice %arg9[%add3A_534] : memref<684032xf32, #tpu.memory_space<hbm>> -> memref<64xf32, #tpu.memory_space<hbm>>
            tpu.enqueue_dma source(%dma_start3A_536 : memref<64xf32, #tpu.memory_space<hbm>>) target(%run_scoped3A_5 : memref<64xf32, #tpu.memory_space<vmem>>) target_semaphore(%arg15 : memref<!tpu.dma_semaphore, #tpu.memory_space<semaphore_mem>>)
          } else {
          }
          "tpu.region"() ({
            %run_scoped3A_422 = tpu.sem_alloc : memref<!tpu.dma_semaphore, #tpu.memory_space<semaphore_mem>>
            %dma_start3A_423 = arith.constant 0 : i32
            %dma_start3A_424 = tpu.memref_slice %arg10[%dma_start3A_423] : memref<20000xf32, #tpu.memory_space<vmem_shared>> -> memref<20000xf32, #tpu.memory_space<vmem_shared>>
            tpu.enqueue_indirect_dma source(%dma_start3A_424 : memref<20000xf32, #tpu.memory_space<vmem_shared>>) target(%run_scoped3A_1 : memref<64xf32, #tpu.memory_space<vmem>>) offsets(%run_scoped3A_2 : memref<64xi32, #tpu.memory_space<vmem>>) semaphore(%run_scoped3A_422 : memref<!tpu.dma_semaphore, #tpu.memory_space<semaphore_mem>>)
            %dma_wait3A_425 = arith.constant 0 : i32
            %dma_wait3A_426 = tpu.memref_slice %arg10[%dma_wait3A_425] : memref<20000xf32, #tpu.memory_space<vmem_shared>> -> memref<20000xf32, #tpu.memory_space<vmem_shared>>
            tpu.wait_indirect_dma semaphore(%run_scoped3A_422 : memref<!tpu.dma_semaphore, #tpu.memory_space<semaphore_mem>>) src(%dma_wait3A_426 : memref<20000xf32, #tpu.memory_space<vmem_shared>>) dst(%run_scoped3A_1 : memref<64xf32, #tpu.memory_space<vmem>>)
            tpu.yield
          }) : () -> ()
          %dma_wait3A = arith.constant 0 : i32
          %dma_wait3A_371 = tpu.memref_slice %arg9[%dma_wait3A] : memref<684032xf32, #tpu.memory_space<hbm>> -> memref<64xf32, #tpu.memory_space<hbm>>
          %dma_wait3A_372 = arith.constant 0 : i32
          %dma_wait3A_373 = tpu.memref_slice %arg9[%dma_wait3A_372] : memref<684032xf32, #tpu.memory_space<hbm>> -> memref<64xf32, #tpu.memory_space<hbm>>
          tpu.wait_dma2 semaphore(%arg13 : memref<!tpu.dma_semaphore, #tpu.memory_space<semaphore_mem>>) src(%dma_wait3A_373 : memref<64xf32, #tpu.memory_space<hbm>>) dst(%run_scoped3A_4 : memref<64xf32, #tpu.memory_space<vmem>>)
          %get3A_374 = arith.constant 0 : index
          %get3A_375 = tpu.vector_load %run_scoped3A_4[%get3A_374] {strides = array<i32>} : memref<64xf32, #tpu.memory_space<vmem>>, vector<16xf32>,
          %get3A_376 = arith.constant 0 : index
          %get3A_377 = tpu.vector_load %run_scoped3A_1[%get3A_376] {strides = array<i32>} : memref<64xf32, #tpu.memory_space<vmem>>, vector<16xf32>,
          %add3A_378 = arith.constant 1.000000e-10 : f32
          %add3A_379 = vector.broadcast %add3A_378 : f32 to vector<16xf32>
          %add3A_380 = arith.addf %get3A_377, %add3A_379 : vector<16xf32>
          %div3A = arith.divf %get3A_375, %add3A_380 : vector<16xf32>
          %swap3A_381 = arith.constant 0 : index
          %swap3A_382 = tpu.vector_load %run_scoped3A_11[%swap3A_381] {strides = array<i32>} : memref<64xf32, #tpu.memory_space<vmem>>, vector<16xf32>,
          tpu.vector_store %run_scoped3A_11[%swap3A_381], %div3A {strides = array<i32>} : memref<64xf32, #tpu.memory_space<vmem>>, vector<16xf32>,
          %get3A_383 = arith.constant 16 : index
          %get3A_384 = tpu.vector_load %run_scoped3A_4[%get3A_383] {strides = array<i32>} : memref<64xf32, #tpu.memory_space<vmem>>, vector<16xf32>,
          %get3A_385 = arith.constant 16 : index
          %get3A_386 = tpu.vector_load %run_scoped3A_1[%get3A_385] {strides = array<i32>} : memref<64xf32, #tpu.memory_space<vmem>>, vector<16xf32>,
          %add3A_387 = arith.constant 1.000000e-10 : f32
          %add3A_388 = vector.broadcast %add3A_387 : f32 to vector<16xf32>
          %add3A_389 = arith.addf %get3A_386, %add3A_388 : vector<16xf32>
          %div3A_390 = arith.divf %get3A_384, %add3A_389 : vector<16xf32>
          %swap3A_391 = arith.constant 16 : index
          %swap3A_392 = tpu.vector_load %run_scoped3A_11[%swap3A_391] {strides = array<i32>} : memref<64xf32, #tpu.memory_space<vmem>>, vector<16xf32>,
          tpu.vector_store %run_scoped3A_11[%swap3A_391], %div3A_390 {strides = array<i32>} : memref<64xf32, #tpu.memory_space<vmem>>, vector<16xf32>,
          %get3A_393 = arith.constant 32 : index
          %get3A_394 = tpu.vector_load %run_scoped3A_4[%get3A_393] {strides = array<i32>} : memref<64xf32, #tpu.memory_space<vmem>>, vector<16xf32>,
          %get3A_395 = arith.constant 32 : index
          %get3A_396 = tpu.vector_load %run_scoped3A_1[%get3A_395] {strides = array<i32>} : memref<64xf32, #tpu.memory_space<vmem>>, vector<16xf32>,
          %add3A_397 = arith.constant 1.000000e-10 : f32
          %add3A_398 = vector.broadcast %add3A_397 : f32 to vector<16xf32>
          %add3A_399 = arith.addf %get3A_396, %add3A_398 : vector<16xf32>
          %div3A_400 = arith.divf %get3A_394, %add3A_399 : vector<16xf32>
          %swap3A_401 = arith.constant 32 : index
          %swap3A_402 = tpu.vector_load %run_scoped3A_11[%swap3A_401] {strides = array<i32>} : memref<64xf32, #tpu.memory_space<vmem>>, vector<16xf32>,
          tpu.vector_store %run_scoped3A_11[%swap3A_401], %div3A_400 {strides = array<i32>} : memref<64xf32, #tpu.memory_space<vmem>>, vector<16xf32>,
          %get3A_403 = arith.constant 48 : index
          %get3A_404 = tpu.vector_load %run_scoped3A_4[%get3A_403] {strides = array<i32>} : memref<64xf32, #tpu.memory_space<vmem>>, vector<16xf32>,
          %get3A_405 = arith.constant 48 : index
          %get3A_406 = tpu.vector_load %run_scoped3A_1[%get3A_405] {strides = array<i32>} : memref<64xf32, #tpu.memory_space<vmem>>, vector<16xf32>,
          %add3A_407 = arith.constant 1.000000e-10 : f32
          %add3A_408 = vector.broadcast %add3A_407 : f32 to vector<16xf32>
          %add3A_409 = arith.addf %get3A_406, %add3A_408 : vector<16xf32>
          %div3A_410 = arith.divf %get3A_404, %add3A_409 : vector<16xf32>
          %swap3A_411 = arith.constant 48 : index
          %swap3A_412 = tpu.vector_load %run_scoped3A_11[%swap3A_411] {strides = array<i32>} : memref<64xf32, #tpu.memory_space<vmem>>, vector<16xf32>,
          tpu.vector_store %run_scoped3A_11[%swap3A_411], %div3A_410 {strides = array<i32>} : memref<64xf32, #tpu.memory_space<vmem>>, vector<16xf32>,
          %dma_wait3A_413 = arith.constant 0 : i32
          %dma_wait3A_414 = arith.constant 0 : i32
          %dma_wait3A_415 = tpu.memref_slice %arg2[%dma_wait3A_413, %dma_wait3A_414] : memref<40000x128xf32, #tpu.memory_space<hbm>> -> memref<40000x128xf32, #tpu.memory_space<hbm>>
          tpu.wait_indirect_dma semaphore(%arg12 : memref<!tpu.dma_semaphore, #tpu.memory_space<semaphore_mem>>) src(%dma_wait3A_415 : memref<40000x128xf32, #tpu.memory_space<hbm>>) dst(%run_scoped3A_9 : memref<64x128xf32, #tpu.memory_space<vmem>>)
          %scan3A_416 = arith.constant 0 : i32
          %scan3A_417 = arith.constant 0 : i32
          %scan3A_418 = arith.constant 64 : i32
          %scan3A_419 = arith.addi %scan3A_417, %scan3A_418 : i32
          %scan3A_420 = arith.constant 1 : i32
          scf.for %scan3A_422 = %scan3A_417 to %scan3A_419 step %scan3A_420  : i32 {
            %broadcast_in_dim3A_423 = vector.broadcast %scan3A_422 : i32 to vector<16xi32>
            %gather3A = tpu.vector_load_idx %run_scoped3A_11[%broadcast_in_dim3A_423] : memref<64xf32, #tpu.memory_space<vmem>>[vector<16xi32>], vector<16xf32>,
            %get3A_424 = arith.index_cast %scan3A_422 : i32 to index
            %get3A_425 = arith.constant 0 : index
            %get3A_426 = tpu.vector_load %run_scoped3A_9[%get3A_424, %get3A_425] {strides = array<i32>} : memref<64x128xf32, #tpu.memory_space<vmem>>, vector<16xf32>,
            %mul3A_427 = arith.mulf %get3A_426, %gather3A : vector<16xf32>
            %swap3A_428 = arith.index_cast %scan3A_422 : i32 to index
            %swap3A_429 = arith.constant 0 : index
            %swap3A_430 = tpu.vector_load %run_scoped3A_9[%swap3A_428, %swap3A_429] {strides = array<i32>} : memref<64x128xf32, #tpu.memory_space<vmem>>, vector<16xf32>,
            tpu.vector_store %run_scoped3A_9[%swap3A_428, %swap3A_429], %mul3A_427 {strides = array<i32>} : memref<64x128xf32, #tpu.memory_space<vmem>>, vector<16xf32>,
            %get3A_431 = arith.index_cast %scan3A_422 : i32 to index
            %get3A_432 = arith.constant 16 : index
            %get3A_433 = tpu.vector_load %run_scoped3A_9[%get3A_431, %get3A_432] {strides = array<i32>} : memref<64x128xf32, #tpu.memory_space<vmem>>, vector<16xf32>,
            %mul3A_434 = arith.mulf %get3A_433, %gather3A : vector<16xf32>
            %swap3A_435 = arith.index_cast %scan3A_422 : i32 to index
            %swap3A_436 = arith.constant 16 : index
            %swap3A_437 = tpu.vector_load %run_scoped3A_9[%swap3A_435, %swap3A_436] {strides = array<i32>} : memref<64x128xf32, #tpu.memory_space<vmem>>, vector<16xf32>,
            tpu.vector_store %run_scoped3A_9[%swap3A_435, %swap3A_436], %mul3A_434 {strides = array<i32>} : memref<64x128xf32, #tpu.memory_space<vmem>>, vector<16xf32>,
            %get3A_438 = arith.index_cast %scan3A_422 : i32 to index
            %get3A_439 = arith.constant 32 : index
            %get3A_440 = tpu.vector_load %run_scoped3A_9[%get3A_438, %get3A_439] {strides = array<i32>} : memref<64x128xf32, #tpu.memory_space<vmem>>, vector<16xf32>,
            %mul3A_441 = arith.mulf %get3A_440, %gather3A : vector<16xf32>
            %swap3A_442 = arith.index_cast %scan3A_422 : i32 to index
            %swap3A_443 = arith.constant 32 : index
            %swap3A_444 = tpu.vector_load %run_scoped3A_9[%swap3A_442, %swap3A_443] {strides = array<i32>} : memref<64x128xf32, #tpu.memory_space<vmem>>, vector<16xf32>,
            tpu.vector_store %run_scoped3A_9[%swap3A_442, %swap3A_443], %mul3A_441 {strides = array<i32>} : memref<64x128xf32, #tpu.memory_space<vmem>>, vector<16xf32>,
            %get3A_445 = arith.index_cast %scan3A_422 : i32 to index
            %get3A_446 = arith.constant 48 : index
            %get3A_447 = tpu.vector_load %run_scoped3A_9[%get3A_445, %get3A_446] {strides = array<i32>} : memref<64x128xf32, #tpu.memory_space<vmem>>, vector<16xf32>,
            %mul3A_448 = arith.mulf %get3A_447, %gather3A : vector<16xf32>
            %swap3A_449 = arith.index_cast %scan3A_422 : i32 to index
            %swap3A_450 = arith.constant 48 : index
            %swap3A_451 = tpu.vector_load %run_scoped3A_9[%swap3A_449, %swap3A_450] {strides = array<i32>} : memref<64x128xf32, #tpu.memory_space<vmem>>, vector<16xf32>,
            tpu.vector_store %run_scoped3A_9[%swap3A_449, %swap3A_450], %mul3A_448 {strides = array<i32>} : memref<64x128xf32, #tpu.memory_space<vmem>>, vector<16xf32>,
            %get3A_452 = arith.index_cast %scan3A_422 : i32 to index
            %get3A_453 = arith.constant 64 : index
            %get3A_454 = tpu.vector_load %run_scoped3A_9[%get3A_452, %get3A_453] {strides = array<i32>} : memref<64x128xf32, #tpu.memory_space<vmem>>, vector<16xf32>,
            %mul3A_455 = arith.mulf %get3A_454, %gather3A : vector<16xf32>
            %swap3A_456 = arith.index_cast %scan3A_422 : i32 to index
            %swap3A_457 = arith.constant 64 : index
            %swap3A_458 = tpu.vector_load %run_scoped3A_9[%swap3A_456, %swap3A_457] {strides = array<i32>} : memref<64x128xf32, #tpu.memory_space<vmem>>, vector<16xf32>,
            tpu.vector_store %run_scoped3A_9[%swap3A_456, %swap3A_457], %mul3A_455 {strides = array<i32>} : memref<64x128xf32, #tpu.memory_space<vmem>>, vector<16xf32>,
            %get3A_459 = arith.index_cast %scan3A_422 : i32 to index
            %get3A_460 = arith.constant 80 : index
            %get3A_461 = tpu.vector_load %run_scoped3A_9[%get3A_459, %get3A_460] {strides = array<i32>} : memref<64x128xf32, #tpu.memory_space<vmem>>, vector<16xf32>,
            %mul3A_462 = arith.mulf %get3A_461, %gather3A : vector<16xf32>
            %swap3A_463 = arith.index_cast %scan3A_422 : i32 to index
            %swap3A_464 = arith.constant 80 : index
            %swap3A_465 = tpu.vector_load %run_scoped3A_9[%swap3A_463, %swap3A_464] {strides = array<i32>} : memref<64x128xf32, #tpu.memory_space<vmem>>, vector<16xf32>,
            tpu.vector_store %run_scoped3A_9[%swap3A_463, %swap3A_464], %mul3A_462 {strides = array<i32>} : memref<64x128xf32, #tpu.memory_space<vmem>>, vector<16xf32>,
            %get3A_466 = arith.index_cast %scan3A_422 : i32 to index
            %get3A_467 = arith.constant 96 : index
            %get3A_468 = tpu.vector_load %run_scoped3A_9[%get3A_466, %get3A_467] {strides = array<i32>} : memref<64x128xf32, #tpu.memory_space<vmem>>, vector<16xf32>,
            %mul3A_469 = arith.mulf %get3A_468, %gather3A : vector<16xf32>
            %swap3A_470 = arith.index_cast %scan3A_422 : i32 to index
            %swap3A_471 = arith.constant 96 : index
            %swap3A_472 = tpu.vector_load %run_scoped3A_9[%swap3A_470, %swap3A_471] {strides = array<i32>} : memref<64x128xf32, #tpu.memory_space<vmem>>, vector<16xf32>,
            tpu.vector_store %run_scoped3A_9[%swap3A_470, %swap3A_471], %mul3A_469 {strides = array<i32>} : memref<64x128xf32, #tpu.memory_space<vmem>>, vector<16xf32>,
            %get3A_473 = arith.index_cast %scan3A_422 : i32 to index
            %get3A_474 = arith.constant 112 : index
            %get3A_475 = tpu.vector_load %run_scoped3A_9[%get3A_473, %get3A_474] {strides = array<i32>} : memref<64x128xf32, #tpu.memory_space<vmem>>, vector<16xf32>,
            %mul3A_476 = arith.mulf %get3A_475, %gather3A : vector<16xf32>
            %swap3A_477 = arith.index_cast %scan3A_422 : i32 to index
            %swap3A_478 = arith.constant 112 : index
            %swap3A_479 = tpu.vector_load %run_scoped3A_9[%swap3A_477, %swap3A_478] {strides = array<i32>} : memref<64x128xf32, #tpu.memory_space<vmem>>, vector<16xf32>,
            tpu.vector_store %run_scoped3A_9[%swap3A_477, %swap3A_478], %mul3A_476 {strides = array<i32>} : memref<64x128xf32, #tpu.memory_space<vmem>>, vector<16xf32>,
          }
          %scan3A_421 = arith.constant 64 : i32
          "tpu.region"() ({
            %run_scoped3A_422 = tpu.sem_alloc : memref<!tpu.dma_semaphore, #tpu.memory_space<semaphore_mem>>
            %dma_start3A_423 = arith.constant 0 : i32
            %dma_start3A_424 = arith.constant 0 : i32
            %dma_start3A_425 = tpu.memref_slice %arg11[%dma_start3A_423, %dma_start3A_424] : memref<10000x128xf32, #tpu.memory_space<vmem_shared>> -> memref<10000x128xf32, #tpu.memory_space<vmem_shared>>
            tpu.enqueue_indirect_dma source(%run_scoped3A_9 : memref<64x128xf32, #tpu.memory_space<vmem>>) target(%dma_start3A_425 : memref<10000x128xf32, #tpu.memory_space<vmem_shared>>) offsets(%run_scoped3A_7 : memref<64xi32, #tpu.memory_space<vmem>>) semaphore(%run_scoped3A_422 : memref<!tpu.dma_semaphore, #tpu.memory_space<semaphore_mem>>) {add = true}
            %dma_wait3A_426 = arith.constant 0 : i32
            %dma_wait3A_427 = arith.constant 0 : i32
            %dma_wait3A_428 = tpu.memref_slice %arg11[%dma_wait3A_426, %dma_wait3A_427] : memref<10000x128xf32, #tpu.memory_space<vmem_shared>> -> memref<10000x128xf32, #tpu.memory_space<vmem_shared>>
            tpu.wait_indirect_dma semaphore(%run_scoped3A_422 : memref<!tpu.dma_semaphore, #tpu.memory_space<semaphore_mem>>) src(%run_scoped3A_9 : memref<64x128xf32, #tpu.memory_space<vmem>>) dst(%dma_wait3A_428 : memref<10000x128xf32, #tpu.memory_space<vmem_shared>>)
            tpu.yield
          }) : () -> ()
        } else {
        }
        %jit3A_343 = arith.constant 2 : i32
        %eq3A_344 = arith.constant 0 : i32
        %eq3A_345 = arith.cmpi eq, %jit3A_343, %eq3A_344 : i32
        %jit3A_346 = arith.constant 1 : i32
        %select_n3A_347 = arith.select %eq3A_345, %jit3A_346, %jit3A_343 : i32
        %rem3A_348 = arith.remsi %scan3A_329, %select_n3A_347 : i32
        %ne3A_349 = arith.constant 0 : i32
        %ne3A_350 = arith.cmpi ne, %rem3A_348, %ne3A_349 : i32
        %lt3A_351 = arith.constant 0 : i32
        %lt3A_352 = arith.cmpi slt, %rem3A_348, %lt3A_351 : i32
        %lt3A_353 = arith.constant 0 : i32
        %lt3A_354 = arith.cmpi slt, %select_n3A_347, %lt3A_353 : i32
        %ne3A_355 = arith.xori %lt3A_352, %lt3A_354 : i1
        %and3A_356 = arith.andi %ne3A_355, %ne3A_350 : i1
        %add3A_357 = arith.addi %rem3A_348, %select_n3A_347 : i32
        %select_n3A_358 = arith.select %and3A_356, %add3A_357, %rem3A_348 : i32
        %eq3A_359 = arith.constant 1 : i32
        %eq3A_360 = arith.cmpi eq, %select_n3A_358, %eq3A_359 : i32
        %convert_element_type3A_361 = arith.extui %eq3A_360 : i1 to i32
        %cond3A_362 = arith.constant 0 : i32
        %cond3A_363 = arith.cmpi ne, %convert_element_type3A_361, %cond3A_362 : i32
        scf.if %cond3A_363 {
          %add3A_364 = arith.constant 1 : i32
          %add3A_365 = arith.addi %scan3A_329, %add3A_364 : i32
          %lt3A_366 = arith.constant 167 : i32
          %lt3A_367 = arith.cmpi slt, %add3A_365, %lt3A_366 : i32
          %convert_element_type3A_368 = arith.extui %lt3A_367 : i1 to i32
          %cond3A_369 = arith.constant 0 : i32
          %cond3A_370 = arith.cmpi ne, %convert_element_type3A_368, %cond3A_369 : i32
          scf.if %cond3A_370 {
            %add3A_422 = arith.constant 1 : i32
            %add3A_423 = arith.addi %scan3A_329, %add3A_422 : i32
            %mul3A_424 = arith.constant 64 : i32
            %mul3A_425 = arith.muli %add3A_423, %mul3A_424 : i32
            %add3A_426 = arith.constant 0 : i32
            %add3A_427 = arith.addi %mul3A_425, %add3A_426 : i32
            %get3A_428 = arith.index_cast %add3A_427 : i32 to index
            %get3A_429 = tpu.vector_load %run_scoped3A_6[%get3A_428] {strides = array<i32>} : memref<10688xi32, #tpu.memory_space<vmem>>, vector<16xi32>,
            %shift_right_logical3A_430 = arith.constant 14 : i32
            %shift_right_logical3A_431 = vector.broadcast %shift_right_logical3A_430 : i32 to vector<16xi32>
            %shift_right_logical3A_432 = arith.shrui %get3A_429, %shift_right_logical3A_431 : vector<16xi32>
            %and3A_433 = arith.constant 16383 : i32
            %and3A_434 = vector.broadcast %and3A_433 : i32 to vector<16xi32>
            %and3A_435 = arith.andi %get3A_429, %and3A_434 : vector<16xi32>
            %mul3A_436 = arith.constant 10000 : i32
            %mul3A_437 = arith.muli %add3A_15, %mul3A_436 : i32
            %broadcast_in_dim3A_438 = vector.broadcast %mul3A_437 : i32 to vector<16xi32>
            %add3A_439 = arith.addi %and3A_435, %broadcast_in_dim3A_438 : vector<16xi32>
            %swap3A_440 = arith.constant 0 : index
            %swap3A_441 = tpu.vector_load %run_scoped3A[%swap3A_440] {strides = array<i32>} : memref<64xi32, #tpu.memory_space<vmem>>, vector<16xi32>,
            tpu.vector_store %run_scoped3A[%swap3A_440], %add3A_439 {strides = array<i32>} : memref<64xi32, #tpu.memory_space<vmem>>, vector<16xi32>,
            %swap3A_442 = arith.constant 0 : index
            %swap3A_443 = tpu.vector_load %run_scoped3A_7[%swap3A_442] {strides = array<i32>} : memref<64xi32, #tpu.memory_space<vmem>>, vector<16xi32>,
            tpu.vector_store %run_scoped3A_7[%swap3A_442], %shift_right_logical3A_432 {strides = array<i32>} : memref<64xi32, #tpu.memory_space<vmem>>, vector<16xi32>,
            %broadcast_in_dim3A_444 = arith.constant 0 : i32
            %broadcast_in_dim3A_445 = vector.broadcast %broadcast_in_dim3A_444 : i32 to vector<16xi32>
            %add3A_446 = arith.addi %shift_right_logical3A_432, %broadcast_in_dim3A_445 : vector<16xi32>
            %swap3A_447 = arith.constant 0 : index
            %swap3A_448 = tpu.vector_load %run_scoped3A_2[%swap3A_447] {strides = array<i32>} : memref<64xi32, #tpu.memory_space<vmem>>, vector<16xi32>,
            tpu.vector_store %run_scoped3A_2[%swap3A_447], %add3A_446 {strides = array<i32>} : memref<64xi32, #tpu.memory_space<vmem>>, vector<16xi32>,
            %mul3A_449 = arith.constant 64 : i32
            %mul3A_450 = arith.muli %add3A_423, %mul3A_449 : i32
            %add3A_451 = arith.constant 16 : i32
            %add3A_452 = arith.addi %mul3A_450, %add3A_451 : i32
            %get3A_453 = arith.index_cast %add3A_452 : i32 to index
            %get3A_454 = tpu.vector_load %run_scoped3A_6[%get3A_453] {strides = array<i32>} : memref<10688xi32, #tpu.memory_space<vmem>>, vector<16xi32>,
            %shift_right_logical3A_455 = arith.constant 14 : i32
            %shift_right_logical3A_456 = vector.broadcast %shift_right_logical3A_455 : i32 to vector<16xi32>
            %shift_right_logical3A_457 = arith.shrui %get3A_454, %shift_right_logical3A_456 : vector<16xi32>
            %and3A_458 = arith.constant 16383 : i32
            %and3A_459 = vector.broadcast %and3A_458 : i32 to vector<16xi32>
            %and3A_460 = arith.andi %get3A_454, %and3A_459 : vector<16xi32>
            %mul3A_461 = arith.constant 10000 : i32
            %mul3A_462 = arith.muli %add3A_15, %mul3A_461 : i32
            %broadcast_in_dim3A_463 = vector.broadcast %mul3A_462 : i32 to vector<16xi32>
            %add3A_464 = arith.addi %and3A_460, %broadcast_in_dim3A_463 : vector<16xi32>
            %swap3A_465 = arith.constant 16 : index
            %swap3A_466 = tpu.vector_load %run_scoped3A[%swap3A_465] {strides = array<i32>} : memref<64xi32, #tpu.memory_space<vmem>>, vector<16xi32>,
            tpu.vector_store %run_scoped3A[%swap3A_465], %add3A_464 {strides = array<i32>} : memref<64xi32, #tpu.memory_space<vmem>>, vector<16xi32>,
            %swap3A_467 = arith.constant 16 : index
            %swap3A_468 = tpu.vector_load %run_scoped3A_7[%swap3A_467] {strides = array<i32>} : memref<64xi32, #tpu.memory_space<vmem>>, vector<16xi32>,
            tpu.vector_store %run_scoped3A_7[%swap3A_467], %shift_right_logical3A_457 {strides = array<i32>} : memref<64xi32, #tpu.memory_space<vmem>>, vector<16xi32>,
            %broadcast_in_dim3A_469 = arith.constant 0 : i32
            %broadcast_in_dim3A_470 = vector.broadcast %broadcast_in_dim3A_469 : i32 to vector<16xi32>
            %add3A_471 = arith.addi %shift_right_logical3A_457, %broadcast_in_dim3A_470 : vector<16xi32>
            %swap3A_472 = arith.constant 16 : index
            %swap3A_473 = tpu.vector_load %run_scoped3A_2[%swap3A_472] {strides = array<i32>} : memref<64xi32, #tpu.memory_space<vmem>>, vector<16xi32>,
            tpu.vector_store %run_scoped3A_2[%swap3A_472], %add3A_471 {strides = array<i32>} : memref<64xi32, #tpu.memory_space<vmem>>, vector<16xi32>,
            %mul3A_474 = arith.constant 64 : i32
            %mul3A_475 = arith.muli %add3A_423, %mul3A_474 : i32
            %add3A_476 = arith.constant 32 : i32
            %add3A_477 = arith.addi %mul3A_475, %add3A_476 : i32
            %get3A_478 = arith.index_cast %add3A_477 : i32 to index
            %get3A_479 = tpu.vector_load %run_scoped3A_6[%get3A_478] {strides = array<i32>} : memref<10688xi32, #tpu.memory_space<vmem>>, vector<16xi32>,
            %shift_right_logical3A_480 = arith.constant 14 : i32
            %shift_right_logical3A_481 = vector.broadcast %shift_right_logical3A_480 : i32 to vector<16xi32>
            %shift_right_logical3A_482 = arith.shrui %get3A_479, %shift_right_logical3A_481 : vector<16xi32>
            %and3A_483 = arith.constant 16383 : i32
            %and3A_484 = vector.broadcast %and3A_483 : i32 to vector<16xi32>
            %and3A_485 = arith.andi %get3A_479, %and3A_484 : vector<16xi32>
            %mul3A_486 = arith.constant 10000 : i32
            %mul3A_487 = arith.muli %add3A_15, %mul3A_486 : i32
            %broadcast_in_dim3A_488 = vector.broadcast %mul3A_487 : i32 to vector<16xi32>
            %add3A_489 = arith.addi %and3A_485, %broadcast_in_dim3A_488 : vector<16xi32>
            %swap3A_490 = arith.constant 32 : index
            %swap3A_491 = tpu.vector_load %run_scoped3A[%swap3A_490] {strides = array<i32>} : memref<64xi32, #tpu.memory_space<vmem>>, vector<16xi32>,
            tpu.vector_store %run_scoped3A[%swap3A_490], %add3A_489 {strides = array<i32>} : memref<64xi32, #tpu.memory_space<vmem>>, vector<16xi32>,
            %swap3A_492 = arith.constant 32 : index
            %swap3A_493 = tpu.vector_load %run_scoped3A_7[%swap3A_492] {strides = array<i32>} : memref<64xi32, #tpu.memory_space<vmem>>, vector<16xi32>,
            tpu.vector_store %run_scoped3A_7[%swap3A_492], %shift_right_logical3A_482 {strides = array<i32>} : memref<64xi32, #tpu.memory_space<vmem>>, vector<16xi32>,
            %broadcast_in_dim3A_494 = arith.constant 0 : i32
            %broadcast_in_dim3A_495 = vector.broadcast %broadcast_in_dim3A_494 : i32 to vector<16xi32>
            %add3A_496 = arith.addi %shift_right_logical3A_482, %broadcast_in_dim3A_495 : vector<16xi32>
            %swap3A_497 = arith.constant 32 : index
            %swap3A_498 = tpu.vector_load %run_scoped3A_2[%swap3A_497] {strides = array<i32>} : memref<64xi32, #tpu.memory_space<vmem>>, vector<16xi32>,
            tpu.vector_store %run_scoped3A_2[%swap3A_497], %add3A_496 {strides = array<i32>} : memref<64xi32, #tpu.memory_space<vmem>>, vector<16xi32>,
            %mul3A_499 = arith.constant 64 : i32
            %mul3A_500 = arith.muli %add3A_423, %mul3A_499 : i32
            %add3A_501 = arith.constant 48 : i32
            %add3A_502 = arith.addi %mul3A_500, %add3A_501 : i32
            %get3A_503 = arith.index_cast %add3A_502 : i32 to index
            %get3A_504 = tpu.vector_load %run_scoped3A_6[%get3A_503] {strides = array<i32>} : memref<10688xi32, #tpu.memory_space<vmem>>, vector<16xi32>,
            %shift_right_logical3A_505 = arith.constant 14 : i32
            %shift_right_logical3A_506 = vector.broadcast %shift_right_logical3A_505 : i32 to vector<16xi32>
            %shift_right_logical3A_507 = arith.shrui %get3A_504, %shift_right_logical3A_506 : vector<16xi32>
            %and3A_508 = arith.constant 16383 : i32
            %and3A_509 = vector.broadcast %and3A_508 : i32 to vector<16xi32>
            %and3A_510 = arith.andi %get3A_504, %and3A_509 : vector<16xi32>
            %mul3A_511 = arith.constant 10000 : i32
            %mul3A_512 = arith.muli %add3A_15, %mul3A_511 : i32
            %broadcast_in_dim3A_513 = vector.broadcast %mul3A_512 : i32 to vector<16xi32>
            %add3A_514 = arith.addi %and3A_510, %broadcast_in_dim3A_513 : vector<16xi32>
            %swap3A_515 = arith.constant 48 : index
            %swap3A_516 = tpu.vector_load %run_scoped3A[%swap3A_515] {strides = array<i32>} : memref<64xi32, #tpu.memory_space<vmem>>, vector<16xi32>,
            tpu.vector_store %run_scoped3A[%swap3A_515], %add3A_514 {strides = array<i32>} : memref<64xi32, #tpu.memory_space<vmem>>, vector<16xi32>,
            %swap3A_517 = arith.constant 48 : index
            %swap3A_518 = tpu.vector_load %run_scoped3A_7[%swap3A_517] {strides = array<i32>} : memref<64xi32, #tpu.memory_space<vmem>>, vector<16xi32>,
            tpu.vector_store %run_scoped3A_7[%swap3A_517], %shift_right_logical3A_507 {strides = array<i32>} : memref<64xi32, #tpu.memory_space<vmem>>, vector<16xi32>,
            %broadcast_in_dim3A_519 = arith.constant 0 : i32
            %broadcast_in_dim3A_520 = vector.broadcast %broadcast_in_dim3A_519 : i32 to vector<16xi32>
            %add3A_521 = arith.addi %shift_right_logical3A_507, %broadcast_in_dim3A_520 : vector<16xi32>
            %swap3A_522 = arith.constant 48 : index
            %swap3A_523 = tpu.vector_load %run_scoped3A_2[%swap3A_522] {strides = array<i32>} : memref<64xi32, #tpu.memory_space<vmem>>, vector<16xi32>,
            tpu.vector_store %run_scoped3A_2[%swap3A_522], %add3A_521 {strides = array<i32>} : memref<64xi32, #tpu.memory_space<vmem>>, vector<16xi32>,
            %dma_start3A_524 = arith.constant 0 : i32
            %dma_start3A_525 = arith.constant 0 : i32
            %dma_start3A_526 = tpu.memref_slice %arg2[%dma_start3A_524, %dma_start3A_525] : memref<40000x128xf32, #tpu.memory_space<hbm>> -> memref<40000x128xf32, #tpu.memory_space<hbm>>
            tpu.enqueue_indirect_dma source(%dma_start3A_526 : memref<40000x128xf32, #tpu.memory_space<hbm>>) target(%run_scoped3A_9 : memref<64x128xf32, #tpu.memory_space<vmem>>) offsets(%run_scoped3A : memref<64xi32, #tpu.memory_space<vmem>>) semaphore(%arg12 : memref<!tpu.dma_semaphore, #tpu.memory_space<semaphore_mem>>)
            %mul3A_527 = arith.constant 171008 : i32
            %mul3A_528 = arith.muli %add3A_15, %mul3A_527 : i32
            %mul3A_529 = arith.constant 10688 : i32
            %mul3A_530 = arith.muli %arg1, %mul3A_529 : i32
            %add3A_531 = arith.addi %mul3A_528, %mul3A_530 : i32
            %mul3A_532 = arith.constant 64 : i32
            %mul3A_533 = arith.muli %add3A_423, %mul3A_532 : i32
            %add3A_534 = arith.addi %add3A_531, %mul3A_533 : i32
            %dma_start3A_535 = tpu.memref_slice %arg9[%add3A_534] : memref<684032xf32, #tpu.memory_space<hbm>> -> memref<64xf32, #tpu.memory_space<hbm>>
            %dma_start3A_536 = tpu.memref_slice %arg9[%add3A_534] : memref<684032xf32, #tpu.memory_space<hbm>> -> memref<64xf32, #tpu.memory_space<hbm>>
            tpu.enqueue_dma source(%dma_start3A_536 : memref<64xf32, #tpu.memory_space<hbm>>) target(%run_scoped3A_4 : memref<64xf32, #tpu.memory_space<vmem>>) target_semaphore(%arg13 : memref<!tpu.dma_semaphore, #tpu.memory_space<semaphore_mem>>)
          } else {
          }
          "tpu.region"() ({
            %run_scoped3A_422 = tpu.sem_alloc : memref<!tpu.dma_semaphore, #tpu.memory_space<semaphore_mem>>
            %dma_start3A_423 = arith.constant 0 : i32
            %dma_start3A_424 = tpu.memref_slice %arg10[%dma_start3A_423] : memref<20000xf32, #tpu.memory_space<vmem_shared>> -> memref<20000xf32, #tpu.memory_space<vmem_shared>>
            tpu.enqueue_indirect_dma source(%dma_start3A_424 : memref<20000xf32, #tpu.memory_space<vmem_shared>>) target(%run_scoped3A_1 : memref<64xf32, #tpu.memory_space<vmem>>) offsets(%run_scoped3A_3 : memref<64xi32, #tpu.memory_space<vmem>>) semaphore(%run_scoped3A_422 : memref<!tpu.dma_semaphore, #tpu.memory_space<semaphore_mem>>)
            %dma_wait3A_425 = arith.constant 0 : i32
            %dma_wait3A_426 = tpu.memref_slice %arg10[%dma_wait3A_425] : memref<20000xf32, #tpu.memory_space<vmem_shared>> -> memref<20000xf32, #tpu.memory_space<vmem_shared>>
            tpu.wait_indirect_dma semaphore(%run_scoped3A_422 : memref<!tpu.dma_semaphore, #tpu.memory_space<semaphore_mem>>) src(%dma_wait3A_426 : memref<20000xf32, #tpu.memory_space<vmem_shared>>) dst(%run_scoped3A_1 : memref<64xf32, #tpu.memory_space<vmem>>)
            tpu.yield
          }) : () -> ()
          %dma_wait3A = arith.constant 0 : i32
          %dma_wait3A_371 = tpu.memref_slice %arg9[%dma_wait3A] : memref<684032xf32, #tpu.memory_space<hbm>> -> memref<64xf32, #tpu.memory_space<hbm>>
          %dma_wait3A_372 = arith.constant 0 : i32
          %dma_wait3A_373 = tpu.memref_slice %arg9[%dma_wait3A_372] : memref<684032xf32, #tpu.memory_space<hbm>> -> memref<64xf32, #tpu.memory_space<hbm>>
          tpu.wait_dma2 semaphore(%arg15 : memref<!tpu.dma_semaphore, #tpu.memory_space<semaphore_mem>>) src(%dma_wait3A_373 : memref<64xf32, #tpu.memory_space<hbm>>) dst(%run_scoped3A_5 : memref<64xf32, #tpu.memory_space<vmem>>)
          %get3A_374 = arith.constant 0 : index
          %get3A_375 = tpu.vector_load %run_scoped3A_5[%get3A_374] {strides = array<i32>} : memref<64xf32, #tpu.memory_space<vmem>>, vector<16xf32>,
          %get3A_376 = arith.constant 0 : index
          %get3A_377 = tpu.vector_load %run_scoped3A_1[%get3A_376] {strides = array<i32>} : memref<64xf32, #tpu.memory_space<vmem>>, vector<16xf32>,
          %add3A_378 = arith.constant 1.000000e-10 : f32
          %add3A_379 = vector.broadcast %add3A_378 : f32 to vector<16xf32>
          %add3A_380 = arith.addf %get3A_377, %add3A_379 : vector<16xf32>
          %div3A = arith.divf %get3A_375, %add3A_380 : vector<16xf32>
          %swap3A_381 = arith.constant 0 : index
          %swap3A_382 = tpu.vector_load %run_scoped3A_11[%swap3A_381] {strides = array<i32>} : memref<64xf32, #tpu.memory_space<vmem>>, vector<16xf32>,
          tpu.vector_store %run_scoped3A_11[%swap3A_381], %div3A {strides = array<i32>} : memref<64xf32, #tpu.memory_space<vmem>>, vector<16xf32>,
          %get3A_383 = arith.constant 16 : index
          %get3A_384 = tpu.vector_load %run_scoped3A_5[%get3A_383] {strides = array<i32>} : memref<64xf32, #tpu.memory_space<vmem>>, vector<16xf32>,
          %get3A_385 = arith.constant 16 : index
          %get3A_386 = tpu.vector_load %run_scoped3A_1[%get3A_385] {strides = array<i32>} : memref<64xf32, #tpu.memory_space<vmem>>, vector<16xf32>,
          %add3A_387 = arith.constant 1.000000e-10 : f32
          %add3A_388 = vector.broadcast %add3A_387 : f32 to vector<16xf32>
          %add3A_389 = arith.addf %get3A_386, %add3A_388 : vector<16xf32>
          %div3A_390 = arith.divf %get3A_384, %add3A_389 : vector<16xf32>
          %swap3A_391 = arith.constant 16 : index
          %swap3A_392 = tpu.vector_load %run_scoped3A_11[%swap3A_391] {strides = array<i32>} : memref<64xf32, #tpu.memory_space<vmem>>, vector<16xf32>,
          tpu.vector_store %run_scoped3A_11[%swap3A_391], %div3A_390 {strides = array<i32>} : memref<64xf32, #tpu.memory_space<vmem>>, vector<16xf32>,
          %get3A_393 = arith.constant 32 : index
          %get3A_394 = tpu.vector_load %run_scoped3A_5[%get3A_393] {strides = array<i32>} : memref<64xf32, #tpu.memory_space<vmem>>, vector<16xf32>,
          %get3A_395 = arith.constant 32 : index
          %get3A_396 = tpu.vector_load %run_scoped3A_1[%get3A_395] {strides = array<i32>} : memref<64xf32, #tpu.memory_space<vmem>>, vector<16xf32>,
          %add3A_397 = arith.constant 1.000000e-10 : f32
          %add3A_398 = vector.broadcast %add3A_397 : f32 to vector<16xf32>
          %add3A_399 = arith.addf %get3A_396, %add3A_398 : vector<16xf32>
          %div3A_400 = arith.divf %get3A_394, %add3A_399 : vector<16xf32>
          %swap3A_401 = arith.constant 32 : index
          %swap3A_402 = tpu.vector_load %run_scoped3A_11[%swap3A_401] {strides = array<i32>} : memref<64xf32, #tpu.memory_space<vmem>>, vector<16xf32>,
          tpu.vector_store %run_scoped3A_11[%swap3A_401], %div3A_400 {strides = array<i32>} : memref<64xf32, #tpu.memory_space<vmem>>, vector<16xf32>,
          %get3A_403 = arith.constant 48 : index
          %get3A_404 = tpu.vector_load %run_scoped3A_5[%get3A_403] {strides = array<i32>} : memref<64xf32, #tpu.memory_space<vmem>>, vector<16xf32>,
          %get3A_405 = arith.constant 48 : index
          %get3A_406 = tpu.vector_load %run_scoped3A_1[%get3A_405] {strides = array<i32>} : memref<64xf32, #tpu.memory_space<vmem>>, vector<16xf32>,
          %add3A_407 = arith.constant 1.000000e-10 : f32
          %add3A_408 = vector.broadcast %add3A_407 : f32 to vector<16xf32>
          %add3A_409 = arith.addf %get3A_406, %add3A_408 : vector<16xf32>
          %div3A_410 = arith.divf %get3A_404, %add3A_409 : vector<16xf32>
          %swap3A_411 = arith.constant 48 : index
          %swap3A_412 = tpu.vector_load %run_scoped3A_11[%swap3A_411] {strides = array<i32>} : memref<64xf32, #tpu.memory_space<vmem>>, vector<16xf32>,
          tpu.vector_store %run_scoped3A_11[%swap3A_411], %div3A_410 {strides = array<i32>} : memref<64xf32, #tpu.memory_space<vmem>>, vector<16xf32>,
          %dma_wait3A_413 = arith.constant 0 : i32
          %dma_wait3A_414 = arith.constant 0 : i32
          %dma_wait3A_415 = tpu.memref_slice %arg2[%dma_wait3A_413, %dma_wait3A_414] : memref<40000x128xf32, #tpu.memory_space<hbm>> -> memref<40000x128xf32, #tpu.memory_space<hbm>>
          tpu.wait_indirect_dma semaphore(%arg14 : memref<!tpu.dma_semaphore, #tpu.memory_space<semaphore_mem>>) src(%dma_wait3A_415 : memref<40000x128xf32, #tpu.memory_space<hbm>>) dst(%run_scoped3A_10 : memref<64x128xf32, #tpu.memory_space<vmem>>)
          %scan3A_416 = arith.constant 0 : i32
          %scan3A_417 = arith.constant 0 : i32
          %scan3A_418 = arith.constant 64 : i32
          %scan3A_419 = arith.addi %scan3A_417, %scan3A_418 : i32
          %scan3A_420 = arith.constant 1 : i32
          scf.for %scan3A_422 = %scan3A_417 to %scan3A_419 step %scan3A_420  : i32 {
            %broadcast_in_dim3A_423 = vector.broadcast %scan3A_422 : i32 to vector<16xi32>
            %gather3A = tpu.vector_load_idx %run_scoped3A_11[%broadcast_in_dim3A_423] : memref<64xf32, #tpu.memory_space<vmem>>[vector<16xi32>], vector<16xf32>,
            %get3A_424 = arith.index_cast %scan3A_422 : i32 to index
            %get3A_425 = arith.constant 0 : index
            %get3A_426 = tpu.vector_load %run_scoped3A_10[%get3A_424, %get3A_425] {strides = array<i32>} : memref<64x128xf32, #tpu.memory_space<vmem>>, vector<16xf32>,
            %mul3A_427 = arith.mulf %get3A_426, %gather3A : vector<16xf32>
            %swap3A_428 = arith.index_cast %scan3A_422 : i32 to index
            %swap3A_429 = arith.constant 0 : index
            %swap3A_430 = tpu.vector_load %run_scoped3A_10[%swap3A_428, %swap3A_429] {strides = array<i32>} : memref<64x128xf32, #tpu.memory_space<vmem>>, vector<16xf32>,
            tpu.vector_store %run_scoped3A_10[%swap3A_428, %swap3A_429], %mul3A_427 {strides = array<i32>} : memref<64x128xf32, #tpu.memory_space<vmem>>, vector<16xf32>,
            %get3A_431 = arith.index_cast %scan3A_422 : i32 to index
            %get3A_432 = arith.constant 16 : index
            %get3A_433 = tpu.vector_load %run_scoped3A_10[%get3A_431, %get3A_432] {strides = array<i32>} : memref<64x128xf32, #tpu.memory_space<vmem>>, vector<16xf32>,
            %mul3A_434 = arith.mulf %get3A_433, %gather3A : vector<16xf32>
            %swap3A_435 = arith.index_cast %scan3A_422 : i32 to index
            %swap3A_436 = arith.constant 16 : index
            %swap3A_437 = tpu.vector_load %run_scoped3A_10[%swap3A_435, %swap3A_436] {strides = array<i32>} : memref<64x128xf32, #tpu.memory_space<vmem>>, vector<16xf32>,
            tpu.vector_store %run_scoped3A_10[%swap3A_435, %swap3A_436], %mul3A_434 {strides = array<i32>} : memref<64x128xf32, #tpu.memory_space<vmem>>, vector<16xf32>,
            %get3A_438 = arith.index_cast %scan3A_422 : i32 to index
            %get3A_439 = arith.constant 32 : index
            %get3A_440 = tpu.vector_load %run_scoped3A_10[%get3A_438, %get3A_439] {strides = array<i32>} : memref<64x128xf32, #tpu.memory_space<vmem>>, vector<16xf32>,
            %mul3A_441 = arith.mulf %get3A_440, %gather3A : vector<16xf32>
            %swap3A_442 = arith.index_cast %scan3A_422 : i32 to index
            %swap3A_443 = arith.constant 32 : index
            %swap3A_444 = tpu.vector_load %run_scoped3A_10[%swap3A_442, %swap3A_443] {strides = array<i32>} : memref<64x128xf32, #tpu.memory_space<vmem>>, vector<16xf32>,
            tpu.vector_store %run_scoped3A_10[%swap3A_442, %swap3A_443], %mul3A_441 {strides = array<i32>} : memref<64x128xf32, #tpu.memory_space<vmem>>, vector<16xf32>,
            %get3A_445 = arith.index_cast %scan3A_422 : i32 to index
            %get3A_446 = arith.constant 48 : index
            %get3A_447 = tpu.vector_load %run_scoped3A_10[%get3A_445, %get3A_446] {strides = array<i32>} : memref<64x128xf32, #tpu.memory_space<vmem>>, vector<16xf32>,
            %mul3A_448 = arith.mulf %get3A_447, %gather3A : vector<16xf32>
            %swap3A_449 = arith.index_cast %scan3A_422 : i32 to index
            %swap3A_450 = arith.constant 48 : index
            %swap3A_451 = tpu.vector_load %run_scoped3A_10[%swap3A_449, %swap3A_450] {strides = array<i32>} : memref<64x128xf32, #tpu.memory_space<vmem>>, vector<16xf32>,
            tpu.vector_store %run_scoped3A_10[%swap3A_449, %swap3A_450], %mul3A_448 {strides = array<i32>} : memref<64x128xf32, #tpu.memory_space<vmem>>, vector<16xf32>,
            %get3A_452 = arith.index_cast %scan3A_422 : i32 to index
            %get3A_453 = arith.constant 64 : index
            %get3A_454 = tpu.vector_load %run_scoped3A_10[%get3A_452, %get3A_453] {strides = array<i32>} : memref<64x128xf32, #tpu.memory_space<vmem>>, vector<16xf32>,
            %mul3A_455 = arith.mulf %get3A_454, %gather3A : vector<16xf32>
            %swap3A_456 = arith.index_cast %scan3A_422 : i32 to index
            %swap3A_457 = arith.constant 64 : index
            %swap3A_458 = tpu.vector_load %run_scoped3A_10[%swap3A_456, %swap3A_457] {strides = array<i32>} : memref<64x128xf32, #tpu.memory_space<vmem>>, vector<16xf32>,
            tpu.vector_store %run_scoped3A_10[%swap3A_456, %swap3A_457], %mul3A_455 {strides = array<i32>} : memref<64x128xf32, #tpu.memory_space<vmem>>, vector<16xf32>,
            %get3A_459 = arith.index_cast %scan3A_422 : i32 to index
            %get3A_460 = arith.constant 80 : index
            %get3A_461 = tpu.vector_load %run_scoped3A_10[%get3A_459, %get3A_460] {strides = array<i32>} : memref<64x128xf32, #tpu.memory_space<vmem>>, vector<16xf32>,
            %mul3A_462 = arith.mulf %get3A_461, %gather3A : vector<16xf32>
            %swap3A_463 = arith.index_cast %scan3A_422 : i32 to index
            %swap3A_464 = arith.constant 80 : index
            %swap3A_465 = tpu.vector_load %run_scoped3A_10[%swap3A_463, %swap3A_464] {strides = array<i32>} : memref<64x128xf32, #tpu.memory_space<vmem>>, vector<16xf32>,
            tpu.vector_store %run_scoped3A_10[%swap3A_463, %swap3A_464], %mul3A_462 {strides = array<i32>} : memref<64x128xf32, #tpu.memory_space<vmem>>, vector<16xf32>,
            %get3A_466 = arith.index_cast %scan3A_422 : i32 to index
            %get3A_467 = arith.constant 96 : index
            %get3A_468 = tpu.vector_load %run_scoped3A_10[%get3A_466, %get3A_467] {strides = array<i32>} : memref<64x128xf32, #tpu.memory_space<vmem>>, vector<16xf32>,
            %mul3A_469 = arith.mulf %get3A_468, %gather3A : vector<16xf32>
            %swap3A_470 = arith.index_cast %scan3A_422 : i32 to index
            %swap3A_471 = arith.constant 96 : index
            %swap3A_472 = tpu.vector_load %run_scoped3A_10[%swap3A_470, %swap3A_471] {strides = array<i32>} : memref<64x128xf32, #tpu.memory_space<vmem>>, vector<16xf32>,
            tpu.vector_store %run_scoped3A_10[%swap3A_470, %swap3A_471], %mul3A_469 {strides = array<i32>} : memref<64x128xf32, #tpu.memory_space<vmem>>, vector<16xf32>,
            %get3A_473 = arith.index_cast %scan3A_422 : i32 to index
            %get3A_474 = arith.constant 112 : index
            %get3A_475 = tpu.vector_load %run_scoped3A_10[%get3A_473, %get3A_474] {strides = array<i32>} : memref<64x128xf32, #tpu.memory_space<vmem>>, vector<16xf32>,
            %mul3A_476 = arith.mulf %get3A_475, %gather3A : vector<16xf32>
            %swap3A_477 = arith.index_cast %scan3A_422 : i32 to index
            %swap3A_478 = arith.constant 112 : index
            %swap3A_479 = tpu.vector_load %run_scoped3A_10[%swap3A_477, %swap3A_478] {strides = array<i32>} : memref<64x128xf32, #tpu.memory_space<vmem>>, vector<16xf32>,
            tpu.vector_store %run_scoped3A_10[%swap3A_477, %swap3A_478], %mul3A_476 {strides = array<i32>} : memref<64x128xf32, #tpu.memory_space<vmem>>, vector<16xf32>,
          }
          %scan3A_421 = arith.constant 64 : i32
          "tpu.region"() ({
            %run_scoped3A_422 = tpu.sem_alloc : memref<!tpu.dma_semaphore, #tpu.memory_space<semaphore_mem>>
            %dma_start3A_423 = arith.constant 0 : i32
            %dma_start3A_424 = arith.constant 0 : i32
            %dma_start3A_425 = tpu.memref_slice %arg11[%dma_start3A_423, %dma_start3A_424] : memref<10000x128xf32, #tpu.memory_space<vmem_shared>> -> memref<10000x128xf32, #tpu.memory_space<vmem_shared>>
            tpu.enqueue_indirect_dma source(%run_scoped3A_10 : memref<64x128xf32, #tpu.memory_space<vmem>>) target(%dma_start3A_425 : memref<10000x128xf32, #tpu.memory_space<vmem_shared>>) offsets(%run_scoped3A_8 : memref<64xi32, #tpu.memory_space<vmem>>) semaphore(%run_scoped3A_422 : memref<!tpu.dma_semaphore, #tpu.memory_space<semaphore_mem>>) {add = true}
            %dma_wait3A_426 = arith.constant 0 : i32
            %dma_wait3A_427 = arith.constant 0 : i32
            %dma_wait3A_428 = tpu.memref_slice %arg11[%dma_wait3A_426, %dma_wait3A_427] : memref<10000x128xf32, #tpu.memory_space<vmem_shared>> -> memref<10000x128xf32, #tpu.memory_space<vmem_shared>>
            tpu.wait_indirect_dma semaphore(%run_scoped3A_422 : memref<!tpu.dma_semaphore, #tpu.memory_space<semaphore_mem>>) src(%run_scoped3A_10 : memref<64x128xf32, #tpu.memory_space<vmem>>) dst(%dma_wait3A_428 : memref<10000x128xf32, #tpu.memory_space<vmem_shared>>)
            tpu.yield
          }) : () -> ()
        } else {
        }
      }
      %scan3A_157 = arith.constant 167 : i32
      %barrier3A_158 = arith.constant 0 : index
      tpu.barrier barrier_id(%barrier3A_158)
      %mul3A_159 = arith.constant 625 : i32
      %mul3A_160 = arith.muli %arg1, %mul3A_159 : i32
      %mul3A_161 = arith.constant 10000 : i32
      %mul3A_162 = arith.muli %add3A_15, %mul3A_161 : i32
      %mul3A_163 = arith.constant 625 : i32
      %mul3A_164 = arith.muli %arg1, %mul3A_163 : i32
      %add3A_165 = arith.addi %mul3A_162, %mul3A_164 : i32
      "tpu.region"() ({
        %run_scoped3A_329 = tpu.sem_alloc : memref<!tpu.dma_semaphore, #tpu.memory_space<semaphore_mem>>
        %dma_start3A_330 = arith.constant 0 : i32
        %dma_start3A_331 = tpu.memref_slice %arg8[%add3A_165, %dma_start3A_330] : memref<40000x128xf32, #tpu.memory_space<hbm>> -> memref<625x128xf32, #tpu.memory_space<hbm>>
        %dma_start3A_332 = arith.constant 0 : i32
        %dma_start3A_333 = tpu.memref_slice %arg11[%mul3A_160, %dma_start3A_332] : memref<10000x128xf32, #tpu.memory_space<vmem_shared>> -> memref<625x128xf32, #tpu.memory_space<vmem_shared>>
        tpu.enqueue_dma source(%dma_start3A_333 : memref<625x128xf32, #tpu.memory_space<vmem_shared>>) target(%dma_start3A_331 : memref<625x128xf32, #tpu.memory_space<hbm>>) target_semaphore(%run_scoped3A_329 : memref<!tpu.dma_semaphore, #tpu.memory_space<semaphore_mem>>)
        %dma_wait3A = arith.constant 0 : i32
        %dma_wait3A_334 = tpu.memref_slice %arg8[%add3A_165, %dma_wait3A] : memref<40000x128xf32, #tpu.memory_space<hbm>> -> memref<625x128xf32, #tpu.memory_space<hbm>>
        %dma_wait3A_335 = arith.constant 0 : i32
        %dma_wait3A_336 = tpu.memref_slice %arg11[%mul3A_160, %dma_wait3A_335] : memref<10000x128xf32, #tpu.memory_space<vmem_shared>> -> memref<625x128xf32, #tpu.memory_space<vmem_shared>>
        tpu.wait_dma2 semaphore(%run_scoped3A_329 : memref<!tpu.dma_semaphore, #tpu.memory_space<semaphore_mem>>) src(%dma_wait3A_336 : memref<625x128xf32, #tpu.memory_space<vmem_shared>>) dst(%dma_wait3A_334 : memref<625x128xf32, #tpu.memory_space<hbm>>)
        tpu.yield
      }) : () -> ()
      %barrier3A_166 = arith.constant 0 : index
      tpu.barrier barrier_id(%barrier3A_166)
      %mul3A_167 = arith.constant 2 : i32
      %mul3A_168 = arith.muli %mul3A_167, %arg0 : i32
      %add3A_169 = arith.constant 1 : i32
      %add3A_170 = arith.addi %mul3A_168, %add3A_169 : i32
      %scan3A_171 = arith.constant 0 : i32
      %scan3A_172 = arith.constant 0 : i32
      %scan3A_173 = arith.constant 64 : i32
      %scan3A_174 = arith.addi %scan3A_172, %scan3A_173 : i32
      %scan3A_175 = arith.constant 1 : i32
      scf.for %scan3A_329 = %scan3A_172 to %scan3A_174 step %scan3A_175  : i32 {
        %broadcast_in_dim3A_330 = arith.constant 0.000000e+00 : f32
        %broadcast_in_dim3A_331 = vector.broadcast %broadcast_in_dim3A_330 : f32 to vector<16xf32>
        %swap3A_332 = arith.index_cast %scan3A_329 : i32 to index
        %swap3A_333 = arith.constant 0 : index
        %swap3A_334 = tpu.vector_load %run_scoped3A_9[%swap3A_332, %swap3A_333] {strides = array<i32>} : memref<64x128xf32, #tpu.memory_space<vmem>>, vector<16xf32>,
        tpu.vector_store %run_scoped3A_9[%swap3A_332, %swap3A_333], %broadcast_in_dim3A_331 {strides = array<i32>} : memref<64x128xf32, #tpu.memory_space<vmem>>, vector<16xf32>,
        %broadcast_in_dim3A_335 = arith.constant 0.000000e+00 : f32
        %broadcast_in_dim3A_336 = vector.broadcast %broadcast_in_dim3A_335 : f32 to vector<16xf32>
        %swap3A_337 = arith.index_cast %scan3A_329 : i32 to index
        %swap3A_338 = arith.constant 16 : index
        %swap3A_339 = tpu.vector_load %run_scoped3A_9[%swap3A_337, %swap3A_338] {strides = array<i32>} : memref<64x128xf32, #tpu.memory_space<vmem>>, vector<16xf32>,
        tpu.vector_store %run_scoped3A_9[%swap3A_337, %swap3A_338], %broadcast_in_dim3A_336 {strides = array<i32>} : memref<64x128xf32, #tpu.memory_space<vmem>>, vector<16xf32>,
        %broadcast_in_dim3A_340 = arith.constant 0.000000e+00 : f32
        %broadcast_in_dim3A_341 = vector.broadcast %broadcast_in_dim3A_340 : f32 to vector<16xf32>
        %swap3A_342 = arith.index_cast %scan3A_329 : i32 to index
        %swap3A_343 = arith.constant 32 : index
        %swap3A_344 = tpu.vector_load %run_scoped3A_9[%swap3A_342, %swap3A_343] {strides = array<i32>} : memref<64x128xf32, #tpu.memory_space<vmem>>, vector<16xf32>,
        tpu.vector_store %run_scoped3A_9[%swap3A_342, %swap3A_343], %broadcast_in_dim3A_341 {strides = array<i32>} : memref<64x128xf32, #tpu.memory_space<vmem>>, vector<16xf32>,
        %broadcast_in_dim3A_345 = arith.constant 0.000000e+00 : f32
        %broadcast_in_dim3A_346 = vector.broadcast %broadcast_in_dim3A_345 : f32 to vector<16xf32>
        %swap3A_347 = arith.index_cast %scan3A_329 : i32 to index
        %swap3A_348 = arith.constant 48 : index
        %swap3A_349 = tpu.vector_load %run_scoped3A_9[%swap3A_347, %swap3A_348] {strides = array<i32>} : memref<64x128xf32, #tpu.memory_space<vmem>>, vector<16xf32>,
        tpu.vector_store %run_scoped3A_9[%swap3A_347, %swap3A_348], %broadcast_in_dim3A_346 {strides = array<i32>} : memref<64x128xf32, #tpu.memory_space<vmem>>, vector<16xf32>,
        %broadcast_in_dim3A_350 = arith.constant 0.000000e+00 : f32
        %broadcast_in_dim3A_351 = vector.broadcast %broadcast_in_dim3A_350 : f32 to vector<16xf32>
        %swap3A_352 = arith.index_cast %scan3A_329 : i32 to index
        %swap3A_353 = arith.constant 64 : index
        %swap3A_354 = tpu.vector_load %run_scoped3A_9[%swap3A_352, %swap3A_353] {strides = array<i32>} : memref<64x128xf32, #tpu.memory_space<vmem>>, vector<16xf32>,
        tpu.vector_store %run_scoped3A_9[%swap3A_352, %swap3A_353], %broadcast_in_dim3A_351 {strides = array<i32>} : memref<64x128xf32, #tpu.memory_space<vmem>>, vector<16xf32>,
        %broadcast_in_dim3A_355 = arith.constant 0.000000e+00 : f32
        %broadcast_in_dim3A_356 = vector.broadcast %broadcast_in_dim3A_355 : f32 to vector<16xf32>
        %swap3A_357 = arith.index_cast %scan3A_329 : i32 to index
        %swap3A_358 = arith.constant 80 : index
        %swap3A_359 = tpu.vector_load %run_scoped3A_9[%swap3A_357, %swap3A_358] {strides = array<i32>} : memref<64x128xf32, #tpu.memory_space<vmem>>, vector<16xf32>,
        tpu.vector_store %run_scoped3A_9[%swap3A_357, %swap3A_358], %broadcast_in_dim3A_356 {strides = array<i32>} : memref<64x128xf32, #tpu.memory_space<vmem>>, vector<16xf32>,
        %broadcast_in_dim3A_360 = arith.constant 0.000000e+00 : f32
        %broadcast_in_dim3A_361 = vector.broadcast %broadcast_in_dim3A_360 : f32 to vector<16xf32>
        %swap3A_362 = arith.index_cast %scan3A_329 : i32 to index
        %swap3A_363 = arith.constant 96 : index
        %swap3A_364 = tpu.vector_load %run_scoped3A_9[%swap3A_362, %swap3A_363] {strides = array<i32>} : memref<64x128xf32, #tpu.memory_space<vmem>>, vector<16xf32>,
        tpu.vector_store %run_scoped3A_9[%swap3A_362, %swap3A_363], %broadcast_in_dim3A_361 {strides = array<i32>} : memref<64x128xf32, #tpu.memory_space<vmem>>, vector<16xf32>,
        %broadcast_in_dim3A_365 = arith.constant 0.000000e+00 : f32
        %broadcast_in_dim3A_366 = vector.broadcast %broadcast_in_dim3A_365 : f32 to vector<16xf32>
        %swap3A_367 = arith.index_cast %scan3A_329 : i32 to index
        %swap3A_368 = arith.constant 112 : index
        %swap3A_369 = tpu.vector_load %run_scoped3A_9[%swap3A_367, %swap3A_368] {strides = array<i32>} : memref<64x128xf32, #tpu.memory_space<vmem>>, vector<16xf32>,
        tpu.vector_store %run_scoped3A_9[%swap3A_367, %swap3A_368], %broadcast_in_dim3A_366 {strides = array<i32>} : memref<64x128xf32, #tpu.memory_space<vmem>>, vector<16xf32>,
      }
      %scan3A_176 = arith.constant 64 : i32
      %mul3A_177 = arith.constant 625 : i32
      %mul3A_178 = arith.muli %arg1, %mul3A_177 : i32
      %add3A_179 = arith.constant 0 : i32
      %add3A_180 = arith.addi %mul3A_178, %add3A_179 : i32
      "tpu.region"() ({
        %run_scoped3A_329 = tpu.sem_alloc : memref<!tpu.dma_semaphore, #tpu.memory_space<semaphore_mem>>
        %dma_start3A_330 = arith.constant 0 : i32
        %dma_start3A_331 = tpu.memref_slice %arg11[%add3A_180, %dma_start3A_330] : memref<10000x128xf32, #tpu.memory_space<vmem_shared>> -> memref<64x128xf32, #tpu.memory_space<vmem_shared>>
        %dma_start3A_332 = arith.constant 0 : i32
        %dma_start3A_333 = tpu.memref_slice %arg11[%add3A_180, %dma_start3A_332] : memref<10000x128xf32, #tpu.memory_space<vmem_shared>> -> memref<64x128xf32, #tpu.memory_space<vmem_shared>>
        tpu.enqueue_dma source(%run_scoped3A_9 : memref<64x128xf32, #tpu.memory_space<vmem>>) target(%dma_start3A_333 : memref<64x128xf32, #tpu.memory_space<vmem_shared>>) target_semaphore(%run_scoped3A_329 : memref<!tpu.dma_semaphore, #tpu.memory_space<semaphore_mem>>)
        %dma_wait3A = arith.constant 0 : i32
        %dma_wait3A_334 = tpu.memref_slice %arg11[%add3A_180, %dma_wait3A] : memref<10000x128xf32, #tpu.memory_space<vmem_shared>> -> memref<64x128xf32, #tpu.memory_space<vmem_shared>>
        %dma_wait3A_335 = arith.constant 0 : i32
        %dma_wait3A_336 = tpu.memref_slice %arg11[%add3A_180, %dma_wait3A_335] : memref<10000x128xf32, #tpu.memory_space<vmem_shared>> -> memref<64x128xf32, #tpu.memory_space<vmem_shared>>
        tpu.wait_dma2 semaphore(%run_scoped3A_329 : memref<!tpu.dma_semaphore, #tpu.memory_space<semaphore_mem>>) src(%run_scoped3A_9 : memref<64x128xf32, #tpu.memory_space<vmem>>) dst(%dma_wait3A_336 : memref<64x128xf32, #tpu.memory_space<vmem_shared>>)
        tpu.yield
      }) : () -> ()
      %mul3A_181 = arith.constant 625 : i32
      %mul3A_182 = arith.muli %arg1, %mul3A_181 : i32
      %add3A_183 = arith.constant 64 : i32
      %add3A_184 = arith.addi %mul3A_182, %add3A_183 : i32
      "tpu.region"() ({
        %run_scoped3A_329 = tpu.sem_alloc : memref<!tpu.dma_semaphore, #tpu.memory_space<semaphore_mem>>
        %dma_start3A_330 = arith.constant 0 : i32
        %dma_start3A_331 = tpu.memref_slice %arg11[%add3A_184, %dma_start3A_330] : memref<10000x128xf32, #tpu.memory_space<vmem_shared>> -> memref<64x128xf32, #tpu.memory_space<vmem_shared>>
        %dma_start3A_332 = arith.constant 0 : i32
        %dma_start3A_333 = tpu.memref_slice %arg11[%add3A_184, %dma_start3A_332] : memref<10000x128xf32, #tpu.memory_space<vmem_shared>> -> memref<64x128xf32, #tpu.memory_space<vmem_shared>>
        tpu.enqueue_dma source(%run_scoped3A_9 : memref<64x128xf32, #tpu.memory_space<vmem>>) target(%dma_start3A_333 : memref<64x128xf32, #tpu.memory_space<vmem_shared>>) target_semaphore(%run_scoped3A_329 : memref<!tpu.dma_semaphore, #tpu.memory_space<semaphore_mem>>)
        %dma_wait3A = arith.constant 0 : i32
        %dma_wait3A_334 = tpu.memref_slice %arg11[%add3A_184, %dma_wait3A] : memref<10000x128xf32, #tpu.memory_space<vmem_shared>> -> memref<64x128xf32, #tpu.memory_space<vmem_shared>>
        %dma_wait3A_335 = arith.constant 0 : i32
        %dma_wait3A_336 = tpu.memref_slice %arg11[%add3A_184, %dma_wait3A_335] : memref<10000x128xf32, #tpu.memory_space<vmem_shared>> -> memref<64x128xf32, #tpu.memory_space<vmem_shared>>
        tpu.wait_dma2 semaphore(%run_scoped3A_329 : memref<!tpu.dma_semaphore, #tpu.memory_space<semaphore_mem>>) src(%run_scoped3A_9 : memref<64x128xf32, #tpu.memory_space<vmem>>) dst(%dma_wait3A_336 : memref<64x128xf32, #tpu.memory_space<vmem_shared>>)
        tpu.yield
      }) : () -> ()
      %mul3A_185 = arith.constant 625 : i32
      %mul3A_186 = arith.muli %arg1, %mul3A_185 : i32
      %add3A_187 = arith.constant 128 : i32
      %add3A_188 = arith.addi %mul3A_186, %add3A_187 : i32
      "tpu.region"() ({
        %run_scoped3A_329 = tpu.sem_alloc : memref<!tpu.dma_semaphore, #tpu.memory_space<semaphore_mem>>
        %dma_start3A_330 = arith.constant 0 : i32
        %dma_start3A_331 = tpu.memref_slice %arg11[%add3A_188, %dma_start3A_330] : memref<10000x128xf32, #tpu.memory_space<vmem_shared>> -> memref<64x128xf32, #tpu.memory_space<vmem_shared>>
        %dma_start3A_332 = arith.constant 0 : i32
        %dma_start3A_333 = tpu.memref_slice %arg11[%add3A_188, %dma_start3A_332] : memref<10000x128xf32, #tpu.memory_space<vmem_shared>> -> memref<64x128xf32, #tpu.memory_space<vmem_shared>>
        tpu.enqueue_dma source(%run_scoped3A_9 : memref<64x128xf32, #tpu.memory_space<vmem>>) target(%dma_start3A_333 : memref<64x128xf32, #tpu.memory_space<vmem_shared>>) target_semaphore(%run_scoped3A_329 : memref<!tpu.dma_semaphore, #tpu.memory_space<semaphore_mem>>)
        %dma_wait3A = arith.constant 0 : i32
        %dma_wait3A_334 = tpu.memref_slice %arg11[%add3A_188, %dma_wait3A] : memref<10000x128xf32, #tpu.memory_space<vmem_shared>> -> memref<64x128xf32, #tpu.memory_space<vmem_shared>>
        %dma_wait3A_335 = arith.constant 0 : i32
        %dma_wait3A_336 = tpu.memref_slice %arg11[%add3A_188, %dma_wait3A_335] : memref<10000x128xf32, #tpu.memory_space<vmem_shared>> -> memref<64x128xf32, #tpu.memory_space<vmem_shared>>
        tpu.wait_dma2 semaphore(%run_scoped3A_329 : memref<!tpu.dma_semaphore, #tpu.memory_space<semaphore_mem>>) src(%run_scoped3A_9 : memref<64x128xf32, #tpu.memory_space<vmem>>) dst(%dma_wait3A_336 : memref<64x128xf32, #tpu.memory_space<vmem_shared>>)
        tpu.yield
      }) : () -> ()
      %mul3A_189 = arith.constant 625 : i32
      %mul3A_190 = arith.muli %arg1, %mul3A_189 : i32
      %add3A_191 = arith.constant 192 : i32
      %add3A_192 = arith.addi %mul3A_190, %add3A_191 : i32
      "tpu.region"() ({
        %run_scoped3A_329 = tpu.sem_alloc : memref<!tpu.dma_semaphore, #tpu.memory_space<semaphore_mem>>
        %dma_start3A_330 = arith.constant 0 : i32
        %dma_start3A_331 = tpu.memref_slice %arg11[%add3A_192, %dma_start3A_330] : memref<10000x128xf32, #tpu.memory_space<vmem_shared>> -> memref<64x128xf32, #tpu.memory_space<vmem_shared>>
        %dma_start3A_332 = arith.constant 0 : i32
        %dma_start3A_333 = tpu.memref_slice %arg11[%add3A_192, %dma_start3A_332] : memref<10000x128xf32, #tpu.memory_space<vmem_shared>> -> memref<64x128xf32, #tpu.memory_space<vmem_shared>>
        tpu.enqueue_dma source(%run_scoped3A_9 : memref<64x128xf32, #tpu.memory_space<vmem>>) target(%dma_start3A_333 : memref<64x128xf32, #tpu.memory_space<vmem_shared>>) target_semaphore(%run_scoped3A_329 : memref<!tpu.dma_semaphore, #tpu.memory_space<semaphore_mem>>)
        %dma_wait3A = arith.constant 0 : i32
        %dma_wait3A_334 = tpu.memref_slice %arg11[%add3A_192, %dma_wait3A] : memref<10000x128xf32, #tpu.memory_space<vmem_shared>> -> memref<64x128xf32, #tpu.memory_space<vmem_shared>>
        %dma_wait3A_335 = arith.constant 0 : i32
        %dma_wait3A_336 = tpu.memref_slice %arg11[%add3A_192, %dma_wait3A_335] : memref<10000x128xf32, #tpu.memory_space<vmem_shared>> -> memref<64x128xf32, #tpu.memory_space<vmem_shared>>
        tpu.wait_dma2 semaphore(%run_scoped3A_329 : memref<!tpu.dma_semaphore, #tpu.memory_space<semaphore_mem>>) src(%run_scoped3A_9 : memref<64x128xf32, #tpu.memory_space<vmem>>) dst(%dma_wait3A_336 : memref<64x128xf32, #tpu.memory_space<vmem_shared>>)
        tpu.yield
      }) : () -> ()
      %mul3A_193 = arith.constant 625 : i32
      %mul3A_194 = arith.muli %arg1, %mul3A_193 : i32
      %add3A_195 = arith.constant 256 : i32
      %add3A_196 = arith.addi %mul3A_194, %add3A_195 : i32
      "tpu.region"() ({
        %run_scoped3A_329 = tpu.sem_alloc : memref<!tpu.dma_semaphore, #tpu.memory_space<semaphore_mem>>
        %dma_start3A_330 = arith.constant 0 : i32
        %dma_start3A_331 = tpu.memref_slice %arg11[%add3A_196, %dma_start3A_330] : memref<10000x128xf32, #tpu.memory_space<vmem_shared>> -> memref<64x128xf32, #tpu.memory_space<vmem_shared>>
        %dma_start3A_332 = arith.constant 0 : i32
        %dma_start3A_333 = tpu.memref_slice %arg11[%add3A_196, %dma_start3A_332] : memref<10000x128xf32, #tpu.memory_space<vmem_shared>> -> memref<64x128xf32, #tpu.memory_space<vmem_shared>>
        tpu.enqueue_dma source(%run_scoped3A_9 : memref<64x128xf32, #tpu.memory_space<vmem>>) target(%dma_start3A_333 : memref<64x128xf32, #tpu.memory_space<vmem_shared>>) target_semaphore(%run_scoped3A_329 : memref<!tpu.dma_semaphore, #tpu.memory_space<semaphore_mem>>)
        %dma_wait3A = arith.constant 0 : i32
        %dma_wait3A_334 = tpu.memref_slice %arg11[%add3A_196, %dma_wait3A] : memref<10000x128xf32, #tpu.memory_space<vmem_shared>> -> memref<64x128xf32, #tpu.memory_space<vmem_shared>>
        %dma_wait3A_335 = arith.constant 0 : i32
        %dma_wait3A_336 = tpu.memref_slice %arg11[%add3A_196, %dma_wait3A_335] : memref<10000x128xf32, #tpu.memory_space<vmem_shared>> -> memref<64x128xf32, #tpu.memory_space<vmem_shared>>
        tpu.wait_dma2 semaphore(%run_scoped3A_329 : memref<!tpu.dma_semaphore, #tpu.memory_space<semaphore_mem>>) src(%run_scoped3A_9 : memref<64x128xf32, #tpu.memory_space<vmem>>) dst(%dma_wait3A_336 : memref<64x128xf32, #tpu.memory_space<vmem_shared>>)
        tpu.yield
      }) : () -> ()
      %mul3A_197 = arith.constant 625 : i32
      %mul3A_198 = arith.muli %arg1, %mul3A_197 : i32
      %add3A_199 = arith.constant 320 : i32
      %add3A_200 = arith.addi %mul3A_198, %add3A_199 : i32
      "tpu.region"() ({
        %run_scoped3A_329 = tpu.sem_alloc : memref<!tpu.dma_semaphore, #tpu.memory_space<semaphore_mem>>
        %dma_start3A_330 = arith.constant 0 : i32
        %dma_start3A_331 = tpu.memref_slice %arg11[%add3A_200, %dma_start3A_330] : memref<10000x128xf32, #tpu.memory_space<vmem_shared>> -> memref<64x128xf32, #tpu.memory_space<vmem_shared>>
        %dma_start3A_332 = arith.constant 0 : i32
        %dma_start3A_333 = tpu.memref_slice %arg11[%add3A_200, %dma_start3A_332] : memref<10000x128xf32, #tpu.memory_space<vmem_shared>> -> memref<64x128xf32, #tpu.memory_space<vmem_shared>>
        tpu.enqueue_dma source(%run_scoped3A_9 : memref<64x128xf32, #tpu.memory_space<vmem>>) target(%dma_start3A_333 : memref<64x128xf32, #tpu.memory_space<vmem_shared>>) target_semaphore(%run_scoped3A_329 : memref<!tpu.dma_semaphore, #tpu.memory_space<semaphore_mem>>)
        %dma_wait3A = arith.constant 0 : i32
        %dma_wait3A_334 = tpu.memref_slice %arg11[%add3A_200, %dma_wait3A] : memref<10000x128xf32, #tpu.memory_space<vmem_shared>> -> memref<64x128xf32, #tpu.memory_space<vmem_shared>>
        %dma_wait3A_335 = arith.constant 0 : i32
        %dma_wait3A_336 = tpu.memref_slice %arg11[%add3A_200, %dma_wait3A_335] : memref<10000x128xf32, #tpu.memory_space<vmem_shared>> -> memref<64x128xf32, #tpu.memory_space<vmem_shared>>
        tpu.wait_dma2 semaphore(%run_scoped3A_329 : memref<!tpu.dma_semaphore, #tpu.memory_space<semaphore_mem>>) src(%run_scoped3A_9 : memref<64x128xf32, #tpu.memory_space<vmem>>) dst(%dma_wait3A_336 : memref<64x128xf32, #tpu.memory_space<vmem_shared>>)
        tpu.yield
      }) : () -> ()
      %mul3A_201 = arith.constant 625 : i32
      %mul3A_202 = arith.muli %arg1, %mul3A_201 : i32
      %add3A_203 = arith.constant 384 : i32
      %add3A_204 = arith.addi %mul3A_202, %add3A_203 : i32
      "tpu.region"() ({
        %run_scoped3A_329 = tpu.sem_alloc : memref<!tpu.dma_semaphore, #tpu.memory_space<semaphore_mem>>
        %dma_start3A_330 = arith.constant 0 : i32
        %dma_start3A_331 = tpu.memref_slice %arg11[%add3A_204, %dma_start3A_330] : memref<10000x128xf32, #tpu.memory_space<vmem_shared>> -> memref<64x128xf32, #tpu.memory_space<vmem_shared>>
        %dma_start3A_332 = arith.constant 0 : i32
        %dma_start3A_333 = tpu.memref_slice %arg11[%add3A_204, %dma_start3A_332] : memref<10000x128xf32, #tpu.memory_space<vmem_shared>> -> memref<64x128xf32, #tpu.memory_space<vmem_shared>>
        tpu.enqueue_dma source(%run_scoped3A_9 : memref<64x128xf32, #tpu.memory_space<vmem>>) target(%dma_start3A_333 : memref<64x128xf32, #tpu.memory_space<vmem_shared>>) target_semaphore(%run_scoped3A_329 : memref<!tpu.dma_semaphore, #tpu.memory_space<semaphore_mem>>)
        %dma_wait3A = arith.constant 0 : i32
        %dma_wait3A_334 = tpu.memref_slice %arg11[%add3A_204, %dma_wait3A] : memref<10000x128xf32, #tpu.memory_space<vmem_shared>> -> memref<64x128xf32, #tpu.memory_space<vmem_shared>>
        %dma_wait3A_335 = arith.constant 0 : i32
        %dma_wait3A_336 = tpu.memref_slice %arg11[%add3A_204, %dma_wait3A_335] : memref<10000x128xf32, #tpu.memory_space<vmem_shared>> -> memref<64x128xf32, #tpu.memory_space<vmem_shared>>
        tpu.wait_dma2 semaphore(%run_scoped3A_329 : memref<!tpu.dma_semaphore, #tpu.memory_space<semaphore_mem>>) src(%run_scoped3A_9 : memref<64x128xf32, #tpu.memory_space<vmem>>) dst(%dma_wait3A_336 : memref<64x128xf32, #tpu.memory_space<vmem_shared>>)
        tpu.yield
      }) : () -> ()
      %mul3A_205 = arith.constant 625 : i32
      %mul3A_206 = arith.muli %arg1, %mul3A_205 : i32
      %add3A_207 = arith.constant 448 : i32
      %add3A_208 = arith.addi %mul3A_206, %add3A_207 : i32
      "tpu.region"() ({
        %run_scoped3A_329 = tpu.sem_alloc : memref<!tpu.dma_semaphore, #tpu.memory_space<semaphore_mem>>
        %dma_start3A_330 = arith.constant 0 : i32
        %dma_start3A_331 = tpu.memref_slice %arg11[%add3A_208, %dma_start3A_330] : memref<10000x128xf32, #tpu.memory_space<vmem_shared>> -> memref<64x128xf32, #tpu.memory_space<vmem_shared>>
        %dma_start3A_332 = arith.constant 0 : i32
        %dma_start3A_333 = tpu.memref_slice %arg11[%add3A_208, %dma_start3A_332] : memref<10000x128xf32, #tpu.memory_space<vmem_shared>> -> memref<64x128xf32, #tpu.memory_space<vmem_shared>>
        tpu.enqueue_dma source(%run_scoped3A_9 : memref<64x128xf32, #tpu.memory_space<vmem>>) target(%dma_start3A_333 : memref<64x128xf32, #tpu.memory_space<vmem_shared>>) target_semaphore(%run_scoped3A_329 : memref<!tpu.dma_semaphore, #tpu.memory_space<semaphore_mem>>)
        %dma_wait3A = arith.constant 0 : i32
        %dma_wait3A_334 = tpu.memref_slice %arg11[%add3A_208, %dma_wait3A] : memref<10000x128xf32, #tpu.memory_space<vmem_shared>> -> memref<64x128xf32, #tpu.memory_space<vmem_shared>>
        %dma_wait3A_335 = arith.constant 0 : i32
        %dma_wait3A_336 = tpu.memref_slice %arg11[%add3A_208, %dma_wait3A_335] : memref<10000x128xf32, #tpu.memory_space<vmem_shared>> -> memref<64x128xf32, #tpu.memory_space<vmem_shared>>
        tpu.wait_dma2 semaphore(%run_scoped3A_329 : memref<!tpu.dma_semaphore, #tpu.memory_space<semaphore_mem>>) src(%run_scoped3A_9 : memref<64x128xf32, #tpu.memory_space<vmem>>) dst(%dma_wait3A_336 : memref<64x128xf32, #tpu.memory_space<vmem_shared>>)
        tpu.yield
      }) : () -> ()
      %mul3A_209 = arith.constant 625 : i32
      %mul3A_210 = arith.muli %arg1, %mul3A_209 : i32
      %add3A_211 = arith.constant 512 : i32
      %add3A_212 = arith.addi %mul3A_210, %add3A_211 : i32
      "tpu.region"() ({
        %run_scoped3A_329 = tpu.sem_alloc : memref<!tpu.dma_semaphore, #tpu.memory_space<semaphore_mem>>
        %dma_start3A_330 = arith.constant 0 : i32
        %dma_start3A_331 = tpu.memref_slice %arg11[%add3A_212, %dma_start3A_330] : memref<10000x128xf32, #tpu.memory_space<vmem_shared>> -> memref<64x128xf32, #tpu.memory_space<vmem_shared>>
        %dma_start3A_332 = arith.constant 0 : i32
        %dma_start3A_333 = tpu.memref_slice %arg11[%add3A_212, %dma_start3A_332] : memref<10000x128xf32, #tpu.memory_space<vmem_shared>> -> memref<64x128xf32, #tpu.memory_space<vmem_shared>>
        tpu.enqueue_dma source(%run_scoped3A_9 : memref<64x128xf32, #tpu.memory_space<vmem>>) target(%dma_start3A_333 : memref<64x128xf32, #tpu.memory_space<vmem_shared>>) target_semaphore(%run_scoped3A_329 : memref<!tpu.dma_semaphore, #tpu.memory_space<semaphore_mem>>)
        %dma_wait3A = arith.constant 0 : i32
        %dma_wait3A_334 = tpu.memref_slice %arg11[%add3A_212, %dma_wait3A] : memref<10000x128xf32, #tpu.memory_space<vmem_shared>> -> memref<64x128xf32, #tpu.memory_space<vmem_shared>>
        %dma_wait3A_335 = arith.constant 0 : i32
        %dma_wait3A_336 = tpu.memref_slice %arg11[%add3A_212, %dma_wait3A_335] : memref<10000x128xf32, #tpu.memory_space<vmem_shared>> -> memref<64x128xf32, #tpu.memory_space<vmem_shared>>
        tpu.wait_dma2 semaphore(%run_scoped3A_329 : memref<!tpu.dma_semaphore, #tpu.memory_space<semaphore_mem>>) src(%run_scoped3A_9 : memref<64x128xf32, #tpu.memory_space<vmem>>) dst(%dma_wait3A_336 : memref<64x128xf32, #tpu.memory_space<vmem_shared>>)
        tpu.yield
      }) : () -> ()
      %mul3A_213 = arith.constant 625 : i32
      %mul3A_214 = arith.muli %arg1, %mul3A_213 : i32
      %add3A_215 = arith.constant 576 : i32
      %add3A_216 = arith.addi %mul3A_214, %add3A_215 : i32
      "tpu.region"() ({
        %run_scoped3A_329 = tpu.sem_alloc : memref<!tpu.dma_semaphore, #tpu.memory_space<semaphore_mem>>
        %dma_start3A_330 = arith.constant 0 : i32
        %dma_start3A_331 = arith.constant 0 : i32
        %dma_start3A_332 = tpu.memref_slice %run_scoped3A_9[%dma_start3A_330, %dma_start3A_331] : memref<64x128xf32, #tpu.memory_space<vmem>> -> memref<49x128xf32, #tpu.memory_space<vmem>>
        %dma_start3A_333 = arith.constant 0 : i32
        %dma_start3A_334 = tpu.memref_slice %arg11[%add3A_216, %dma_start3A_333] : memref<10000x128xf32, #tpu.memory_space<vmem_shared>> -> memref<49x128xf32, #tpu.memory_space<vmem_shared>>
        %dma_start3A_335 = arith.constant 0 : i32
        %dma_start3A_336 = tpu.memref_slice %arg11[%add3A_216, %dma_start3A_335] : memref<10000x128xf32, #tpu.memory_space<vmem_shared>> -> memref<49x128xf32, #tpu.memory_space<vmem_shared>>
        %dma_start3A_337 = arith.constant 0 : i32
        %dma_start3A_338 = arith.constant 0 : i32
        %dma_start3A_339 = tpu.memref_slice %run_scoped3A_9[%dma_start3A_337, %dma_start3A_338] : memref<64x128xf32, #tpu.memory_space<vmem>> -> memref<49x128xf32, #tpu.memory_space<vmem>>
        tpu.enqueue_dma source(%dma_start3A_339 : memref<49x128xf32, #tpu.memory_space<vmem>>) target(%dma_start3A_336 : memref<49x128xf32, #tpu.memory_space<vmem_shared>>) target_semaphore(%run_scoped3A_329 : memref<!tpu.dma_semaphore, #tpu.memory_space<semaphore_mem>>)
        %dma_wait3A = arith.constant 0 : i32
        %dma_wait3A_340 = arith.constant 0 : i32
        %dma_wait3A_341 = tpu.memref_slice %run_scoped3A_9[%dma_wait3A, %dma_wait3A_340] : memref<64x128xf32, #tpu.memory_space<vmem>> -> memref<49x128xf32, #tpu.memory_space<vmem>>
        %dma_wait3A_342 = arith.constant 0 : i32
        %dma_wait3A_343 = tpu.memref_slice %arg11[%add3A_216, %dma_wait3A_342] : memref<10000x128xf32, #tpu.memory_space<vmem_shared>> -> memref<49x128xf32, #tpu.memory_space<vmem_shared>>
        %dma_wait3A_344 = arith.constant 0 : i32
        %dma_wait3A_345 = tpu.memref_slice %arg11[%add3A_216, %dma_wait3A_344] : memref<10000x128xf32, #tpu.memory_space<vmem_shared>> -> memref<49x128xf32, #tpu.memory_space<vmem_shared>>
        %dma_wait3A_346 = arith.constant 0 : i32
        %dma_wait3A_347 = arith.constant 0 : i32
        %dma_wait3A_348 = tpu.memref_slice %run_scoped3A_9[%dma_wait3A_346, %dma_wait3A_347] : memref<64x128xf32, #tpu.memory_space<vmem>> -> memref<49x128xf32, #tpu.memory_space<vmem>>
        tpu.wait_dma2 semaphore(%run_scoped3A_329 : memref<!tpu.dma_semaphore, #tpu.memory_space<semaphore_mem>>) src(%dma_wait3A_348 : memref<49x128xf32, #tpu.memory_space<vmem>>) dst(%dma_wait3A_345 : memref<49x128xf32, #tpu.memory_space<vmem_shared>>)
        tpu.yield
      }) : () -> ()
      %barrier3A_217 = arith.constant 0 : index
      tpu.barrier barrier_id(%barrier3A_217)
      %get3A_218 = arith.constant 0 : index
      %get3A_219 = tpu.vector_load %run_scoped3A_6[%get3A_218] {strides = array<i32>} : memref<10688xi32, #tpu.memory_space<vmem>>, vector<16xi32>,
      %shift_right_logical3A_220 = arith.constant 14 : i32
      %shift_right_logical3A_221 = vector.broadcast %shift_right_logical3A_220 : i32 to vector<16xi32>
      %shift_right_logical3A_222 = arith.shrui %get3A_219, %shift_right_logical3A_221 : vector<16xi32>
      %and3A_223 = arith.constant 16383 : i32
      %and3A_224 = vector.broadcast %and3A_223 : i32 to vector<16xi32>
      %and3A_225 = arith.andi %get3A_219, %and3A_224 : vector<16xi32>
      %mul3A_226 = arith.constant 10000 : i32
      %mul3A_227 = arith.muli %add3A_170, %mul3A_226 : i32
      %broadcast_in_dim3A_228 = vector.broadcast %mul3A_227 : i32 to vector<16xi32>
      %add3A_229 = arith.addi %and3A_225, %broadcast_in_dim3A_228 : vector<16xi32>
      %swap3A_230 = arith.constant 0 : index
      %swap3A_231 = tpu.vector_load %run_scoped3A[%swap3A_230] {strides = array<i32>} : memref<64xi32, #tpu.memory_space<vmem>>, vector<16xi32>,
      tpu.vector_store %run_scoped3A[%swap3A_230], %add3A_229 {strides = array<i32>} : memref<64xi32, #tpu.memory_space<vmem>>, vector<16xi32>,
      %swap3A_232 = arith.constant 0 : index
      %swap3A_233 = tpu.vector_load %run_scoped3A_7[%swap3A_232] {strides = array<i32>} : memref<64xi32, #tpu.memory_space<vmem>>, vector<16xi32>,
      tpu.vector_store %run_scoped3A_7[%swap3A_232], %shift_right_logical3A_222 {strides = array<i32>} : memref<64xi32, #tpu.memory_space<vmem>>, vector<16xi32>,
      %broadcast_in_dim3A_234 = arith.constant 10000 : i32
      %broadcast_in_dim3A_235 = vector.broadcast %broadcast_in_dim3A_234 : i32 to vector<16xi32>
      %add3A_236 = arith.addi %shift_right_logical3A_222, %broadcast_in_dim3A_235 : vector<16xi32>
      %swap3A_237 = arith.constant 0 : index
      %swap3A_238 = tpu.vector_load %run_scoped3A_2[%swap3A_237] {strides = array<i32>} : memref<64xi32, #tpu.memory_space<vmem>>, vector<16xi32>,
      tpu.vector_store %run_scoped3A_2[%swap3A_237], %add3A_236 {strides = array<i32>} : memref<64xi32, #tpu.memory_space<vmem>>, vector<16xi32>,
      %get3A_239 = arith.constant 16 : index
      %get3A_240 = tpu.vector_load %run_scoped3A_6[%get3A_239] {strides = array<i32>} : memref<10688xi32, #tpu.memory_space<vmem>>, vector<16xi32>,
      %shift_right_logical3A_241 = arith.constant 14 : i32
      %shift_right_logical3A_242 = vector.broadcast %shift_right_logical3A_241 : i32 to vector<16xi32>
      %shift_right_logical3A_243 = arith.shrui %get3A_240, %shift_right_logical3A_242 : vector<16xi32>
      %and3A_244 = arith.constant 16383 : i32
      %and3A_245 = vector.broadcast %and3A_244 : i32 to vector<16xi32>
      %and3A_246 = arith.andi %get3A_240, %and3A_245 : vector<16xi32>
      %mul3A_247 = arith.constant 10000 : i32
      %mul3A_248 = arith.muli %add3A_170, %mul3A_247 : i32
      %broadcast_in_dim3A_249 = vector.broadcast %mul3A_248 : i32 to vector<16xi32>
      %add3A_250 = arith.addi %and3A_246, %broadcast_in_dim3A_249 : vector<16xi32>
      %swap3A_251 = arith.constant 16 : index
      %swap3A_252 = tpu.vector_load %run_scoped3A[%swap3A_251] {strides = array<i32>} : memref<64xi32, #tpu.memory_space<vmem>>, vector<16xi32>,
      tpu.vector_store %run_scoped3A[%swap3A_251], %add3A_250 {strides = array<i32>} : memref<64xi32, #tpu.memory_space<vmem>>, vector<16xi32>,
      %swap3A_253 = arith.constant 16 : index
      %swap3A_254 = tpu.vector_load %run_scoped3A_7[%swap3A_253] {strides = array<i32>} : memref<64xi32, #tpu.memory_space<vmem>>, vector<16xi32>,
      tpu.vector_store %run_scoped3A_7[%swap3A_253], %shift_right_logical3A_243 {strides = array<i32>} : memref<64xi32, #tpu.memory_space<vmem>>, vector<16xi32>,
      %broadcast_in_dim3A_255 = arith.constant 10000 : i32
      %broadcast_in_dim3A_256 = vector.broadcast %broadcast_in_dim3A_255 : i32 to vector<16xi32>
      %add3A_257 = arith.addi %shift_right_logical3A_243, %broadcast_in_dim3A_256 : vector<16xi32>
      %swap3A_258 = arith.constant 16 : index
      %swap3A_259 = tpu.vector_load %run_scoped3A_2[%swap3A_258] {strides = array<i32>} : memref<64xi32, #tpu.memory_space<vmem>>, vector<16xi32>,
      tpu.vector_store %run_scoped3A_2[%swap3A_258], %add3A_257 {strides = array<i32>} : memref<64xi32, #tpu.memory_space<vmem>>, vector<16xi32>,
      %get3A_260 = arith.constant 32 : index
      %get3A_261 = tpu.vector_load %run_scoped3A_6[%get3A_260] {strides = array<i32>} : memref<10688xi32, #tpu.memory_space<vmem>>, vector<16xi32>,
      %shift_right_logical3A_262 = arith.constant 14 : i32
      %shift_right_logical3A_263 = vector.broadcast %shift_right_logical3A_262 : i32 to vector<16xi32>
      %shift_right_logical3A_264 = arith.shrui %get3A_261, %shift_right_logical3A_263 : vector<16xi32>
      %and3A_265 = arith.constant 16383 : i32
      %and3A_266 = vector.broadcast %and3A_265 : i32 to vector<16xi32>
      %and3A_267 = arith.andi %get3A_261, %and3A_266 : vector<16xi32>
      %mul3A_268 = arith.constant 10000 : i32
      %mul3A_269 = arith.muli %add3A_170, %mul3A_268 : i32
      %broadcast_in_dim3A_270 = vector.broadcast %mul3A_269 : i32 to vector<16xi32>
      %add3A_271 = arith.addi %and3A_267, %broadcast_in_dim3A_270 : vector<16xi32>
      %swap3A_272 = arith.constant 32 : index
      %swap3A_273 = tpu.vector_load %run_scoped3A[%swap3A_272] {strides = array<i32>} : memref<64xi32, #tpu.memory_space<vmem>>, vector<16xi32>,
      tpu.vector_store %run_scoped3A[%swap3A_272], %add3A_271 {strides = array<i32>} : memref<64xi32, #tpu.memory_space<vmem>>, vector<16xi32>,
      %swap3A_274 = arith.constant 32 : index
      %swap3A_275 = tpu.vector_load %run_scoped3A_7[%swap3A_274] {strides = array<i32>} : memref<64xi32, #tpu.memory_space<vmem>>, vector<16xi32>,
      tpu.vector_store %run_scoped3A_7[%swap3A_274], %shift_right_logical3A_264 {strides = array<i32>} : memref<64xi32, #tpu.memory_space<vmem>>, vector<16xi32>,
      %broadcast_in_dim3A_276 = arith.constant 10000 : i32
      %broadcast_in_dim3A_277 = vector.broadcast %broadcast_in_dim3A_276 : i32 to vector<16xi32>
      %add3A_278 = arith.addi %shift_right_logical3A_264, %broadcast_in_dim3A_277 : vector<16xi32>
      %swap3A_279 = arith.constant 32 : index
      %swap3A_280 = tpu.vector_load %run_scoped3A_2[%swap3A_279] {strides = array<i32>} : memref<64xi32, #tpu.memory_space<vmem>>, vector<16xi32>,
      tpu.vector_store %run_scoped3A_2[%swap3A_279], %add3A_278 {strides = array<i32>} : memref<64xi32, #tpu.memory_space<vmem>>, vector<16xi32>,
      %get3A_281 = arith.constant 48 : index
      %get3A_282 = tpu.vector_load %run_scoped3A_6[%get3A_281] {strides = array<i32>} : memref<10688xi32, #tpu.memory_space<vmem>>, vector<16xi32>,
      %shift_right_logical3A_283 = arith.constant 14 : i32
      %shift_right_logical3A_284 = vector.broadcast %shift_right_logical3A_283 : i32 to vector<16xi32>
      %shift_right_logical3A_285 = arith.shrui %get3A_282, %shift_right_logical3A_284 : vector<16xi32>
      %and3A_286 = arith.constant 16383 : i32
      %and3A_287 = vector.broadcast %and3A_286 : i32 to vector<16xi32>
      %and3A_288 = arith.andi %get3A_282, %and3A_287 : vector<16xi32>
      %mul3A_289 = arith.constant 10000 : i32
      %mul3A_290 = arith.muli %add3A_170, %mul3A_289 : i32
      %broadcast_in_dim3A_291 = vector.broadcast %mul3A_290 : i32 to vector<16xi32>
      %add3A_292 = arith.addi %and3A_288, %broadcast_in_dim3A_291 : vector<16xi32>
      %swap3A_293 = arith.constant 48 : index
      %swap3A_294 = tpu.vector_load %run_scoped3A[%swap3A_293] {strides = array<i32>} : memref<64xi32, #tpu.memory_space<vmem>>, vector<16xi32>,
      tpu.vector_store %run_scoped3A[%swap3A_293], %add3A_292 {strides = array<i32>} : memref<64xi32, #tpu.memory_space<vmem>>, vector<16xi32>,
      %swap3A_295 = arith.constant 48 : index
      %swap3A_296 = tpu.vector_load %run_scoped3A_7[%swap3A_295] {strides = array<i32>} : memref<64xi32, #tpu.memory_space<vmem>>, vector<16xi32>,
      tpu.vector_store %run_scoped3A_7[%swap3A_295], %shift_right_logical3A_285 {strides = array<i32>} : memref<64xi32, #tpu.memory_space<vmem>>, vector<16xi32>,
      %broadcast_in_dim3A_297 = arith.constant 10000 : i32
      %broadcast_in_dim3A_298 = vector.broadcast %broadcast_in_dim3A_297 : i32 to vector<16xi32>
      %add3A_299 = arith.addi %shift_right_logical3A_285, %broadcast_in_dim3A_298 : vector<16xi32>
      %swap3A_300 = arith.constant 48 : index
      %swap3A_301 = tpu.vector_load %run_scoped3A_2[%swap3A_300] {strides = array<i32>} : memref<64xi32, #tpu.memory_space<vmem>>, vector<16xi32>,
      tpu.vector_store %run_scoped3A_2[%swap3A_300], %add3A_299 {strides = array<i32>} : memref<64xi32, #tpu.memory_space<vmem>>, vector<16xi32>,
      %dma_start3A_302 = arith.constant 0 : i32
      %dma_start3A_303 = arith.constant 0 : i32
      %dma_start3A_304 = tpu.memref_slice %arg2[%dma_start3A_302, %dma_start3A_303] : memref<40000x128xf32, #tpu.memory_space<hbm>> -> memref<40000x128xf32, #tpu.memory_space<hbm>>
      tpu.enqueue_indirect_dma source(%dma_start3A_304 : memref<40000x128xf32, #tpu.memory_space<hbm>>) target(%run_scoped3A_9 : memref<64x128xf32, #tpu.memory_space<vmem>>) offsets(%run_scoped3A : memref<64xi32, #tpu.memory_space<vmem>>) semaphore(%arg12 : memref<!tpu.dma_semaphore, #tpu.memory_space<semaphore_mem>>)
      %mul3A_305 = arith.constant 171008 : i32
      %mul3A_306 = arith.muli %add3A_170, %mul3A_305 : i32
      %mul3A_307 = arith.constant 10688 : i32
      %mul3A_308 = arith.muli %arg1, %mul3A_307 : i32
      %add3A_309 = arith.addi %mul3A_306, %mul3A_308 : i32
      %add3A_310 = arith.constant 0 : i32
      %add3A_311 = arith.addi %add3A_309, %add3A_310 : i32
      %dma_start3A_312 = tpu.memref_slice %arg9[%add3A_311] : memref<684032xf32, #tpu.memory_space<hbm>> -> memref<64xf32, #tpu.memory_space<hbm>>
      %dma_start3A_313 = tpu.memref_slice %arg9[%add3A_311] : memref<684032xf32, #tpu.memory_space<hbm>> -> memref<64xf32, #tpu.memory_space<hbm>>
      tpu.enqueue_dma source(%dma_start3A_313 : memref<64xf32, #tpu.memory_space<hbm>>) target(%run_scoped3A_4 : memref<64xf32, #tpu.memory_space<vmem>>) target_semaphore(%arg13 : memref<!tpu.dma_semaphore, #tpu.memory_space<semaphore_mem>>)
      %scan3A_314 = arith.constant 0 : i32
      %scan3A_315 = arith.constant 0 : i32
      %scan3A_316 = arith.constant 167 : i32
      %scan3A_317 = arith.addi %scan3A_315, %scan3A_316 : i32
      %scan3A_318 = arith.constant 1 : i32
      scf.for %scan3A_329 = %scan3A_315 to %scan3A_317 step %scan3A_318  : i32 {
        %jit3A = arith.constant 2 : i32
        %eq3A = arith.constant 0 : i32
        %eq3A_330 = arith.cmpi eq, %jit3A, %eq3A : i32
        %jit3A_331 = arith.constant 1 : i32
        %select_n3A = arith.select %eq3A_330, %jit3A_331, %jit3A : i32
        %rem3A = arith.remsi %scan3A_329, %select_n3A : i32
        %ne3A = arith.constant 0 : i32
        %ne3A_332 = arith.cmpi ne, %rem3A, %ne3A : i32
        %lt3A = arith.constant 0 : i32
        %lt3A_333 = arith.cmpi slt, %rem3A, %lt3A : i32
        %lt3A_334 = arith.constant 0 : i32
        %lt3A_335 = arith.cmpi slt, %select_n3A, %lt3A_334 : i32
        %ne3A_336 = arith.xori %lt3A_333, %lt3A_335 : i1
        %and3A_337 = arith.andi %ne3A_336, %ne3A_332 : i1
        %add3A_338 = arith.addi %rem3A, %select_n3A : i32
        %select_n3A_339 = arith.select %and3A_337, %add3A_338, %rem3A : i32
        %eq3A_340 = arith.constant 0 : i32
        %eq3A_341 = arith.cmpi eq, %select_n3A_339, %eq3A_340 : i32
        %convert_element_type3A = arith.extui %eq3A_341 : i1 to i32
        %cond3A = arith.constant 0 : i32
        %cond3A_342 = arith.cmpi ne, %convert_element_type3A, %cond3A : i32
        scf.if %cond3A_342 {
          %add3A_364 = arith.constant 1 : i32
          %add3A_365 = arith.addi %scan3A_329, %add3A_364 : i32
          %lt3A_366 = arith.constant 167 : i32
          %lt3A_367 = arith.cmpi slt, %add3A_365, %lt3A_366 : i32
          %convert_element_type3A_368 = arith.extui %lt3A_367 : i1 to i32
          %cond3A_369 = arith.constant 0 : i32
          %cond3A_370 = arith.cmpi ne, %convert_element_type3A_368, %cond3A_369 : i32
          scf.if %cond3A_370 {
            %add3A_422 = arith.constant 1 : i32
            %add3A_423 = arith.addi %scan3A_329, %add3A_422 : i32
            %mul3A_424 = arith.constant 64 : i32
            %mul3A_425 = arith.muli %add3A_423, %mul3A_424 : i32
            %add3A_426 = arith.constant 0 : i32
            %add3A_427 = arith.addi %mul3A_425, %add3A_426 : i32
            %get3A_428 = arith.index_cast %add3A_427 : i32 to index
            %get3A_429 = tpu.vector_load %run_scoped3A_6[%get3A_428] {strides = array<i32>} : memref<10688xi32, #tpu.memory_space<vmem>>, vector<16xi32>,
            %shift_right_logical3A_430 = arith.constant 14 : i32
            %shift_right_logical3A_431 = vector.broadcast %shift_right_logical3A_430 : i32 to vector<16xi32>
            %shift_right_logical3A_432 = arith.shrui %get3A_429, %shift_right_logical3A_431 : vector<16xi32>
            %and3A_433 = arith.constant 16383 : i32
            %and3A_434 = vector.broadcast %and3A_433 : i32 to vector<16xi32>
            %and3A_435 = arith.andi %get3A_429, %and3A_434 : vector<16xi32>
            %mul3A_436 = arith.constant 10000 : i32
            %mul3A_437 = arith.muli %add3A_170, %mul3A_436 : i32
            %broadcast_in_dim3A_438 = vector.broadcast %mul3A_437 : i32 to vector<16xi32>
            %add3A_439 = arith.addi %and3A_435, %broadcast_in_dim3A_438 : vector<16xi32>
            %swap3A_440 = arith.constant 0 : index
            %swap3A_441 = tpu.vector_load %run_scoped3A_0[%swap3A_440] {strides = array<i32>} : memref<64xi32, #tpu.memory_space<vmem>>, vector<16xi32>,
            tpu.vector_store %run_scoped3A_0[%swap3A_440], %add3A_439 {strides = array<i32>} : memref<64xi32, #tpu.memory_space<vmem>>, vector<16xi32>,
            %swap3A_442 = arith.constant 0 : index
            %swap3A_443 = tpu.vector_load %run_scoped3A_8[%swap3A_442] {strides = array<i32>} : memref<64xi32, #tpu.memory_space<vmem>>, vector<16xi32>,
            tpu.vector_store %run_scoped3A_8[%swap3A_442], %shift_right_logical3A_432 {strides = array<i32>} : memref<64xi32, #tpu.memory_space<vmem>>, vector<16xi32>,
            %broadcast_in_dim3A_444 = arith.constant 10000 : i32
            %broadcast_in_dim3A_445 = vector.broadcast %broadcast_in_dim3A_444 : i32 to vector<16xi32>
            %add3A_446 = arith.addi %shift_right_logical3A_432, %broadcast_in_dim3A_445 : vector<16xi32>
            %swap3A_447 = arith.constant 0 : index
            %swap3A_448 = tpu.vector_load %run_scoped3A_3[%swap3A_447] {strides = array<i32>} : memref<64xi32, #tpu.memory_space<vmem>>, vector<16xi32>,
            tpu.vector_store %run_scoped3A_3[%swap3A_447], %add3A_446 {strides = array<i32>} : memref<64xi32, #tpu.memory_space<vmem>>, vector<16xi32>,
            %mul3A_449 = arith.constant 64 : i32
            %mul3A_450 = arith.muli %add3A_423, %mul3A_449 : i32
            %add3A_451 = arith.constant 16 : i32
            %add3A_452 = arith.addi %mul3A_450, %add3A_451 : i32
            %get3A_453 = arith.index_cast %add3A_452 : i32 to index
            %get3A_454 = tpu.vector_load %run_scoped3A_6[%get3A_453] {strides = array<i32>} : memref<10688xi32, #tpu.memory_space<vmem>>, vector<16xi32>,
            %shift_right_logical3A_455 = arith.constant 14 : i32
            %shift_right_logical3A_456 = vector.broadcast %shift_right_logical3A_455 : i32 to vector<16xi32>
            %shift_right_logical3A_457 = arith.shrui %get3A_454, %shift_right_logical3A_456 : vector<16xi32>
            %and3A_458 = arith.constant 16383 : i32
            %and3A_459 = vector.broadcast %and3A_458 : i32 to vector<16xi32>
            %and3A_460 = arith.andi %get3A_454, %and3A_459 : vector<16xi32>
            %mul3A_461 = arith.constant 10000 : i32
            %mul3A_462 = arith.muli %add3A_170, %mul3A_461 : i32
            %broadcast_in_dim3A_463 = vector.broadcast %mul3A_462 : i32 to vector<16xi32>
            %add3A_464 = arith.addi %and3A_460, %broadcast_in_dim3A_463 : vector<16xi32>
            %swap3A_465 = arith.constant 16 : index
            %swap3A_466 = tpu.vector_load %run_scoped3A_0[%swap3A_465] {strides = array<i32>} : memref<64xi32, #tpu.memory_space<vmem>>, vector<16xi32>,
            tpu.vector_store %run_scoped3A_0[%swap3A_465], %add3A_464 {strides = array<i32>} : memref<64xi32, #tpu.memory_space<vmem>>, vector<16xi32>,
            %swap3A_467 = arith.constant 16 : index
            %swap3A_468 = tpu.vector_load %run_scoped3A_8[%swap3A_467] {strides = array<i32>} : memref<64xi32, #tpu.memory_space<vmem>>, vector<16xi32>,
            tpu.vector_store %run_scoped3A_8[%swap3A_467], %shift_right_logical3A_457 {strides = array<i32>} : memref<64xi32, #tpu.memory_space<vmem>>, vector<16xi32>,
            %broadcast_in_dim3A_469 = arith.constant 10000 : i32
            %broadcast_in_dim3A_470 = vector.broadcast %broadcast_in_dim3A_469 : i32 to vector<16xi32>
            %add3A_471 = arith.addi %shift_right_logical3A_457, %broadcast_in_dim3A_470 : vector<16xi32>
            %swap3A_472 = arith.constant 16 : index
            %swap3A_473 = tpu.vector_load %run_scoped3A_3[%swap3A_472] {strides = array<i32>} : memref<64xi32, #tpu.memory_space<vmem>>, vector<16xi32>,
            tpu.vector_store %run_scoped3A_3[%swap3A_472], %add3A_471 {strides = array<i32>} : memref<64xi32, #tpu.memory_space<vmem>>, vector<16xi32>,
            %mul3A_474 = arith.constant 64 : i32
            %mul3A_475 = arith.muli %add3A_423, %mul3A_474 : i32
            %add3A_476 = arith.constant 32 : i32
            %add3A_477 = arith.addi %mul3A_475, %add3A_476 : i32
            %get3A_478 = arith.index_cast %add3A_477 : i32 to index
            %get3A_479 = tpu.vector_load %run_scoped3A_6[%get3A_478] {strides = array<i32>} : memref<10688xi32, #tpu.memory_space<vmem>>, vector<16xi32>,
            %shift_right_logical3A_480 = arith.constant 14 : i32
            %shift_right_logical3A_481 = vector.broadcast %shift_right_logical3A_480 : i32 to vector<16xi32>
            %shift_right_logical3A_482 = arith.shrui %get3A_479, %shift_right_logical3A_481 : vector<16xi32>
            %and3A_483 = arith.constant 16383 : i32
            %and3A_484 = vector.broadcast %and3A_483 : i32 to vector<16xi32>
            %and3A_485 = arith.andi %get3A_479, %and3A_484 : vector<16xi32>
            %mul3A_486 = arith.constant 10000 : i32
            %mul3A_487 = arith.muli %add3A_170, %mul3A_486 : i32
            %broadcast_in_dim3A_488 = vector.broadcast %mul3A_487 : i32 to vector<16xi32>
            %add3A_489 = arith.addi %and3A_485, %broadcast_in_dim3A_488 : vector<16xi32>
            %swap3A_490 = arith.constant 32 : index
            %swap3A_491 = tpu.vector_load %run_scoped3A_0[%swap3A_490] {strides = array<i32>} : memref<64xi32, #tpu.memory_space<vmem>>, vector<16xi32>,
            tpu.vector_store %run_scoped3A_0[%swap3A_490], %add3A_489 {strides = array<i32>} : memref<64xi32, #tpu.memory_space<vmem>>, vector<16xi32>,
            %swap3A_492 = arith.constant 32 : index
            %swap3A_493 = tpu.vector_load %run_scoped3A_8[%swap3A_492] {strides = array<i32>} : memref<64xi32, #tpu.memory_space<vmem>>, vector<16xi32>,
            tpu.vector_store %run_scoped3A_8[%swap3A_492], %shift_right_logical3A_482 {strides = array<i32>} : memref<64xi32, #tpu.memory_space<vmem>>, vector<16xi32>,
            %broadcast_in_dim3A_494 = arith.constant 10000 : i32
            %broadcast_in_dim3A_495 = vector.broadcast %broadcast_in_dim3A_494 : i32 to vector<16xi32>
            %add3A_496 = arith.addi %shift_right_logical3A_482, %broadcast_in_dim3A_495 : vector<16xi32>
            %swap3A_497 = arith.constant 32 : index
            %swap3A_498 = tpu.vector_load %run_scoped3A_3[%swap3A_497] {strides = array<i32>} : memref<64xi32, #tpu.memory_space<vmem>>, vector<16xi32>,
            tpu.vector_store %run_scoped3A_3[%swap3A_497], %add3A_496 {strides = array<i32>} : memref<64xi32, #tpu.memory_space<vmem>>, vector<16xi32>,
            %mul3A_499 = arith.constant 64 : i32
            %mul3A_500 = arith.muli %add3A_423, %mul3A_499 : i32
            %add3A_501 = arith.constant 48 : i32
            %add3A_502 = arith.addi %mul3A_500, %add3A_501 : i32
            %get3A_503 = arith.index_cast %add3A_502 : i32 to index
            %get3A_504 = tpu.vector_load %run_scoped3A_6[%get3A_503] {strides = array<i32>} : memref<10688xi32, #tpu.memory_space<vmem>>, vector<16xi32>,
            %shift_right_logical3A_505 = arith.constant 14 : i32
            %shift_right_logical3A_506 = vector.broadcast %shift_right_logical3A_505 : i32 to vector<16xi32>
            %shift_right_logical3A_507 = arith.shrui %get3A_504, %shift_right_logical3A_506 : vector<16xi32>
            %and3A_508 = arith.constant 16383 : i32
            %and3A_509 = vector.broadcast %and3A_508 : i32 to vector<16xi32>
            %and3A_510 = arith.andi %get3A_504, %and3A_509 : vector<16xi32>
            %mul3A_511 = arith.constant 10000 : i32
            %mul3A_512 = arith.muli %add3A_170, %mul3A_511 : i32
            %broadcast_in_dim3A_513 = vector.broadcast %mul3A_512 : i32 to vector<16xi32>
            %add3A_514 = arith.addi %and3A_510, %broadcast_in_dim3A_513 : vector<16xi32>
            %swap3A_515 = arith.constant 48 : index
            %swap3A_516 = tpu.vector_load %run_scoped3A_0[%swap3A_515] {strides = array<i32>} : memref<64xi32, #tpu.memory_space<vmem>>, vector<16xi32>,
            tpu.vector_store %run_scoped3A_0[%swap3A_515], %add3A_514 {strides = array<i32>} : memref<64xi32, #tpu.memory_space<vmem>>, vector<16xi32>,
            %swap3A_517 = arith.constant 48 : index
            %swap3A_518 = tpu.vector_load %run_scoped3A_8[%swap3A_517] {strides = array<i32>} : memref<64xi32, #tpu.memory_space<vmem>>, vector<16xi32>,
            tpu.vector_store %run_scoped3A_8[%swap3A_517], %shift_right_logical3A_507 {strides = array<i32>} : memref<64xi32, #tpu.memory_space<vmem>>, vector<16xi32>,
            %broadcast_in_dim3A_519 = arith.constant 10000 : i32
            %broadcast_in_dim3A_520 = vector.broadcast %broadcast_in_dim3A_519 : i32 to vector<16xi32>
            %add3A_521 = arith.addi %shift_right_logical3A_507, %broadcast_in_dim3A_520 : vector<16xi32>
            %swap3A_522 = arith.constant 48 : index
            %swap3A_523 = tpu.vector_load %run_scoped3A_3[%swap3A_522] {strides = array<i32>} : memref<64xi32, #tpu.memory_space<vmem>>, vector<16xi32>,
            tpu.vector_store %run_scoped3A_3[%swap3A_522], %add3A_521 {strides = array<i32>} : memref<64xi32, #tpu.memory_space<vmem>>, vector<16xi32>,
            %dma_start3A_524 = arith.constant 0 : i32
            %dma_start3A_525 = arith.constant 0 : i32
            %dma_start3A_526 = tpu.memref_slice %arg2[%dma_start3A_524, %dma_start3A_525] : memref<40000x128xf32, #tpu.memory_space<hbm>> -> memref<40000x128xf32, #tpu.memory_space<hbm>>
            tpu.enqueue_indirect_dma source(%dma_start3A_526 : memref<40000x128xf32, #tpu.memory_space<hbm>>) target(%run_scoped3A_10 : memref<64x128xf32, #tpu.memory_space<vmem>>) offsets(%run_scoped3A_0 : memref<64xi32, #tpu.memory_space<vmem>>) semaphore(%arg14 : memref<!tpu.dma_semaphore, #tpu.memory_space<semaphore_mem>>)
            %mul3A_527 = arith.constant 171008 : i32
            %mul3A_528 = arith.muli %add3A_170, %mul3A_527 : i32
            %mul3A_529 = arith.constant 10688 : i32
            %mul3A_530 = arith.muli %arg1, %mul3A_529 : i32
            %add3A_531 = arith.addi %mul3A_528, %mul3A_530 : i32
            %mul3A_532 = arith.constant 64 : i32
            %mul3A_533 = arith.muli %add3A_423, %mul3A_532 : i32
            %add3A_534 = arith.addi %add3A_531, %mul3A_533 : i32
            %dma_start3A_535 = tpu.memref_slice %arg9[%add3A_534] : memref<684032xf32, #tpu.memory_space<hbm>> -> memref<64xf32, #tpu.memory_space<hbm>>
            %dma_start3A_536 = tpu.memref_slice %arg9[%add3A_534] : memref<684032xf32, #tpu.memory_space<hbm>> -> memref<64xf32, #tpu.memory_space<hbm>>
            tpu.enqueue_dma source(%dma_start3A_536 : memref<64xf32, #tpu.memory_space<hbm>>) target(%run_scoped3A_5 : memref<64xf32, #tpu.memory_space<vmem>>) target_semaphore(%arg15 : memref<!tpu.dma_semaphore, #tpu.memory_space<semaphore_mem>>)
          } else {
          }
          "tpu.region"() ({
            %run_scoped3A_422 = tpu.sem_alloc : memref<!tpu.dma_semaphore, #tpu.memory_space<semaphore_mem>>
            %dma_start3A_423 = arith.constant 0 : i32
            %dma_start3A_424 = tpu.memref_slice %arg10[%dma_start3A_423] : memref<20000xf32, #tpu.memory_space<vmem_shared>> -> memref<20000xf32, #tpu.memory_space<vmem_shared>>
            tpu.enqueue_indirect_dma source(%dma_start3A_424 : memref<20000xf32, #tpu.memory_space<vmem_shared>>) target(%run_scoped3A_1 : memref<64xf32, #tpu.memory_space<vmem>>) offsets(%run_scoped3A_2 : memref<64xi32, #tpu.memory_space<vmem>>) semaphore(%run_scoped3A_422 : memref<!tpu.dma_semaphore, #tpu.memory_space<semaphore_mem>>)
            %dma_wait3A_425 = arith.constant 0 : i32
            %dma_wait3A_426 = tpu.memref_slice %arg10[%dma_wait3A_425] : memref<20000xf32, #tpu.memory_space<vmem_shared>> -> memref<20000xf32, #tpu.memory_space<vmem_shared>>
            tpu.wait_indirect_dma semaphore(%run_scoped3A_422 : memref<!tpu.dma_semaphore, #tpu.memory_space<semaphore_mem>>) src(%dma_wait3A_426 : memref<20000xf32, #tpu.memory_space<vmem_shared>>) dst(%run_scoped3A_1 : memref<64xf32, #tpu.memory_space<vmem>>)
            tpu.yield
          }) : () -> ()
          %dma_wait3A = arith.constant 0 : i32
          %dma_wait3A_371 = tpu.memref_slice %arg9[%dma_wait3A] : memref<684032xf32, #tpu.memory_space<hbm>> -> memref<64xf32, #tpu.memory_space<hbm>>
          %dma_wait3A_372 = arith.constant 0 : i32
          %dma_wait3A_373 = tpu.memref_slice %arg9[%dma_wait3A_372] : memref<684032xf32, #tpu.memory_space<hbm>> -> memref<64xf32, #tpu.memory_space<hbm>>
          tpu.wait_dma2 semaphore(%arg13 : memref<!tpu.dma_semaphore, #tpu.memory_space<semaphore_mem>>) src(%dma_wait3A_373 : memref<64xf32, #tpu.memory_space<hbm>>) dst(%run_scoped3A_4 : memref<64xf32, #tpu.memory_space<vmem>>)
          %get3A_374 = arith.constant 0 : index
          %get3A_375 = tpu.vector_load %run_scoped3A_4[%get3A_374] {strides = array<i32>} : memref<64xf32, #tpu.memory_space<vmem>>, vector<16xf32>,
          %get3A_376 = arith.constant 0 : index
          %get3A_377 = tpu.vector_load %run_scoped3A_1[%get3A_376] {strides = array<i32>} : memref<64xf32, #tpu.memory_space<vmem>>, vector<16xf32>,
          %add3A_378 = arith.constant 1.000000e-10 : f32
          %add3A_379 = vector.broadcast %add3A_378 : f32 to vector<16xf32>
          %add3A_380 = arith.addf %get3A_377, %add3A_379 : vector<16xf32>
          %div3A = arith.divf %get3A_375, %add3A_380 : vector<16xf32>
          %swap3A_381 = arith.constant 0 : index
          %swap3A_382 = tpu.vector_load %run_scoped3A_11[%swap3A_381] {strides = array<i32>} : memref<64xf32, #tpu.memory_space<vmem>>, vector<16xf32>,
          tpu.vector_store %run_scoped3A_11[%swap3A_381], %div3A {strides = array<i32>} : memref<64xf32, #tpu.memory_space<vmem>>, vector<16xf32>,
          %get3A_383 = arith.constant 16 : index
          %get3A_384 = tpu.vector_load %run_scoped3A_4[%get3A_383] {strides = array<i32>} : memref<64xf32, #tpu.memory_space<vmem>>, vector<16xf32>,
          %get3A_385 = arith.constant 16 : index
          %get3A_386 = tpu.vector_load %run_scoped3A_1[%get3A_385] {strides = array<i32>} : memref<64xf32, #tpu.memory_space<vmem>>, vector<16xf32>,
          %add3A_387 = arith.constant 1.000000e-10 : f32
          %add3A_388 = vector.broadcast %add3A_387 : f32 to vector<16xf32>
          %add3A_389 = arith.addf %get3A_386, %add3A_388 : vector<16xf32>
          %div3A_390 = arith.divf %get3A_384, %add3A_389 : vector<16xf32>
          %swap3A_391 = arith.constant 16 : index
          %swap3A_392 = tpu.vector_load %run_scoped3A_11[%swap3A_391] {strides = array<i32>} : memref<64xf32, #tpu.memory_space<vmem>>, vector<16xf32>,
          tpu.vector_store %run_scoped3A_11[%swap3A_391], %div3A_390 {strides = array<i32>} : memref<64xf32, #tpu.memory_space<vmem>>, vector<16xf32>,
          %get3A_393 = arith.constant 32 : index
          %get3A_394 = tpu.vector_load %run_scoped3A_4[%get3A_393] {strides = array<i32>} : memref<64xf32, #tpu.memory_space<vmem>>, vector<16xf32>,
          %get3A_395 = arith.constant 32 : index
          %get3A_396 = tpu.vector_load %run_scoped3A_1[%get3A_395] {strides = array<i32>} : memref<64xf32, #tpu.memory_space<vmem>>, vector<16xf32>,
          %add3A_397 = arith.constant 1.000000e-10 : f32
          %add3A_398 = vector.broadcast %add3A_397 : f32 to vector<16xf32>
          %add3A_399 = arith.addf %get3A_396, %add3A_398 : vector<16xf32>
          %div3A_400 = arith.divf %get3A_394, %add3A_399 : vector<16xf32>
          %swap3A_401 = arith.constant 32 : index
          %swap3A_402 = tpu.vector_load %run_scoped3A_11[%swap3A_401] {strides = array<i32>} : memref<64xf32, #tpu.memory_space<vmem>>, vector<16xf32>,
          tpu.vector_store %run_scoped3A_11[%swap3A_401], %div3A_400 {strides = array<i32>} : memref<64xf32, #tpu.memory_space<vmem>>, vector<16xf32>,
          %get3A_403 = arith.constant 48 : index
          %get3A_404 = tpu.vector_load %run_scoped3A_4[%get3A_403] {strides = array<i32>} : memref<64xf32, #tpu.memory_space<vmem>>, vector<16xf32>,
          %get3A_405 = arith.constant 48 : index
          %get3A_406 = tpu.vector_load %run_scoped3A_1[%get3A_405] {strides = array<i32>} : memref<64xf32, #tpu.memory_space<vmem>>, vector<16xf32>,
          %add3A_407 = arith.constant 1.000000e-10 : f32
          %add3A_408 = vector.broadcast %add3A_407 : f32 to vector<16xf32>
          %add3A_409 = arith.addf %get3A_406, %add3A_408 : vector<16xf32>
          %div3A_410 = arith.divf %get3A_404, %add3A_409 : vector<16xf32>
          %swap3A_411 = arith.constant 48 : index
          %swap3A_412 = tpu.vector_load %run_scoped3A_11[%swap3A_411] {strides = array<i32>} : memref<64xf32, #tpu.memory_space<vmem>>, vector<16xf32>,
          tpu.vector_store %run_scoped3A_11[%swap3A_411], %div3A_410 {strides = array<i32>} : memref<64xf32, #tpu.memory_space<vmem>>, vector<16xf32>,
          %dma_wait3A_413 = arith.constant 0 : i32
          %dma_wait3A_414 = arith.constant 0 : i32
          %dma_wait3A_415 = tpu.memref_slice %arg2[%dma_wait3A_413, %dma_wait3A_414] : memref<40000x128xf32, #tpu.memory_space<hbm>> -> memref<40000x128xf32, #tpu.memory_space<hbm>>
          tpu.wait_indirect_dma semaphore(%arg12 : memref<!tpu.dma_semaphore, #tpu.memory_space<semaphore_mem>>) src(%dma_wait3A_415 : memref<40000x128xf32, #tpu.memory_space<hbm>>) dst(%run_scoped3A_9 : memref<64x128xf32, #tpu.memory_space<vmem>>)
          %scan3A_416 = arith.constant 0 : i32
          %scan3A_417 = arith.constant 0 : i32
          %scan3A_418 = arith.constant 64 : i32
          %scan3A_419 = arith.addi %scan3A_417, %scan3A_418 : i32
          %scan3A_420 = arith.constant 1 : i32
          scf.for %scan3A_422 = %scan3A_417 to %scan3A_419 step %scan3A_420  : i32 {
            %broadcast_in_dim3A_423 = vector.broadcast %scan3A_422 : i32 to vector<16xi32>
            %gather3A = tpu.vector_load_idx %run_scoped3A_11[%broadcast_in_dim3A_423] : memref<64xf32, #tpu.memory_space<vmem>>[vector<16xi32>], vector<16xf32>,
            %get3A_424 = arith.index_cast %scan3A_422 : i32 to index
            %get3A_425 = arith.constant 0 : index
            %get3A_426 = tpu.vector_load %run_scoped3A_9[%get3A_424, %get3A_425] {strides = array<i32>} : memref<64x128xf32, #tpu.memory_space<vmem>>, vector<16xf32>,
            %mul3A_427 = arith.mulf %get3A_426, %gather3A : vector<16xf32>
            %swap3A_428 = arith.index_cast %scan3A_422 : i32 to index
            %swap3A_429 = arith.constant 0 : index
            %swap3A_430 = tpu.vector_load %run_scoped3A_9[%swap3A_428, %swap3A_429] {strides = array<i32>} : memref<64x128xf32, #tpu.memory_space<vmem>>, vector<16xf32>,
            tpu.vector_store %run_scoped3A_9[%swap3A_428, %swap3A_429], %mul3A_427 {strides = array<i32>} : memref<64x128xf32, #tpu.memory_space<vmem>>, vector<16xf32>,
            %get3A_431 = arith.index_cast %scan3A_422 : i32 to index
            %get3A_432 = arith.constant 16 : index
            %get3A_433 = tpu.vector_load %run_scoped3A_9[%get3A_431, %get3A_432] {strides = array<i32>} : memref<64x128xf32, #tpu.memory_space<vmem>>, vector<16xf32>,
            %mul3A_434 = arith.mulf %get3A_433, %gather3A : vector<16xf32>
            %swap3A_435 = arith.index_cast %scan3A_422 : i32 to index
            %swap3A_436 = arith.constant 16 : index
            %swap3A_437 = tpu.vector_load %run_scoped3A_9[%swap3A_435, %swap3A_436] {strides = array<i32>} : memref<64x128xf32, #tpu.memory_space<vmem>>, vector<16xf32>,
            tpu.vector_store %run_scoped3A_9[%swap3A_435, %swap3A_436], %mul3A_434 {strides = array<i32>} : memref<64x128xf32, #tpu.memory_space<vmem>>, vector<16xf32>,
            %get3A_438 = arith.index_cast %scan3A_422 : i32 to index
            %get3A_439 = arith.constant 32 : index
            %get3A_440 = tpu.vector_load %run_scoped3A_9[%get3A_438, %get3A_439] {strides = array<i32>} : memref<64x128xf32, #tpu.memory_space<vmem>>, vector<16xf32>,
            %mul3A_441 = arith.mulf %get3A_440, %gather3A : vector<16xf32>
            %swap3A_442 = arith.index_cast %scan3A_422 : i32 to index
            %swap3A_443 = arith.constant 32 : index
            %swap3A_444 = tpu.vector_load %run_scoped3A_9[%swap3A_442, %swap3A_443] {strides = array<i32>} : memref<64x128xf32, #tpu.memory_space<vmem>>, vector<16xf32>,
            tpu.vector_store %run_scoped3A_9[%swap3A_442, %swap3A_443], %mul3A_441 {strides = array<i32>} : memref<64x128xf32, #tpu.memory_space<vmem>>, vector<16xf32>,
            %get3A_445 = arith.index_cast %scan3A_422 : i32 to index
            %get3A_446 = arith.constant 48 : index
            %get3A_447 = tpu.vector_load %run_scoped3A_9[%get3A_445, %get3A_446] {strides = array<i32>} : memref<64x128xf32, #tpu.memory_space<vmem>>, vector<16xf32>,
            %mul3A_448 = arith.mulf %get3A_447, %gather3A : vector<16xf32>
            %swap3A_449 = arith.index_cast %scan3A_422 : i32 to index
            %swap3A_450 = arith.constant 48 : index
            %swap3A_451 = tpu.vector_load %run_scoped3A_9[%swap3A_449, %swap3A_450] {strides = array<i32>} : memref<64x128xf32, #tpu.memory_space<vmem>>, vector<16xf32>,
            tpu.vector_store %run_scoped3A_9[%swap3A_449, %swap3A_450], %mul3A_448 {strides = array<i32>} : memref<64x128xf32, #tpu.memory_space<vmem>>, vector<16xf32>,
            %get3A_452 = arith.index_cast %scan3A_422 : i32 to index
            %get3A_453 = arith.constant 64 : index
            %get3A_454 = tpu.vector_load %run_scoped3A_9[%get3A_452, %get3A_453] {strides = array<i32>} : memref<64x128xf32, #tpu.memory_space<vmem>>, vector<16xf32>,
            %mul3A_455 = arith.mulf %get3A_454, %gather3A : vector<16xf32>
            %swap3A_456 = arith.index_cast %scan3A_422 : i32 to index
            %swap3A_457 = arith.constant 64 : index
            %swap3A_458 = tpu.vector_load %run_scoped3A_9[%swap3A_456, %swap3A_457] {strides = array<i32>} : memref<64x128xf32, #tpu.memory_space<vmem>>, vector<16xf32>,
            tpu.vector_store %run_scoped3A_9[%swap3A_456, %swap3A_457], %mul3A_455 {strides = array<i32>} : memref<64x128xf32, #tpu.memory_space<vmem>>, vector<16xf32>,
            %get3A_459 = arith.index_cast %scan3A_422 : i32 to index
            %get3A_460 = arith.constant 80 : index
            %get3A_461 = tpu.vector_load %run_scoped3A_9[%get3A_459, %get3A_460] {strides = array<i32>} : memref<64x128xf32, #tpu.memory_space<vmem>>, vector<16xf32>,
            %mul3A_462 = arith.mulf %get3A_461, %gather3A : vector<16xf32>
            %swap3A_463 = arith.index_cast %scan3A_422 : i32 to index
            %swap3A_464 = arith.constant 80 : index
            %swap3A_465 = tpu.vector_load %run_scoped3A_9[%swap3A_463, %swap3A_464] {strides = array<i32>} : memref<64x128xf32, #tpu.memory_space<vmem>>, vector<16xf32>,
            tpu.vector_store %run_scoped3A_9[%swap3A_463, %swap3A_464], %mul3A_462 {strides = array<i32>} : memref<64x128xf32, #tpu.memory_space<vmem>>, vector<16xf32>,
            %get3A_466 = arith.index_cast %scan3A_422 : i32 to index
            %get3A_467 = arith.constant 96 : index
            %get3A_468 = tpu.vector_load %run_scoped3A_9[%get3A_466, %get3A_467] {strides = array<i32>} : memref<64x128xf32, #tpu.memory_space<vmem>>, vector<16xf32>,
            %mul3A_469 = arith.mulf %get3A_468, %gather3A : vector<16xf32>
            %swap3A_470 = arith.index_cast %scan3A_422 : i32 to index
            %swap3A_471 = arith.constant 96 : index
            %swap3A_472 = tpu.vector_load %run_scoped3A_9[%swap3A_470, %swap3A_471] {strides = array<i32>} : memref<64x128xf32, #tpu.memory_space<vmem>>, vector<16xf32>,
            tpu.vector_store %run_scoped3A_9[%swap3A_470, %swap3A_471], %mul3A_469 {strides = array<i32>} : memref<64x128xf32, #tpu.memory_space<vmem>>, vector<16xf32>,
            %get3A_473 = arith.index_cast %scan3A_422 : i32 to index
            %get3A_474 = arith.constant 112 : index
            %get3A_475 = tpu.vector_load %run_scoped3A_9[%get3A_473, %get3A_474] {strides = array<i32>} : memref<64x128xf32, #tpu.memory_space<vmem>>, vector<16xf32>,
            %mul3A_476 = arith.mulf %get3A_475, %gather3A : vector<16xf32>
            %swap3A_477 = arith.index_cast %scan3A_422 : i32 to index
            %swap3A_478 = arith.constant 112 : index
            %swap3A_479 = tpu.vector_load %run_scoped3A_9[%swap3A_477, %swap3A_478] {strides = array<i32>} : memref<64x128xf32, #tpu.memory_space<vmem>>, vector<16xf32>,
            tpu.vector_store %run_scoped3A_9[%swap3A_477, %swap3A_478], %mul3A_476 {strides = array<i32>} : memref<64x128xf32, #tpu.memory_space<vmem>>, vector<16xf32>,
          }
          %scan3A_421 = arith.constant 64 : i32
          "tpu.region"() ({
            %run_scoped3A_422 = tpu.sem_alloc : memref<!tpu.dma_semaphore, #tpu.memory_space<semaphore_mem>>
            %dma_start3A_423 = arith.constant 0 : i32
            %dma_start3A_424 = arith.constant 0 : i32
            %dma_start3A_425 = tpu.memref_slice %arg11[%dma_start3A_423, %dma_start3A_424] : memref<10000x128xf32, #tpu.memory_space<vmem_shared>> -> memref<10000x128xf32, #tpu.memory_space<vmem_shared>>
            tpu.enqueue_indirect_dma source(%run_scoped3A_9 : memref<64x128xf32, #tpu.memory_space<vmem>>) target(%dma_start3A_425 : memref<10000x128xf32, #tpu.memory_space<vmem_shared>>) offsets(%run_scoped3A_7 : memref<64xi32, #tpu.memory_space<vmem>>) semaphore(%run_scoped3A_422 : memref<!tpu.dma_semaphore, #tpu.memory_space<semaphore_mem>>) {add = true}
            %dma_wait3A_426 = arith.constant 0 : i32
            %dma_wait3A_427 = arith.constant 0 : i32
            %dma_wait3A_428 = tpu.memref_slice %arg11[%dma_wait3A_426, %dma_wait3A_427] : memref<10000x128xf32, #tpu.memory_space<vmem_shared>> -> memref<10000x128xf32, #tpu.memory_space<vmem_shared>>
            tpu.wait_indirect_dma semaphore(%run_scoped3A_422 : memref<!tpu.dma_semaphore, #tpu.memory_space<semaphore_mem>>) src(%run_scoped3A_9 : memref<64x128xf32, #tpu.memory_space<vmem>>) dst(%dma_wait3A_428 : memref<10000x128xf32, #tpu.memory_space<vmem_shared>>)
            tpu.yield
          }) : () -> ()
        } else {
        }
        %jit3A_343 = arith.constant 2 : i32
        %eq3A_344 = arith.constant 0 : i32
        %eq3A_345 = arith.cmpi eq, %jit3A_343, %eq3A_344 : i32
        %jit3A_346 = arith.constant 1 : i32
        %select_n3A_347 = arith.select %eq3A_345, %jit3A_346, %jit3A_343 : i32
        %rem3A_348 = arith.remsi %scan3A_329, %select_n3A_347 : i32
        %ne3A_349 = arith.constant 0 : i32
        %ne3A_350 = arith.cmpi ne, %rem3A_348, %ne3A_349 : i32
        %lt3A_351 = arith.constant 0 : i32
        %lt3A_352 = arith.cmpi slt, %rem3A_348, %lt3A_351 : i32
        %lt3A_353 = arith.constant 0 : i32
        %lt3A_354 = arith.cmpi slt, %select_n3A_347, %lt3A_353 : i32
        %ne3A_355 = arith.xori %lt3A_352, %lt3A_354 : i1
        %and3A_356 = arith.andi %ne3A_355, %ne3A_350 : i1
        %add3A_357 = arith.addi %rem3A_348, %select_n3A_347 : i32
        %select_n3A_358 = arith.select %and3A_356, %add3A_357, %rem3A_348 : i32
        %eq3A_359 = arith.constant 1 : i32
        %eq3A_360 = arith.cmpi eq, %select_n3A_358, %eq3A_359 : i32
        %convert_element_type3A_361 = arith.extui %eq3A_360 : i1 to i32
        %cond3A_362 = arith.constant 0 : i32
        %cond3A_363 = arith.cmpi ne, %convert_element_type3A_361, %cond3A_362 : i32
        scf.if %cond3A_363 {
          %add3A_364 = arith.constant 1 : i32
          %add3A_365 = arith.addi %scan3A_329, %add3A_364 : i32
          %lt3A_366 = arith.constant 167 : i32
          %lt3A_367 = arith.cmpi slt, %add3A_365, %lt3A_366 : i32
          %convert_element_type3A_368 = arith.extui %lt3A_367 : i1 to i32
          %cond3A_369 = arith.constant 0 : i32
          %cond3A_370 = arith.cmpi ne, %convert_element_type3A_368, %cond3A_369 : i32
          scf.if %cond3A_370 {
            %add3A_422 = arith.constant 1 : i32
            %add3A_423 = arith.addi %scan3A_329, %add3A_422 : i32
            %mul3A_424 = arith.constant 64 : i32
            %mul3A_425 = arith.muli %add3A_423, %mul3A_424 : i32
            %add3A_426 = arith.constant 0 : i32
            %add3A_427 = arith.addi %mul3A_425, %add3A_426 : i32
            %get3A_428 = arith.index_cast %add3A_427 : i32 to index
            %get3A_429 = tpu.vector_load %run_scoped3A_6[%get3A_428] {strides = array<i32>} : memref<10688xi32, #tpu.memory_space<vmem>>, vector<16xi32>,
            %shift_right_logical3A_430 = arith.constant 14 : i32
            %shift_right_logical3A_431 = vector.broadcast %shift_right_logical3A_430 : i32 to vector<16xi32>
            %shift_right_logical3A_432 = arith.shrui %get3A_429, %shift_right_logical3A_431 : vector<16xi32>
            %and3A_433 = arith.constant 16383 : i32
            %and3A_434 = vector.broadcast %and3A_433 : i32 to vector<16xi32>
            %and3A_435 = arith.andi %get3A_429, %and3A_434 : vector<16xi32>
            %mul3A_436 = arith.constant 10000 : i32
            %mul3A_437 = arith.muli %add3A_170, %mul3A_436 : i32
            %broadcast_in_dim3A_438 = vector.broadcast %mul3A_437 : i32 to vector<16xi32>
            %add3A_439 = arith.addi %and3A_435, %broadcast_in_dim3A_438 : vector<16xi32>
            %swap3A_440 = arith.constant 0 : index
            %swap3A_441 = tpu.vector_load %run_scoped3A[%swap3A_440] {strides = array<i32>} : memref<64xi32, #tpu.memory_space<vmem>>, vector<16xi32>,
            tpu.vector_store %run_scoped3A[%swap3A_440], %add3A_439 {strides = array<i32>} : memref<64xi32, #tpu.memory_space<vmem>>, vector<16xi32>,
            %swap3A_442 = arith.constant 0 : index
            %swap3A_443 = tpu.vector_load %run_scoped3A_7[%swap3A_442] {strides = array<i32>} : memref<64xi32, #tpu.memory_space<vmem>>, vector<16xi32>,
            tpu.vector_store %run_scoped3A_7[%swap3A_442], %shift_right_logical3A_432 {strides = array<i32>} : memref<64xi32, #tpu.memory_space<vmem>>, vector<16xi32>,
            %broadcast_in_dim3A_444 = arith.constant 10000 : i32
            %broadcast_in_dim3A_445 = vector.broadcast %broadcast_in_dim3A_444 : i32 to vector<16xi32>
            %add3A_446 = arith.addi %shift_right_logical3A_432, %broadcast_in_dim3A_445 : vector<16xi32>
            %swap3A_447 = arith.constant 0 : index
            %swap3A_448 = tpu.vector_load %run_scoped3A_2[%swap3A_447] {strides = array<i32>} : memref<64xi32, #tpu.memory_space<vmem>>, vector<16xi32>,
            tpu.vector_store %run_scoped3A_2[%swap3A_447], %add3A_446 {strides = array<i32>} : memref<64xi32, #tpu.memory_space<vmem>>, vector<16xi32>,
            %mul3A_449 = arith.constant 64 : i32
            %mul3A_450 = arith.muli %add3A_423, %mul3A_449 : i32
            %add3A_451 = arith.constant 16 : i32
            %add3A_452 = arith.addi %mul3A_450, %add3A_451 : i32
            %get3A_453 = arith.index_cast %add3A_452 : i32 to index
            %get3A_454 = tpu.vector_load %run_scoped3A_6[%get3A_453] {strides = array<i32>} : memref<10688xi32, #tpu.memory_space<vmem>>, vector<16xi32>,
            %shift_right_logical3A_455 = arith.constant 14 : i32
            %shift_right_logical3A_456 = vector.broadcast %shift_right_logical3A_455 : i32 to vector<16xi32>
            %shift_right_logical3A_457 = arith.shrui %get3A_454, %shift_right_logical3A_456 : vector<16xi32>
            %and3A_458 = arith.constant 16383 : i32
            %and3A_459 = vector.broadcast %and3A_458 : i32 to vector<16xi32>
            %and3A_460 = arith.andi %get3A_454, %and3A_459 : vector<16xi32>
            %mul3A_461 = arith.constant 10000 : i32
            %mul3A_462 = arith.muli %add3A_170, %mul3A_461 : i32
            %broadcast_in_dim3A_463 = vector.broadcast %mul3A_462 : i32 to vector<16xi32>
            %add3A_464 = arith.addi %and3A_460, %broadcast_in_dim3A_463 : vector<16xi32>
            %swap3A_465 = arith.constant 16 : index
            %swap3A_466 = tpu.vector_load %run_scoped3A[%swap3A_465] {strides = array<i32>} : memref<64xi32, #tpu.memory_space<vmem>>, vector<16xi32>,
            tpu.vector_store %run_scoped3A[%swap3A_465], %add3A_464 {strides = array<i32>} : memref<64xi32, #tpu.memory_space<vmem>>, vector<16xi32>,
            %swap3A_467 = arith.constant 16 : index
            %swap3A_468 = tpu.vector_load %run_scoped3A_7[%swap3A_467] {strides = array<i32>} : memref<64xi32, #tpu.memory_space<vmem>>, vector<16xi32>,
            tpu.vector_store %run_scoped3A_7[%swap3A_467], %shift_right_logical3A_457 {strides = array<i32>} : memref<64xi32, #tpu.memory_space<vmem>>, vector<16xi32>,
            %broadcast_in_dim3A_469 = arith.constant 10000 : i32
            %broadcast_in_dim3A_470 = vector.broadcast %broadcast_in_dim3A_469 : i32 to vector<16xi32>
            %add3A_471 = arith.addi %shift_right_logical3A_457, %broadcast_in_dim3A_470 : vector<16xi32>
            %swap3A_472 = arith.constant 16 : index
            %swap3A_473 = tpu.vector_load %run_scoped3A_2[%swap3A_472] {strides = array<i32>} : memref<64xi32, #tpu.memory_space<vmem>>, vector<16xi32>,
            tpu.vector_store %run_scoped3A_2[%swap3A_472], %add3A_471 {strides = array<i32>} : memref<64xi32, #tpu.memory_space<vmem>>, vector<16xi32>,
            %mul3A_474 = arith.constant 64 : i32
            %mul3A_475 = arith.muli %add3A_423, %mul3A_474 : i32
            %add3A_476 = arith.constant 32 : i32
            %add3A_477 = arith.addi %mul3A_475, %add3A_476 : i32
            %get3A_478 = arith.index_cast %add3A_477 : i32 to index
            %get3A_479 = tpu.vector_load %run_scoped3A_6[%get3A_478] {strides = array<i32>} : memref<10688xi32, #tpu.memory_space<vmem>>, vector<16xi32>,
            %shift_right_logical3A_480 = arith.constant 14 : i32
            %shift_right_logical3A_481 = vector.broadcast %shift_right_logical3A_480 : i32 to vector<16xi32>
            %shift_right_logical3A_482 = arith.shrui %get3A_479, %shift_right_logical3A_481 : vector<16xi32>
            %and3A_483 = arith.constant 16383 : i32
            %and3A_484 = vector.broadcast %and3A_483 : i32 to vector<16xi32>
            %and3A_485 = arith.andi %get3A_479, %and3A_484 : vector<16xi32>
            %mul3A_486 = arith.constant 10000 : i32
            %mul3A_487 = arith.muli %add3A_170, %mul3A_486 : i32
            %broadcast_in_dim3A_488 = vector.broadcast %mul3A_487 : i32 to vector<16xi32>
            %add3A_489 = arith.addi %and3A_485, %broadcast_in_dim3A_488 : vector<16xi32>
            %swap3A_490 = arith.constant 32 : index
            %swap3A_491 = tpu.vector_load %run_scoped3A[%swap3A_490] {strides = array<i32>} : memref<64xi32, #tpu.memory_space<vmem>>, vector<16xi32>,
            tpu.vector_store %run_scoped3A[%swap3A_490], %add3A_489 {strides = array<i32>} : memref<64xi32, #tpu.memory_space<vmem>>, vector<16xi32>,
            %swap3A_492 = arith.constant 32 : index
            %swap3A_493 = tpu.vector_load %run_scoped3A_7[%swap3A_492] {strides = array<i32>} : memref<64xi32, #tpu.memory_space<vmem>>, vector<16xi32>,
            tpu.vector_store %run_scoped3A_7[%swap3A_492], %shift_right_logical3A_482 {strides = array<i32>} : memref<64xi32, #tpu.memory_space<vmem>>, vector<16xi32>,
            %broadcast_in_dim3A_494 = arith.constant 10000 : i32
            %broadcast_in_dim3A_495 = vector.broadcast %broadcast_in_dim3A_494 : i32 to vector<16xi32>
            %add3A_496 = arith.addi %shift_right_logical3A_482, %broadcast_in_dim3A_495 : vector<16xi32>
            %swap3A_497 = arith.constant 32 : index
            %swap3A_498 = tpu.vector_load %run_scoped3A_2[%swap3A_497] {strides = array<i32>} : memref<64xi32, #tpu.memory_space<vmem>>, vector<16xi32>,
            tpu.vector_store %run_scoped3A_2[%swap3A_497], %add3A_496 {strides = array<i32>} : memref<64xi32, #tpu.memory_space<vmem>>, vector<16xi32>,
            %mul3A_499 = arith.constant 64 : i32
            %mul3A_500 = arith.muli %add3A_423, %mul3A_499 : i32
            %add3A_501 = arith.constant 48 : i32
            %add3A_502 = arith.addi %mul3A_500, %add3A_501 : i32
            %get3A_503 = arith.index_cast %add3A_502 : i32 to index
            %get3A_504 = tpu.vector_load %run_scoped3A_6[%get3A_503] {strides = array<i32>} : memref<10688xi32, #tpu.memory_space<vmem>>, vector<16xi32>,
            %shift_right_logical3A_505 = arith.constant 14 : i32
            %shift_right_logical3A_506 = vector.broadcast %shift_right_logical3A_505 : i32 to vector<16xi32>
            %shift_right_logical3A_507 = arith.shrui %get3A_504, %shift_right_logical3A_506 : vector<16xi32>
            %and3A_508 = arith.constant 16383 : i32
            %and3A_509 = vector.broadcast %and3A_508 : i32 to vector<16xi32>
            %and3A_510 = arith.andi %get3A_504, %and3A_509 : vector<16xi32>
            %mul3A_511 = arith.constant 10000 : i32
            %mul3A_512 = arith.muli %add3A_170, %mul3A_511 : i32
            %broadcast_in_dim3A_513 = vector.broadcast %mul3A_512 : i32 to vector<16xi32>
            %add3A_514 = arith.addi %and3A_510, %broadcast_in_dim3A_513 : vector<16xi32>
            %swap3A_515 = arith.constant 48 : index
            %swap3A_516 = tpu.vector_load %run_scoped3A[%swap3A_515] {strides = array<i32>} : memref<64xi32, #tpu.memory_space<vmem>>, vector<16xi32>,
            tpu.vector_store %run_scoped3A[%swap3A_515], %add3A_514 {strides = array<i32>} : memref<64xi32, #tpu.memory_space<vmem>>, vector<16xi32>,
            %swap3A_517 = arith.constant 48 : index
            %swap3A_518 = tpu.vector_load %run_scoped3A_7[%swap3A_517] {strides = array<i32>} : memref<64xi32, #tpu.memory_space<vmem>>, vector<16xi32>,
            tpu.vector_store %run_scoped3A_7[%swap3A_517], %shift_right_logical3A_507 {strides = array<i32>} : memref<64xi32, #tpu.memory_space<vmem>>, vector<16xi32>,
            %broadcast_in_dim3A_519 = arith.constant 10000 : i32
            %broadcast_in_dim3A_520 = vector.broadcast %broadcast_in_dim3A_519 : i32 to vector<16xi32>
            %add3A_521 = arith.addi %shift_right_logical3A_507, %broadcast_in_dim3A_520 : vector<16xi32>
            %swap3A_522 = arith.constant 48 : index
            %swap3A_523 = tpu.vector_load %run_scoped3A_2[%swap3A_522] {strides = array<i32>} : memref<64xi32, #tpu.memory_space<vmem>>, vector<16xi32>,
            tpu.vector_store %run_scoped3A_2[%swap3A_522], %add3A_521 {strides = array<i32>} : memref<64xi32, #tpu.memory_space<vmem>>, vector<16xi32>,
            %dma_start3A_524 = arith.constant 0 : i32
            %dma_start3A_525 = arith.constant 0 : i32
            %dma_start3A_526 = tpu.memref_slice %arg2[%dma_start3A_524, %dma_start3A_525] : memref<40000x128xf32, #tpu.memory_space<hbm>> -> memref<40000x128xf32, #tpu.memory_space<hbm>>
            tpu.enqueue_indirect_dma source(%dma_start3A_526 : memref<40000x128xf32, #tpu.memory_space<hbm>>) target(%run_scoped3A_9 : memref<64x128xf32, #tpu.memory_space<vmem>>) offsets(%run_scoped3A : memref<64xi32, #tpu.memory_space<vmem>>) semaphore(%arg12 : memref<!tpu.dma_semaphore, #tpu.memory_space<semaphore_mem>>)
            %mul3A_527 = arith.constant 171008 : i32
            %mul3A_528 = arith.muli %add3A_170, %mul3A_527 : i32
            %mul3A_529 = arith.constant 10688 : i32
            %mul3A_530 = arith.muli %arg1, %mul3A_529 : i32
            %add3A_531 = arith.addi %mul3A_528, %mul3A_530 : i32
            %mul3A_532 = arith.constant 64 : i32
            %mul3A_533 = arith.muli %add3A_423, %mul3A_532 : i32
            %add3A_534 = arith.addi %add3A_531, %mul3A_533 : i32
            %dma_start3A_535 = tpu.memref_slice %arg9[%add3A_534] : memref<684032xf32, #tpu.memory_space<hbm>> -> memref<64xf32, #tpu.memory_space<hbm>>
            %dma_start3A_536 = tpu.memref_slice %arg9[%add3A_534] : memref<684032xf32, #tpu.memory_space<hbm>> -> memref<64xf32, #tpu.memory_space<hbm>>
            tpu.enqueue_dma source(%dma_start3A_536 : memref<64xf32, #tpu.memory_space<hbm>>) target(%run_scoped3A_4 : memref<64xf32, #tpu.memory_space<vmem>>) target_semaphore(%arg13 : memref<!tpu.dma_semaphore, #tpu.memory_space<semaphore_mem>>)
          } else {
          }
          "tpu.region"() ({
            %run_scoped3A_422 = tpu.sem_alloc : memref<!tpu.dma_semaphore, #tpu.memory_space<semaphore_mem>>
            %dma_start3A_423 = arith.constant 0 : i32
            %dma_start3A_424 = tpu.memref_slice %arg10[%dma_start3A_423] : memref<20000xf32, #tpu.memory_space<vmem_shared>> -> memref<20000xf32, #tpu.memory_space<vmem_shared>>
            tpu.enqueue_indirect_dma source(%dma_start3A_424 : memref<20000xf32, #tpu.memory_space<vmem_shared>>) target(%run_scoped3A_1 : memref<64xf32, #tpu.memory_space<vmem>>) offsets(%run_scoped3A_3 : memref<64xi32, #tpu.memory_space<vmem>>) semaphore(%run_scoped3A_422 : memref<!tpu.dma_semaphore, #tpu.memory_space<semaphore_mem>>)
            %dma_wait3A_425 = arith.constant 0 : i32
            %dma_wait3A_426 = tpu.memref_slice %arg10[%dma_wait3A_425] : memref<20000xf32, #tpu.memory_space<vmem_shared>> -> memref<20000xf32, #tpu.memory_space<vmem_shared>>
            tpu.wait_indirect_dma semaphore(%run_scoped3A_422 : memref<!tpu.dma_semaphore, #tpu.memory_space<semaphore_mem>>) src(%dma_wait3A_426 : memref<20000xf32, #tpu.memory_space<vmem_shared>>) dst(%run_scoped3A_1 : memref<64xf32, #tpu.memory_space<vmem>>)
            tpu.yield
          }) : () -> ()
          %dma_wait3A = arith.constant 0 : i32
          %dma_wait3A_371 = tpu.memref_slice %arg9[%dma_wait3A] : memref<684032xf32, #tpu.memory_space<hbm>> -> memref<64xf32, #tpu.memory_space<hbm>>
          %dma_wait3A_372 = arith.constant 0 : i32
          %dma_wait3A_373 = tpu.memref_slice %arg9[%dma_wait3A_372] : memref<684032xf32, #tpu.memory_space<hbm>> -> memref<64xf32, #tpu.memory_space<hbm>>
          tpu.wait_dma2 semaphore(%arg15 : memref<!tpu.dma_semaphore, #tpu.memory_space<semaphore_mem>>) src(%dma_wait3A_373 : memref<64xf32, #tpu.memory_space<hbm>>) dst(%run_scoped3A_5 : memref<64xf32, #tpu.memory_space<vmem>>)
          %get3A_374 = arith.constant 0 : index
          %get3A_375 = tpu.vector_load %run_scoped3A_5[%get3A_374] {strides = array<i32>} : memref<64xf32, #tpu.memory_space<vmem>>, vector<16xf32>,
          %get3A_376 = arith.constant 0 : index
          %get3A_377 = tpu.vector_load %run_scoped3A_1[%get3A_376] {strides = array<i32>} : memref<64xf32, #tpu.memory_space<vmem>>, vector<16xf32>,
          %add3A_378 = arith.constant 1.000000e-10 : f32
          %add3A_379 = vector.broadcast %add3A_378 : f32 to vector<16xf32>
          %add3A_380 = arith.addf %get3A_377, %add3A_379 : vector<16xf32>
          %div3A = arith.divf %get3A_375, %add3A_380 : vector<16xf32>
          %swap3A_381 = arith.constant 0 : index
          %swap3A_382 = tpu.vector_load %run_scoped3A_11[%swap3A_381] {strides = array<i32>} : memref<64xf32, #tpu.memory_space<vmem>>, vector<16xf32>,
          tpu.vector_store %run_scoped3A_11[%swap3A_381], %div3A {strides = array<i32>} : memref<64xf32, #tpu.memory_space<vmem>>, vector<16xf32>,
          %get3A_383 = arith.constant 16 : index
          %get3A_384 = tpu.vector_load %run_scoped3A_5[%get3A_383] {strides = array<i32>} : memref<64xf32, #tpu.memory_space<vmem>>, vector<16xf32>,
          %get3A_385 = arith.constant 16 : index
          %get3A_386 = tpu.vector_load %run_scoped3A_1[%get3A_385] {strides = array<i32>} : memref<64xf32, #tpu.memory_space<vmem>>, vector<16xf32>,
          %add3A_387 = arith.constant 1.000000e-10 : f32
          %add3A_388 = vector.broadcast %add3A_387 : f32 to vector<16xf32>
          %add3A_389 = arith.addf %get3A_386, %add3A_388 : vector<16xf32>
          %div3A_390 = arith.divf %get3A_384, %add3A_389 : vector<16xf32>
          %swap3A_391 = arith.constant 16 : index
          %swap3A_392 = tpu.vector_load %run_scoped3A_11[%swap3A_391] {strides = array<i32>} : memref<64xf32, #tpu.memory_space<vmem>>, vector<16xf32>,
          tpu.vector_store %run_scoped3A_11[%swap3A_391], %div3A_390 {strides = array<i32>} : memref<64xf32, #tpu.memory_space<vmem>>, vector<16xf32>,
          %get3A_393 = arith.constant 32 : index
          %get3A_394 = tpu.vector_load %run_scoped3A_5[%get3A_393] {strides = array<i32>} : memref<64xf32, #tpu.memory_space<vmem>>, vector<16xf32>,
          %get3A_395 = arith.constant 32 : index
          %get3A_396 = tpu.vector_load %run_scoped3A_1[%get3A_395] {strides = array<i32>} : memref<64xf32, #tpu.memory_space<vmem>>, vector<16xf32>,
          %add3A_397 = arith.constant 1.000000e-10 : f32
          %add3A_398 = vector.broadcast %add3A_397 : f32 to vector<16xf32>
          %add3A_399 = arith.addf %get3A_396, %add3A_398 : vector<16xf32>
          %div3A_400 = arith.divf %get3A_394, %add3A_399 : vector<16xf32>
          %swap3A_401 = arith.constant 32 : index
          %swap3A_402 = tpu.vector_load %run_scoped3A_11[%swap3A_401] {strides = array<i32>} : memref<64xf32, #tpu.memory_space<vmem>>, vector<16xf32>,
          tpu.vector_store %run_scoped3A_11[%swap3A_401], %div3A_400 {strides = array<i32>} : memref<64xf32, #tpu.memory_space<vmem>>, vector<16xf32>,
          %get3A_403 = arith.constant 48 : index
          %get3A_404 = tpu.vector_load %run_scoped3A_5[%get3A_403] {strides = array<i32>} : memref<64xf32, #tpu.memory_space<vmem>>, vector<16xf32>,
          %get3A_405 = arith.constant 48 : index
          %get3A_406 = tpu.vector_load %run_scoped3A_1[%get3A_405] {strides = array<i32>} : memref<64xf32, #tpu.memory_space<vmem>>, vector<16xf32>,
          %add3A_407 = arith.constant 1.000000e-10 : f32
          %add3A_408 = vector.broadcast %add3A_407 : f32 to vector<16xf32>
          %add3A_409 = arith.addf %get3A_406, %add3A_408 : vector<16xf32>
          %div3A_410 = arith.divf %get3A_404, %add3A_409 : vector<16xf32>
          %swap3A_411 = arith.constant 48 : index
          %swap3A_412 = tpu.vector_load %run_scoped3A_11[%swap3A_411] {strides = array<i32>} : memref<64xf32, #tpu.memory_space<vmem>>, vector<16xf32>,
          tpu.vector_store %run_scoped3A_11[%swap3A_411], %div3A_410 {strides = array<i32>} : memref<64xf32, #tpu.memory_space<vmem>>, vector<16xf32>,
          %dma_wait3A_413 = arith.constant 0 : i32
          %dma_wait3A_414 = arith.constant 0 : i32
          %dma_wait3A_415 = tpu.memref_slice %arg2[%dma_wait3A_413, %dma_wait3A_414] : memref<40000x128xf32, #tpu.memory_space<hbm>> -> memref<40000x128xf32, #tpu.memory_space<hbm>>
          tpu.wait_indirect_dma semaphore(%arg14 : memref<!tpu.dma_semaphore, #tpu.memory_space<semaphore_mem>>) src(%dma_wait3A_415 : memref<40000x128xf32, #tpu.memory_space<hbm>>) dst(%run_scoped3A_10 : memref<64x128xf32, #tpu.memory_space<vmem>>)
          %scan3A_416 = arith.constant 0 : i32
          %scan3A_417 = arith.constant 0 : i32
          %scan3A_418 = arith.constant 64 : i32
          %scan3A_419 = arith.addi %scan3A_417, %scan3A_418 : i32
          %scan3A_420 = arith.constant 1 : i32
          scf.for %scan3A_422 = %scan3A_417 to %scan3A_419 step %scan3A_420  : i32 {
            %broadcast_in_dim3A_423 = vector.broadcast %scan3A_422 : i32 to vector<16xi32>
            %gather3A = tpu.vector_load_idx %run_scoped3A_11[%broadcast_in_dim3A_423] : memref<64xf32, #tpu.memory_space<vmem>>[vector<16xi32>], vector<16xf32>,
            %get3A_424 = arith.index_cast %scan3A_422 : i32 to index
            %get3A_425 = arith.constant 0 : index
            %get3A_426 = tpu.vector_load %run_scoped3A_10[%get3A_424, %get3A_425] {strides = array<i32>} : memref<64x128xf32, #tpu.memory_space<vmem>>, vector<16xf32>,
            %mul3A_427 = arith.mulf %get3A_426, %gather3A : vector<16xf32>
            %swap3A_428 = arith.index_cast %scan3A_422 : i32 to index
            %swap3A_429 = arith.constant 0 : index
            %swap3A_430 = tpu.vector_load %run_scoped3A_10[%swap3A_428, %swap3A_429] {strides = array<i32>} : memref<64x128xf32, #tpu.memory_space<vmem>>, vector<16xf32>,
            tpu.vector_store %run_scoped3A_10[%swap3A_428, %swap3A_429], %mul3A_427 {strides = array<i32>} : memref<64x128xf32, #tpu.memory_space<vmem>>, vector<16xf32>,
            %get3A_431 = arith.index_cast %scan3A_422 : i32 to index
            %get3A_432 = arith.constant 16 : index
            %get3A_433 = tpu.vector_load %run_scoped3A_10[%get3A_431, %get3A_432] {strides = array<i32>} : memref<64x128xf32, #tpu.memory_space<vmem>>, vector<16xf32>,
            %mul3A_434 = arith.mulf %get3A_433, %gather3A : vector<16xf32>
            %swap3A_435 = arith.index_cast %scan3A_422 : i32 to index
            %swap3A_436 = arith.constant 16 : index
            %swap3A_437 = tpu.vector_load %run_scoped3A_10[%swap3A_435, %swap3A_436] {strides = array<i32>} : memref<64x128xf32, #tpu.memory_space<vmem>>, vector<16xf32>,
            tpu.vector_store %run_scoped3A_10[%swap3A_435, %swap3A_436], %mul3A_434 {strides = array<i32>} : memref<64x128xf32, #tpu.memory_space<vmem>>, vector<16xf32>,
            %get3A_438 = arith.index_cast %scan3A_422 : i32 to index
            %get3A_439 = arith.constant 32 : index
            %get3A_440 = tpu.vector_load %run_scoped3A_10[%get3A_438, %get3A_439] {strides = array<i32>} : memref<64x128xf32, #tpu.memory_space<vmem>>, vector<16xf32>,
            %mul3A_441 = arith.mulf %get3A_440, %gather3A : vector<16xf32>
            %swap3A_442 = arith.index_cast %scan3A_422 : i32 to index
            %swap3A_443 = arith.constant 32 : index
            %swap3A_444 = tpu.vector_load %run_scoped3A_10[%swap3A_442, %swap3A_443] {strides = array<i32>} : memref<64x128xf32, #tpu.memory_space<vmem>>, vector<16xf32>,
            tpu.vector_store %run_scoped3A_10[%swap3A_442, %swap3A_443], %mul3A_441 {strides = array<i32>} : memref<64x128xf32, #tpu.memory_space<vmem>>, vector<16xf32>,
            %get3A_445 = arith.index_cast %scan3A_422 : i32 to index
            %get3A_446 = arith.constant 48 : index
            %get3A_447 = tpu.vector_load %run_scoped3A_10[%get3A_445, %get3A_446] {strides = array<i32>} : memref<64x128xf32, #tpu.memory_space<vmem>>, vector<16xf32>,
            %mul3A_448 = arith.mulf %get3A_447, %gather3A : vector<16xf32>
            %swap3A_449 = arith.index_cast %scan3A_422 : i32 to index
            %swap3A_450 = arith.constant 48 : index
            %swap3A_451 = tpu.vector_load %run_scoped3A_10[%swap3A_449, %swap3A_450] {strides = array<i32>} : memref<64x128xf32, #tpu.memory_space<vmem>>, vector<16xf32>,
            tpu.vector_store %run_scoped3A_10[%swap3A_449, %swap3A_450], %mul3A_448 {strides = array<i32>} : memref<64x128xf32, #tpu.memory_space<vmem>>, vector<16xf32>,
            %get3A_452 = arith.index_cast %scan3A_422 : i32 to index
            %get3A_453 = arith.constant 64 : index
            %get3A_454 = tpu.vector_load %run_scoped3A_10[%get3A_452, %get3A_453] {strides = array<i32>} : memref<64x128xf32, #tpu.memory_space<vmem>>, vector<16xf32>,
            %mul3A_455 = arith.mulf %get3A_454, %gather3A : vector<16xf32>
            %swap3A_456 = arith.index_cast %scan3A_422 : i32 to index
            %swap3A_457 = arith.constant 64 : index
            %swap3A_458 = tpu.vector_load %run_scoped3A_10[%swap3A_456, %swap3A_457] {strides = array<i32>} : memref<64x128xf32, #tpu.memory_space<vmem>>, vector<16xf32>,
            tpu.vector_store %run_scoped3A_10[%swap3A_456, %swap3A_457], %mul3A_455 {strides = array<i32>} : memref<64x128xf32, #tpu.memory_space<vmem>>, vector<16xf32>,
            %get3A_459 = arith.index_cast %scan3A_422 : i32 to index
            %get3A_460 = arith.constant 80 : index
            %get3A_461 = tpu.vector_load %run_scoped3A_10[%get3A_459, %get3A_460] {strides = array<i32>} : memref<64x128xf32, #tpu.memory_space<vmem>>, vector<16xf32>,
            %mul3A_462 = arith.mulf %get3A_461, %gather3A : vector<16xf32>
            %swap3A_463 = arith.index_cast %scan3A_422 : i32 to index
            %swap3A_464 = arith.constant 80 : index
            %swap3A_465 = tpu.vector_load %run_scoped3A_10[%swap3A_463, %swap3A_464] {strides = array<i32>} : memref<64x128xf32, #tpu.memory_space<vmem>>, vector<16xf32>,
            tpu.vector_store %run_scoped3A_10[%swap3A_463, %swap3A_464], %mul3A_462 {strides = array<i32>} : memref<64x128xf32, #tpu.memory_space<vmem>>, vector<16xf32>,
            %get3A_466 = arith.index_cast %scan3A_422 : i32 to index
            %get3A_467 = arith.constant 96 : index
            %get3A_468 = tpu.vector_load %run_scoped3A_10[%get3A_466, %get3A_467] {strides = array<i32>} : memref<64x128xf32, #tpu.memory_space<vmem>>, vector<16xf32>,
            %mul3A_469 = arith.mulf %get3A_468, %gather3A : vector<16xf32>
            %swap3A_470 = arith.index_cast %scan3A_422 : i32 to index
            %swap3A_471 = arith.constant 96 : index
            %swap3A_472 = tpu.vector_load %run_scoped3A_10[%swap3A_470, %swap3A_471] {strides = array<i32>} : memref<64x128xf32, #tpu.memory_space<vmem>>, vector<16xf32>,
            tpu.vector_store %run_scoped3A_10[%swap3A_470, %swap3A_471], %mul3A_469 {strides = array<i32>} : memref<64x128xf32, #tpu.memory_space<vmem>>, vector<16xf32>,
            %get3A_473 = arith.index_cast %scan3A_422 : i32 to index
            %get3A_474 = arith.constant 112 : index
            %get3A_475 = tpu.vector_load %run_scoped3A_10[%get3A_473, %get3A_474] {strides = array<i32>} : memref<64x128xf32, #tpu.memory_space<vmem>>, vector<16xf32>,
            %mul3A_476 = arith.mulf %get3A_475, %gather3A : vector<16xf32>
            %swap3A_477 = arith.index_cast %scan3A_422 : i32 to index
            %swap3A_478 = arith.constant 112 : index
            %swap3A_479 = tpu.vector_load %run_scoped3A_10[%swap3A_477, %swap3A_478] {strides = array<i32>} : memref<64x128xf32, #tpu.memory_space<vmem>>, vector<16xf32>,
            tpu.vector_store %run_scoped3A_10[%swap3A_477, %swap3A_478], %mul3A_476 {strides = array<i32>} : memref<64x128xf32, #tpu.memory_space<vmem>>, vector<16xf32>,
          }
          %scan3A_421 = arith.constant 64 : i32
          "tpu.region"() ({
            %run_scoped3A_422 = tpu.sem_alloc : memref<!tpu.dma_semaphore, #tpu.memory_space<semaphore_mem>>
            %dma_start3A_423 = arith.constant 0 : i32
            %dma_start3A_424 = arith.constant 0 : i32
            %dma_start3A_425 = tpu.memref_slice %arg11[%dma_start3A_423, %dma_start3A_424] : memref<10000x128xf32, #tpu.memory_space<vmem_shared>> -> memref<10000x128xf32, #tpu.memory_space<vmem_shared>>
            tpu.enqueue_indirect_dma source(%run_scoped3A_10 : memref<64x128xf32, #tpu.memory_space<vmem>>) target(%dma_start3A_425 : memref<10000x128xf32, #tpu.memory_space<vmem_shared>>) offsets(%run_scoped3A_8 : memref<64xi32, #tpu.memory_space<vmem>>) semaphore(%run_scoped3A_422 : memref<!tpu.dma_semaphore, #tpu.memory_space<semaphore_mem>>) {add = true}
            %dma_wait3A_426 = arith.constant 0 : i32
            %dma_wait3A_427 = arith.constant 0 : i32
            %dma_wait3A_428 = tpu.memref_slice %arg11[%dma_wait3A_426, %dma_wait3A_427] : memref<10000x128xf32, #tpu.memory_space<vmem_shared>> -> memref<10000x128xf32, #tpu.memory_space<vmem_shared>>
            tpu.wait_indirect_dma semaphore(%run_scoped3A_422 : memref<!tpu.dma_semaphore, #tpu.memory_space<semaphore_mem>>) src(%run_scoped3A_10 : memref<64x128xf32, #tpu.memory_space<vmem>>) dst(%dma_wait3A_428 : memref<10000x128xf32, #tpu.memory_space<vmem_shared>>)
            tpu.yield
          }) : () -> ()
        } else {
        }
      }
      %scan3A_319 = arith.constant 167 : i32
      %barrier3A_320 = arith.constant 0 : index
      tpu.barrier barrier_id(%barrier3A_320)
      %mul3A_321 = arith.constant 625 : i32
      %mul3A_322 = arith.muli %arg1, %mul3A_321 : i32
      %mul3A_323 = arith.constant 10000 : i32
      %mul3A_324 = arith.muli %add3A_170, %mul3A_323 : i32
      %mul3A_325 = arith.constant 625 : i32
      %mul3A_326 = arith.muli %arg1, %mul3A_325 : i32
      %add3A_327 = arith.addi %mul3A_324, %mul3A_326 : i32
      "tpu.region"() ({
        %run_scoped3A_329 = tpu.sem_alloc : memref<!tpu.dma_semaphore, #tpu.memory_space<semaphore_mem>>
        %dma_start3A_330 = arith.constant 0 : i32
        %dma_start3A_331 = tpu.memref_slice %arg8[%add3A_327, %dma_start3A_330] : memref<40000x128xf32, #tpu.memory_space<hbm>> -> memref<625x128xf32, #tpu.memory_space<hbm>>
        %dma_start3A_332 = arith.constant 0 : i32
        %dma_start3A_333 = tpu.memref_slice %arg11[%mul3A_322, %dma_start3A_332] : memref<10000x128xf32, #tpu.memory_space<vmem_shared>> -> memref<625x128xf32, #tpu.memory_space<vmem_shared>>
        tpu.enqueue_dma source(%dma_start3A_333 : memref<625x128xf32, #tpu.memory_space<vmem_shared>>) target(%dma_start3A_331 : memref<625x128xf32, #tpu.memory_space<hbm>>) target_semaphore(%run_scoped3A_329 : memref<!tpu.dma_semaphore, #tpu.memory_space<semaphore_mem>>)
        %dma_wait3A = arith.constant 0 : i32
        %dma_wait3A_334 = tpu.memref_slice %arg8[%add3A_327, %dma_wait3A] : memref<40000x128xf32, #tpu.memory_space<hbm>> -> memref<625x128xf32, #tpu.memory_space<hbm>>
        %dma_wait3A_335 = arith.constant 0 : i32
        %dma_wait3A_336 = tpu.memref_slice %arg11[%mul3A_322, %dma_wait3A_335] : memref<10000x128xf32, #tpu.memory_space<vmem_shared>> -> memref<625x128xf32, #tpu.memory_space<vmem_shared>>
        tpu.wait_dma2 semaphore(%run_scoped3A_329 : memref<!tpu.dma_semaphore, #tpu.memory_space<semaphore_mem>>) src(%dma_wait3A_336 : memref<625x128xf32, #tpu.memory_space<vmem_shared>>) dst(%dma_wait3A_334 : memref<625x128xf32, #tpu.memory_space<hbm>>)
        tpu.yield
      }) : () -> ()
      %barrier3A_328 = arith.constant 0 : index
      tpu.barrier barrier_id(%barrier3A_328)
      tpu.yield
    }) : () -> ()
    return
  }
}

module attributes {stable_mosaic.version = 14 : i64} {
  func.func @_tc_body(%arg0: i32, %arg1: memref<1024x256xf32, #tpu.memory_space<vmem>>, %arg2: memref<256x512xf32, #tpu.memory_space<vmem>>, %arg3: memref<8x128xf32, #tpu.memory_space<vmem>>, %arg4: memref<8x128xf32, #tpu.memory_space<vmem>>, %arg5: memref<1024x512xf32, #tpu.memory_space<vmem>>, %arg6: memref<1024x128xf32, #tpu.memory_space<vmem>>) attributes {dimension_semantics = [#tpu.dimension_semantics<arbitrary>], iteration_bounds = array<i64: 10>, scalar_prefetch = 0 : i64, scratch_operands = 0 : i64, tpu.core_type = #tpu.core_type<tc>, window_params = [{transform_indices = @transform_0, window_bounds = array<i64: 1024, 256>}, {pipeline_mode = #tpu.pipeline_mode<synchronous>, transform_indices = @transform_1, window_bounds = array<i64: 256, 512>}, {pipeline_mode = #tpu.pipeline_mode<synchronous>, transform_indices = @transform_2, window_bounds = array<i64: 8, 128>}, {pipeline_mode = #tpu.pipeline_mode<synchronous>, transform_indices = @transform_3, window_bounds = array<i64: 8, 128>}, {transform_indices = @transform_4, window_bounds = array<i64: 1024, 512>}, {transform_indices = @transform_5, window_bounds = array<i64: 1024, 128>}]} {
    %get3A = arith.constant 0 : index
    %get3A_0 = arith.constant 0 : index
    %get3A_1 = vector.load %arg1[%get3A, %get3A_0] : memref<1024x256xf32, #tpu.memory_space<vmem>>, vector<1024x256xf32>
    %get3A_2 = arith.constant 0 : index
    %get3A_3 = arith.constant 0 : index
    %get3A_4 = vector.load %arg2[%get3A_2, %get3A_3] : memref<256x512xf32, #tpu.memory_space<vmem>>, vector<256x512xf32>
    %dot_general3A = arith.constant dense<0.000000e+00> : vector<1024x512xf32>
    %dot_general3A_5 = tpu.matmul %get3A_1, %get3A_4, %dot_general3A {dimension_numbers = #tpu.dot_dimension_numbers<[1], [0], [0], [1], [0, 0, 1, 1], [], []>, transpose_lhs_hint = false} : vector<1024x256xf32>, vector<256x512xf32>, vector<1024x512xf32> -> vector<1024x512xf32>
    %swap3A = arith.constant 0 : index
    %swap3A_6 = arith.constant 0 : index
    %swap3A_7 = vector.load %arg5[%swap3A, %swap3A_6] : memref<1024x512xf32, #tpu.memory_space<vmem>>, vector<1024x512xf32>
    tpu.vector_store %arg5[%swap3A, %swap3A_6], %dot_general3A_5 {strides = array<i32>} : memref<1024x512xf32, #tpu.memory_space<vmem>>, vector<1024x512xf32>,
    %reshape3A = vector.shape_cast %dot_general3A_5 : vector<1024x512xf32> to vector<1024x4x128xf32>
    %get3A_8 = arith.constant 0 : index
    %get3A_9 = arith.constant 0 : index
    %get3A_10 = vector.load %arg3[%get3A_8, %get3A_9] : memref<8x128xf32, #tpu.memory_space<vmem>>, vector<8x128xf32>
    %slice3A = vector.extract_strided_slice %get3A_10 {offsets = [0, 0], sizes = [4, 128], strides = [1, 1]} : vector<8x128xf32> to vector<4x128xf32>
    %broadcast_in_dim3A = vector.shape_cast %slice3A : vector<4x128xf32> to vector<1x4x128xf32>
    %mul3A = vector.broadcast %broadcast_in_dim3A : vector<1x4x128xf32> to vector<1024x4x128xf32>
    %mul3A_11 = arith.mulf %reshape3A, %mul3A : vector<1024x4x128xf32>
    %reduce_sum3A = arith.constant dense<0.000000e+00> : vector<1024x4xf32>
    %reduce_sum3A_12 = vector.multi_reduction <add>, %mul3A_11, %reduce_sum3A [2] : vector<1024x4x128xf32> to vector<1024x4xf32>
    %get3A_13 = arith.constant 0 : index
    %get3A_14 = arith.constant 0 : index
    %get3A_15 = vector.load %arg4[%get3A_13, %get3A_14] : memref<8x128xf32, #tpu.memory_space<vmem>>, vector<8x128xf32>
    %slice3A_16 = vector.extract_strided_slice %get3A_15 {offsets = [0, 0], sizes = [4, 128], strides = [1, 1]} : vector<8x128xf32> to vector<4x128xf32>
    %broadcast_in_dim3A_17 = vector.shape_cast %slice3A_16 : vector<4x128xf32> to vector<1x4x128xf32>
    %mul3A_18 = vector.broadcast %broadcast_in_dim3A_17 : vector<1x4x128xf32> to vector<1024x4x128xf32>
    %mul3A_19 = arith.mulf %reshape3A, %mul3A_18 : vector<1024x4x128xf32>
    %reduce_sum3A_20 = arith.constant dense<0.000000e+00> : vector<1024x4xf32>
    %reduce_sum3A_21 = vector.multi_reduction <add>, %mul3A_19, %reduce_sum3A_20 [2] : vector<1024x4x128xf32> to vector<1024x4xf32>
    %broadcast_in_dim3A_22 = arith.constant 0.000000e+00 : f32
    %broadcast_in_dim3A_23 = vector.broadcast %broadcast_in_dim3A_22 : f32 to vector<1024x120xf32>
    %concatenate3A = tpu.concatenate %reduce_sum3A_12, %reduce_sum3A_21, %broadcast_in_dim3A_23 in 1 : vector<1024x4xf32>, vector<1024x4xf32>, vector<1024x120xf32> -> vector<1024x128xf32>
    %swap3A_24 = arith.constant 0 : index
    %swap3A_25 = arith.constant 0 : index
    %swap3A_26 = vector.load %arg6[%swap3A_24, %swap3A_25] : memref<1024x128xf32, #tpu.memory_space<vmem>>, vector<1024x128xf32>
    tpu.vector_store %arg6[%swap3A_24, %swap3A_25], %concatenate3A {strides = array<i32>} : memref<1024x128xf32, #tpu.memory_space<vmem>>, vector<1024x128xf32>,
    return
  }
  func.func @transform_0(%arg0: i32) -> (i32, i32) {
    %c0_i32 = arith.constant 0 : i32
    %c0_i32_0 = arith.constant 0 : i32
    return %arg0, %c0_i32 : i32, i32
  }
  func.func @transform_1(%arg0: i32) -> (i32, i32) {
    %c0_i32 = arith.constant 0 : i32
    %c0_i32_0 = arith.constant 0 : i32
    %c0_i32_1 = arith.constant 0 : i32
    return %c0_i32, %c0_i32_0 : i32, i32
  }
  func.func @transform_2(%arg0: i32) -> (i32, i32) {
    %c0_i32 = arith.constant 0 : i32
    %c0_i32_0 = arith.constant 0 : i32
    %c0_i32_1 = arith.constant 0 : i32
    return %c0_i32, %c0_i32_0 : i32, i32
  }
  func.func @transform_3(%arg0: i32) -> (i32, i32) {
    %c0_i32 = arith.constant 0 : i32
    %c0_i32_0 = arith.constant 0 : i32
    %c0_i32_1 = arith.constant 0 : i32
    return %c0_i32, %c0_i32_0 : i32, i32
  }
  func.func @transform_4(%arg0: i32) -> (i32, i32) {
    %c0_i32 = arith.constant 0 : i32
    %c0_i32_0 = arith.constant 0 : i32
    return %arg0, %c0_i32 : i32, i32
  }
  func.func @transform_5(%arg0: i32) -> (i32, i32) {
    %c0_i32 = arith.constant 0 : i32
    %c0_i32_0 = arith.constant 0 : i32
    return %arg0, %c0_i32 : i32, i32
  }
}

</mosaic_0001>

<sc_bundles>
// kernel: kernel.4.cloned.1.call-start
scs
__scs_entry_jumppad:
0x0: {  	(pc) =	sbr.rel $0x88, $3  }
0x1: {  	(tag) =	ssettag $0x0;
	lr =	simm.s32 $0x1  }
0x2: {  	[smem:$0x3F9C] =	sst lr;
	_ =	strace $0xD0000000  }
0x3: {  	_ = 	snop  }
0x4: {  	_ = 	snop  }
0x5: {  	_ = 	snop  }
0x6: {  	_ = 	snop  }
0x7: {  	_ = 	snop  }
__scs_overlays_trampoline_lowered:
0x8: {  	[smem:$0x3FAB] =	sst s0  }
0x9: {  	[smem:$0x3FAC] =	sst s1  }
0xa: {  	[smem:$0x3FAD] =	sst s2  }
0xb: {  	[smem:$0x3FAE] =	sst s3  }
0xc: {  	[smem:$0x3FAF] =	sst s4  }
0xd: {  	[smem:$0x3FB0] =	sst s5  }
0xe: {  	[smem:$0x3FB1] =	sst s6  }
0xf: {  	[smem:$0x3FB2] =	sst s7  }
0x10: {  	[smem:$0x3FB3] =	sst s8  }
0x11: {  	[smem:$0x3FB4] =	sst s9;
	s0 =	simm.s32 @!p0 $0x0  }
0x12: {  	s1 =	sld [smem:$0x3F9A];
	s0 =	simm.s32 @p0 $0x1  }
0x13: {  	[smem:$0x3FB5] =	sst s0;
	s0 =	simm.s32 @!p1 $0x0  }
0x14: {  	s2 =	sld [smem:$0x3F99];
	s0 =	simm.s32 @p1 $0x1  }
0x15: {  	[smem:$0x3FB6] =	sst s0;
	s0 =	simm.s32 @!p2 $0x0  }
0x16: {  	s3 =	sld [smem:$0x3FDB];
	s0 =	simm.s32 @p2 $0x1  }
0x17: {  	s4 =	simm.s32 $0x1BF5;
	[smem:$0x3FB8] =	sst s0  }
0x18: {  	s0 =	sld [smem:$0x3F9B];
	_ =	swait.ge [sflag:s4], $0x0  }
0x19: {  	s7 =	sld [smem:$0x3F9C]  }
0x1a: {  	s8 =	sadd.s32 $0xFFFFE003, lr  }
0x1b: {  	s9 =	sadd.s32 $0xFFFFFEF7, lr;
	s5 =	simm.s32 $0xFFFFFFFF;
	p2 =	slt.u32 s8, $0xFFFFF086  }
0x1c: {  	p1 =	slt.u32 s9, $0xF7A;
	s5 =	simm.s32 @!p2 $0x0  }
0x1d: {  	s5 =	simm.s32 @p1 $0x1;
	p0 =	seq.s32 s7, s2  }
0x1e: {  	s7 =	smul.u32 @!p0 $0xF7A, s2;
	p2 =	seq.s32 @!p0 s5, $0x0  }
0x1f: {  	s9 =	smul.u32 $0xF7A, s1;
	s8 =	simm.s32 @!p0 $0x1BF5;
	p2 =	por !p2, p0  }
0x20: {  	[sflag:s8] =	ssyncset.s32 @!p0 $0xFFFFF086;
	s6 =	sadd.s32 @!p0 s3, s7;
	s7 =	simm.s32 @!p0 $0x108  }
0x21: {  	s3 =	sadd.s32 s3, s9;
	s6 =	sadd.s32 @!p0 $0x88, s6;
	s7 =	simm.s32 @p2 $0x1082  }
0x22: {  	[simem:s7], [sflag:s8] =	dma.local @!p0 [hbm:s6], $0xF7A  }
0x23: {  	s9 =	sor.u32 $0xD0000000, s2;
	s6 =	simm.s32 $0x108;
	_ =	swait.ge @!p0 [sflag:s8], $0x0  }
0x24: {  	s3 =	sadd.s32 $0x88, s3;
	s6 =	simm.s32 @!p1 $0x1082;
	[sflag:s4] =	ssyncset.s32 $0xFFFFF086  }
0x25: {  	[simem:s6], [sflag:s4] =	dma.local [hbm:s3], $0xF7A  }
0x26: {  	[smem:$0x3F9C] =	sst s1;
	(tag) =	ssettag s2;
	_ =	strace s9  }
0x27: {  	s1 =	sld [smem:$0x3FAC]  }
0x28: {  	s2 =	sld [smem:$0x3FAD]  }
0x29: {  	s4 =	sld [smem:$0x3FAF]  }
0x2a: {  	p0 =	seq.s32 s5, $0x0;
	s5 =	sld [smem:$0x3FB0]  }
0x2b: {  	s6 =	sld [smem:$0x3FB1]  }
0x2c: {  	s7 =	sld [smem:$0x3FB2]  }
0x2d: {  	s3 =	simm.s32 $0x108;
	s8 =	sld [smem:$0x3FB3]  }
0x2e: {  	s3 =	simm.s32 @!p0 $0x1082;
	s9 =	sld [smem:$0x3FB4]  }
0x2f: {  	lr =	sadd.s32 s0, s3;
	s0 =	sld [smem:$0x3FAB]  }
0x30: {  	s3 =	sld [smem:$0x3FAE]  }
0x31: {  	[smem:$0x3FB7] =	sst s10  }
0x32: {  	s10 =	sld [smem:$0x3FB5];
	_ =	sdelay $0x3  }
0x33: {  	p0 =	seq.s32 s10, $0x1;
	s10 =	sld [smem:$0x3FB7];
	_ =	sdelay $0x3  }
0x34: {  	[smem:$0x3FB7] =	sst s10  }
0x35: {  	s10 =	sld [smem:$0x3FB6];
	_ =	sdelay $0x3  }
0x36: {  	p1 =	seq.s32 s10, $0x1;
	s10 =	sld [smem:$0x3FB7];
	_ =	sdelay $0x3  }
0x37: {  	[smem:$0x3FB7] =	sst s10  }
0x38: {  	s10 =	sld [smem:$0x3FB8]  }
0x39: {  	_ = 	snop;
	(pc) =	sbr.ind lr, $3  }
0x3a: {  	_ = 	snop  }
0x3b: {  	_ = 	snop  }
0x3c: {  	p2 =	seq.s32 s10, $0x1;
	s10 =	sld [smem:$0x3FB7]  }
0x3d: {  	_ =	shalt  }
0x3e: {  	_ =	shalt  }
0x3f: {  	_ =	shalt  }
0x40: {  	_ =	shalt  }
0x41: {  	_ =	shalt  }
0x42: {  	_ =	shalt  }
0x43: {  	_ =	shalt  }
0x44: {  	_ =	shalt  }
0x45: {  	_ =	shalt  }
0x46: {  	_ =	shalt  }
0x47: {  	_ =	shalt  }
0x48: {  	_ =	shalt  }
0x49: {  	_ =	shalt  }
0x4a: {  	_ =	shalt  }
0x4b: {  	_ =	shalt  }
0x4c: {  	_ =	shalt  }
0x4d: {  	_ =	shalt  }
0x4e: {  	_ =	shalt  }
0x4f: {  	_ =	shalt  }
0x50: {  	_ =	shalt  }
0x51: {  	_ =	shalt  }
0x52: {  	_ =	shalt  }
0x53: {  	_ =	shalt  }
0x54: {  	_ =	shalt  }
0x55: {  	_ =	shalt  }
0x56: {  	_ =	shalt  }
0x57: {  	_ =	shalt  }
0x58: {  	_ =	shalt  }
0x59: {  	_ =	shalt  }
0x5a: {  	_ =	shalt  }
0x5b: {  	_ =	shalt  }
0x5c: {  	_ =	shalt  }
0x5d: {  	_ =	shalt  }
0x5e: {  	_ =	shalt  }
0x5f: {  	_ =	shalt  }
0x60: {  	_ =	shalt  }
0x61: {  	_ =	shalt  }
0x62: {  	_ =	shalt  }
0x63: {  	_ =	shalt  }
0x64: {  	_ =	shalt  }
0x65: {  	_ =	shalt  }
0x66: {  	_ =	shalt  }
0x67: {  	_ =	shalt  }
0x68: {  	_ =	shalt  }
0x69: {  	_ =	shalt  }
0x6a: {  	_ =	shalt  }
0x6b: {  	_ =	shalt  }
0x6c: {  	_ =	shalt  }
0x6d: {  	_ =	shalt  }
0x6e: {  	_ =	shalt  }
0x6f: {  	_ =	shalt  }
0x70: {  	_ =	shalt  }
0x71: {  	_ =	shalt  }
0x72: {  	_ =	shalt  }
0x73: {  	_ =	shalt  }
0x74: {  	_ =	shalt  }
0x75: {  	_ =	shalt  }
0x76: {  	_ =	shalt  }
0x77: {  	_ =	shalt  }
0x78: {  	_ =	shalt  }
0x79: {  	_ =	shalt  }
0x7a: {  	_ =	shalt  }
0x7b: {  	_ =	shalt  }
0x7c: {  	_ =	shalt  }
0x7d: {  	_ =	shalt  }
0x7e: {  	_ =	shalt  }
0x7f: {  	_ =	shalt  }
0x80: {  	_ =	shalt  }
0x81: {  	_ =	shalt  }
0x82: {  	_ =	shalt  }
0x83: {  	_ =	shalt  }
0x84: {  	_ =	shalt  }
0x85: {  	_ =	shalt  }
0x86: {  	_ =	shalt  }
0x87: {  	_ =	shalt  }
.Lfunc_end0:
.L_simem_size_0:
called_computation_lowered:
.L_overlay_start_0:
0x88: {  	s2 =	sld [smem:$0x3FD9]  }
0x89: {  	s3 =	sld [smem:$0x3FFE];
	_ =	sdelay $0x1  }
0x8a: {  	s1 =	srdreg.scid  }
0x8b: {  	s0 =	sand.u32 $0x1, s1  }
0x8c: {  	s17 =	sshll.u32 s0, $0xA;
	s2 =	sadd.s32 s3, s2  }
0x8d: {  	s2 =	sadd.s32 s2, s17  }
0x8e: {  	[smem:$0x3FC3] =	sst s2  }
0x8f: {  	_ = 	snop  }
0x90: {  	s2 =	sld [smem:$0x3FD0];
	(tm) =	ssettm $0x1  }
0x91: {  	s18 =	sld [smem:$0x3FFB];
	_ =	sdelay $0x3  }
0x92: {  	_ =	strace s18  }
0x93: {  	s3 =	sld [smem:$0x3FFC];
	_ =	sdelay $0x3  }
0x94: {  	_ =	strace s3  }
0x95: {  	s3 =	sld [smem:$0x3FFD];
	_ =	sdelay $0x3  }
0x96: {  	_ =	strace s3  }
0x97: {  	_ =	strace $0x8FFFFFFF  }
0x98: {  	s19 =	sld [smem:$0x3FDB];
	_ =	sdelay $0x1  }
0x99: {  	s4 =	simm.s32 $_scs_section_size  }
0x9a: {  	s5 =	simm.s32 $_size__tile_overlayer_lowered;
	s6 =	simm.s32 $_tile_overlayer_lowered  }
0x9b: {  	s22 =	simm.s32 $0x1BFF;
	s21 =	sshll.u32 s6, $0x1;
	s3 =	sadd.s32 s4, s19  }
0x9c: {  	s7 =	simm.s32 $0x0;
	s20 =	sshll.u32 s5, $0x1;
	s5 =	sadd.s32 s21, s3  }
0x9d: {  	[timem:s7], [sflag:s22] =	dma.local [hbm:s5], s20  }
0x9e: {  	_ =	swait.ge [sflag:s22], s20  }
0x9f: {  	s4 =	ssub.s32 $0x0, s20;
	[sflag:s22] =	ssyncset.done $0x0  }
0xa0: {  	[sflag:s22] =	ssyncadd.s32 s4;
	_ =	sdelay $0x1  }
0xa1: {  	s23 =	simm.s32 $0x1B8B  }
0xa2: {  	_ =	swait.ge [sflag:s23], $0x1  }
0xa3: {  	[sflag:s23] =	ssyncset.done $0x0  }
0xa4: {  	s25 =	simm.s32 $0x1B8E;
	s24 =	sld [smem:$0x3FFE];
	[sflag:s23] =	ssyncadd.s32 $0xFFFFFFFF  }
0xa5: {  	s26 =	simm.s32 $execute0_lowered;
	[smem:$0x3FD2] =	sst s25  }
0xa6: {  	s5 =	sshll.u32 s26, $0x1;
	_ =	strace $0x80000046;
	[dreg:$0x1] =	wrdreg $0xFFFFFFFF  }
0xa7: {  	s28 =	simm.s32 $_size_execute0_lowered;
	s3 =	sadd.s32 s3, s5;
	[dreg:$0x0] =	wrdreg $0x0  }
0xa8: {  	s5 =	sshll.u32 s28, $0x1;
	[dreg:$0x2] =	wrdreg s3  }
0xa9: {  	[dreg:$0x3] =	wrdreg s5  }
0xaa: {  	[dreg:$0x4] =	wrdreg $0xC0  }
0xab: {  	_ =	task [dreg:s7], $0x5FFFF  }
0xac: {  	[dreg:$0x1] =	wrdreg $0xFFFFFFFF  }
0xad: {  	[dreg:$0x0] =	wrdreg $0x60  }
0xae: {  	[dreg:$0x2] =	wrdreg s2  }
0xaf: {  	[dreg:$0x3] =	wrdreg s24  }
0xb0: {  	[dreg:$0x4] =	wrdreg $0x0  }
0xb1: {  	[dreg:$0x5] =	wrdreg $0x4E80  }
0xb2: {  	[dreg:$0x6] =	wrdreg $0x9  }
0xb3: {  	_ =	task.clear_ibuf [dreg:s7], $0x7FFFF;
	_ =	strace $0x90000046  }
0xb4: {  	s29 =	simm.s32 $0x9;
	_ =	strace $0x80000048  }
0xb5: {  	_ =	swait.ge [sflag:s29], $0x1  }
0xb6: {  	[sflag:s29] =	ssyncadd.s32 $0xFFFFFFFF  }
0xb7: {  	_ =	strace $0x90000048  }
0xb8: {  	_ =	sfence  }
0xb9: {  	s30 =	sld [smem:$0x0];
	_ =	sdelay $0x2  }
0xba: {  	s31 =	sshll.u32 s1, $0xD;
	s1 =	sshrl.u32 s1, $0x2  }
0xbb: {  	s3 =	sand.u32 $0x4000, s31;
	s1 =	sadd.s32 s1, s30  }
0xbc: {  	s0 =	sor.u32 s3, s0;
	s1 =	sshll.u32 s1, $0x11  }
0xbd: {  	s0 =	sor.u32 s1, s0  }
0xbe: {  	s0 =	sadd.s32 $0x8F2B, s0  }
0xbf: {  	[sflag:s0] =	ssyncadd.remote.s32 $0x1  }
0xc0: {  	_ =	sfence.sel $0xFFFF  }
0xc1: {  	[dreg:$0x0] =	wrdreg $0xFFFFFFFF;
	(pc) =	sbr.abs _section_cstart, $3  }
0xc2: {  	[dreg:$0x1] =	wrdreg $0xFFFFFFFF  }
0xc3: {  	_ =	task.clear_ibuf [dreg:s7], $0x2FFFF;
	_ =	strace $0x9FFFFFFF  }
0xc4: {  	(tm) =	ssettm $0x7FFFFFFF  }
0xc5: {  	_ =	shalt  }
tec
execute0_lowered:
.L_overlay_start_1:
0x0: {  	(tag) =	ssettag $0x1  }
0x1: {  	s1 =	rddreg [dreg:$0x0]  }
0x2: {  	s0 =	srdreg.scid;
	s2 =	rddreg [dreg:$0x1]  }
0x3: {  	s19 =	stileid.u32;
	s3 =	rddreg [dreg:$0x2]  }
0x4: {  	s4 =	rddreg [dreg:$0x3];
	s7 =	simm.s32 $0x0;
	s28 =	simm.s32 $0x4  }
0x5: {  	s29 =	simm.s32 $0x3;
	s0 =	sand.u32 $0x1, s0;
	s6 =	sand.u32 $0x1, s19  }
0x6: {  	[smem:$0x7FF] =	sst s7;
	s10 =	sadd.s32 $0xA00, s2;
	s13 =	smul.u32 $0x1F40, s19  }
0x7: {  	s16 =	sadd.s32 $0x5E00, s2;
	s17 =	sshrl.u32 s19, $0x1;
	s14 =	smul.u32 $0x29C0, s19  }
0x8: {  	s11 =	sadd.s32 $0xA3400, s2;
	s8 =	sadd.s32 $0x6000, s2;
	s23 =	smul.u32 $0x271, s19  }
0x9: {  	s25 =	smul.u32 $0x4E200, s19;
	p0 =	sgt.u32 s19, $0x9;
	s5 =	sshll.u32 s0, $0x1  }
0xa: {  	s15 =	sshll.u32 s0, $0x2;
	_ =	strace $0x80000047;
	s7 =	smul.u32 $0x5380, s17  }
0xb: {  	[dreg:$0x5] =	wrdreg s16;
	s12 =	ssub.s32 $0x2, s0;
	s30 =	smul.u32 $0x29C00, s6  }
0xc: {  	s5 =	sor.u32 s6, s5;
	s9 =	sadd.s32 s15, s2;
	s18 =	sshrl.u32 s12, $0x1  }
0xd: {  	s15 =	sshllo.u32 s0, $0x1;
	s16 =	sshrl.u32 s14, $0x3;
	s5 =	smul.u32 $0x4E2, s5  }
0xe: {  	s13 =	sshrl.u32 s13, $0x2;
	s31 =	sshrl.u32 s25, $0x2;
	s12 =	ssub.s32 s12, s18  }
0xf: {  	s22 =	sadd.s32 $0xA3200, s9;
	s24 =	sshrl.u32 s7, $0x3;
	s5 =	sadd.s32 s5, s2  }
0x10: {  	s18 =	sshll.u32 s6, $0x6;
	[dreg:$0x8] =	wrdreg s22;
	s20 =	sadd.s32 $0xA1E00, s5  }
0x11: {  	s6 =	smul.u32 $0x2710, s6;
	s21 =	sadd.s32 $0xA0A00, s5;
	[dreg:$0x6] =	wrdreg s20  }
0x12: {  	s2 =	smul.u32 $0x4E20, s0;
	s5 =	sadd.s32 s10, s24;
	[dreg:$0x7] =	wrdreg s21  }
0x13: {  	s0 =	smul.u32 $0x53800, s0;
	s10 =	sadd.s32 s10, s16;
	[dreg:$0x9] =	wrdreg s5  }
0x14: {  	v0 =	vmov s6;
	s6 =	simm.s32 $0x1DFE8;
	s5 =	smul.u32 $0x2710, s15;
	[dreg:$0xa] =	wrdreg s10  }
0x15: {  	s26 =	sadd.s32 s23, s2;
	s15 =	smul.u32 $0x29C00, s15;
	s17 =	sadd.s32 s14, s0  }
0x16: {  	s0 =	sadd.s32 s30, s0;
	s30 =	sadd.s32 s31, s4;
	s16 =	sshll.u32 s26, $0x4  }
0x17: {  	s10 =	sshrl.u32 s17, $0x3;
	s20 =	sadd.s32 $0x6000, s30;
	[dreg:$0xd] =	wrdreg s30  }
0x18: {  	s0 =	sadd.s32 s7, s0;
	s21 =	sadd.s32 $0x8000, s30;
	[dreg:$0x15] =	wrdreg s20  }
0x19: {  	s31 =	sadd.s32 $0x2000, s30;
	s22 =	sadd.s32 $0xA000, s30;
	[dreg:$0x16] =	wrdreg s21  }
0x1a: {  	s24 =	sadd.s32 $0xE000, s30;
	s25 =	sadd.s32 $0x10000, s30;
	[dreg:$0x17] =	wrdreg s22  }
0x1b: {  	s26 =	sadd.s32 $0x12000, s30;
	s9 =	sadd.s32 s23, s5;
	[dreg:$0x19] =	wrdreg s24  }
0x1c: {  	s16 =	sadd.s32 s11, s16;
	s0 =	sshrl.u32 s0, $0x3;
	[dreg:$0x1a] =	wrdreg s25  }
0x1d: {  	s23 =	sadd.s32 $0xC000, s30;
	[dreg:$0x1b] =	wrdreg s26;
	s20 =	simm.s32 $0x40  }
0x1e: {  	s21 =	simm.s32 $0x13EA8;
	s24 =	simm.s32 $0x13DE8;
	[dreg:$0x13] =	wrdreg s31  }
0x1f: {  	v2 =	vmov s5;
	s5 =	simm.s32 $0x0;
	s9 =	sshll.u32 s9, $0x4;
	[dreg:$0xb] =	wrdreg s16  }
0x20: {  	s16 =	sadd.s32 s14, s15;
	s14 =	smax.u32 s12, $0x1;
	s0 =	sadd.s32 s0, s8  }
0x21: {  	s15 =	sadd.s32 $0x4000, s30;
	[dreg:$0x18] =	wrdreg s23;
	s12 =	simm.s32 $0x16478  }
0x22: {  	s23 =	simm.s32 $0x6;
	s9 =	sadd.s32 s11, s9;
	[dreg:$0x10] =	wrdreg s14  }
0x23: {  	s11 =	sadd.s32 s13, s3;
	s13 =	sshrl.u32 s16, $0x3;
	[dreg:$0x11] =	wrdreg s0  }
.Ltmp0:
0x24: {  	[dreg:$0x14] =	wrdreg s15;
	s14 =	simm.s32 $0x2;
	(pc) =	sbr.rel .LBB2_1-.Ltmp0, $4  }
0x25: {  	s15 =	simm.s32 $0x16968;
	[dreg:$0xc] =	wrdreg s9;
	s9 =	sadd.s32 s8, s10  }
0x26: {  	s0 =	sshrl.u32 @!p0 s11, $0x3;
	s10 =	simm.s32 $0x13D68;
	[dreg:$0xe] =	wrdreg s9  }
0x27: {  	s11 =	simm.s32 $0x5;
	s9 =	sadd.s32 s8, s13;
	[dreg:$0x12] =	wrdreg s0  }
0x28: {  	v3 =	vimm.f32 $0.0e+00;
	v1 =	vmov s2;
	s13 =	simm.s32 $0x1;
	s0 =	simm.s32 $0x1A968;
	[dreg:$0xf] =	wrdreg s9  }
.LBB2_27:
0x29: {  	[bflag:$0x0] =	sbarrier.arrive $0xFFFF  }
0x2a: {  	s2 =	rddreg [dreg:$0xc]  }
0x2b: {  	[hbm:s2], [sflag:s26] =	dma.local [spmem:s9], $0x2710  }
0x2c: {  	_ =	swait.ge [sflag:s11], $0x2710  }
0x2d: {  	s5 =	rddreg [dreg:$0x1c]  }
0x2e: {  	s31 =	rddreg [dreg:$0x10];
	s5 =	sadd.s32 $0x1, s5  }
0x2f: {  	p1 =	sne.s32 s5, s31  }
.Ltmp1:
0x30: {  	_ = 	snop;
	(pc) =	sbr.rel @!p1 .LBB2_28-.Ltmp1, $4  }
0x31: {  	[sflag:s11] =	ssyncset.done $0x0  }
0x32: {  	[sflag:s11] =	ssyncadd.s32 $0xFFFFD8F0  }
0x33: {  	[bflag:$0x0] =	sbarrier.arrive $0xFFFF  }
0x34: {  	s19 =	stileid.u32  }
.LBB2_1:
0x35: {  	[dreg:$0x1c] =	wrdreg s5  }
0x36: {  	s2 =	simm.s32 $0x0;
	s9 =	rddreg [dreg:$0x6]  }
0x37: {  	[tilespmem:s10], [sflag:$0x5] =	stream.linear.gather [hbm4b:s9+s2], $0x2710, $0x38;
	[tilespmem:$0x1E028] =	vst v63  }
0x38: {  	_ =	swait.ge [sflag:s11], $0x2710  }
0x39: {  	[sflag:s11] =	ssyncset.done $0x0  }
0x3a: {  	s22 =	rddreg [dreg:$0x7];
	[sflag:s11] =	ssyncadd.s32 $0xFFFFD8F0  }
0x3b: {  	[tilespmem:s12], [sflag:$0x5] =	stream.linear.gather [hbm4b:s22+s2], $0x2710, $0x38;
	[tilespmem:$0x1E028] =	vst v63  }
0x3c: {  	_ =	swait.ge [sflag:s11], $0x2710  }
0x3d: {  	[sflag:s11] =	ssyncset.done $0x0  }
0x3e: {  	s9 =	simm.s32 $0x18B88;
	s25 =	rddreg [dreg:$0x8];
	[sflag:s11] =	ssyncadd.s32 $0xFFFFD8F0  }
0x3f: {  	[tilespmem:s9], [sflag:$0x5] =	stream.linear.gather [hbm4b:s25+s2], $0x20, $0x38;
	[tilespmem:$0x1E028] =	vst v63  }
0x40: {  	_ =	swait.ge [sflag:s11], $0x20  }
0x41: {  	[sflag:s11] =	ssyncset.done $0x0  }
0x42: {  	s30 =	simm.s32 $0x18BA8;
	s26 =	rddreg [dreg:$0x9];
	[sflag:s11] =	ssyncadd.s32 $0xFFFFFFE0  }
0x43: {  	[tilespmem:s30], [sflag:$0x5] =	stream.linear.gather [hbm4b:s26+s2], $0x5380, $0x38;
	[tilespmem:$0x1E028] =	vst v63  }
0x44: {  	_ =	swait.ge [sflag:s11], $0x5380  }
0x45: {  	s2 =	sshll.u32 @!p0 s19, $0x6;
	[sflag:s11] =	ssyncset.done $0x0;
	s5 =	rddreg [dreg:$0x5]  }
0x46: {  	s2 =	sor.u32 @!p0 $0x1C05, s2;
	s9 =	rddreg [dreg:$0x12];
	[sflag:s11] =	ssyncadd.s32 $0xFFFFAC80  }
0x47: {  	[spmem:s9], [sflag:s2] =	dma.local @!p0 [hbm:s5], $0xFA  }
0x48: {  	s2 =	simm.s32 @!p0 $0x5  }
.Ltmp2:
0x49: {  	_ =	swait.ge @!p0 [sflag:s2], $0xFA;
	(pc) =	sbr.rel .LBB2_2-.Ltmp2, $4  }
0x4a: {  	[sflag:s2] =	ssyncset.done @!p0 $0x0  }
0x4b: {  	[sflag:s2] =	ssyncadd.s32 @!p0 $0xFFFFFF06  }
0x4c: {  	s31 =	simm.s32 $0x0;
	s19 =	simm.s32 $0x0;
	[bflag:$0x0] =	sbarrier.arrive $0xFFFF  }
0x4d: {  	s9 =	simm.s32 $0x18BC8;
	s5 =	simm.s32 $0x0;
	s2 =	rddreg [dreg:$0x11]  }
.LBB2_4:
0x4e: {  	s19 =	sadd.s32 $0x40, s19  }
0x4f: {  	p1 =	sne.s32 s19, $0x5380  }
.Ltmp3:
0x50: {  	_ = 	snop;
	(pc) =	sbr.rel @!p1 .LBB2_5-.Ltmp3, $2  }
0x51: {  	_ =	sdelay $0x2  }
0x52: {  	s5 =	sadd.s32 $0x1, s5;
	s2 =	sadd.s32 $0x8, s2;
	s9 =	sadd.s32 $0x40, s9  }
.LBB2_2:
0x53: {  	s22 =	sand.u32 $0x1, s5  }
0x54: {  	p1 =	seq.s32 s22, $0x1  }
0x55: {  	p2 =	slt.u32 @!p1 s5, $0x2  }
0x56: {  	p2 =	por p2, p1  }
0x57: {  	s25 =	simm.s32 @!p2 $0x1  }
0x58: {  	_ =	swait.ge @!p2 [sflag:s25], $0x40  }
0x59: {  	[sflag:s25] =	ssyncset.done @!p2 $0x0  }
0x5a: {  	[sflag:s25] =	ssyncadd.s32 @!p2 $0xFFFFFFC0  }
0x5b: {  	v4 =	vld @!p1 [tilespmem:s9+$0xFFFFFFE0];
	_ =	sdelay $0x2  }
0x5c: {  	v6 =	vld @!p1 [tilespmem:s9+$0xFFFFFFF0];
	_ =	sdelay $0x1  }
0x5d: {  	v8 =	vld @!p1 [tilespmem:s9+$0x0];
	v5 =	vshrl.u32 @!p1 v4, $0xE  }
0x5e: {  	v4 =	vand.u32 @!p1 $0x3FFF, v4  }
0x5f: {  	s30 =	sshrl.u32 @!p1 s18, $0x2  }
0x60: {  	v9 =	vld @!p1 [tilespmem:s30+$0x18B88];
	v10 =	vshrl.u32 @!p1 v6, $0xE  }
0x61: {  	s25 =	simm.s32 @!p1 $0x13D68;
	v11 =	vld @!p1 [tilespmem:s9+$0x10];
	v6 =	vand.u32 @!p1 $0x3FFF, v6  }
0x62: {  	s26 =	simm.s32 @!p1 $0x16478;
	v12 =	vshrl.u32 @!p1 v8, $0xE;
	v7 =	vld.idx.msk @!p1 [tilespmem:v5+s25+$0x0], $0xffff  }
0x63: {  	v8 =	vand.u32 @!p1 $0x3FFF, v8;
	v4 =	vld.idx.msk @!p1 [tilespmem:v4+s26+$0x0], $0xffff;
	_ =	sdelay $0x1  }
0x64: {  	v13 =	vld.idx.msk @!p1 [tilespmem:v10+s25+$0x0], $0xffff  }
0x65: {  	v6 =	vld.idx.msk @!p1 [tilespmem:v6+s26+$0x0], $0xffff  }
0x66: {  	v14 =	vshrl.u32 @!p1 v11, $0xE;
	v11 =	vand.u32 @!p1 $0x3FFF, v11;
	v17 =	vld.idx.msk @!p1 [tilespmem:v12+s25+$0x0], $0xffff  }
0x67: {  	v8 =	vld.idx.msk @!p1 [tilespmem:v8+s26+$0x0], $0xffff;
	v4 =	vadd.f32 @!p1 v4, v7;
	v7 =	vadd.f32 @!p1 v9, v7;
	_ =	sdelay $0x1  }
0x68: {  	v15 =	vmul.f32 @!p1 $2.000000030e-01, v4;
	v16 =	vmul.f32 @!p1 $2.000000030e-01, v7  }
0x69: {  	v6 =	vadd.f32 @!p1 v6, v13;
	vm0 =	vgt.f32 @!p1 v4, $0.0e+00;
	vm1 =	vgt.f32 @!p1 v7, $0.0e+00  }
0x6a: {  	v11 =	vld.idx.msk @!p1 [tilespmem:v11+s26+$0x0], $0xffff;
	v13 =	vadd.f32 @!p1 v13, v9;
	v4 =	vsel @!p1 vm0, v4, v15;
	v7 =	vsel @!p1 vm1, v7, v16  }
0x6b: {  	v8 =	vadd.f32 @!p1 v8, v17;
	v4 =	vsub.f32 @!p1 v4, v7;
	v7 =	vld.idx.msk @!p1 [tilespmem:v14+s25+$0x0], $0xffff  }
0x6c: {  	v17 =	vadd.f32 @!p1 v17, v9;
	vm0 =	vgt.f32 @!p1 v6, $0.0e+00;
	v15 =	vmul.f32 @!p1 $2.000000030e-01, v6  }
0x6d: {  	v16 =	vmul.f32 @!p1 $2.000000030e-01, v13;
	vm1 =	vgt.f32 @!p1 v13, $0.0e+00;
	v4 =	vmul.f32 @!p1 $1.442695020e+00, v4  }
0x6e: {  	v6 =	vsel @!p1 vm0, v6, v15;
	v15 =	vmul.f32 @!p1 $2.000000030e-01, v17;
	vm0 =	vgt.f32 @!p1 v8, $0.0e+00  }
0x6f: {  	(erf) = vpow2.f32 @!p1 v4;
	v4 =	vsel @!p1 vm1, v13, v16;
	v13 =	vmul.f32 @!p1 $2.000000030e-01, v8  }
0x70: {  	vm1 =	vgt.f32 @!p1 v17, $0.0e+00;
	v11 =	vadd.f32 @!p1 v11, v7;
	v7 =	vadd.f32 @!p1 v7, v9  }
0x71: {  	v4 =	vsub.f32 @!p1 v6, v4;
	v6 =	vsel @!p1 vm0, v8, v13;
	v8 =	vsel @!p1 vm1, v17, v15  }
0x72: {  	v6 =	vsub.f32 @!p1 v6, v8;
	v8 =	vmul.f32 @!p1 $2.000000030e-01, v11;
	v9 =	vmul.f32 @!p1 $2.000000030e-01, v7  }
0x73: {  	v4 =	vmul.f32 @!p1 $1.442695020e+00, v4;
	vm0 =	vgt.f32 @!p1 v11, $0.0e+00;
	vm1 =	vgt.f32 @!p1 v7, $0.0e+00  }
0x74: {  	v8 =	vsel @!p1 vm0, v11, v8;
	v7 =	vsel @!p1 vm1, v7, v9  }
0x75: {  	(erf) = vpow2.f32 @!p1 v4;
	v6 =	vmul.f32 @!p1 $1.442695020e+00, v6;
	v4 =	vsub.f32 @!p1 v8, v7;
	_ =	sdelay $0x1  }
0x76: {  	(erf) = vpow2.f32 @!p1 v6;
	v4 =	vmul.f32 @!p1 $1.442695020e+00, v4;
	_ =	sdelay $0x1  }
0x77: {  	s25 =	sadd.s32 @!p1 s19, s7;
	(erf) = vpow2.f32 @!p1 v4  }
0x78: {  	p2 =	slt.u32 @!p1 s25, $0x29810  }
0x79: {  	p2 =	por !p2, p1;
	v4 =	vpop @!p1 (erf)  }
0x7a: {  	s26 =	sadd.s32 @!p1 $0x10, s25;
	v4 =	vpsel p2, $0x0, v4  }
0x7b: {  	p2 =	slt.u32 @!p1 s26, $0x29810;
	[tilespmem:$0x1DFA8] =	vst @!p1 v4;
	v4 =	vadd.s32 @!p1 v0, v5  }
0x7c: {  	s26 =	sadd.s32 @!p1 $0x20, s25;
	v6 =	vpop @!p1 (erf);
	p2 =	por !p2, p1  }
0x7d: {  	v5 =	vadd.s32 @!p1 v0, v10;
	[tilespmem:$0x1DF28] =	vst @!p1 v4;
	v6 =	vpsel p2, $0x0, v6;
	p2 =	slt.u32 @!p1 s26, $0x29810  }
0x7e: {  	s25 =	sadd.s32 @!p1 $0x30, s25;
	[tilespmem:$0x1DF38] =	vst @!p1 v5;
	p2 =	por !p2, p1;
	v4 =	vpop @!p1 (erf)  }
0x7f: {  	[tilespmem:$0x1DFB8] =	vst @!p1 v6;
	v4 =	vpsel p2, $0x0, v4;
	p2 =	slt.u32 @!p1 s25, $0x29810  }
0x80: {  	[tilespmem:$0x1DFC8] =	vst @!p1 v4;
	v4 =	vadd.s32 @!p1 v0, v12;
	v5 =	vpop @!p1 (erf);
	p2 =	por !p2, p1  }
0x81: {  	[tilespmem:$0x1DF48] =	vst @!p1 v4;
	v5 =	vpsel p2, $0x0, v5  }
0x82: {  	v4 =	vadd.s32 @!p1 v0, v14;
	[tilespmem:$0x1DFD8] =	vst @!p1 v5  }
0x83: {  	s30 =	simm.s32 @!p1 $0x1DFA8;
	s26 =	simm.s32 @!p1 $0x1DF28;
	s25 =	simm.s32 @!p1 $0x40;
	[tilespmem:$0x1DF58] =	vst @!p1 v4  }
0x84: {  	[spmem:s3] =	stream.indirect.scatter.add.f32 @!p1 [tilespmem:s30], [sflag:$0x5], $0x1, s26, s25, $0xb8;
	[tilespmem:$0x1E028] =	vst v63  }
0x85: {  	s25 =	simm.s32 @!p1 $0x5  }
0x86: {  	_ =	swait.ge @!p1 [sflag:s25], $0x40  }
0x87: {  	[sflag:s25] =	ssyncset.done @!p1 $0x0  }
0x88: {  	p2 =	seq.s32 @!p1 s22, $0x0;
	[sflag:s25] =	ssyncadd.s32 @!p1 $0xFFFFFFC0;
	s25 =	simm.s32 @!p1 $0x0  }
0x89: {  	[hbm4b:s2+s25] =	stream.linear.scatter @!p1 [tilespmem:s30], [sflag:$0x1], $0x40, $0x38;
	[tilespmem:$0x1E028] =	vst v63  }
0x8a: {  	p1 =	por p1, !p2  }
.Ltmp4:
0x8b: {  	_ = 	snop;
	(pc) =	sbr.rel @!p1 .LBB2_4-.Ltmp4, $1  }
0x8c: {  	_ =	sdelay $0x3  }
0x8d: {  	p1 =	slt.u32 s5, $0x2  }
0x8e: {  	s22 =	simm.s32 @!p1 $0x2  }
0x8f: {  	_ =	swait.ge @!p1 [sflag:s22], $0x40  }
0x90: {  	[sflag:s22] =	ssyncset.done @!p1 $0x0  }
0x91: {  	[sflag:s22] =	ssyncadd.s32 @!p1 $0xFFFFFFC0  }
0x92: {  	v4 =	vld [tilespmem:s9+$0xFFFFFFE0];
	_ =	sdelay $0x1  }
0x93: {  	v6 =	vld [tilespmem:s9+$0xFFFFFFF0];
	_ =	sdelay $0x1  }
0x94: {  	v8 =	vld [tilespmem:s9+$0x0]  }
0x95: {  	v5 =	vshrl.u32 v4, $0xE  }
0x96: {  	v11 =	vld [tilespmem:s9+$0x10];
	v4 =	vand.u32 $0x3FFF, v4  }
0x97: {  	v10 =	vshrl.u32 v6, $0xE  }
0x98: {  	s26 =	sshrl.u32 s18, $0x2;
	v6 =	vand.u32 $0x3FFF, v6  }
0x99: {  	v9 =	vld [tilespmem:s26+$0x18B88];
	v12 =	vshrl.u32 v8, $0xE  }
0x9a: {  	v8 =	vand.u32 $0x3FFF, v8;
	v7 =	vld.idx.msk [tilespmem:v5+s10+$0x0], $0xffff  }
0x9b: {  	v14 =	vshrl.u32 v11, $0xE;
	v4 =	vld.idx.msk [tilespmem:v4+s12+$0x0], $0xffff  }
0x9c: {  	v11 =	vand.u32 $0x3FFF, v11;
	v13 =	vld.idx.msk [tilespmem:v10+s10+$0x0], $0xffff  }
0x9d: {  	v6 =	vld.idx.msk [tilespmem:v6+s12+$0x0], $0xffff  }
0x9e: {  	v17 =	vld.idx.msk [tilespmem:v12+s10+$0x0], $0xffff  }
0x9f: {  	v8 =	vld.idx.msk [tilespmem:v8+s12+$0x0], $0xffff  }
0xa0: {  	v55 =	vld.idx.msk [tilespmem:v14+s10+$0x0], $0xffff  }
0xa1: {  	v11 =	vld.idx.msk [tilespmem:v11+s12+$0x0], $0xffff;
	v4 =	vadd.f32 v4, v7;
	v7 =	vadd.f32 v9, v7  }
0xa2: {  	v6 =	vadd.f32 v6, v13  }
0xa3: {  	v13 =	vadd.f32 v13, v9;
	v15 =	vmul.f32 $2.000000030e-01, v4;
	v16 =	vmul.f32 $2.000000030e-01, v7  }
0xa4: {  	v8 =	vadd.f32 v8, v17;
	vm0 =	vgt.f32 v4, $0.0e+00;
	vm1 =	vgt.f32 v7, $0.0e+00  }
0xa5: {  	v17 =	vadd.f32 v17, v9;
	v4 =	vsel vm0, v4, v15;
	v7 =	vsel vm1, v7, v16  }
0xa6: {  	v11 =	vadd.f32 v11, v55;
	v56 =	vmul.f32 $2.000000030e-01, v6;
	v4 =	vsub.f32 v4, v7  }
0xa7: {  	vm10 =	vgt.f32 v6, $0.0e+00;
	v57 =	vmul.f32 $2.000000030e-01, v13;
	v58 =	vmul.f32 $2.000000030e-01, v8  }
0xa8: {  	vm11 =	vgt.f32 v13, $0.0e+00;
	v59 =	vmul.f32 $2.000000030e-01, v17;
	v4 =	vmul.f32 $1.442695020e+00, v4  }
0xa9: {  	vm12 =	vgt.f32 v8, $0.0e+00;
	vm13 =	vgt.f32 v17, $0.0e+00;
	v6 =	vsel vm10, v6, v56  }
0xaa: {  	v7 =	vadd.f32 v55, v9;
	(erf) = vpow2.f32 v4;
	v4 =	vsel vm11, v13, v57  }
0xab: {  	v62 =	vmul.f32 $2.000000030e-01, v11;
	vm14 =	vgt.f32 v11, $0.0e+00;
	v4 =	vsub.f32 v6, v4  }
0xac: {  	v60 =	vsel vm12, v8, v58;
	v61 =	vsel vm13, v17, v59;
	v9 =	vmul.f32 $2.000000030e-01, v7  }
0xad: {  	vm15 =	vgt.f32 v7, $0.0e+00;
	v6 =	vsub.f32 v60, v61;
	v4 =	vmul.f32 $1.442695020e+00, v4  }
0xae: {  	v8 =	vsel vm14, v11, v62;
	v7 =	vsel vm15, v7, v9  }
0xaf: {  	v6 =	vmul.f32 $1.442695020e+00, v6;
	(erf) = vpow2.f32 v4;
	v4 =	vsub.f32 v8, v7;
	_ =	sdelay $0x1  }
0xb0: {  	(erf) = vpow2.f32 v6;
	v4 =	vmul.f32 $1.442695020e+00, v4;
	_ =	sdelay $0x1  }
0xb1: {  	(erf) = vpow2.f32 v4;
	_ =	sdelay $0x1  }
0xb2: {  	s30 =	sadd.s32 s19, s7  }
0xb3: {  	p3 =	slt.u32 s30, $0x29810;
	v4 =	vpop (erf)  }
0xb4: {  	s25 =	sadd.s32 $0x10, s30;
	v4 =	vpsel !p3, $0x0, v4  }
0xb5: {  	p4 =	slt.u32 s25, $0x29810;
	[tilespmem:$0x1DFE8] =	vst v4;
	v4 =	vadd.s32 v0, v5;
	v63 =	vpop (erf)  }
0xb6: {  	s26 =	sadd.s32 $0x20, s30;
	[tilespmem:$0x1DF68] =	vst v4;
	v4 =	vpsel !p4, $0x0, v63  }
0xb7: {  	p5 =	slt.u32 s26, $0x29810;
	v5 =	vpop (erf);
	[tilespmem:$0x1DFF8] =	vst v4;
	v4 =	vadd.s32 v0, v10  }
0xb8: {  	s22 =	sadd.s32 $0x30, s30;
	[tilespmem:$0x1DF78] =	vst v4;
	v4 =	vpsel !p5, $0x0, v5  }
0xb9: {  	p6 =	slt.u32 s22, $0x29810;
	[tilespmem:$0x1E008] =	vst v4;
	v4 =	vadd.s32 v0, v12;
	v5 =	vpop (erf)  }
0xba: {  	[tilespmem:$0x1DF88] =	vst v4;
	v4 =	vpsel !p6, $0x0, v5  }
0xbb: {  	[tilespmem:$0x1E018] =	vst v4;
	v4 =	vadd.s32 v0, v14  }
0xbc: {  	s30 =	simm.s32 $0x1DF68;
	[tilespmem:$0x1DF98] =	vst v4  }
0xbd: {  	[spmem:s3] =	stream.indirect.scatter.add.f32 [tilespmem:s6], [sflag:$0x5], $0x1, s30, s20, $0xb8;
	[tilespmem:$0x1E028] =	vst v63  }
.Ltmp5:
0xbe: {  	_ = 	snop;
	(pc) =	sbr.rel .LBB2_4-.Ltmp5, $4  }
0xbf: {  	_ =	swait.ge [sflag:s11], $0x40  }
0xc0: {  	[sflag:s11] =	ssyncset.done $0x0  }
0xc1: {  	[sflag:s11] =	ssyncadd.s32 $0xFFFFFFC0  }
0xc2: {  	[hbm4b:s2+s31] =	stream.linear.scatter [tilespmem:s6], [sflag:$0x2], $0x40, $0x38;
	[tilespmem:$0x1E028] =	vst v63  }
.LBB2_5:
0xc3: {  	_ =	swait.ge [sflag:s13], $0x40  }
0xc4: {  	[sflag:s13] =	ssyncset.done $0x0  }
0xc5: {  	[sflag:s13] =	ssyncadd.s32 $0xFFFFFFC0  }
0xc6: {  	_ =	swait.ge [sflag:s14], $0x40  }
0xc7: {  	[sflag:s14] =	ssyncset.done $0x0  }
0xc8: {  	[sflag:s14] =	ssyncadd.s32 $0xFFFFFFC0  }
0xc9: {  	[bflag:$0x0] =	sbarrier.arrive $0xFFFF  }
0xca: {  	s2 =	simm.s32 $0x0;
	s9 =	simm.s32 $0x13F28;
	s5 =	rddreg [dreg:$0xa]  }
0xcb: {  	[tilespmem:s9], [sflag:$0x5] =	stream.linear.gather [hbm4b:s5+s2], $0x29C0, $0x38;
	[tilespmem:$0x1E028] =	vst v63  }
0xcc: {  	_ =	swait.ge [sflag:s11], $0x29C0  }
0xcd: {  	[sflag:s11] =	ssyncset.done $0x0  }
0xce: {  	s2 =	simm.s32 $0x0;
	s5 =	simm.s32 $0x200;
	[sflag:s11] =	ssyncadd.s32 $0xFFFFD640  }
.LBB2_6:
0xcf: {  	p1 =	sne.s32 s5, $0x7E00;
	[tilespmem:s2+$0x169D8] =	vst v3  }
0xd0: {  	[tilespmem:s2+$0x16968] =	vst v3  }
0xd1: {  	[tilespmem:s2+$0x16978] =	vst v3  }
.Ltmp6:
0xd2: {  	[tilespmem:s2+$0x16988] =	vst v3;
	(pc) =	sbr.rel @p1 .LBB2_6-.Ltmp6, $4  }
0xd3: {  	[tilespmem:s2+$0x16998] =	vst v3  }
0xd4: {  	[tilespmem:s2+$0x169A8] =	vst v3  }
0xd5: {  	[tilespmem:s2+$0x169B8] =	vst v3  }
0xd6: {  	[tilespmem:s2+$0x169C8] =	vst v3;
	s2 =	sshra.s32 s5, $0x2;
	s5 =	sadd.s32 $0x200, s5  }
0xd7: {  	[tilespmem:s2+$0x169D8] =	vst v3  }
0xd8: {  	[tilespmem:s2+$0x16968] =	vst v3  }
0xd9: {  	[tilespmem:s2+$0x16978] =	vst v3  }
0xda: {  	[tilespmem:s2+$0x16988] =	vst v3  }
0xdb: {  	[tilespmem:s2+$0x16998] =	vst v3  }
0xdc: {  	[tilespmem:s2+$0x169A8] =	vst v3  }
0xdd: {  	[tilespmem:s2+$0x169B8] =	vst v3  }
0xde: {  	[tilespmem:s2+$0x169C8] =	vst v3;
	s30 =	rddreg [dreg:$0xd]  }
0xdf: {  	[spmem:s30] =	stream.linear.scatter [tilespmem:s15], [sflag:$0x5], $0x2000, $0x38;
	[tilespmem:$0x1E028] =	vst v63  }
0xe0: {  	_ =	swait.ge [sflag:s11], $0x2000  }
0xe1: {  	[sflag:s11] =	ssyncset.done $0x0  }
0xe2: {  	s31 =	rddreg [dreg:$0x13];
	[sflag:s11] =	ssyncadd.s32 $0xFFFFE000  }
0xe3: {  	[spmem:s31] =	stream.linear.scatter [tilespmem:s15], [sflag:$0x5], $0x2000, $0x38;
	[tilespmem:$0x1E028] =	vst v63  }
0xe4: {  	_ =	swait.ge [sflag:s11], $0x2000  }
0xe5: {  	[sflag:s11] =	ssyncset.done $0x0  }
0xe6: {  	s22 =	rddreg [dreg:$0x14];
	[sflag:s11] =	ssyncadd.s32 $0xFFFFE000  }
0xe7: {  	[spmem:s22] =	stream.linear.scatter [tilespmem:s15], [sflag:$0x5], $0x2000, $0x38;
	[tilespmem:$0x1E028] =	vst v63  }
0xe8: {  	_ =	swait.ge [sflag:s11], $0x2000  }
0xe9: {  	[sflag:s11] =	ssyncset.done $0x0  }
0xea: {  	s25 =	rddreg [dreg:$0x15];
	[sflag:s11] =	ssyncadd.s32 $0xFFFFE000  }
0xeb: {  	[spmem:s25] =	stream.linear.scatter [tilespmem:s15], [sflag:$0x5], $0x2000, $0x38;
	[tilespmem:$0x1E028] =	vst v63  }
0xec: {  	_ =	swait.ge [sflag:s11], $0x2000  }
0xed: {  	[sflag:s11] =	ssyncset.done $0x0  }
0xee: {  	s26 =	rddreg [dreg:$0x16];
	[sflag:s11] =	ssyncadd.s32 $0xFFFFE000  }
0xef: {  	[spmem:s26] =	stream.linear.scatter [tilespmem:s15], [sflag:$0x5], $0x2000, $0x38;
	[tilespmem:$0x1E028] =	vst v63  }
0xf0: {  	_ =	swait.ge [sflag:s11], $0x2000  }
0xf1: {  	[sflag:s11] =	ssyncset.done $0x0  }
0xf2: {  	s5 =	rddreg [dreg:$0x17];
	[sflag:s11] =	ssyncadd.s32 $0xFFFFE000  }
0xf3: {  	[spmem:s5] =	stream.linear.scatter [tilespmem:s15], [sflag:$0x5], $0x2000, $0x38;
	[tilespmem:$0x1E028] =	vst v63  }
0xf4: {  	_ =	swait.ge [sflag:s11], $0x2000  }
0xf5: {  	[sflag:s11] =	ssyncset.done $0x0  }
0xf6: {  	s9 =	rddreg [dreg:$0x18];
	[sflag:s11] =	ssyncadd.s32 $0xFFFFE000  }
0xf7: {  	[spmem:s9] =	stream.linear.scatter [tilespmem:s15], [sflag:$0x5], $0x2000, $0x38;
	[tilespmem:$0x1E028] =	vst v63  }
0xf8: {  	_ =	swait.ge [sflag:s11], $0x2000  }
0xf9: {  	[sflag:s11] =	ssyncset.done $0x0  }
0xfa: {  	s19 =	rddreg [dreg:$0x19];
	[sflag:s11] =	ssyncadd.s32 $0xFFFFE000  }
0xfb: {  	[spmem:s19] =	stream.linear.scatter [tilespmem:s15], [sflag:$0x5], $0x2000, $0x38;
	[tilespmem:$0x1E028] =	vst v63  }
0xfc: {  	_ =	swait.ge [sflag:s11], $0x2000  }
0xfd: {  	[sflag:s11] =	ssyncset.done $0x0  }
0xfe: {  	s22 =	rddreg [dreg:$0x1a];
	[sflag:s11] =	ssyncadd.s32 $0xFFFFE000  }
0xff: {  	[spmem:s22] =	stream.linear.scatter [tilespmem:s15], [sflag:$0x5], $0x2000, $0x38;
	[tilespmem:$0x1E028] =	vst v63  }
0x100: {  	_ =	swait.ge [sflag:s11], $0x2000  }
0x101: {  	[sflag:s11] =	ssyncset.done $0x0  }
0x102: {  	s25 =	rddreg [dreg:$0x1b];
	[sflag:s11] =	ssyncadd.s32 $0xFFFFE000  }
0x103: {  	[spmem:s25] =	stream.linear.scatter [tilespmem:s15], [sflag:$0x5], $0x1880, $0x38;
	[tilespmem:$0x1E028] =	vst v63  }
0x104: {  	_ =	swait.ge [sflag:s11], $0x1880  }
0x105: {  	[sflag:s11] =	ssyncset.done $0x0  }
0x106: {  	[sflag:s11] =	ssyncadd.s32 $0xFFFFE780  }
0x107: {  	[bflag:$0x0] =	sbarrier.arrive $0xFFFF  }
0x108: {  	v4 =	vld [tilespmem:$0x13F28];
	_ =	sdelay $0x1  }
0x109: {  	v5 =	vld [tilespmem:$0x13F38];
	_ =	sdelay $0x2  }
0x10a: {  	v6 =	vand.u32 $0x3FFF, v4;
	v4 =	vshrl.u32 v4, $0xE  }
0x10b: {  	v7 =	vld [tilespmem:$0x13F48];
	[tilespmem:$0x168E8] =	vst v4  }
0x10c: {  	v62 =	vand.u32 $0x3FFF, v5;
	v5 =	vshrl.u32 v5, $0xE;
	[tilespmem:$0x13E28] =	vst v4  }
0x10d: {  	v63 =	vld [tilespmem:$0x13F58];
	[tilespmem:$0x168F8] =	vst v5  }
0x10e: {  	v6 =	vadd.s32 v1, v6;
	[tilespmem:$0x13E38] =	vst v5  }
0x10f: {  	v4 =	vadd.s32 v1, v62;
	[tilespmem:$0x13D68] =	vst v6  }
0x110: {  	v5 =	vshrl.u32 v7, $0xE;
	[tilespmem:$0x13D78] =	vst v4  }
0x111: {  	[tilespmem:$0x16908] =	vst v5  }
0x112: {  	v4 =	vand.u32 $0x3FFF, v7;
	[tilespmem:$0x13E48] =	vst v5;
	v5 =	vshrl.u32 v63, $0xE  }
0x113: {  	v4 =	vadd.s32 v1, v4;
	[tilespmem:$0x16918] =	vst v5  }
0x114: {  	[tilespmem:$0x13D88] =	vst v4;
	v4 =	vand.u32 $0x3FFF, v63  }
.Ltmp7:
0x115: {  	[tilespmem:$0x13E58] =	vst v5;
	v4 =	vadd.s32 v1, v4;
	(pc) =	sbr.rel .LBB2_8-.Ltmp7, $4  }
0x116: {  	[tilespmem:$0x13D98] =	vst v4  }
0x117: {  	[tilespmem:s15], [sflag:$0x1] =	stream.indirect.gather [hbm4b:s1+s20], $0x80, s10, s20, $0xb8;
	[tilespmem:$0x1E028] =	vst v63  }
0x118: {  	s9 =	simm.s32 $0x0;
	s25 =	stileid.u32;
	s26 =	rddreg [dreg:$0xe]  }
0x119: {  	[tilespmem:s21], [sflag:$0x2] =	stream.linear.gather [hbm4b:s26+s9], $0x40, $0x38;
	[tilespmem:$0x1E028] =	vst v63  }
.LBB2_14:
0x11a: {  	v12 =	vld [tilespmem:s2+$0xFFFFFFD0];
	[tilespmem:s5+$0x0] =	vst v10;
	v7 =	vmul.f32 v7, v4  }
0x11b: {  	v8 =	vmul.f32 v8, v4;
	v10 =	vld [tilespmem:s2+$0xFFFFFFE0];
	[tilespmem:s5+$0x10] =	vst v11  }
0x11c: {  	v11 =	vld [tilespmem:s2+$0x0];
	[tilespmem:s5+$0x20] =	vst v7  }
0x11d: {  	v4 =	vmul.f32 v6, v4;
	v7 =	vld [tilespmem:s2+$0x10];
	[tilespmem:s5+$0x30] =	vst v8  }
0x11e: {  	v58 =	vmul.f32 v9, v5;
	v8 =	vld [tilespmem:s2+$0x20]  }
0x11f: {  	[tilespmem:s5+$0xFFFFFFF0] =	vst v4;
	v59 =	vld [tilespmem:s2+$0x30];
	v4 =	vmul.f32 v12, v5  }
0x120: {  	[tilespmem:s2+$0xFFFFFFC0] =	vst v58;
	v61 =	vld [tilespmem:s2+$0xFFFFFFF0];
	v60 =	vmul.f32 v10, v5  }
0x121: {  	[tilespmem:s2+$0xFFFFFFD0] =	vst v4;
	v4 =	vmul.f32 v11, v5  }
0x122: {  	[tilespmem:s2+$0xFFFFFFE0] =	vst v60;
	v62 =	vmul.f32 v7, v5  }
0x123: {  	[tilespmem:s2+$0x0] =	vst v4;
	v4 =	vmul.f32 v8, v5  }
0x124: {  	v63 =	vmul.f32 v59, v5;
	[tilespmem:s2+$0x10] =	vst v62  }
0x125: {  	v5 =	vmul.f32 v61, v5;
	[tilespmem:s2+$0x20] =	vst v4  }
0x126: {  	[tilespmem:s2+$0x30] =	vst v63  }
0x127: {  	s22 =	simm.s32 $0x16928;
	s26 =	simm.s32 $0x18968;
	[tilespmem:s2+$0xFFFFFFF0] =	vst v5;
	s2 =	simm.s32 $0x5  }
0x128: {  	[spmem:s4] =	stream.indirect.scatter.add.f32 [tilespmem:s26], [sflag:$0x5], $0x80, s22, s20, $0xb8;
	[tilespmem:$0x1E028] =	vst v63  }
.LBB2_15:
0x129: {  	s9 =	sadd.s32 $0x1, s9  }
0x12a: {  	p1 =	sne.s32 s9, $0xA7  }
.Ltmp8:
0x12b: {  	_ = 	snop;
	(pc) =	sbr.rel @!p1 .LBB2_16-.Ltmp8, $4  }
0x12c: {  	_ = 	snop  }
0x12d: {  	_ =	swait.ge [sflag:s2], $0x2000  }
0x12e: {  	[sflag:s2] =	ssyncset.done $0x0  }
0x12f: {  	[sflag:s2] =	ssyncadd.s32 $0xFFFFE000  }
.LBB2_8:
0x130: {  	s2 =	sand.u32 $0x1, s9  }
0x131: {  	p1 =	seq.s32 s2, $0x1  }
.Ltmp9:
0x132: {  	_ = 	snop;
	(pc) =	sbr.rel @p1 .LBB2_12-.Ltmp9, $1  }
0x133: {  	_ =	sdelay $0x3  }
0x134: {  	s2 =	sor.u32 $0x1, s9  }
0x135: {  	p1 =	sgt.u32 s2, $0xA6  }
0x136: {  	s2 =	sshll.u32 @!p1 s2, $0x6  }
0x137: {  	v4 =	vld @!p1 [tilespmem:s2+$0x13F28];
	_ =	sdelay $0x2  }
0x138: {  	v5 =	vld @!p1 [tilespmem:s2+$0x13F38];
	_ =	sdelay $0x1  }
0x139: {  	v6 =	vand.u32 @!p1 $0x3FFF, v4;
	v4 =	vshrl.u32 @!p1 v4, $0xE  }
0x13a: {  	v7 =	vld @!p1 [tilespmem:s2+$0x13F48];
	[tilespmem:$0x16928] =	vst @!p1 v4  }
0x13b: {  	v6 =	vadd.s32 @!p1 v1, v6;
	[tilespmem:$0x13E68] =	vst @!p1 v4  }
0x13c: {  	[tilespmem:$0x13DA8] =	vst @!p1 v6;
	v6 =	vand.u32 @!p1 $0x3FFF, v5;
	v5 =	vshrl.u32 @!p1 v5, $0xE  }
0x13d: {  	v4 =	vadd.s32 @!p1 v1, v6;
	v6 =	vld @!p1 [tilespmem:s2+$0x13F58];
	[tilespmem:$0x16938] =	vst @!p1 v5  }
0x13e: {  	[tilespmem:$0x13E78] =	vst @!p1 v5  }
0x13f: {  	v5 =	vshrl.u32 @!p1 v7, $0xE;
	[tilespmem:$0x13DB8] =	vst @!p1 v4  }
0x140: {  	v4 =	vand.u32 @!p1 $0x3FFF, v7;
	[tilespmem:$0x16948] =	vst @!p1 v5  }
0x141: {  	[tilespmem:$0x13E88] =	vst @!p1 v5;
	v4 =	vadd.s32 @!p1 v1, v4  }
0x142: {  	[tilespmem:$0x13DC8] =	vst @!p1 v4;
	v5 =	vshrl.u32 @!p1 v6, $0xE  }
0x143: {  	v4 =	vand.u32 @!p1 $0x3FFF, v6;
	[tilespmem:$0x16958] =	vst @!p1 v5  }
0x144: {  	s5 =	simm.s32 @!p1 $0x40;
	s2 =	sadd.s32 @!p1 s17, s2;
	v4 =	vadd.s32 @!p1 v1, v4;
	[tilespmem:$0x13E98] =	vst @!p1 v5  }
0x145: {  	s19 =	simm.s32 @!p1 $0x13DA8;
	s22 =	simm.s32 @!p1 $0x18968;
	s2 =	sshrl.u32 @!p1 s2, $0x3;
	[tilespmem:$0x13DD8] =	vst @!p1 v4  }
0x146: {  	[tilespmem:s22], [sflag:$0x3] =	stream.indirect.gather @!p1 [hbm4b:s1+s5], $0x80, s19, s5, $0xb8;
	[tilespmem:$0x1E028] =	vst v63  }
0x147: {  	s2 =	sadd.s32 @!p1 s8, s2;
	s5 =	simm.s32 @!p1 $0x0;
	s19 =	simm.s32 @!p1 $0x13EE8  }
0x148: {  	[tilespmem:s19], [sflag:$0x4] =	stream.linear.gather @!p1 [hbm4b:s2+s5], $0x40, $0x38;
	[tilespmem:$0x1E028] =	vst v63  }
0x149: {  	s19 =	simm.s32 $0x13E28  }
0x14a: {  	[tilespmem:s24], [sflag:$0x6] =	stream.indirect.gather [spmem:s3], $0x1, s19, s20, $0xb8;
	[tilespmem:$0x1E028] =	vst v63  }
0x14b: {  	_ =	swait.ge [sflag:s23], $0x40  }
0x14c: {  	[sflag:s23] =	ssyncset.done $0x0  }
0x14d: {  	[sflag:s23] =	ssyncadd.s32 $0xFFFFFFC0  }
0x14e: {  	_ =	swait.ge [sflag:s14], $0x40  }
0x14f: {  	[sflag:s14] =	ssyncset.done $0x0  }
0x150: {  	[sflag:s14] =	ssyncadd.s32 $0xFFFFFFC0  }
0x151: {  	v4 =	vld [tilespmem:$0x13DE8]  }
0x152: {  	v5 =	vld [tilespmem:$0x13DF8]  }
0x153: {  	v6 =	vld [tilespmem:$0x13E08]  }
0x154: {  	v7 =	vld [tilespmem:$0x13E18];
	_ =	sdelay $0x1  }
0x155: {  	v4 =	vadd.f32 $1.000000010e-10, v4  }
0x156: {  	v5 =	vadd.f32 $1.000000010e-10, v5  }
0x157: {  	(erf) = vrcp.f32 v4;
	v4 =	vadd.f32 $1.000000010e-10, v6  }
0x158: {  	(erf) = vrcp.f32 v5;
	v5 =	vadd.f32 $1.000000010e-10, v7  }
0x159: {  	(erf) = vrcp.f32 v4  }
0x15a: {  	(erf) = vrcp.f32 v5;
	_ =	sdelay $0x1  }
0x15b: {  	v4 =	vld [tilespmem:$0x13EA8]  }
0x15c: {  	v5 =	vld [tilespmem:$0x13EB8]  }
0x15d: {  	v6 =	vld [tilespmem:$0x13EC8]  }
0x15e: {  	v7 =	vld [tilespmem:$0x13ED8]  }
0x15f: {  	v8 =	vpop (erf)  }
0x160: {  	v9 =	vpop (erf);
	v4 =	vmul.f32 v8, v4  }
0x161: {  	v8 =	vpop (erf);
	v5 =	vmul.f32 v9, v5  }
0x162: {  	[tilespmem:$0x1A968] =	vst v4;
	v4 =	vmul.f32 v8, v6;
	v6 =	vpop (erf)  }
0x163: {  	s22 =	simm.s32 $0x0;
	[tilespmem:$0x1A978] =	vst v5;
	v5 =	vmul.f32 v6, v7  }
0x164: {  	[tilespmem:$0x1A988] =	vst v4;
	v4 =	vmov s22  }
0x165: {  	[tilespmem:$0x1A998] =	vst v5  }
0x166: {  	_ =	swait.ge [sflag:s13], $0x2000  }
0x167: {  	[sflag:s13] =	ssyncset.done $0x0  }
0x168: {  	[sflag:s13] =	ssyncadd.s32 $0xFFFFE000  }
0x169: {  	s5 =	simm.s32 $0x169A8;
	v4 =	vld.idx.msk [tilespmem:v4+s0+$0x0], $0xffff  }
0x16a: {  	v5 =	vld [tilespmem:s5+$0xFFFFFFC0]  }
0x16b: {  	v6 =	vld [tilespmem:s5+$0xFFFFFFD0]  }
0x16c: {  	s26 =	simm.s32 $0x1;
	v9 =	vld [tilespmem:s5+$0xFFFFFFE0]  }
0x16d: {  	v11 =	vmov s26;
	v10 =	vld [tilespmem:s5+$0x0]  }
0x16e: {  	v12 =	vld [tilespmem:s5+$0x10]  }
0x16f: {  	v7 =	vld [tilespmem:s5+$0x20];
	v5 =	vmul.f32 v5, v4  }
0x170: {  	v8 =	vld [tilespmem:s5+$0x30];
	v13 =	vmul.f32 v6, v4  }
0x171: {  	v6 =	vld [tilespmem:s5+$0xFFFFFFF0];
	v14 =	vmul.f32 v9, v4;
	[tilespmem:s5+$0xFFFFFFC0] =	vst v5  }
0x172: {  	s2 =	simm.s32 $0x16A28;
	v10 =	vmul.f32 v10, v4;
	[tilespmem:s5+$0xFFFFFFD0] =	vst v13;
	v5 =	vld.idx.msk [tilespmem:v11+s0+$0x0], $0xffff  }
0x173: {  	s19 =	simm.s32 $0x2;
	v11 =	vmul.f32 v12, v4;
	v9 =	vld [tilespmem:s2+$0xFFFFFFC0];
	[tilespmem:s5+$0xFFFFFFE0] =	vst v14  }
.LBB2_10:
0x174: {  	p1 =	sne.s32 s19, $0x3F;
	v12 =	vld [tilespmem:s2+$0xFFFFFFD0];
	[tilespmem:s5+$0x0] =	vst v10;
	v7 =	vmul.f32 v7, v4  }
0x175: {  	v10 =	vld [tilespmem:s2+$0xFFFFFFE0];
	[tilespmem:s5+$0x10] =	vst v11;
	v8 =	vmul.f32 v8, v4  }
0x176: {  	v11 =	vmov s19;
	v13 =	vld [tilespmem:s2+$0x0];
	v15 =	vmul.f32 v6, v4;
	[tilespmem:s5+$0x20] =	vst v7  }
0x177: {  	v14 =	vld [tilespmem:s2+$0x10];
	[tilespmem:s5+$0x30] =	vst v8  }
.Ltmp10:
0x178: {  	v4 =	vmov v5;
	v6 =	vmul.f32 v9, v5;
	v7 =	vld [tilespmem:s2+$0x20];
	[tilespmem:s5+$0xFFFFFFF0] =	vst v15;
	s5 =	smov.u32 s2;
	(pc) =	sbr.rel @p1 .LBB2_10-.Ltmp10, $4  }
0x179: {  	v9 =	vmul.f32 v12, v4;
	v8 =	vld [tilespmem:s2+$0x30]  }
0x17a: {  	[tilespmem:s2+$0xFFFFFFC0] =	vst v6;
	v12 =	vmul.f32 v10, v4;
	v6 =	vld [tilespmem:s2+$0xFFFFFFF0]  }
0x17b: {  	s2 =	sadd.s32 $0x80, s2;
	v5 =	vld.idx.msk [tilespmem:v11+s0+$0x0], $0xffff;
	[tilespmem:s5+$0xFFFFFFD0] =	vst v9;
	v10 =	vmul.f32 v13, v4  }
0x17c: {  	s19 =	sadd.s32 $0x1, s19;
	v9 =	vld [tilespmem:s2+$0xFFFFFFC0];
	[tilespmem:s5+$0xFFFFFFE0] =	vst v12;
	v11 =	vmul.f32 v14, v4  }
0x17d: {  	v12 =	vld [tilespmem:s2+$0xFFFFFFD0];
	[tilespmem:s5+$0x0] =	vst v10;
	v7 =	vmul.f32 v7, v4  }
0x17e: {  	v10 =	vld [tilespmem:s2+$0xFFFFFFE0];
	[tilespmem:s5+$0x10] =	vst v11;
	v8 =	vmul.f32 v8, v4  }
0x17f: {  	v11 =	vld [tilespmem:s2+$0x0];
	[tilespmem:s5+$0x20] =	vst v7  }
0x180: {  	v4 =	vmul.f32 v6, v4;
	v7 =	vld [tilespmem:s2+$0x10];
	[tilespmem:s5+$0x30] =	vst v8  }
0x181: {  	v58 =	vmul.f32 v9, v5;
	v8 =	vld [tilespmem:s2+$0x20]  }
0x182: {  	[tilespmem:s5+$0xFFFFFFF0] =	vst v4;
	v59 =	vld [tilespmem:s2+$0x30];
	v4 =	vmul.f32 v12, v5  }
0x183: {  	v61 =	vld [tilespmem:s2+$0xFFFFFFF0];
	[tilespmem:s2+$0xFFFFFFC0] =	vst v58;
	v60 =	vmul.f32 v10, v5  }
0x184: {  	[tilespmem:s2+$0xFFFFFFD0] =	vst v4;
	v4 =	vmul.f32 v11, v5  }
0x185: {  	[tilespmem:s2+$0xFFFFFFE0] =	vst v60;
	v62 =	vmul.f32 v7, v5  }
0x186: {  	[tilespmem:s2+$0x0] =	vst v4;
	v4 =	vmul.f32 v8, v5  }
.Ltmp11:
0x187: {  	v63 =	vmul.f32 v59, v5;
	[tilespmem:s2+$0x10] =	vst v62;
	(pc) =	sbr.rel .LBB2_15-.Ltmp11, $4  }
0x188: {  	v5 =	vmul.f32 v61, v5;
	[tilespmem:s2+$0x20] =	vst v4  }
0x189: {  	[tilespmem:s2+$0x30] =	vst v63  }
0x18a: {  	s26 =	simm.s32 $0x168E8;
	[tilespmem:s2+$0xFFFFFFF0] =	vst v5;
	s2 =	simm.s32 $0x6  }
0x18b: {  	[spmem:s4] =	stream.indirect.scatter.add.f32 [tilespmem:s15], [sflag:$0x6], $0x80, s26, s20, $0xb8;
	[tilespmem:$0x1E028] =	vst v63  }
.LBB2_12:
0x18c: {  	s2 =	sshll.u32 s9, $0x6  }
0x18d: {  	v4 =	vld [tilespmem:s2+$0x13F68];
	_ =	sdelay $0x2  }
0x18e: {  	v5 =	vld [tilespmem:s2+$0x13F78];
	_ =	sdelay $0x1  }
0x18f: {  	v6 =	vand.u32 $0x3FFF, v4;
	v4 =	vshrl.u32 v4, $0xE  }
0x190: {  	v7 =	vld [tilespmem:s2+$0x13F88];
	[tilespmem:$0x168E8] =	vst v4  }
0x191: {  	v6 =	vadd.s32 v1, v6;
	[tilespmem:$0x13E28] =	vst v4  }
0x192: {  	[tilespmem:$0x13D68] =	vst v6;
	v6 =	vand.u32 $0x3FFF, v5;
	v5 =	vshrl.u32 v5, $0xE  }
0x193: {  	v4 =	vadd.s32 v1, v6;
	v6 =	vld [tilespmem:s2+$0x13F98];
	[tilespmem:$0x168F8] =	vst v5  }
0x194: {  	[tilespmem:$0x13E38] =	vst v5  }
0x195: {  	v5 =	vshrl.u32 v7, $0xE;
	[tilespmem:$0x13D78] =	vst v4  }
0x196: {  	v4 =	vand.u32 $0x3FFF, v7;
	[tilespmem:$0x16908] =	vst v5  }
0x197: {  	[tilespmem:$0x13E48] =	vst v5;
	v4 =	vadd.s32 v1, v4  }
0x198: {  	[tilespmem:$0x13D88] =	vst v4;
	v5 =	vshrl.u32 v6, $0xE  }
0x199: {  	s2 =	sadd.s32 s17, s2;
	v4 =	vand.u32 $0x3FFF, v6;
	[tilespmem:$0x16918] =	vst v5  }
0x19a: {  	s2 =	sshrl.u32 s2, $0x3;
	v4 =	vadd.s32 v1, v4;
	[tilespmem:$0x13E58] =	vst v5  }
0x19b: {  	s2 =	sadd.s32 s8, s2;
	[tilespmem:$0x13D98] =	vst v4  }
0x19c: {  	[tilespmem:s15], [sflag:$0x1] =	stream.indirect.gather [hbm4b:s1+s20], $0x80, s10, s20, $0xb8;
	[tilespmem:$0x1E028] =	vst v63  }
0x19d: {  	s5 =	simm.s32 $0x0;
	s2 =	sadd.s32 $0x8, s2  }
0x19e: {  	[tilespmem:s21], [sflag:$0x2] =	stream.linear.gather [hbm4b:s2+s5], $0x40, $0x38;
	[tilespmem:$0x1E028] =	vst v63  }
0x19f: {  	s22 =	simm.s32 $0x13E68  }
0x1a0: {  	[tilespmem:s24], [sflag:$0x6] =	stream.indirect.gather [spmem:s3], $0x1, s22, s20, $0xb8;
	[tilespmem:$0x1E028] =	vst v63  }
0x1a1: {  	_ =	swait.ge [sflag:s23], $0x40  }
0x1a2: {  	[sflag:s23] =	ssyncset.done $0x0  }
0x1a3: {  	[sflag:s23] =	ssyncadd.s32 $0xFFFFFFC0  }
0x1a4: {  	_ =	swait.ge [sflag:s28], $0x40  }
0x1a5: {  	[sflag:s28] =	ssyncset.done $0x0  }
0x1a6: {  	[sflag:s28] =	ssyncadd.s32 $0xFFFFFFC0  }
0x1a7: {  	v4 =	vld [tilespmem:$0x13DE8]  }
0x1a8: {  	v5 =	vld [tilespmem:$0x13DF8]  }
0x1a9: {  	v6 =	vld [tilespmem:$0x13E08]  }
0x1aa: {  	v7 =	vld [tilespmem:$0x13E18];
	_ =	sdelay $0x1  }
0x1ab: {  	v4 =	vadd.f32 $1.000000010e-10, v4  }
0x1ac: {  	v5 =	vadd.f32 $1.000000010e-10, v5  }
0x1ad: {  	(erf) = vrcp.f32 v4;
	v4 =	vadd.f32 $1.000000010e-10, v6  }
0x1ae: {  	(erf) = vrcp.f32 v5;
	v5 =	vadd.f32 $1.000000010e-10, v7  }
0x1af: {  	(erf) = vrcp.f32 v4  }
0x1b0: {  	(erf) = vrcp.f32 v5;
	_ =	sdelay $0x1  }
0x1b1: {  	v4 =	vld [tilespmem:$0x13EE8]  }
0x1b2: {  	v5 =	vld [tilespmem:$0x13EF8]  }
0x1b3: {  	v6 =	vld [tilespmem:$0x13F08]  }
0x1b4: {  	v7 =	vld [tilespmem:$0x13F18]  }
0x1b5: {  	v8 =	vpop (erf)  }
0x1b6: {  	v9 =	vpop (erf);
	v4 =	vmul.f32 v8, v4  }
0x1b7: {  	v8 =	vpop (erf);
	v5 =	vmul.f32 v9, v5  }
0x1b8: {  	[tilespmem:$0x1A968] =	vst v4;
	v4 =	vmul.f32 v8, v6;
	v6 =	vpop (erf)  }
0x1b9: {  	[tilespmem:$0x1A978] =	vst v5;
	v5 =	vmul.f32 v6, v7  }
0x1ba: {  	[tilespmem:$0x1A988] =	vst v4;
	v4 =	vmov s5  }
0x1bb: {  	[tilespmem:$0x1A998] =	vst v5  }
0x1bc: {  	_ =	swait.ge [sflag:s29], $0x2000  }
0x1bd: {  	[sflag:s29] =	ssyncset.done $0x0  }
0x1be: {  	[sflag:s29] =	ssyncadd.s32 $0xFFFFE000  }
0x1bf: {  	s5 =	simm.s32 $0x189A8;
	v4 =	vld.idx.msk [tilespmem:v4+s0+$0x0], $0xffff  }
0x1c0: {  	v5 =	vld [tilespmem:s5+$0xFFFFFFC0]  }
0x1c1: {  	v6 =	vld [tilespmem:s5+$0xFFFFFFD0]  }
0x1c2: {  	s26 =	simm.s32 $0x1;
	v9 =	vld [tilespmem:s5+$0xFFFFFFE0]  }
0x1c3: {  	v11 =	vmov s26;
	v10 =	vld [tilespmem:s5+$0x0]  }
0x1c4: {  	v12 =	vld [tilespmem:s5+$0x10]  }
0x1c5: {  	v7 =	vld [tilespmem:s5+$0x20];
	v5 =	vmul.f32 v5, v4  }
0x1c6: {  	v8 =	vld [tilespmem:s5+$0x30];
	v13 =	vmul.f32 v6, v4  }
0x1c7: {  	v6 =	vld [tilespmem:s5+$0xFFFFFFF0];
	v14 =	vmul.f32 v9, v4;
	[tilespmem:s5+$0xFFFFFFC0] =	vst v5  }
0x1c8: {  	s2 =	simm.s32 $0x18A28;
	v10 =	vmul.f32 v10, v4;
	[tilespmem:s5+$0xFFFFFFD0] =	vst v13;
	v5 =	vld.idx.msk [tilespmem:v11+s0+$0x0], $0xffff  }
0x1c9: {  	s19 =	simm.s32 $0x2;
	v11 =	vmul.f32 v12, v4;
	v9 =	vld [tilespmem:s2+$0xFFFFFFC0];
	[tilespmem:s5+$0xFFFFFFE0] =	vst v14  }
.LBB2_13:
0x1ca: {  	p1 =	sne.s32 s19, $0x3F;
	v12 =	vld [tilespmem:s2+$0xFFFFFFD0];
	[tilespmem:s5+$0x0] =	vst v10;
	v7 =	vmul.f32 v7, v4  }
0x1cb: {  	v8 =	vmul.f32 v8, v4;
	v10 =	vld [tilespmem:s2+$0xFFFFFFE0];
	[tilespmem:s5+$0x10] =	vst v11  }
0x1cc: {  	v15 =	vmul.f32 v6, v4;
	v11 =	vmov s19;
	v13 =	vld [tilespmem:s2+$0x0];
	[tilespmem:s5+$0x20] =	vst v7  }
0x1cd: {  	v14 =	vld [tilespmem:s2+$0x10];
	[tilespmem:s5+$0x30] =	vst v8  }
.Ltmp12:
0x1ce: {  	v6 =	vmul.f32 v9, v5;
	v4 =	vmov v5;
	v7 =	vld [tilespmem:s2+$0x20];
	[tilespmem:s5+$0xFFFFFFF0] =	vst v15;
	s5 =	smov.u32 s2;
	(pc) =	sbr.rel @p1 .LBB2_13-.Ltmp12, $4  }
0x1cf: {  	v9 =	vmul.f32 v12, v4;
	v8 =	vld [tilespmem:s2+$0x30]  }
0x1d0: {  	[tilespmem:s2+$0xFFFFFFC0] =	vst v6;
	v12 =	vmul.f32 v10, v4;
	v6 =	vld [tilespmem:s2+$0xFFFFFFF0]  }
0x1d1: {  	s2 =	sadd.s32 $0x80, s2;
	v5 =	vld.idx.msk [tilespmem:v11+s0+$0x0], $0xffff;
	[tilespmem:s5+$0xFFFFFFD0] =	vst v9;
	v10 =	vmul.f32 v13, v4  }
0x1d2: {  	s19 =	sadd.s32 $0x1, s19;
	v9 =	vld [tilespmem:s2+$0xFFFFFFC0];
	[tilespmem:s5+$0xFFFFFFE0] =	vst v12;
	v11 =	vmul.f32 v14, v4  }
.Ltmp13:
0x1d3: {  	_ = 	snop;
	(pc) =	sbr.rel .LBB2_14-.Ltmp13, $1  }
0x1d4: {  	_ =	sdelay $0x3  }
.LBB2_16:
0x1d5: {  	s2 =	sshll.u32 s25, $0x6;
	[bflag:$0x0] =	sbarrier.arrive $0xFFFF  }
0x1d6: {  	s9 =	sshrl.u32 s30, $0x3;
	s5 =	sor.u32 $0x1C05, s2;
	s25 =	rddreg [dreg:$0xb]  }
0x1d7: {  	[hbm:s25], [sflag:s5] =	dma.local [spmem:s9], $0x2710  }
0x1d8: {  	_ =	swait.ge [sflag:s11], $0x2710  }
0x1d9: {  	[sflag:s11] =	ssyncset.done $0x0  }
0x1da: {  	s2 =	simm.s32 $0x0;
	[sflag:s11] =	ssyncadd.s32 $0xFFFFD8F0  }
0x1db: {  	s26 =	smov.u32 s5;
	s5 =	simm.s32 $0x200;
	[bflag:$0x0] =	sbarrier.arrive $0xFFFF  }
.LBB2_17:
0x1dc: {  	p1 =	sne.s32 s5, $0x7E00;
	[tilespmem:s2+$0x169D8] =	vst v3  }
0x1dd: {  	[tilespmem:s2+$0x16968] =	vst v3  }
0x1de: {  	[tilespmem:s2+$0x16978] =	vst v3  }
.Ltmp14:
0x1df: {  	[tilespmem:s2+$0x16988] =	vst v3;
	(pc) =	sbr.rel @p1 .LBB2_17-.Ltmp14, $4  }
0x1e0: {  	[tilespmem:s2+$0x16998] =	vst v3  }
0x1e1: {  	[tilespmem:s2+$0x169A8] =	vst v3  }
0x1e2: {  	[tilespmem:s2+$0x169B8] =	vst v3  }
0x1e3: {  	[tilespmem:s2+$0x169C8] =	vst v3;
	s2 =	sshra.s32 s5, $0x2;
	s5 =	sadd.s32 $0x200, s5  }
0x1e4: {  	[tilespmem:s2+$0x169D8] =	vst v3  }
0x1e5: {  	[tilespmem:s2+$0x16968] =	vst v3  }
0x1e6: {  	[tilespmem:s2+$0x16978] =	vst v3  }
0x1e7: {  	[tilespmem:s2+$0x16988] =	vst v3  }
0x1e8: {  	[tilespmem:s2+$0x16998] =	vst v3  }
0x1e9: {  	[tilespmem:s2+$0x169A8] =	vst v3  }
0x1ea: {  	[tilespmem:s2+$0x169B8] =	vst v3  }
0x1eb: {  	[tilespmem:s2+$0x169C8] =	vst v3  }
0x1ec: {  	[spmem:s30] =	stream.linear.scatter [tilespmem:s15], [sflag:$0x5], $0x2000, $0x38;
	[tilespmem:$0x1E028] =	vst v63  }
0x1ed: {  	_ =	swait.ge [sflag:s11], $0x2000  }
0x1ee: {  	[sflag:s11] =	ssyncset.done $0x0  }
0x1ef: {  	[sflag:s11] =	ssyncadd.s32 $0xFFFFE000  }
0x1f0: {  	[spmem:s31] =	stream.linear.scatter [tilespmem:s15], [sflag:$0x5], $0x2000, $0x38;
	[tilespmem:$0x1E028] =	vst v63  }
0x1f1: {  	_ =	swait.ge [sflag:s11], $0x2000  }
0x1f2: {  	[sflag:s11] =	ssyncset.done $0x0  }
0x1f3: {  	s25 =	rddreg [dreg:$0x14];
	[sflag:s11] =	ssyncadd.s32 $0xFFFFE000  }
0x1f4: {  	[spmem:s25] =	stream.linear.scatter [tilespmem:s15], [sflag:$0x5], $0x2000, $0x38;
	[tilespmem:$0x1E028] =	vst v63  }
0x1f5: {  	_ =	swait.ge [sflag:s11], $0x2000  }
0x1f6: {  	[sflag:s11] =	ssyncset.done $0x0  }
0x1f7: {  	s30 =	rddreg [dreg:$0x15];
	[sflag:s11] =	ssyncadd.s32 $0xFFFFE000  }
0x1f8: {  	[spmem:s30] =	stream.linear.scatter [tilespmem:s15], [sflag:$0x5], $0x2000, $0x38;
	[tilespmem:$0x1E028] =	vst v63  }
0x1f9: {  	_ =	swait.ge [sflag:s11], $0x2000  }
0x1fa: {  	[sflag:s11] =	ssyncset.done $0x0  }
0x1fb: {  	s31 =	rddreg [dreg:$0x16];
	[sflag:s11] =	ssyncadd.s32 $0xFFFFE000  }
0x1fc: {  	[spmem:s31] =	stream.linear.scatter [tilespmem:s15], [sflag:$0x5], $0x2000, $0x38;
	[tilespmem:$0x1E028] =	vst v63  }
0x1fd: {  	_ =	swait.ge [sflag:s11], $0x2000  }
0x1fe: {  	[sflag:s11] =	ssyncset.done $0x0  }
0x1ff: {  	s5 =	rddreg [dreg:$0x17];
	[sflag:s11] =	ssyncadd.s32 $0xFFFFE000  }
0x200: {  	[spmem:s5] =	stream.linear.scatter [tilespmem:s15], [sflag:$0x5], $0x2000, $0x38;
	[tilespmem:$0x1E028] =	vst v63  }
0x201: {  	_ =	swait.ge [sflag:s11], $0x2000  }
0x202: {  	[sflag:s11] =	ssyncset.done $0x0  }
0x203: {  	s19 =	rddreg [dreg:$0x18];
	[sflag:s11] =	ssyncadd.s32 $0xFFFFE000  }
0x204: {  	[spmem:s19] =	stream.linear.scatter [tilespmem:s15], [sflag:$0x5], $0x2000, $0x38;
	[tilespmem:$0x1E028] =	vst v63  }
0x205: {  	_ =	swait.ge [sflag:s11], $0x2000  }
0x206: {  	[sflag:s11] =	ssyncset.done $0x0  }
0x207: {  	s22 =	rddreg [dreg:$0x19];
	[sflag:s11] =	ssyncadd.s32 $0xFFFFE000  }
0x208: {  	[spmem:s22] =	stream.linear.scatter [tilespmem:s15], [sflag:$0x5], $0x2000, $0x38;
	[tilespmem:$0x1E028] =	vst v63  }
0x209: {  	_ =	swait.ge [sflag:s11], $0x2000  }
0x20a: {  	[sflag:s11] =	ssyncset.done $0x0  }
0x20b: {  	s25 =	rddreg [dreg:$0x1a];
	[sflag:s11] =	ssyncadd.s32 $0xFFFFE000  }
0x20c: {  	[spmem:s25] =	stream.linear.scatter [tilespmem:s15], [sflag:$0x5], $0x2000, $0x38;
	[tilespmem:$0x1E028] =	vst v63  }
0x20d: {  	_ =	swait.ge [sflag:s11], $0x2000  }
0x20e: {  	[sflag:s11] =	ssyncset.done $0x0  }
0x20f: {  	s30 =	rddreg [dreg:$0x1b];
	[sflag:s11] =	ssyncadd.s32 $0xFFFFE000  }
0x210: {  	[spmem:s30] =	stream.linear.scatter [tilespmem:s15], [sflag:$0x5], $0x1880, $0x38;
	[tilespmem:$0x1E028] =	vst v63  }
0x211: {  	_ =	swait.ge [sflag:s11], $0x1880  }
0x212: {  	[sflag:s11] =	ssyncset.done $0x0  }
0x213: {  	[sflag:s11] =	ssyncadd.s32 $0xFFFFE780  }
0x214: {  	[bflag:$0x0] =	sbarrier.arrive $0xFFFF  }
0x215: {  	v4 =	vld [tilespmem:$0x13F28]  }
0x216: {  	v5 =	vld [tilespmem:$0x13F38];
	_ =	sdelay $0x3  }
0x217: {  	v7 =	vld [tilespmem:$0x13F48];
	v6 =	vand.u32 $0x3FFF, v4;
	v4 =	vshrl.u32 v4, $0xE  }
0x218: {  	v62 =	vand.u32 $0x3FFF, v5;
	v5 =	vshrl.u32 v5, $0xE;
	[tilespmem:$0x168E8] =	vst v4  }
0x219: {  	v6 =	vadd.s32 v2, v6;
	[tilespmem:$0x168F8] =	vst v5  }
0x21a: {  	v63 =	vld [tilespmem:$0x13F58];
	v4 =	vadd.s32 $0x2710, v4;
	[tilespmem:$0x13D68] =	vst v6  }
0x21b: {  	[tilespmem:$0x13E28] =	vst v4;
	v4 =	vadd.s32 v2, v62  }
0x21c: {  	[tilespmem:$0x13D78] =	vst v4;
	v4 =	vadd.s32 $0x2710, v5;
	v5 =	vand.u32 $0x3FFF, v7  }
0x21d: {  	[tilespmem:$0x13E38] =	vst v4;
	v4 =	vadd.s32 v2, v5  }
0x21e: {  	v5 =	vshrl.u32 v7, $0xE;
	[tilespmem:$0x13D88] =	vst v4  }
0x21f: {  	[tilespmem:$0x16908] =	vst v5;
	v4 =	vadd.s32 $0x2710, v5;
	v5 =	vand.u32 $0x3FFF, v63  }
0x220: {  	[tilespmem:$0x13E48] =	vst v4;
	v4 =	vadd.s32 v2, v5  }
0x221: {  	v5 =	vshrl.u32 v63, $0xE;
	[tilespmem:$0x13D98] =	vst v4  }
.Ltmp15:
0x222: {  	[tilespmem:$0x16918] =	vst v5;
	v4 =	vadd.s32 $0x2710, v5;
	(pc) =	sbr.rel .LBB2_19-.Ltmp15, $4  }
0x223: {  	[tilespmem:$0x13E58] =	vst v4  }
0x224: {  	[tilespmem:s15], [sflag:$0x1] =	stream.indirect.gather [hbm4b:s1+s20], $0x80, s10, s20, $0xb8;
	[tilespmem:$0x1E028] =	vst v63  }
0x225: {  	s19 =	simm.s32 $0x0;
	s31 =	rddreg [dreg:$0xf]  }
0x226: {  	[tilespmem:s21], [sflag:$0x2] =	stream.linear.gather [hbm4b:s31+s19], $0x40, $0x38;
	[tilespmem:$0x1E028] =	vst v63  }
.LBB2_25:
0x227: {  	v12 =	vld [tilespmem:s2+$0xFFFFFFD0];
	[tilespmem:s5+$0x0] =	vst v10;
	v7 =	vmul.f32 v7, v4  }
0x228: {  	v8 =	vmul.f32 v8, v4;
	v10 =	vld [tilespmem:s2+$0xFFFFFFE0];
	[tilespmem:s5+$0x10] =	vst v11  }
0x229: {  	v11 =	vld [tilespmem:s2+$0x0];
	[tilespmem:s5+$0x20] =	vst v7  }
0x22a: {  	v4 =	vmul.f32 v6, v4;
	v7 =	vld [tilespmem:s2+$0x10];
	[tilespmem:s5+$0x30] =	vst v8  }
0x22b: {  	v58 =	vmul.f32 v9, v5;
	v8 =	vld [tilespmem:s2+$0x20]  }
0x22c: {  	[tilespmem:s5+$0xFFFFFFF0] =	vst v4;
	v59 =	vld [tilespmem:s2+$0x30];
	v4 =	vmul.f32 v12, v5  }
0x22d: {  	[tilespmem:s2+$0xFFFFFFC0] =	vst v58;
	v61 =	vld [tilespmem:s2+$0xFFFFFFF0];
	v60 =	vmul.f32 v10, v5  }
0x22e: {  	[tilespmem:s2+$0xFFFFFFD0] =	vst v4;
	v4 =	vmul.f32 v11, v5  }
0x22f: {  	[tilespmem:s2+$0xFFFFFFE0] =	vst v60;
	v62 =	vmul.f32 v7, v5  }
0x230: {  	[tilespmem:s2+$0x0] =	vst v4;
	v4 =	vmul.f32 v8, v5  }
0x231: {  	v63 =	vmul.f32 v59, v5;
	[tilespmem:s2+$0x10] =	vst v62  }
0x232: {  	v5 =	vmul.f32 v61, v5;
	[tilespmem:s2+$0x20] =	vst v4  }
0x233: {  	[tilespmem:s2+$0x30] =	vst v63  }
0x234: {  	s30 =	simm.s32 $0x16928;
	s31 =	simm.s32 $0x18968;
	[tilespmem:s2+$0xFFFFFFF0] =	vst v5;
	s2 =	simm.s32 $0x5  }
0x235: {  	[spmem:s4] =	stream.indirect.scatter.add.f32 [tilespmem:s31], [sflag:$0x5], $0x80, s30, s20, $0xb8;
	[tilespmem:$0x1E028] =	vst v63  }
.LBB2_26:
0x236: {  	s19 =	sadd.s32 $0x1, s19  }
0x237: {  	p1 =	sne.s32 s19, $0xA7  }
.Ltmp16:
0x238: {  	_ = 	snop;
	(pc) =	sbr.rel @!p1 .LBB2_27-.Ltmp16, $4  }
0x239: {  	_ = 	snop  }
0x23a: {  	_ =	swait.ge [sflag:s2], $0x2000  }
0x23b: {  	[sflag:s2] =	ssyncset.done $0x0  }
0x23c: {  	[sflag:s2] =	ssyncadd.s32 $0xFFFFE000  }
.LBB2_19:
0x23d: {  	s2 =	sand.u32 $0x1, s19  }
0x23e: {  	p1 =	seq.s32 s2, $0x1  }
.Ltmp17:
0x23f: {  	_ = 	snop;
	(pc) =	sbr.rel @p1 .LBB2_23-.Ltmp17, $1  }
0x240: {  	_ =	sdelay $0x3  }
0x241: {  	s2 =	sor.u32 $0x1, s19  }
0x242: {  	p1 =	sgt.u32 s2, $0xA6  }
0x243: {  	s2 =	sshll.u32 @!p1 s2, $0x6  }
0x244: {  	v4 =	vld @!p1 [tilespmem:s2+$0x13F28];
	_ =	sdelay $0x1  }
0x245: {  	v5 =	vld @!p1 [tilespmem:s2+$0x13F38];
	_ =	sdelay $0x2  }
0x246: {  	v7 =	vld @!p1 [tilespmem:s2+$0x13F48];
	v6 =	vand.u32 @!p1 $0x3FFF, v4;
	v4 =	vshrl.u32 @!p1 v4, $0xE  }
0x247: {  	v6 =	vadd.s32 @!p1 v2, v6;
	[tilespmem:$0x16928] =	vst @!p1 v4  }
0x248: {  	v4 =	vadd.s32 @!p1 $0x2710, v4;
	[tilespmem:$0x13DA8] =	vst @!p1 v6;
	v6 =	vand.u32 @!p1 $0x3FFF, v5  }
0x249: {  	[tilespmem:$0x13E68] =	vst @!p1 v4;
	v5 =	vshrl.u32 @!p1 v5, $0xE;
	v4 =	vadd.s32 @!p1 v2, v6;
	v6 =	vld @!p1 [tilespmem:s2+$0x13F58]  }
0x24a: {  	[tilespmem:$0x16938] =	vst @!p1 v5  }
0x24b: {  	[tilespmem:$0x13DB8] =	vst @!p1 v4;
	v4 =	vadd.s32 @!p1 $0x2710, v5;
	v5 =	vand.u32 @!p1 $0x3FFF, v7  }
0x24c: {  	[tilespmem:$0x13E78] =	vst @!p1 v4;
	v4 =	vadd.s32 @!p1 v2, v5  }
0x24d: {  	v5 =	vshrl.u32 @!p1 v7, $0xE;
	[tilespmem:$0x13DC8] =	vst @!p1 v4  }
0x24e: {  	[tilespmem:$0x16948] =	vst @!p1 v5;
	v4 =	vadd.s32 @!p1 $0x2710, v5;
	v5 =	vand.u32 @!p1 $0x3FFF, v6  }
0x24f: {  	[tilespmem:$0x13E88] =	vst @!p1 v4;
	v4 =	vadd.s32 @!p1 v2, v5  }
0x250: {  	v5 =	vshrl.u32 @!p1 v6, $0xE;
	[tilespmem:$0x13DD8] =	vst @!p1 v4  }
0x251: {  	s5 =	simm.s32 @!p1 $0x40;
	s2 =	sadd.s32 @!p1 s16, s2;
	[tilespmem:$0x16958] =	vst @!p1 v5;
	v4 =	vadd.s32 @!p1 $0x2710, v5  }
0x252: {  	s22 =	simm.s32 @!p1 $0x13DA8;
	s25 =	simm.s32 @!p1 $0x18968;
	s2 =	sshrl.u32 @!p1 s2, $0x3;
	[tilespmem:$0x13E98] =	vst @!p1 v4  }
0x253: {  	[tilespmem:s25], [sflag:$0x3] =	stream.indirect.gather @!p1 [hbm4b:s1+s5], $0x80, s22, s5, $0xb8;
	[tilespmem:$0x1E028] =	vst v63  }
0x254: {  	s2 =	sadd.s32 @!p1 s8, s2;
	s5 =	simm.s32 @!p1 $0x0;
	s22 =	simm.s32 @!p1 $0x13EE8  }
0x255: {  	[tilespmem:s22], [sflag:$0x4] =	stream.linear.gather @!p1 [hbm4b:s2+s5], $0x40, $0x38;
	[tilespmem:$0x1E028] =	vst v63  }
0x256: {  	s25 =	simm.s32 $0x13E28  }
0x257: {  	[tilespmem:s24], [sflag:$0x6] =	stream.indirect.gather [spmem:s3], $0x1, s25, s20, $0xb8;
	[tilespmem:$0x1E028] =	vst v63  }
0x258: {  	_ =	swait.ge [sflag:s23], $0x40  }
0x259: {  	[sflag:s23] =	ssyncset.done $0x0  }
0x25a: {  	[sflag:s23] =	ssyncadd.s32 $0xFFFFFFC0  }
0x25b: {  	_ =	swait.ge [sflag:s14], $0x40  }
0x25c: {  	[sflag:s14] =	ssyncset.done $0x0  }
0x25d: {  	[sflag:s14] =	ssyncadd.s32 $0xFFFFFFC0  }
0x25e: {  	v4 =	vld [tilespmem:$0x13DE8]  }
0x25f: {  	v5 =	vld [tilespmem:$0x13DF8]  }
0x260: {  	v6 =	vld [tilespmem:$0x13E08]  }
0x261: {  	v7 =	vld [tilespmem:$0x13E18];
	_ =	sdelay $0x1  }
0x262: {  	v4 =	vadd.f32 $1.000000010e-10, v4  }
0x263: {  	v5 =	vadd.f32 $1.000000010e-10, v5  }
0x264: {  	(erf) = vrcp.f32 v4;
	v4 =	vadd.f32 $1.000000010e-10, v6  }
0x265: {  	(erf) = vrcp.f32 v5;
	v5 =	vadd.f32 $1.000000010e-10, v7  }
0x266: {  	(erf) = vrcp.f32 v4  }
0x267: {  	(erf) = vrcp.f32 v5;
	_ =	sdelay $0x1  }
0x268: {  	v4 =	vld [tilespmem:$0x13EA8]  }
0x269: {  	v5 =	vld [tilespmem:$0x13EB8]  }
0x26a: {  	v6 =	vld [tilespmem:$0x13EC8]  }
0x26b: {  	v7 =	vld [tilespmem:$0x13ED8]  }
0x26c: {  	v8 =	vpop (erf)  }
0x26d: {  	v9 =	vpop (erf);
	v4 =	vmul.f32 v8, v4  }
0x26e: {  	v8 =	vpop (erf);
	v5 =	vmul.f32 v9, v5  }
0x26f: {  	[tilespmem:$0x1A968] =	vst v4;
	v4 =	vmul.f32 v8, v6;
	v6 =	vpop (erf)  }
0x270: {  	s30 =	simm.s32 $0x0;
	[tilespmem:$0x1A978] =	vst v5;
	v5 =	vmul.f32 v6, v7  }
0x271: {  	[tilespmem:$0x1A988] =	vst v4;
	v4 =	vmov s30  }
0x272: {  	[tilespmem:$0x1A998] =	vst v5  }
0x273: {  	_ =	swait.ge [sflag:s13], $0x2000  }
0x274: {  	[sflag:s13] =	ssyncset.done $0x0  }
0x275: {  	[sflag:s13] =	ssyncadd.s32 $0xFFFFE000  }
0x276: {  	s5 =	simm.s32 $0x169A8;
	v4 =	vld.idx.msk [tilespmem:v4+s0+$0x0], $0xffff  }
0x277: {  	v5 =	vld [tilespmem:s5+$0xFFFFFFC0]  }
0x278: {  	v6 =	vld [tilespmem:s5+$0xFFFFFFD0]  }
0x279: {  	s31 =	simm.s32 $0x1;
	v9 =	vld [tilespmem:s5+$0xFFFFFFE0]  }
0x27a: {  	v11 =	vmov s31;
	v10 =	vld [tilespmem:s5+$0x0]  }
0x27b: {  	v12 =	vld [tilespmem:s5+$0x10]  }
0x27c: {  	v7 =	vld [tilespmem:s5+$0x20];
	v5 =	vmul.f32 v5, v4  }
0x27d: {  	v8 =	vld [tilespmem:s5+$0x30];
	v13 =	vmul.f32 v6, v4  }
0x27e: {  	v6 =	vld [tilespmem:s5+$0xFFFFFFF0];
	v14 =	vmul.f32 v9, v4;
	[tilespmem:s5+$0xFFFFFFC0] =	vst v5  }
0x27f: {  	s2 =	simm.s32 $0x16A28;
	v10 =	vmul.f32 v10, v4;
	[tilespmem:s5+$0xFFFFFFD0] =	vst v13;
	v5 =	vld.idx.msk [tilespmem:v11+s0+$0x0], $0xffff  }
0x280: {  	s22 =	simm.s32 $0x2;
	v11 =	vmul.f32 v12, v4;
	v9 =	vld [tilespmem:s2+$0xFFFFFFC0];
	[tilespmem:s5+$0xFFFFFFE0] =	vst v14  }
.LBB2_21:
0x281: {  	p1 =	sne.s32 s22, $0x3F;
	v12 =	vld [tilespmem:s2+$0xFFFFFFD0];
	[tilespmem:s5+$0x0] =	vst v10;
	v7 =	vmul.f32 v7, v4  }
0x282: {  	v10 =	vld [tilespmem:s2+$0xFFFFFFE0];
	[tilespmem:s5+$0x10] =	vst v11;
	v8 =	vmul.f32 v8, v4  }
0x283: {  	v11 =	vmov s22;
	v13 =	vld [tilespmem:s2+$0x0];
	v15 =	vmul.f32 v6, v4;
	[tilespmem:s5+$0x20] =	vst v7  }
0x284: {  	v14 =	vld [tilespmem:s2+$0x10];
	[tilespmem:s5+$0x30] =	vst v8  }
.Ltmp18:
0x285: {  	v4 =	vmov v5;
	v6 =	vmul.f32 v9, v5;
	v7 =	vld [tilespmem:s2+$0x20];
	[tilespmem:s5+$0xFFFFFFF0] =	vst v15;
	s5 =	smov.u32 s2;
	(pc) =	sbr.rel @p1 .LBB2_21-.Ltmp18, $4  }
0x286: {  	v9 =	vmul.f32 v12, v4;
	v8 =	vld [tilespmem:s2+$0x30]  }
0x287: {  	[tilespmem:s2+$0xFFFFFFC0] =	vst v6;
	v12 =	vmul.f32 v10, v4;
	v6 =	vld [tilespmem:s2+$0xFFFFFFF0]  }
0x288: {  	s2 =	sadd.s32 $0x80, s2;
	v5 =	vld.idx.msk [tilespmem:v11+s0+$0x0], $0xffff;
	[tilespmem:s5+$0xFFFFFFD0] =	vst v9;
	v10 =	vmul.f32 v13, v4  }
0x289: {  	s22 =	sadd.s32 $0x1, s22;
	v9 =	vld [tilespmem:s2+$0xFFFFFFC0];
	[tilespmem:s5+$0xFFFFFFE0] =	vst v12;
	v11 =	vmul.f32 v14, v4  }
0x28a: {  	v12 =	vld [tilespmem:s2+$0xFFFFFFD0];
	[tilespmem:s5+$0x0] =	vst v10;
	v7 =	vmul.f32 v7, v4  }
0x28b: {  	v10 =	vld [tilespmem:s2+$0xFFFFFFE0];
	[tilespmem:s5+$0x10] =	vst v11;
	v8 =	vmul.f32 v8, v4  }
0x28c: {  	v11 =	vld [tilespmem:s2+$0x0];
	[tilespmem:s5+$0x20] =	vst v7  }
0x28d: {  	v4 =	vmul.f32 v6, v4;
	v7 =	vld [tilespmem:s2+$0x10];
	[tilespmem:s5+$0x30] =	vst v8  }
0x28e: {  	v58 =	vmul.f32 v9, v5;
	v8 =	vld [tilespmem:s2+$0x20]  }
0x28f: {  	[tilespmem:s5+$0xFFFFFFF0] =	vst v4;
	v59 =	vld [tilespmem:s2+$0x30];
	v4 =	vmul.f32 v12, v5  }
0x290: {  	v61 =	vld [tilespmem:s2+$0xFFFFFFF0];
	[tilespmem:s2+$0xFFFFFFC0] =	vst v58;
	v60 =	vmul.f32 v10, v5  }
0x291: {  	[tilespmem:s2+$0xFFFFFFD0] =	vst v4;
	v4 =	vmul.f32 v11, v5  }
0x292: {  	[tilespmem:s2+$0xFFFFFFE0] =	vst v60;
	v62 =	vmul.f32 v7, v5  }
0x293: {  	[tilespmem:s2+$0x0] =	vst v4;
	v4 =	vmul.f32 v8, v5  }
.Ltmp19:
0x294: {  	v63 =	vmul.f32 v59, v5;
	[tilespmem:s2+$0x10] =	vst v62;
	(pc) =	sbr.rel .LBB2_26-.Ltmp19, $4  }
0x295: {  	v5 =	vmul.f32 v61, v5;
	[tilespmem:s2+$0x20] =	vst v4  }
0x296: {  	[tilespmem:s2+$0x30] =	vst v63  }
0x297: {  	s31 =	simm.s32 $0x168E8;
	[tilespmem:s2+$0xFFFFFFF0] =	vst v5;
	s2 =	simm.s32 $0x6  }
0x298: {  	[spmem:s4] =	stream.indirect.scatter.add.f32 [tilespmem:s15], [sflag:$0x6], $0x80, s31, s20, $0xb8;
	[tilespmem:$0x1E028] =	vst v63  }
.LBB2_23:
0x299: {  	s2 =	sshll.u32 s19, $0x6  }
0x29a: {  	v4 =	vld [tilespmem:s2+$0x13F68];
	_ =	sdelay $0x1  }
0x29b: {  	v5 =	vld [tilespmem:s2+$0x13F78];
	_ =	sdelay $0x2  }
0x29c: {  	v7 =	vld [tilespmem:s2+$0x13F88];
	v6 =	vand.u32 $0x3FFF, v4;
	v4 =	vshrl.u32 v4, $0xE  }
0x29d: {  	v6 =	vadd.s32 v2, v6;
	[tilespmem:$0x168E8] =	vst v4  }
0x29e: {  	v4 =	vadd.s32 $0x2710, v4;
	[tilespmem:$0x13D68] =	vst v6;
	v6 =	vand.u32 $0x3FFF, v5  }
0x29f: {  	[tilespmem:$0x13E28] =	vst v4;
	v5 =	vshrl.u32 v5, $0xE;
	v4 =	vadd.s32 v2, v6;
	v6 =	vld [tilespmem:s2+$0x13F98]  }
0x2a0: {  	[tilespmem:$0x168F8] =	vst v5  }
0x2a1: {  	[tilespmem:$0x13D78] =	vst v4;
	v4 =	vadd.s32 $0x2710, v5;
	v5 =	vand.u32 $0x3FFF, v7  }
0x2a2: {  	[tilespmem:$0x13E38] =	vst v4;
	v4 =	vadd.s32 v2, v5  }
0x2a3: {  	v5 =	vshrl.u32 v7, $0xE;
	[tilespmem:$0x13D88] =	vst v4  }
0x2a4: {  	[tilespmem:$0x16908] =	vst v5;
	v4 =	vadd.s32 $0x2710, v5;
	v5 =	vand.u32 $0x3FFF, v6  }
0x2a5: {  	[tilespmem:$0x13E48] =	vst v4;
	v4 =	vadd.s32 v2, v5  }
0x2a6: {  	s2 =	sadd.s32 s16, s2;
	v5 =	vshrl.u32 v6, $0xE;
	[tilespmem:$0x13D98] =	vst v4  }
0x2a7: {  	s2 =	sshrl.u32 s2, $0x3;
	[tilespmem:$0x16918] =	vst v5;
	v4 =	vadd.s32 $0x2710, v5  }
0x2a8: {  	s2 =	sadd.s32 s8, s2;
	[tilespmem:$0x13E58] =	vst v4  }
0x2a9: {  	[tilespmem:s15], [sflag:$0x1] =	stream.indirect.gather [hbm4b:s1+s20], $0x80, s10, s20, $0xb8;
	[tilespmem:$0x1E028] =	vst v63  }
0x2aa: {  	s5 =	simm.s32 $0x0;
	s2 =	sadd.s32 $0x8, s2  }
0x2ab: {  	[tilespmem:s21], [sflag:$0x2] =	stream.linear.gather [hbm4b:s2+s5], $0x40, $0x38;
	[tilespmem:$0x1E028] =	vst v63  }
0x2ac: {  	s30 =	simm.s32 $0x13E68  }
0x2ad: {  	[tilespmem:s24], [sflag:$0x6] =	stream.indirect.gather [spmem:s3], $0x1, s30, s20, $0xb8;
	[tilespmem:$0x1E028] =	vst v63  }
0x2ae: {  	_ =	swait.ge [sflag:s23], $0x40  }
0x2af: {  	[sflag:s23] =	ssyncset.done $0x0  }
0x2b0: {  	[sflag:s23] =	ssyncadd.s32 $0xFFFFFFC0  }
0x2b1: {  	_ =	swait.ge [sflag:s28], $0x40  }
0x2b2: {  	[sflag:s28] =	ssyncset.done $0x0  }
0x2b3: {  	[sflag:s28] =	ssyncadd.s32 $0xFFFFFFC0  }
0x2b4: {  	v4 =	vld [tilespmem:$0x13DE8]  }
0x2b5: {  	v5 =	vld [tilespmem:$0x13DF8]  }
0x2b6: {  	v6 =	vld [tilespmem:$0x13E08]  }
0x2b7: {  	v7 =	vld [tilespmem:$0x13E18];
	_ =	sdelay $0x1  }
0x2b8: {  	v4 =	vadd.f32 $1.000000010e-10, v4  }
0x2b9: {  	v5 =	vadd.f32 $1.000000010e-10, v5  }
0x2ba: {  	(erf) = vrcp.f32 v4;
	v4 =	vadd.f32 $1.000000010e-10, v6  }
0x2bb: {  	(erf) = vrcp.f32 v5;
	v5 =	vadd.f32 $1.000000010e-10, v7  }
0x2bc: {  	(erf) = vrcp.f32 v4  }
0x2bd: {  	(erf) = vrcp.f32 v5;
	_ =	sdelay $0x1  }
0x2be: {  	v4 =	vld [tilespmem:$0x13EE8]  }
0x2bf: {  	v5 =	vld [tilespmem:$0x13EF8]  }
0x2c0: {  	v6 =	vld [tilespmem:$0x13F08]  }
0x2c1: {  	v7 =	vld [tilespmem:$0x13F18]  }
0x2c2: {  	v8 =	vpop (erf)  }
0x2c3: {  	v9 =	vpop (erf);
	v4 =	vmul.f32 v8, v4  }
0x2c4: {  	v8 =	vpop (erf);
	v5 =	vmul.f32 v9, v5  }
0x2c5: {  	[tilespmem:$0x1A968] =	vst v4;
	v4 =	vmul.f32 v8, v6;
	v6 =	vpop (erf)  }
0x2c6: {  	[tilespmem:$0x1A978] =	vst v5;
	v5 =	vmul.f32 v6, v7  }
0x2c7: {  	[tilespmem:$0x1A988] =	vst v4;
	v4 =	vmov s5  }
0x2c8: {  	[tilespmem:$0x1A998] =	vst v5  }
0x2c9: {  	_ =	swait.ge [sflag:s29], $0x2000  }
0x2ca: {  	[sflag:s29] =	ssyncset.done $0x0  }
0x2cb: {  	[sflag:s29] =	ssyncadd.s32 $0xFFFFE000  }
0x2cc: {  	s5 =	simm.s32 $0x189A8;
	v4 =	vld.idx.msk [tilespmem:v4+s0+$0x0], $0xffff  }
0x2cd: {  	v5 =	vld [tilespmem:s5+$0xFFFFFFC0]  }
0x2ce: {  	v6 =	vld [tilespmem:s5+$0xFFFFFFD0]  }
0x2cf: {  	s31 =	simm.s32 $0x1;
	v9 =	vld [tilespmem:s5+$0xFFFFFFE0]  }
0x2d0: {  	v11 =	vmov s31;
	v10 =	vld [tilespmem:s5+$0x0]  }
0x2d1: {  	v12 =	vld [tilespmem:s5+$0x10]  }
0x2d2: {  	v7 =	vld [tilespmem:s5+$0x20];
	v5 =	vmul.f32 v5, v4  }
0x2d3: {  	v8 =	vld [tilespmem:s5+$0x30];
	v13 =	vmul.f32 v6, v4  }
0x2d4: {  	v6 =	vld [tilespmem:s5+$0xFFFFFFF0];
	v14 =	vmul.f32 v9, v4;
	[tilespmem:s5+$0xFFFFFFC0] =	vst v5  }
0x2d5: {  	s2 =	simm.s32 $0x18A28;
	v10 =	vmul.f32 v10, v4;
	[tilespmem:s5+$0xFFFFFFD0] =	vst v13;
	v5 =	vld.idx.msk [tilespmem:v11+s0+$0x0], $0xffff  }
0x2d6: {  	s22 =	simm.s32 $0x2;
	v11 =	vmul.f32 v12, v4;
	v9 =	vld [tilespmem:s2+$0xFFFFFFC0];
	[tilespmem:s5+$0xFFFFFFE0] =	vst v14  }
.LBB2_24:
0x2d7: {  	p1 =	sne.s32 s22, $0x3F;
	v12 =	vld [tilespmem:s2+$0xFFFFFFD0];
	[tilespmem:s5+$0x0] =	vst v10;
	v7 =	vmul.f32 v7, v4  }
0x2d8: {  	v8 =	vmul.f32 v8, v4;
	v10 =	vld [tilespmem:s2+$0xFFFFFFE0];
	[tilespmem:s5+$0x10] =	vst v11  }
0x2d9: {  	v15 =	vmul.f32 v6, v4;
	v11 =	vmov s22;
	v13 =	vld [tilespmem:s2+$0x0];
	[tilespmem:s5+$0x20] =	vst v7  }
0x2da: {  	v14 =	vld [tilespmem:s2+$0x10];
	[tilespmem:s5+$0x30] =	vst v8  }
.Ltmp20:
0x2db: {  	v6 =	vmul.f32 v9, v5;
	v4 =	vmov v5;
	v7 =	vld [tilespmem:s2+$0x20];
	[tilespmem:s5+$0xFFFFFFF0] =	vst v15;
	s5 =	smov.u32 s2;
	(pc) =	sbr.rel @p1 .LBB2_24-.Ltmp20, $4  }
0x2dc: {  	v9 =	vmul.f32 v12, v4;
	v8 =	vld [tilespmem:s2+$0x30]  }
0x2dd: {  	[tilespmem:s2+$0xFFFFFFC0] =	vst v6;
	v12 =	vmul.f32 v10, v4;
	v6 =	vld [tilespmem:s2+$0xFFFFFFF0]  }
0x2de: {  	s2 =	sadd.s32 $0x80, s2;
	v5 =	vld.idx.msk [tilespmem:v11+s0+$0x0], $0xffff;
	[tilespmem:s5+$0xFFFFFFD0] =	vst v9;
	v10 =	vmul.f32 v13, v4  }
0x2df: {  	s22 =	sadd.s32 $0x1, s22;
	v9 =	vld [tilespmem:s2+$0xFFFFFFC0];
	[tilespmem:s5+$0xFFFFFFE0] =	vst v12;
	v11 =	vmul.f32 v14, v4  }
.Ltmp21:
0x2e0: {  	_ = 	snop;
	(pc) =	sbr.rel .LBB2_25-.Ltmp21, $1  }
0x2e1: {  	_ =	sdelay $0x3  }
.LBB2_28:
0x2e2: {  	_ =	sfence.sel $0x180000  }
0x2e3: {  	[bflag:$0x0] =	sbarrier.arrive $0xFFFF  }
0x2e4: {  	_ =	strace $0x90000047  }
0x2e5: {  	[bflag:$0x2] =	sbarrier.arrive $0xFFFF  }
0x2e6: {  	p0 =	sne.s32 s19, $0x0;
	s0 =	rddreg [dreg:$0x4]  }
0x2e7: {  	s0 =	sadd.s32 @!p0 $0x100000, s0  }
0x2e8: {  	[sflag:s0] =	ssyncadd.tile.s32 @!p0 $0x1;
	_ =	shalt  }
.Lfunc_end2:
_tile_overlayer_lowered:
.L_overlay_start_2:
0x2e9: {  	(tag) =	ssettag $0x2  }
0x2ea: {  	s0 =	rddreg [dreg:$0x0];
	s2 =	stileid.u32  }
0x2eb: {  	s1 =	rddreg [dreg:$0x1];
	p0 =	sne.s32 s2, $0x0  }
0x2ec: {  	s3 =	rddreg [dreg:$0x2];
	[bflag:$0x3] =	sbarrier.arrive $0xFFFF;
	s2 =	simm.s32 @!p0 $0x1C05  }
0x2ed: {  	[timem:s3], [sflag:s2] =	dma.local @!p0 [hbm:s0], s1  }
0x2ee: {  	s0 =	simm.s32 @!p0 $0x5  }
0x2ef: {  	_ =	swait.ge @!p0 [sflag:s0], s1  }
0x2f0: {  	s1 =	ssub.s32 @!p0 $0x0, s1;
	[sflag:s0] =	ssyncset.done @!p0 $0x0  }
0x2f1: {  	[sflag:s0] =	ssyncadd.s32 @!p0 s1  }
0x2f2: {  	[bflag:$0x3] =	sbarrier.arrive $0xFFFF  }
0x2f3: {  	_ =	shalt  }

</sc_bundles>
